<compile_context>
chip_gen: v7x
topology: tpu7x:2x2x1
jax: 0.10.2.dev20260603
libtpu: 0.0.44.dev20260713+nightly
codegen_flags: <defaults>
</compile_context>

<pallas_src>
import functools

import jax
import jax.numpy as jnp
import ml_dtypes
import numpy as np
from jax import lax
from jax.experimental import pallas as pl
from jax.experimental.pallas import tpu as pltpu
from jax.experimental.pallas import tpu_sc as plsc

N_PROT = 10000
N_LIG = 10000
E = 160000
RADIUS_EMB_DIM = 64
FOLD_DIM = 256
PROTEIN_RADIUS = 8.0

NC = 2
NS = 16
NW = NC * NS
CHUNK = 128
CPW = 40
ROUND = 8
NROUND = CPW // ROUND
RB = ROUND * CHUNK
EPAD = NW * CPW * CHUNK

IN_DIM = RADIUS_EMB_DIM * 5
SPACING = PROTEIN_RADIUS / (RADIUS_EMB_DIM - 1)
COEFF = -0.5 / SPACING**2

TC_BLOCK = 6400


def _sc_body(lt_hbm, pt_hbm, ei_hbm, d2_hbm,
             sidx, didx, lrows, prows, d2buf,
             sem_l0, sem_l1, sem_p0, sem_p1, sem_w0, sem_w1):
    wid = lax.axis_index("s") * NC + lax.axis_index("c")
    ii = lax.iota(jnp.int32, 16)
    c0 = jnp.zeros((16,), jnp.int32)
    sem_l = [sem_l0, sem_l1]
    sem_p = [sem_p0, sem_p1]
    sem_w = [sem_w0, sem_w1]

    def rbase(r):
        return jnp.minimum(wid * (CPW * CHUNK) + r * RB, E - RB)

    def fire(r, buf):
        base = rbase(r)
        pltpu.sync_copy(ei_hbm.at[0, pl.ds(base, RB)], sidx.at[buf])
        pltpu.sync_copy(ei_hbm.at[1, pl.ds(base, RB)], didx.at[buf])
        return [
            pltpu.async_copy(lt_hbm.at[sidx.at[buf]], lrows.at[buf], sem_l[buf]),
            pltpu.async_copy(pt_hbm.at[didx.at[buf]], prows.at[buf], sem_p[buf]),
        ]

    def make_group_body(buf):
        def group_body(g, _):
            rowi = ii + g * 16
            lxyz = [plsc.load_gather(lrows, [c0 + buf, rowi, c0 + c])
                    for c in range(3)]
            for k in range(5):
                pxyz = [plsc.load_gather(prows,
                                         [c0 + buf, rowi, c0 + (3 * k + c)])
                        for c in range(3)]
                dx = lxyz[0] - pxyz[0]
                dy = lxyz[1] - pxyz[1]
                dz = lxyz[2] - pxyz[2]
                d2buf[buf, k, pl.ds(g * 16, 16)] = dx * dx + dy * dy + dz * dz
            return _
        return group_body

    pend = fire(0, 0)
    wslot = [[], []]
    for r in range(NROUND):
        if r + 1 < NROUND:
            nxt = fire(r + 1, (r + 1) % 2)
        else:
            nxt = []
        for c in pend:
            c.wait()
        for c in wslot[r % 2]:
            c.wait()
        lax.fori_loop(0, RB // 16, make_group_body(r % 2), None)
        base = rbase(r)
        wslot[r % 2] = [
            pltpu.async_copy(d2buf.at[r % 2, k],
                             d2_hbm.at[k, pl.ds(base, RB)], sem_w[r % 2])
            for k in range(5)
        ]
        pend = nxt
    for c in wslot[0] + wslot[1]:
        c.wait()


def _sc_dist2(ltab, ptab, edge_index):
    f = pl.kernel(
        _sc_body,
        out_type=jax.ShapeDtypeStruct((5, E), jnp.float32),
        mesh=plsc.VectorSubcoreMesh(
            core_axis_name="c", subcore_axis_name="s",
            num_cores=NC, num_subcores=NS),
        scratch_types=[
            pltpu.VMEM((2, RB), jnp.int32),
            pltpu.VMEM((2, RB), jnp.int32),
            pltpu.VMEM((2, RB, 16), jnp.float32),
            pltpu.VMEM((2, RB, 16), jnp.float32),
            pltpu.VMEM((2, 5, RB), jnp.float32),
            pltpu.SemaphoreType.DMA,
            pltpu.SemaphoreType.DMA,
            pltpu.SemaphoreType.DMA,
            pltpu.SemaphoreType.DMA,
            pltpu.SemaphoreType.DMA,
            pltpu.SemaphoreType.DMA,
        ],
        compiler_params=pltpu.CompilerParams(
            use_tc_tiling_on_sc=False, needs_layout_passes=False),
    )
    return f(ltab, ptab, edge_index)


def _tc_mlp_body(d2_ref, zsel_ref, w1_ref, b1_ref,
                 w2_ref, b2_ref, out_ref):
    d2 = d2_ref[...]
    d2c = jnp.maximum(d2, 1e-24)
    r = lax.rsqrt(d2c)
    r = r * (1.5 - 0.5 * d2c * r * r)
    r = r * (1.5 - 0.5 * d2c * r * r)
    d = d2 * r
    d_hi = d.astype(jnp.bfloat16).astype(jnp.float32)
    d_lo = d - d_hi
    ones = jnp.ones((2, d.shape[1]), jnp.float32)
    aug = jnp.concatenate([d_hi, d_lo, ones], axis=0)
    z = jnp.dot(jnp.transpose(aug), zsel_ref[...],
                preferred_element_type=jnp.float32)
    att = jnp.exp(COEFF * z * z)
    h = jnp.maximum(
        jnp.dot(att, w1_ref[...], preferred_element_type=jnp.float32)
        + b1_ref[...], 0.0)
    out_ref[...] = (
        jnp.dot(h, w2_ref[...], preferred_element_type=jnp.float32)
        + b2_ref[...])


def _tc_mlp(d2, zsel, W1, b1, W2, b2):
    grid = (E // TC_BLOCK,)
    return pl.pallas_call(
        _tc_mlp_body,
        grid=grid,
        in_specs=[
            pl.BlockSpec((5, TC_BLOCK), lambda i: (0, i)),
            pl.BlockSpec((12, IN_DIM), lambda i: (0, 0)),
            pl.BlockSpec((IN_DIM, FOLD_DIM), lambda i: (0, 0)),
            pl.BlockSpec((1, FOLD_DIM), lambda i: (0, 0)),
            pl.BlockSpec((FOLD_DIM, FOLD_DIM), lambda i: (0, 0)),
            pl.BlockSpec((1, FOLD_DIM), lambda i: (0, 0)),
        ],
        out_specs=pl.BlockSpec((TC_BLOCK, FOLD_DIM), lambda i: (i, 0)),
        out_shape=jax.ShapeDtypeStruct((E, FOLD_DIM), jnp.float32),
    )(d2, zsel, W1, b1, W2, b2)


def _z_selector():
    offs = np.linspace(0.0, PROTEIN_RADIUS, RADIUS_EMB_DIM,
                       dtype=np.float32)
    offs320 = np.tile(offs, 5)
    hi = offs320.astype(ml_dtypes.bfloat16).astype(np.float32)
    lo = offs320 - hi
    s = np.zeros((12, IN_DIM), dtype=np.float32)
    for k in range(5):
        s[k, 64 * k:64 * (k + 1)] = 1.0
        s[5 + k, 64 * k:64 * (k + 1)] = 1.0
    s[10] = -hi
    s[11] = -lo
    return jnp.asarray(s)


def kernel(ligand_pos, protein_pos, protein_pos_Cb, protein_pos_C,
           protein_pos_O, protein_pos_N, edge_index, W1, b1, W2, b2):
    zpad = jnp.zeros((N_PROT, 1), jnp.float32)
    ptab = jnp.concatenate(
        [protein_pos, protein_pos_Cb, protein_pos_C, protein_pos_O,
         protein_pos_N, zpad], axis=1)
    ltab = jnp.concatenate(
        [ligand_pos, jnp.zeros((N_LIG, 13), jnp.float32)], axis=1)

    d2 = _sc_dist2(ltab, ptab, edge_index)

    out = _tc_mlp(d2, _z_selector(), W1, b1.reshape(1, FOLD_DIM),
                  W2, b2.reshape(1, FOLD_DIM))
    return (edge_index, out)

# --- scband reference (transcript-rebuilt; emitter-appended) ---
"""Pipeline reference for scband-cross-edge-builder-31001073943183 (READ-ONLY COPY).

The authoritative reference and input builder live on the scoring server;
editing this copy changes nothing except your own understanding.
"""

import jax, jax.numpy as jnp
import numpy as np

N_PROT = 10000
N_LIG = 10000
E = 160000
RADIUS_EMB_DIM = 64
FOLD_DIM = 256
PROTEIN_RADIUS = 8.0


def gaussian_smearing(dist):
    # GaussianSmearing(0.0, protein_radius, radius_emb_dim)
    offset = jnp.linspace(0.0, PROTEIN_RADIUS, RADIUS_EMB_DIM)
    coeff = -0.5 / (offset[1] - offset[0]) ** 2
    diff = dist[:, None] - offset[None, :]
    return jnp.exp(coeff * diff * diff)


def setup_inputs(seed: int = 0) -> dict:
    key = jax.random.key(seed)
    ks = jax.random.split(key, 12)
    ligand_pos = jax.random.normal(ks[0], (N_LIG, 3), dtype=jnp.float32)
    protein_pos = jax.random.normal(ks[1], (N_PROT, 3), dtype=jnp.float32)
    protein_pos_Cb = jax.random.normal(ks[2], (N_PROT, 3), dtype=jnp.float32)
    protein_pos_C = jax.random.normal(ks[3], (N_PROT, 3), dtype=jnp.float32)
    protein_pos_O = jax.random.normal(ks[4], (N_PROT, 3), dtype=jnp.float32)
    protein_pos_N = jax.random.normal(ks[5], (N_PROT, 3), dtype=jnp.float32)
    # precomputed cross radius-graph edges: row 0 = ligand (src), row 1 = protein (dst)
    edge_index = jax.random.randint(ks[6], (2, E), 0, N_PROT, dtype=jnp.int32)
    in_dim = RADIUS_EMB_DIM * 5
    W1 = jax.random.normal(ks[7], (in_dim, FOLD_DIM), dtype=jnp.float32) * (1.0 / np.sqrt(in_dim))
    b1 = jnp.zeros((FOLD_DIM,), dtype=jnp.float32)
    W2 = jax.random.normal(ks[8], (FOLD_DIM, FOLD_DIM), dtype=jnp.float32) * (1.0 / np.sqrt(FOLD_DIM))
    b2 = jnp.zeros((FOLD_DIM,), dtype=jnp.float32)
    return {
        "ligand_pos": ligand_pos,
        "protein_pos": protein_pos,
        "protein_pos_Cb": protein_pos_Cb,
        "protein_pos_C": protein_pos_C,
        "protein_pos_O": protein_pos_O,
        "protein_pos_N": protein_pos_N,
        "edge_index": edge_index,
        "W1": W1,
        "b1": b1,
        "W2": W2,
        "b2": b2,
    }


def reference(ligand_pos, protein_pos, protein_pos_Cb, protein_pos_C,
              protein_pos_O, protein_pos_N, edge_index, W1, b1, W2, b2):
    src = edge_index[0]
    dst = edge_index[1]
    lp = jnp.take(ligand_pos, src, axis=0)
    edge_vec = lp - jnp.take(protein_pos, dst, axis=0)
    edge_vec_cb = lp - jnp.take(protein_pos_Cb, dst, axis=0)
    edge_vec_c = lp - jnp.take(protein_pos_C, dst, axis=0)
    edge_vec_o = lp - jnp.take(protein_pos_O, dst, axis=0)
    edge_vec_n = lp - jnp.take(protein_pos_N, dst, axis=0)
    edge_attr = jnp.concatenate([
        gaussian_smearing(jnp.linalg.norm(edge_vec, axis=-1)),
        gaussian_smearing(jnp.linalg.norm(edge_vec_cb, axis=-1)),
        gaussian_smearing(jnp.linalg.norm(edge_vec_c, axis=-1)),
        gaussian_smearing(jnp.linalg.norm(edge_vec_o, axis=-1)),
        gaussian_smearing(jnp.linalg.norm(edge_vec_n, axis=-1)),
    ], axis=-1)
    h = jnp.maximum(edge_attr @ W1 + b1, 0.0)
    out = h @ W2 + b2
    return (edge_index, out)

if __name__ == "__main__":
    import jax
    _d = setup_inputs()
    print(jax.jit(kernel)(*tuple(_d.values())))

</pallas_src>

<mosaic_0001>
#map = affine_map<(d0, d1) -> (0, 0)>
module attributes {stable_mosaic.version = 14 : i64} {
  func.func @_sc_body(%arg0: i32, %arg1: i32, %arg2: memref<10000x16xf32, #tpu.memory_space<hbm>>, %arg3: memref<10000x16xf32, #tpu.memory_space<hbm>>, %arg4: memref<2x160000xi32, #tpu.memory_space<hbm>>, %arg5: memref<5x160000xf32, #tpu.memory_space<hbm>>, %arg6: memref<2x1024xi32, #tpu.memory_space<vmem>>, %arg7: memref<2x1024xi32, #tpu.memory_space<vmem>>, %arg8: memref<2x1024x16xf32, #tpu.memory_space<vmem>>, %arg9: memref<2x1024x16xf32, #tpu.memory_space<vmem>>, %arg10: memref<2x5x1024xf32, #tpu.memory_space<vmem>>, %arg11: memref<!tpu.dma_semaphore, #tpu.memory_space<semaphore_mem>>, %arg12: memref<!tpu.dma_semaphore, #tpu.memory_space<semaphore_mem>>, %arg13: memref<!tpu.dma_semaphore, #tpu.memory_space<semaphore_mem>>, %arg14: memref<!tpu.dma_semaphore, #tpu.memory_space<semaphore_mem>>, %arg15: memref<!tpu.dma_semaphore, #tpu.memory_space<semaphore_mem>>, %arg16: memref<!tpu.dma_semaphore, #tpu.memory_space<semaphore_mem>>) attributes {dimension_semantics = [#tpu.dimension_semantics<core_parallel>, #tpu.dimension_semantics<subcore_parallel>], iteration_bounds = array<i64: 2, 16>, scalar_prefetch = 0 : i64, scratch_operands = 11 : i64, tpu.core_type = #tpu.core_type<sc_vector_subcore>, window_params = [{transform_indices = #map}, {transform_indices = #map}, {transform_indices = #map}, {transform_indices = #map}]} {
    %mul3A = arith.constant 2 : i32
    %mul3A_0 = arith.muli %arg1, %mul3A : i32
    %add3A = arith.addi %mul3A_0, %arg0 : i32
    %iota3A = tpu.iota {dimensions = array<i32: 0>} : vector<16xi32>
    %broadcast_in_dim3A = arith.constant 0 : i32
    %broadcast_in_dim3A_1 = vector.broadcast %broadcast_in_dim3A : i32 to vector<16xi32>
    %mul3A_2 = arith.constant 5120 : i32
    %mul3A_3 = arith.muli %add3A, %mul3A_2 : i32
    %add3A_4 = arith.constant 0 : i32
    %add3A_5 = arith.addi %mul3A_3, %add3A_4 : i32
    %min3A = arith.constant 158976 : i32
    %min3A_6 = arith.minsi %add3A_5, %min3A : i32
    %run_scoped3A = arith.constant 0 : i32
    %run_scoped3A_7 = arith.constant 0 : i32
    "tpu.region"() ({
      %run_scoped3A_992 = tpu.sem_alloc : memref<!tpu.dma_semaphore, #tpu.memory_space<semaphore_mem>>
      %dma_start3A_993 = arith.constant 0 : i32
      %dma_start3A_994 = tpu.memref_slice %arg6[%run_scoped3A_7, %dma_start3A_993] : memref<2x1024xi32, #tpu.memory_space<vmem>> -> memref<1x1024xi32, #tpu.memory_space<vmem>>
      %dma_start3A_995 = tpu.memref_squeeze %dma_start3A_994 : memref<1x1024xi32, #tpu.memory_space<vmem>> -> memref<1024xi32, #tpu.memory_space<vmem>>
      %dma_start3A_996 = tpu.memref_slice %arg4[%run_scoped3A, %min3A_6] : memref<2x160000xi32, #tpu.memory_space<hbm>> -> memref<1x1024xi32, #tpu.memory_space<hbm>>
      %dma_start3A_997 = tpu.memref_squeeze %dma_start3A_996 : memref<1x1024xi32, #tpu.memory_space<hbm>> -> memref<1024xi32, #tpu.memory_space<hbm>>
      %dma_start3A_998 = arith.constant 0 : i32
      %dma_start3A_999 = tpu.memref_slice %arg6[%run_scoped3A_7, %dma_start3A_998] : memref<2x1024xi32, #tpu.memory_space<vmem>> -> memref<1x1024xi32, #tpu.memory_space<vmem>>
      %dma_start3A_1000 = tpu.memref_squeeze %dma_start3A_999 : memref<1x1024xi32, #tpu.memory_space<vmem>> -> memref<1024xi32, #tpu.memory_space<vmem>>
      %dma_start3A_1001 = tpu.memref_slice %arg4[%run_scoped3A, %min3A_6] : memref<2x160000xi32, #tpu.memory_space<hbm>> -> memref<1x1024xi32, #tpu.memory_space<hbm>>
      %dma_start3A_1002 = tpu.memref_squeeze %dma_start3A_1001 : memref<1x1024xi32, #tpu.memory_space<hbm>> -> memref<1024xi32, #tpu.memory_space<hbm>>
      tpu.enqueue_dma source(%dma_start3A_1002 : memref<1024xi32, #tpu.memory_space<hbm>>) target(%dma_start3A_1000 : memref<1024xi32, #tpu.memory_space<vmem>>) target_semaphore(%run_scoped3A_992 : memref<!tpu.dma_semaphore, #tpu.memory_space<semaphore_mem>>)
      %dma_wait3A_1003 = arith.constant 0 : i32
      %dma_wait3A_1004 = tpu.memref_slice %arg6[%run_scoped3A_7, %dma_wait3A_1003] : memref<2x1024xi32, #tpu.memory_space<vmem>> -> memref<1x1024xi32, #tpu.memory_space<vmem>>
      %dma_wait3A_1005 = tpu.memref_squeeze %dma_wait3A_1004 : memref<1x1024xi32, #tpu.memory_space<vmem>> -> memref<1024xi32, #tpu.memory_space<vmem>>
      %dma_wait3A_1006 = tpu.memref_slice %arg4[%run_scoped3A, %min3A_6] : memref<2x160000xi32, #tpu.memory_space<hbm>> -> memref<1x1024xi32, #tpu.memory_space<hbm>>
      %dma_wait3A_1007 = tpu.memref_squeeze %dma_wait3A_1006 : memref<1x1024xi32, #tpu.memory_space<hbm>> -> memref<1024xi32, #tpu.memory_space<hbm>>
      %dma_wait3A_1008 = arith.constant 0 : i32
      %dma_wait3A_1009 = tpu.memref_slice %arg6[%run_scoped3A_7, %dma_wait3A_1008] : memref<2x1024xi32, #tpu.memory_space<vmem>> -> memref<1x1024xi32, #tpu.memory_space<vmem>>
      %dma_wait3A_1010 = tpu.memref_squeeze %dma_wait3A_1009 : memref<1x1024xi32, #tpu.memory_space<vmem>> -> memref<1024xi32, #tpu.memory_space<vmem>>
      %dma_wait3A_1011 = tpu.memref_slice %arg4[%run_scoped3A, %min3A_6] : memref<2x160000xi32, #tpu.memory_space<hbm>> -> memref<1x1024xi32, #tpu.memory_space<hbm>>
      %dma_wait3A_1012 = tpu.memref_squeeze %dma_wait3A_1011 : memref<1x1024xi32, #tpu.memory_space<hbm>> -> memref<1024xi32, #tpu.memory_space<hbm>>
      tpu.wait_dma2 semaphore(%run_scoped3A_992 : memref<!tpu.dma_semaphore, #tpu.memory_space<semaphore_mem>>) src(%dma_wait3A_1012 : memref<1024xi32, #tpu.memory_space<hbm>>) dst(%dma_wait3A_1010 : memref<1024xi32, #tpu.memory_space<vmem>>)
      tpu.yield
    }) : () -> ()
    %run_scoped3A_8 = arith.constant 1 : i32
    %run_scoped3A_9 = arith.constant 0 : i32
    "tpu.region"() ({
      %run_scoped3A_992 = tpu.sem_alloc : memref<!tpu.dma_semaphore, #tpu.memory_space<semaphore_mem>>
      %dma_start3A_993 = arith.constant 0 : i32
      %dma_start3A_994 = tpu.memref_slice %arg7[%run_scoped3A_9, %dma_start3A_993] : memref<2x1024xi32, #tpu.memory_space<vmem>> -> memref<1x1024xi32, #tpu.memory_space<vmem>>
      %dma_start3A_995 = tpu.memref_squeeze %dma_start3A_994 : memref<1x1024xi32, #tpu.memory_space<vmem>> -> memref<1024xi32, #tpu.memory_space<vmem>>
      %dma_start3A_996 = tpu.memref_slice %arg4[%run_scoped3A_8, %min3A_6] : memref<2x160000xi32, #tpu.memory_space<hbm>> -> memref<1x1024xi32, #tpu.memory_space<hbm>>
      %dma_start3A_997 = tpu.memref_squeeze %dma_start3A_996 : memref<1x1024xi32, #tpu.memory_space<hbm>> -> memref<1024xi32, #tpu.memory_space<hbm>>
      %dma_start3A_998 = arith.constant 0 : i32
      %dma_start3A_999 = tpu.memref_slice %arg7[%run_scoped3A_9, %dma_start3A_998] : memref<2x1024xi32, #tpu.memory_space<vmem>> -> memref<1x1024xi32, #tpu.memory_space<vmem>>
      %dma_start3A_1000 = tpu.memref_squeeze %dma_start3A_999 : memref<1x1024xi32, #tpu.memory_space<vmem>> -> memref<1024xi32, #tpu.memory_space<vmem>>
      %dma_start3A_1001 = tpu.memref_slice %arg4[%run_scoped3A_8, %min3A_6] : memref<2x160000xi32, #tpu.memory_space<hbm>> -> memref<1x1024xi32, #tpu.memory_space<hbm>>
      %dma_start3A_1002 = tpu.memref_squeeze %dma_start3A_1001 : memref<1x1024xi32, #tpu.memory_space<hbm>> -> memref<1024xi32, #tpu.memory_space<hbm>>
      tpu.enqueue_dma source(%dma_start3A_1002 : memref<1024xi32, #tpu.memory_space<hbm>>) target(%dma_start3A_1000 : memref<1024xi32, #tpu.memory_space<vmem>>) target_semaphore(%run_scoped3A_992 : memref<!tpu.dma_semaphore, #tpu.memory_space<semaphore_mem>>)
      %dma_wait3A_1003 = arith.constant 0 : i32
      %dma_wait3A_1004 = tpu.memref_slice %arg7[%run_scoped3A_9, %dma_wait3A_1003] : memref<2x1024xi32, #tpu.memory_space<vmem>> -> memref<1x1024xi32, #tpu.memory_space<vmem>>
      %dma_wait3A_1005 = tpu.memref_squeeze %dma_wait3A_1004 : memref<1x1024xi32, #tpu.memory_space<vmem>> -> memref<1024xi32, #tpu.memory_space<vmem>>
      %dma_wait3A_1006 = tpu.memref_slice %arg4[%run_scoped3A_8, %min3A_6] : memref<2x160000xi32, #tpu.memory_space<hbm>> -> memref<1x1024xi32, #tpu.memory_space<hbm>>
      %dma_wait3A_1007 = tpu.memref_squeeze %dma_wait3A_1006 : memref<1x1024xi32, #tpu.memory_space<hbm>> -> memref<1024xi32, #tpu.memory_space<hbm>>
      %dma_wait3A_1008 = arith.constant 0 : i32
      %dma_wait3A_1009 = tpu.memref_slice %arg7[%run_scoped3A_9, %dma_wait3A_1008] : memref<2x1024xi32, #tpu.memory_space<vmem>> -> memref<1x1024xi32, #tpu.memory_space<vmem>>
      %dma_wait3A_1010 = tpu.memref_squeeze %dma_wait3A_1009 : memref<1x1024xi32, #tpu.memory_space<vmem>> -> memref<1024xi32, #tpu.memory_space<vmem>>
      %dma_wait3A_1011 = tpu.memref_slice %arg4[%run_scoped3A_8, %min3A_6] : memref<2x160000xi32, #tpu.memory_space<hbm>> -> memref<1x1024xi32, #tpu.memory_space<hbm>>
      %dma_wait3A_1012 = tpu.memref_squeeze %dma_wait3A_1011 : memref<1x1024xi32, #tpu.memory_space<hbm>> -> memref<1024xi32, #tpu.memory_space<hbm>>
      tpu.wait_dma2 semaphore(%run_scoped3A_992 : memref<!tpu.dma_semaphore, #tpu.memory_space<semaphore_mem>>) src(%dma_wait3A_1012 : memref<1024xi32, #tpu.memory_space<hbm>>) dst(%dma_wait3A_1010 : memref<1024xi32, #tpu.memory_space<vmem>>)
      tpu.yield
    }) : () -> ()
    %dma_start3A = arith.constant 0 : i32
    %dma_start3A_10 = arith.constant 0 : i32
    %dma_start3A_11 = arith.constant 0 : i32
    %dma_start3A_12 = arith.constant 0 : i32
    %dma_start3A_13 = tpu.memref_slice %arg8[%dma_start3A_10, %dma_start3A_11, %dma_start3A_12] : memref<2x1024x16xf32, #tpu.memory_space<vmem>> -> memref<1x1024x16xf32, #tpu.memory_space<vmem>>
    %dma_start3A_14 = tpu.memref_squeeze %dma_start3A_13 : memref<1x1024x16xf32, #tpu.memory_space<vmem>> -> memref<1024x16xf32, #tpu.memory_space<vmem>>
    %dma_start3A_15 = arith.constant 0 : i32
    %dma_start3A_16 = tpu.memref_slice %arg6[%dma_start3A, %dma_start3A_15] : memref<2x1024xi32, #tpu.memory_space<vmem>> -> memref<1x1024xi32, #tpu.memory_space<vmem>>
    %dma_start3A_17 = tpu.memref_squeeze %dma_start3A_16 : memref<1x1024xi32, #tpu.memory_space<vmem>> -> memref<1024xi32, #tpu.memory_space<vmem>>
    %dma_start3A_18 = arith.constant 0 : i32
    %dma_start3A_19 = arith.constant 0 : i32
    %dma_start3A_20 = tpu.memref_slice %arg2[%dma_start3A_18, %dma_start3A_19] : memref<10000x16xf32, #tpu.memory_space<hbm>> -> memref<10000x16xf32, #tpu.memory_space<hbm>>
    tpu.enqueue_indirect_dma source(%dma_start3A_20 : memref<10000x16xf32, #tpu.memory_space<hbm>>) target(%dma_start3A_14 : memref<1024x16xf32, #tpu.memory_space<vmem>>) offsets(%dma_start3A_17 : memref<1024xi32, #tpu.memory_space<vmem>>) semaphore(%arg11 : memref<!tpu.dma_semaphore, #tpu.memory_space<semaphore_mem>>)
    %dma_start3A_21 = arith.constant 0 : i32
    %dma_start3A_22 = arith.constant 0 : i32
    %dma_start3A_23 = arith.constant 0 : i32
    %dma_start3A_24 = arith.constant 0 : i32
    %dma_start3A_25 = tpu.memref_slice %arg9[%dma_start3A_22, %dma_start3A_23, %dma_start3A_24] : memref<2x1024x16xf32, #tpu.memory_space<vmem>> -> memref<1x1024x16xf32, #tpu.memory_space<vmem>>
    %dma_start3A_26 = tpu.memref_squeeze %dma_start3A_25 : memref<1x1024x16xf32, #tpu.memory_space<vmem>> -> memref<1024x16xf32, #tpu.memory_space<vmem>>
    %dma_start3A_27 = arith.constant 0 : i32
    %dma_start3A_28 = tpu.memref_slice %arg7[%dma_start3A_21, %dma_start3A_27] : memref<2x1024xi32, #tpu.memory_space<vmem>> -> memref<1x1024xi32, #tpu.memory_space<vmem>>
    %dma_start3A_29 = tpu.memref_squeeze %dma_start3A_28 : memref<1x1024xi32, #tpu.memory_space<vmem>> -> memref<1024xi32, #tpu.memory_space<vmem>>
    %dma_start3A_30 = arith.constant 0 : i32
    %dma_start3A_31 = arith.constant 0 : i32
    %dma_start3A_32 = tpu.memref_slice %arg3[%dma_start3A_30, %dma_start3A_31] : memref<10000x16xf32, #tpu.memory_space<hbm>> -> memref<10000x16xf32, #tpu.memory_space<hbm>>
    tpu.enqueue_indirect_dma source(%dma_start3A_32 : memref<10000x16xf32, #tpu.memory_space<hbm>>) target(%dma_start3A_26 : memref<1024x16xf32, #tpu.memory_space<vmem>>) offsets(%dma_start3A_29 : memref<1024xi32, #tpu.memory_space<vmem>>) semaphore(%arg13 : memref<!tpu.dma_semaphore, #tpu.memory_space<semaphore_mem>>)
    %mul3A_33 = arith.constant 5120 : i32
    %mul3A_34 = arith.muli %add3A, %mul3A_33 : i32
    %add3A_35 = arith.constant 1024 : i32
    %add3A_36 = arith.addi %mul3A_34, %add3A_35 : i32
    %min3A_37 = arith.constant 158976 : i32
    %min3A_38 = arith.minsi %add3A_36, %min3A_37 : i32
    %run_scoped3A_39 = arith.constant 0 : i32
    %run_scoped3A_40 = arith.constant 1 : i32
    "tpu.region"() ({
      %run_scoped3A_992 = tpu.sem_alloc : memref<!tpu.dma_semaphore, #tpu.memory_space<semaphore_mem>>
      %dma_start3A_993 = arith.constant 0 : i32
      %dma_start3A_994 = tpu.memref_slice %arg6[%run_scoped3A_40, %dma_start3A_993] : memref<2x1024xi32, #tpu.memory_space<vmem>> -> memref<1x1024xi32, #tpu.memory_space<vmem>>
      %dma_start3A_995 = tpu.memref_squeeze %dma_start3A_994 : memref<1x1024xi32, #tpu.memory_space<vmem>> -> memref<1024xi32, #tpu.memory_space<vmem>>
      %dma_start3A_996 = tpu.memref_slice %arg4[%run_scoped3A_39, %min3A_38] : memref<2x160000xi32, #tpu.memory_space<hbm>> -> memref<1x1024xi32, #tpu.memory_space<hbm>>
      %dma_start3A_997 = tpu.memref_squeeze %dma_start3A_996 : memref<1x1024xi32, #tpu.memory_space<hbm>> -> memref<1024xi32, #tpu.memory_space<hbm>>
      %dma_start3A_998 = arith.constant 0 : i32
      %dma_start3A_999 = tpu.memref_slice %arg6[%run_scoped3A_40, %dma_start3A_998] : memref<2x1024xi32, #tpu.memory_space<vmem>> -> memref<1x1024xi32, #tpu.memory_space<vmem>>
      %dma_start3A_1000 = tpu.memref_squeeze %dma_start3A_999 : memref<1x1024xi32, #tpu.memory_space<vmem>> -> memref<1024xi32, #tpu.memory_space<vmem>>
      %dma_start3A_1001 = tpu.memref_slice %arg4[%run_scoped3A_39, %min3A_38] : memref<2x160000xi32, #tpu.memory_space<hbm>> -> memref<1x1024xi32, #tpu.memory_space<hbm>>
      %dma_start3A_1002 = tpu.memref_squeeze %dma_start3A_1001 : memref<1x1024xi32, #tpu.memory_space<hbm>> -> memref<1024xi32, #tpu.memory_space<hbm>>
      tpu.enqueue_dma source(%dma_start3A_1002 : memref<1024xi32, #tpu.memory_space<hbm>>) target(%dma_start3A_1000 : memref<1024xi32, #tpu.memory_space<vmem>>) target_semaphore(%run_scoped3A_992 : memref<!tpu.dma_semaphore, #tpu.memory_space<semaphore_mem>>)
      %dma_wait3A_1003 = arith.constant 0 : i32
      %dma_wait3A_1004 = tpu.memref_slice %arg6[%run_scoped3A_40, %dma_wait3A_1003] : memref<2x1024xi32, #tpu.memory_space<vmem>> -> memref<1x1024xi32, #tpu.memory_space<vmem>>
      %dma_wait3A_1005 = tpu.memref_squeeze %dma_wait3A_1004 : memref<1x1024xi32, #tpu.memory_space<vmem>> -> memref<1024xi32, #tpu.memory_space<vmem>>
      %dma_wait3A_1006 = tpu.memref_slice %arg4[%run_scoped3A_39, %min3A_38] : memref<2x160000xi32, #tpu.memory_space<hbm>> -> memref<1x1024xi32, #tpu.memory_space<hbm>>
      %dma_wait3A_1007 = tpu.memref_squeeze %dma_wait3A_1006 : memref<1x1024xi32, #tpu.memory_space<hbm>> -> memref<1024xi32, #tpu.memory_space<hbm>>
      %dma_wait3A_1008 = arith.constant 0 : i32
      %dma_wait3A_1009 = tpu.memref_slice %arg6[%run_scoped3A_40, %dma_wait3A_1008] : memref<2x1024xi32, #tpu.memory_space<vmem>> -> memref<1x1024xi32, #tpu.memory_space<vmem>>
      %dma_wait3A_1010 = tpu.memref_squeeze %dma_wait3A_1009 : memref<1x1024xi32, #tpu.memory_space<vmem>> -> memref<1024xi32, #tpu.memory_space<vmem>>
      %dma_wait3A_1011 = tpu.memref_slice %arg4[%run_scoped3A_39, %min3A_38] : memref<2x160000xi32, #tpu.memory_space<hbm>> -> memref<1x1024xi32, #tpu.memory_space<hbm>>
      %dma_wait3A_1012 = tpu.memref_squeeze %dma_wait3A_1011 : memref<1x1024xi32, #tpu.memory_space<hbm>> -> memref<1024xi32, #tpu.memory_space<hbm>>
      tpu.wait_dma2 semaphore(%run_scoped3A_992 : memref<!tpu.dma_semaphore, #tpu.memory_space<semaphore_mem>>) src(%dma_wait3A_1012 : memref<1024xi32, #tpu.memory_space<hbm>>) dst(%dma_wait3A_1010 : memref<1024xi32, #tpu.memory_space<vmem>>)
      tpu.yield
    }) : () -> ()
    %run_scoped3A_41 = arith.constant 1 : i32
    %run_scoped3A_42 = arith.constant 1 : i32
    "tpu.region"() ({
      %run_scoped3A_992 = tpu.sem_alloc : memref<!tpu.dma_semaphore, #tpu.memory_space<semaphore_mem>>
      %dma_start3A_993 = arith.constant 0 : i32
      %dma_start3A_994 = tpu.memref_slice %arg7[%run_scoped3A_42, %dma_start3A_993] : memref<2x1024xi32, #tpu.memory_space<vmem>> -> memref<1x1024xi32, #tpu.memory_space<vmem>>
      %dma_start3A_995 = tpu.memref_squeeze %dma_start3A_994 : memref<1x1024xi32, #tpu.memory_space<vmem>> -> memref<1024xi32, #tpu.memory_space<vmem>>
      %dma_start3A_996 = tpu.memref_slice %arg4[%run_scoped3A_41, %min3A_38] : memref<2x160000xi32, #tpu.memory_space<hbm>> -> memref<1x1024xi32, #tpu.memory_space<hbm>>
      %dma_start3A_997 = tpu.memref_squeeze %dma_start3A_996 : memref<1x1024xi32, #tpu.memory_space<hbm>> -> memref<1024xi32, #tpu.memory_space<hbm>>
      %dma_start3A_998 = arith.constant 0 : i32
      %dma_start3A_999 = tpu.memref_slice %arg7[%run_scoped3A_42, %dma_start3A_998] : memref<2x1024xi32, #tpu.memory_space<vmem>> -> memref<1x1024xi32, #tpu.memory_space<vmem>>
      %dma_start3A_1000 = tpu.memref_squeeze %dma_start3A_999 : memref<1x1024xi32, #tpu.memory_space<vmem>> -> memref<1024xi32, #tpu.memory_space<vmem>>
      %dma_start3A_1001 = tpu.memref_slice %arg4[%run_scoped3A_41, %min3A_38] : memref<2x160000xi32, #tpu.memory_space<hbm>> -> memref<1x1024xi32, #tpu.memory_space<hbm>>
      %dma_start3A_1002 = tpu.memref_squeeze %dma_start3A_1001 : memref<1x1024xi32, #tpu.memory_space<hbm>> -> memref<1024xi32, #tpu.memory_space<hbm>>
      tpu.enqueue_dma source(%dma_start3A_1002 : memref<1024xi32, #tpu.memory_space<hbm>>) target(%dma_start3A_1000 : memref<1024xi32, #tpu.memory_space<vmem>>) target_semaphore(%run_scoped3A_992 : memref<!tpu.dma_semaphore, #tpu.memory_space<semaphore_mem>>)
      %dma_wait3A_1003 = arith.constant 0 : i32
      %dma_wait3A_1004 = tpu.memref_slice %arg7[%run_scoped3A_42, %dma_wait3A_1003] : memref<2x1024xi32, #tpu.memory_space<vmem>> -> memref<1x1024xi32, #tpu.memory_space<vmem>>
      %dma_wait3A_1005 = tpu.memref_squeeze %dma_wait3A_1004 : memref<1x1024xi32, #tpu.memory_space<vmem>> -> memref<1024xi32, #tpu.memory_space<vmem>>
      %dma_wait3A_1006 = tpu.memref_slice %arg4[%run_scoped3A_41, %min3A_38] : memref<2x160000xi32, #tpu.memory_space<hbm>> -> memref<1x1024xi32, #tpu.memory_space<hbm>>
      %dma_wait3A_1007 = tpu.memref_squeeze %dma_wait3A_1006 : memref<1x1024xi32, #tpu.memory_space<hbm>> -> memref<1024xi32, #tpu.memory_space<hbm>>
      %dma_wait3A_1008 = arith.constant 0 : i32
      %dma_wait3A_1009 = tpu.memref_slice %arg7[%run_scoped3A_42, %dma_wait3A_1008] : memref<2x1024xi32, #tpu.memory_space<vmem>> -> memref<1x1024xi32, #tpu.memory_space<vmem>>
      %dma_wait3A_1010 = tpu.memref_squeeze %dma_wait3A_1009 : memref<1x1024xi32, #tpu.memory_space<vmem>> -> memref<1024xi32, #tpu.memory_space<vmem>>
      %dma_wait3A_1011 = tpu.memref_slice %arg4[%run_scoped3A_41, %min3A_38] : memref<2x160000xi32, #tpu.memory_space<hbm>> -> memref<1x1024xi32, #tpu.memory_space<hbm>>
      %dma_wait3A_1012 = tpu.memref_squeeze %dma_wait3A_1011 : memref<1x1024xi32, #tpu.memory_space<hbm>> -> memref<1024xi32, #tpu.memory_space<hbm>>
      tpu.wait_dma2 semaphore(%run_scoped3A_992 : memref<!tpu.dma_semaphore, #tpu.memory_space<semaphore_mem>>) src(%dma_wait3A_1012 : memref<1024xi32, #tpu.memory_space<hbm>>) dst(%dma_wait3A_1010 : memref<1024xi32, #tpu.memory_space<vmem>>)
      tpu.yield
    }) : () -> ()
    %dma_start3A_43 = arith.constant 1 : i32
    %dma_start3A_44 = arith.constant 1 : i32
    %dma_start3A_45 = arith.constant 0 : i32
    %dma_start3A_46 = arith.constant 0 : i32
    %dma_start3A_47 = tpu.memref_slice %arg8[%dma_start3A_44, %dma_start3A_45, %dma_start3A_46] : memref<2x1024x16xf32, #tpu.memory_space<vmem>> -> memref<1x1024x16xf32, #tpu.memory_space<vmem>>
    %dma_start3A_48 = tpu.memref_squeeze %dma_start3A_47 : memref<1x1024x16xf32, #tpu.memory_space<vmem>> -> memref<1024x16xf32, #tpu.memory_space<vmem>>
    %dma_start3A_49 = arith.constant 0 : i32
    %dma_start3A_50 = tpu.memref_slice %arg6[%dma_start3A_43, %dma_start3A_49] : memref<2x1024xi32, #tpu.memory_space<vmem>> -> memref<1x1024xi32, #tpu.memory_space<vmem>>
    %dma_start3A_51 = tpu.memref_squeeze %dma_start3A_50 : memref<1x1024xi32, #tpu.memory_space<vmem>> -> memref<1024xi32, #tpu.memory_space<vmem>>
    %dma_start3A_52 = arith.constant 0 : i32
    %dma_start3A_53 = arith.constant 0 : i32
    %dma_start3A_54 = tpu.memref_slice %arg2[%dma_start3A_52, %dma_start3A_53] : memref<10000x16xf32, #tpu.memory_space<hbm>> -> memref<10000x16xf32, #tpu.memory_space<hbm>>
    tpu.enqueue_indirect_dma source(%dma_start3A_54 : memref<10000x16xf32, #tpu.memory_space<hbm>>) target(%dma_start3A_48 : memref<1024x16xf32, #tpu.memory_space<vmem>>) offsets(%dma_start3A_51 : memref<1024xi32, #tpu.memory_space<vmem>>) semaphore(%arg12 : memref<!tpu.dma_semaphore, #tpu.memory_space<semaphore_mem>>)
    %dma_start3A_55 = arith.constant 1 : i32
    %dma_start3A_56 = arith.constant 1 : i32
    %dma_start3A_57 = arith.constant 0 : i32
    %dma_start3A_58 = arith.constant 0 : i32
    %dma_start3A_59 = tpu.memref_slice %arg9[%dma_start3A_56, %dma_start3A_57, %dma_start3A_58] : memref<2x1024x16xf32, #tpu.memory_space<vmem>> -> memref<1x1024x16xf32, #tpu.memory_space<vmem>>
    %dma_start3A_60 = tpu.memref_squeeze %dma_start3A_59 : memref<1x1024x16xf32, #tpu.memory_space<vmem>> -> memref<1024x16xf32, #tpu.memory_space<vmem>>
    %dma_start3A_61 = arith.constant 0 : i32
    %dma_start3A_62 = tpu.memref_slice %arg7[%dma_start3A_55, %dma_start3A_61] : memref<2x1024xi32, #tpu.memory_space<vmem>> -> memref<1x1024xi32, #tpu.memory_space<vmem>>
    %dma_start3A_63 = tpu.memref_squeeze %dma_start3A_62 : memref<1x1024xi32, #tpu.memory_space<vmem>> -> memref<1024xi32, #tpu.memory_space<vmem>>
    %dma_start3A_64 = arith.constant 0 : i32
    %dma_start3A_65 = arith.constant 0 : i32
    %dma_start3A_66 = tpu.memref_slice %arg3[%dma_start3A_64, %dma_start3A_65] : memref<10000x16xf32, #tpu.memory_space<hbm>> -> memref<10000x16xf32, #tpu.memory_space<hbm>>
    tpu.enqueue_indirect_dma source(%dma_start3A_66 : memref<10000x16xf32, #tpu.memory_space<hbm>>) target(%dma_start3A_60 : memref<1024x16xf32, #tpu.memory_space<vmem>>) offsets(%dma_start3A_63 : memref<1024xi32, #tpu.memory_space<vmem>>) semaphore(%arg14 : memref<!tpu.dma_semaphore, #tpu.memory_space<semaphore_mem>>)
    %dma_wait3A = arith.constant 0 : i32
    %dma_wait3A_67 = arith.constant 0 : i32
    %dma_wait3A_68 = arith.constant 0 : i32
    %dma_wait3A_69 = arith.constant 0 : i32
    %dma_wait3A_70 = tpu.memref_slice %arg8[%dma_wait3A_67, %dma_wait3A_68, %dma_wait3A_69] : memref<2x1024x16xf32, #tpu.memory_space<vmem>> -> memref<1x1024x16xf32, #tpu.memory_space<vmem>>
    %dma_wait3A_71 = tpu.memref_squeeze %dma_wait3A_70 : memref<1x1024x16xf32, #tpu.memory_space<vmem>> -> memref<1024x16xf32, #tpu.memory_space<vmem>>
    %dma_wait3A_72 = arith.constant 0 : i32
    %dma_wait3A_73 = tpu.memref_slice %arg6[%dma_wait3A, %dma_wait3A_72] : memref<2x1024xi32, #tpu.memory_space<vmem>> -> memref<1x1024xi32, #tpu.memory_space<vmem>>
    %dma_wait3A_74 = tpu.memref_squeeze %dma_wait3A_73 : memref<1x1024xi32, #tpu.memory_space<vmem>> -> memref<1024xi32, #tpu.memory_space<vmem>>
    %dma_wait3A_75 = arith.constant 0 : i32
    %dma_wait3A_76 = arith.constant 0 : i32
    %dma_wait3A_77 = tpu.memref_slice %arg2[%dma_wait3A_75, %dma_wait3A_76] : memref<10000x16xf32, #tpu.memory_space<hbm>> -> memref<10000x16xf32, #tpu.memory_space<hbm>>
    tpu.wait_indirect_dma semaphore(%arg11 : memref<!tpu.dma_semaphore, #tpu.memory_space<semaphore_mem>>) src(%dma_wait3A_77 : memref<10000x16xf32, #tpu.memory_space<hbm>>) dst(%dma_wait3A_71 : memref<1024x16xf32, #tpu.memory_space<vmem>>)
    %dma_wait3A_78 = arith.constant 0 : i32
    %dma_wait3A_79 = arith.constant 0 : i32
    %dma_wait3A_80 = arith.constant 0 : i32
    %dma_wait3A_81 = arith.constant 0 : i32
    %dma_wait3A_82 = tpu.memref_slice %arg9[%dma_wait3A_79, %dma_wait3A_80, %dma_wait3A_81] : memref<2x1024x16xf32, #tpu.memory_space<vmem>> -> memref<1x1024x16xf32, #tpu.memory_space<vmem>>
    %dma_wait3A_83 = tpu.memref_squeeze %dma_wait3A_82 : memref<1x1024x16xf32, #tpu.memory_space<vmem>> -> memref<1024x16xf32, #tpu.memory_space<vmem>>
    %dma_wait3A_84 = arith.constant 0 : i32
    %dma_wait3A_85 = tpu.memref_slice %arg7[%dma_wait3A_78, %dma_wait3A_84] : memref<2x1024xi32, #tpu.memory_space<vmem>> -> memref<1x1024xi32, #tpu.memory_space<vmem>>
    %dma_wait3A_86 = tpu.memref_squeeze %dma_wait3A_85 : memref<1x1024xi32, #tpu.memory_space<vmem>> -> memref<1024xi32, #tpu.memory_space<vmem>>
    %dma_wait3A_87 = arith.constant 0 : i32
    %dma_wait3A_88 = arith.constant 0 : i32
    %dma_wait3A_89 = tpu.memref_slice %arg3[%dma_wait3A_87, %dma_wait3A_88] : memref<10000x16xf32, #tpu.memory_space<hbm>> -> memref<10000x16xf32, #tpu.memory_space<hbm>>
    tpu.wait_indirect_dma semaphore(%arg13 : memref<!tpu.dma_semaphore, #tpu.memory_space<semaphore_mem>>) src(%dma_wait3A_89 : memref<10000x16xf32, #tpu.memory_space<hbm>>) dst(%dma_wait3A_83 : memref<1024x16xf32, #tpu.memory_space<vmem>>)
    %scan3A = arith.constant 0 : i32
    %scan3A_90 = arith.constant 64 : i32
    %scan3A_91 = arith.addi %scan3A, %scan3A_90 : i32
    %scan3A_92 = arith.constant 1 : i32
    scf.for %scan3A_992 = %scan3A to %scan3A_91 step %scan3A_92  : i32 {
      %mul3A_993 = arith.constant 16 : i32
      %mul3A_994 = arith.muli %scan3A_992, %mul3A_993 : i32
      %add3A_995 = vector.broadcast %mul3A_994 : i32 to vector<16xi32>
      %add3A_996 = arith.addi %iota3A, %add3A_995 : vector<16xi32>
      %add3A_997 = arith.constant 0 : i32
      %add3A_998 = vector.broadcast %add3A_997 : i32 to vector<16xi32>
      %add3A_999 = arith.addi %broadcast_in_dim3A_1, %add3A_998 : vector<16xi32>
      %add3A_1000 = arith.constant 0 : i32
      %add3A_1001 = vector.broadcast %add3A_1000 : i32 to vector<16xi32>
      %add3A_1002 = arith.addi %broadcast_in_dim3A_1, %add3A_1001 : vector<16xi32>
      %gather3A = tpu.vector_load_idx %arg8[%add3A_999, %add3A_996, %add3A_1002] : memref<2x1024x16xf32, #tpu.memory_space<vmem>>[vector<16xi32>, vector<16xi32>, vector<16xi32>], vector<16xf32>,
      %add3A_1003 = arith.constant 0 : i32
      %add3A_1004 = vector.broadcast %add3A_1003 : i32 to vector<16xi32>
      %add3A_1005 = arith.addi %broadcast_in_dim3A_1, %add3A_1004 : vector<16xi32>
      %add3A_1006 = arith.constant 1 : i32
      %add3A_1007 = vector.broadcast %add3A_1006 : i32 to vector<16xi32>
      %add3A_1008 = arith.addi %broadcast_in_dim3A_1, %add3A_1007 : vector<16xi32>
      %gather3A_1009 = tpu.vector_load_idx %arg8[%add3A_1005, %add3A_996, %add3A_1008] : memref<2x1024x16xf32, #tpu.memory_space<vmem>>[vector<16xi32>, vector<16xi32>, vector<16xi32>], vector<16xf32>,
      %add3A_1010 = arith.constant 0 : i32
      %add3A_1011 = vector.broadcast %add3A_1010 : i32 to vector<16xi32>
      %add3A_1012 = arith.addi %broadcast_in_dim3A_1, %add3A_1011 : vector<16xi32>
      %add3A_1013 = arith.constant 2 : i32
      %add3A_1014 = vector.broadcast %add3A_1013 : i32 to vector<16xi32>
      %add3A_1015 = arith.addi %broadcast_in_dim3A_1, %add3A_1014 : vector<16xi32>
      %gather3A_1016 = tpu.vector_load_idx %arg8[%add3A_1012, %add3A_996, %add3A_1015] : memref<2x1024x16xf32, #tpu.memory_space<vmem>>[vector<16xi32>, vector<16xi32>, vector<16xi32>], vector<16xf32>,
      %add3A_1017 = arith.constant 0 : i32
      %add3A_1018 = vector.broadcast %add3A_1017 : i32 to vector<16xi32>
      %add3A_1019 = arith.addi %broadcast_in_dim3A_1, %add3A_1018 : vector<16xi32>
      %add3A_1020 = arith.constant 0 : i32
      %add3A_1021 = vector.broadcast %add3A_1020 : i32 to vector<16xi32>
      %add3A_1022 = arith.addi %broadcast_in_dim3A_1, %add3A_1021 : vector<16xi32>
      %gather3A_1023 = tpu.vector_load_idx %arg9[%add3A_1019, %add3A_996, %add3A_1022] : memref<2x1024x16xf32, #tpu.memory_space<vmem>>[vector<16xi32>, vector<16xi32>, vector<16xi32>], vector<16xf32>,
      %add3A_1024 = arith.constant 0 : i32
      %add3A_1025 = vector.broadcast %add3A_1024 : i32 to vector<16xi32>
      %add3A_1026 = arith.addi %broadcast_in_dim3A_1, %add3A_1025 : vector<16xi32>
      %add3A_1027 = arith.constant 1 : i32
      %add3A_1028 = vector.broadcast %add3A_1027 : i32 to vector<16xi32>
      %add3A_1029 = arith.addi %broadcast_in_dim3A_1, %add3A_1028 : vector<16xi32>
      %gather3A_1030 = tpu.vector_load_idx %arg9[%add3A_1026, %add3A_996, %add3A_1029] : memref<2x1024x16xf32, #tpu.memory_space<vmem>>[vector<16xi32>, vector<16xi32>, vector<16xi32>], vector<16xf32>,
      %add3A_1031 = arith.constant 0 : i32
      %add3A_1032 = vector.broadcast %add3A_1031 : i32 to vector<16xi32>
      %add3A_1033 = arith.addi %broadcast_in_dim3A_1, %add3A_1032 : vector<16xi32>
      %add3A_1034 = arith.constant 2 : i32
      %add3A_1035 = vector.broadcast %add3A_1034 : i32 to vector<16xi32>
      %add3A_1036 = arith.addi %broadcast_in_dim3A_1, %add3A_1035 : vector<16xi32>
      %gather3A_1037 = tpu.vector_load_idx %arg9[%add3A_1033, %add3A_996, %add3A_1036] : memref<2x1024x16xf32, #tpu.memory_space<vmem>>[vector<16xi32>, vector<16xi32>, vector<16xi32>], vector<16xf32>,
      %sub3A = arith.subf %gather3A, %gather3A_1023 : vector<16xf32>
      %sub3A_1038 = arith.subf %gather3A_1009, %gather3A_1030 : vector<16xf32>
      %sub3A_1039 = arith.subf %gather3A_1016, %gather3A_1037 : vector<16xf32>
      %mul3A_1040 = arith.mulf %sub3A, %sub3A : vector<16xf32>
      %mul3A_1041 = arith.mulf %sub3A_1038, %sub3A_1038 : vector<16xf32>
      %add3A_1042 = arith.addf %mul3A_1040, %mul3A_1041 : vector<16xf32>
      %mul3A_1043 = arith.mulf %sub3A_1039, %sub3A_1039 : vector<16xf32>
      %add3A_1044 = arith.addf %add3A_1042, %mul3A_1043 : vector<16xf32>
      %mul3A_1045 = arith.constant 16 : i32
      %mul3A_1046 = arith.muli %scan3A_992, %mul3A_1045 : i32
      %swap3A = arith.constant 0 : i32
      %swap3A_1047 = arith.constant 0 : i32
      %swap3A_1048 = arith.index_cast %swap3A : i32 to index
      %swap3A_1049 = arith.index_cast %swap3A_1047 : i32 to index
      %swap3A_1050 = arith.index_cast %mul3A_1046 : i32 to index
      %swap3A_1051 = tpu.vector_load %arg10[%swap3A_1048, %swap3A_1049, %swap3A_1050] {strides = array<i32>} : memref<2x5x1024xf32, #tpu.memory_space<vmem>>, vector<16xf32>,
      tpu.vector_store %arg10[%swap3A_1048, %swap3A_1049, %swap3A_1050], %add3A_1044 {strides = array<i32>} : memref<2x5x1024xf32, #tpu.memory_space<vmem>>, vector<16xf32>,
      %add3A_1052 = arith.constant 0 : i32
      %add3A_1053 = vector.broadcast %add3A_1052 : i32 to vector<16xi32>
      %add3A_1054 = arith.addi %broadcast_in_dim3A_1, %add3A_1053 : vector<16xi32>
      %add3A_1055 = arith.constant 3 : i32
      %add3A_1056 = vector.broadcast %add3A_1055 : i32 to vector<16xi32>
      %add3A_1057 = arith.addi %broadcast_in_dim3A_1, %add3A_1056 : vector<16xi32>
      %gather3A_1058 = tpu.vector_load_idx %arg9[%add3A_1054, %add3A_996, %add3A_1057] : memref<2x1024x16xf32, #tpu.memory_space<vmem>>[vector<16xi32>, vector<16xi32>, vector<16xi32>], vector<16xf32>,
      %add3A_1059 = arith.constant 0 : i32
      %add3A_1060 = vector.broadcast %add3A_1059 : i32 to vector<16xi32>
      %add3A_1061 = arith.addi %broadcast_in_dim3A_1, %add3A_1060 : vector<16xi32>
      %add3A_1062 = arith.constant 4 : i32
      %add3A_1063 = vector.broadcast %add3A_1062 : i32 to vector<16xi32>
      %add3A_1064 = arith.addi %broadcast_in_dim3A_1, %add3A_1063 : vector<16xi32>
      %gather3A_1065 = tpu.vector_load_idx %arg9[%add3A_1061, %add3A_996, %add3A_1064] : memref<2x1024x16xf32, #tpu.memory_space<vmem>>[vector<16xi32>, vector<16xi32>, vector<16xi32>], vector<16xf32>,
      %add3A_1066 = arith.constant 0 : i32
      %add3A_1067 = vector.broadcast %add3A_1066 : i32 to vector<16xi32>
      %add3A_1068 = arith.addi %broadcast_in_dim3A_1, %add3A_1067 : vector<16xi32>
      %add3A_1069 = arith.constant 5 : i32
      %add3A_1070 = vector.broadcast %add3A_1069 : i32 to vector<16xi32>
      %add3A_1071 = arith.addi %broadcast_in_dim3A_1, %add3A_1070 : vector<16xi32>
      %gather3A_1072 = tpu.vector_load_idx %arg9[%add3A_1068, %add3A_996, %add3A_1071] : memref<2x1024x16xf32, #tpu.memory_space<vmem>>[vector<16xi32>, vector<16xi32>, vector<16xi32>], vector<16xf32>,
      %sub3A_1073 = arith.subf %gather3A, %gather3A_1058 : vector<16xf32>
      %sub3A_1074 = arith.subf %gather3A_1009, %gather3A_1065 : vector<16xf32>
      %sub3A_1075 = arith.subf %gather3A_1016, %gather3A_1072 : vector<16xf32>
      %mul3A_1076 = arith.mulf %sub3A_1073, %sub3A_1073 : vector<16xf32>
      %mul3A_1077 = arith.mulf %sub3A_1074, %sub3A_1074 : vector<16xf32>
      %add3A_1078 = arith.addf %mul3A_1076, %mul3A_1077 : vector<16xf32>
      %mul3A_1079 = arith.mulf %sub3A_1075, %sub3A_1075 : vector<16xf32>
      %add3A_1080 = arith.addf %add3A_1078, %mul3A_1079 : vector<16xf32>
      %mul3A_1081 = arith.constant 16 : i32
      %mul3A_1082 = arith.muli %scan3A_992, %mul3A_1081 : i32
      %swap3A_1083 = arith.constant 0 : i32
      %swap3A_1084 = arith.constant 1 : i32
      %swap3A_1085 = arith.index_cast %swap3A_1083 : i32 to index
      %swap3A_1086 = arith.index_cast %swap3A_1084 : i32 to index
      %swap3A_1087 = arith.index_cast %mul3A_1082 : i32 to index
      %swap3A_1088 = tpu.vector_load %arg10[%swap3A_1085, %swap3A_1086, %swap3A_1087] {strides = array<i32>} : memref<2x5x1024xf32, #tpu.memory_space<vmem>>, vector<16xf32>,
      tpu.vector_store %arg10[%swap3A_1085, %swap3A_1086, %swap3A_1087], %add3A_1080 {strides = array<i32>} : memref<2x5x1024xf32, #tpu.memory_space<vmem>>, vector<16xf32>,
      %add3A_1089 = arith.constant 0 : i32
      %add3A_1090 = vector.broadcast %add3A_1089 : i32 to vector<16xi32>
      %add3A_1091 = arith.addi %broadcast_in_dim3A_1, %add3A_1090 : vector<16xi32>
      %add3A_1092 = arith.constant 6 : i32
      %add3A_1093 = vector.broadcast %add3A_1092 : i32 to vector<16xi32>
      %add3A_1094 = arith.addi %broadcast_in_dim3A_1, %add3A_1093 : vector<16xi32>
      %gather3A_1095 = tpu.vector_load_idx %arg9[%add3A_1091, %add3A_996, %add3A_1094] : memref<2x1024x16xf32, #tpu.memory_space<vmem>>[vector<16xi32>, vector<16xi32>, vector<16xi32>], vector<16xf32>,
      %add3A_1096 = arith.constant 0 : i32
      %add3A_1097 = vector.broadcast %add3A_1096 : i32 to vector<16xi32>
      %add3A_1098 = arith.addi %broadcast_in_dim3A_1, %add3A_1097 : vector<16xi32>
      %add3A_1099 = arith.constant 7 : i32
      %add3A_1100 = vector.broadcast %add3A_1099 : i32 to vector<16xi32>
      %add3A_1101 = arith.addi %broadcast_in_dim3A_1, %add3A_1100 : vector<16xi32>
      %gather3A_1102 = tpu.vector_load_idx %arg9[%add3A_1098, %add3A_996, %add3A_1101] : memref<2x1024x16xf32, #tpu.memory_space<vmem>>[vector<16xi32>, vector<16xi32>, vector<16xi32>], vector<16xf32>,
      %add3A_1103 = arith.constant 0 : i32
      %add3A_1104 = vector.broadcast %add3A_1103 : i32 to vector<16xi32>
      %add3A_1105 = arith.addi %broadcast_in_dim3A_1, %add3A_1104 : vector<16xi32>
      %add3A_1106 = arith.constant 8 : i32
      %add3A_1107 = vector.broadcast %add3A_1106 : i32 to vector<16xi32>
      %add3A_1108 = arith.addi %broadcast_in_dim3A_1, %add3A_1107 : vector<16xi32>
      %gather3A_1109 = tpu.vector_load_idx %arg9[%add3A_1105, %add3A_996, %add3A_1108] : memref<2x1024x16xf32, #tpu.memory_space<vmem>>[vector<16xi32>, vector<16xi32>, vector<16xi32>], vector<16xf32>,
      %sub3A_1110 = arith.subf %gather3A, %gather3A_1095 : vector<16xf32>
      %sub3A_1111 = arith.subf %gather3A_1009, %gather3A_1102 : vector<16xf32>
      %sub3A_1112 = arith.subf %gather3A_1016, %gather3A_1109 : vector<16xf32>
      %mul3A_1113 = arith.mulf %sub3A_1110, %sub3A_1110 : vector<16xf32>
      %mul3A_1114 = arith.mulf %sub3A_1111, %sub3A_1111 : vector<16xf32>
      %add3A_1115 = arith.addf %mul3A_1113, %mul3A_1114 : vector<16xf32>
      %mul3A_1116 = arith.mulf %sub3A_1112, %sub3A_1112 : vector<16xf32>
      %add3A_1117 = arith.addf %add3A_1115, %mul3A_1116 : vector<16xf32>
      %mul3A_1118 = arith.constant 16 : i32
      %mul3A_1119 = arith.muli %scan3A_992, %mul3A_1118 : i32
      %swap3A_1120 = arith.constant 0 : i32
      %swap3A_1121 = arith.constant 2 : i32
      %swap3A_1122 = arith.index_cast %swap3A_1120 : i32 to index
      %swap3A_1123 = arith.index_cast %swap3A_1121 : i32 to index
      %swap3A_1124 = arith.index_cast %mul3A_1119 : i32 to index
      %swap3A_1125 = tpu.vector_load %arg10[%swap3A_1122, %swap3A_1123, %swap3A_1124] {strides = array<i32>} : memref<2x5x1024xf32, #tpu.memory_space<vmem>>, vector<16xf32>,
      tpu.vector_store %arg10[%swap3A_1122, %swap3A_1123, %swap3A_1124], %add3A_1117 {strides = array<i32>} : memref<2x5x1024xf32, #tpu.memory_space<vmem>>, vector<16xf32>,
      %add3A_1126 = arith.constant 0 : i32
      %add3A_1127 = vector.broadcast %add3A_1126 : i32 to vector<16xi32>
      %add3A_1128 = arith.addi %broadcast_in_dim3A_1, %add3A_1127 : vector<16xi32>
      %add3A_1129 = arith.constant 9 : i32
      %add3A_1130 = vector.broadcast %add3A_1129 : i32 to vector<16xi32>
      %add3A_1131 = arith.addi %broadcast_in_dim3A_1, %add3A_1130 : vector<16xi32>
      %gather3A_1132 = tpu.vector_load_idx %arg9[%add3A_1128, %add3A_996, %add3A_1131] : memref<2x1024x16xf32, #tpu.memory_space<vmem>>[vector<16xi32>, vector<16xi32>, vector<16xi32>], vector<16xf32>,
      %add3A_1133 = arith.constant 0 : i32
      %add3A_1134 = vector.broadcast %add3A_1133 : i32 to vector<16xi32>
      %add3A_1135 = arith.addi %broadcast_in_dim3A_1, %add3A_1134 : vector<16xi32>
      %add3A_1136 = arith.constant 10 : i32
      %add3A_1137 = vector.broadcast %add3A_1136 : i32 to vector<16xi32>
      %add3A_1138 = arith.addi %broadcast_in_dim3A_1, %add3A_1137 : vector<16xi32>
      %gather3A_1139 = tpu.vector_load_idx %arg9[%add3A_1135, %add3A_996, %add3A_1138] : memref<2x1024x16xf32, #tpu.memory_space<vmem>>[vector<16xi32>, vector<16xi32>, vector<16xi32>], vector<16xf32>,
      %add3A_1140 = arith.constant 0 : i32
      %add3A_1141 = vector.broadcast %add3A_1140 : i32 to vector<16xi32>
      %add3A_1142 = arith.addi %broadcast_in_dim3A_1, %add3A_1141 : vector<16xi32>
      %add3A_1143 = arith.constant 11 : i32
      %add3A_1144 = vector.broadcast %add3A_1143 : i32 to vector<16xi32>
      %add3A_1145 = arith.addi %broadcast_in_dim3A_1, %add3A_1144 : vector<16xi32>
      %gather3A_1146 = tpu.vector_load_idx %arg9[%add3A_1142, %add3A_996, %add3A_1145] : memref<2x1024x16xf32, #tpu.memory_space<vmem>>[vector<16xi32>, vector<16xi32>, vector<16xi32>], vector<16xf32>,
      %sub3A_1147 = arith.subf %gather3A, %gather3A_1132 : vector<16xf32>
      %sub3A_1148 = arith.subf %gather3A_1009, %gather3A_1139 : vector<16xf32>
      %sub3A_1149 = arith.subf %gather3A_1016, %gather3A_1146 : vector<16xf32>
      %mul3A_1150 = arith.mulf %sub3A_1147, %sub3A_1147 : vector<16xf32>
      %mul3A_1151 = arith.mulf %sub3A_1148, %sub3A_1148 : vector<16xf32>
      %add3A_1152 = arith.addf %mul3A_1150, %mul3A_1151 : vector<16xf32>
      %mul3A_1153 = arith.mulf %sub3A_1149, %sub3A_1149 : vector<16xf32>
      %add3A_1154 = arith.addf %add3A_1152, %mul3A_1153 : vector<16xf32>
      %mul3A_1155 = arith.constant 16 : i32
      %mul3A_1156 = arith.muli %scan3A_992, %mul3A_1155 : i32
      %swap3A_1157 = arith.constant 0 : i32
      %swap3A_1158 = arith.constant 3 : i32
      %swap3A_1159 = arith.index_cast %swap3A_1157 : i32 to index
      %swap3A_1160 = arith.index_cast %swap3A_1158 : i32 to index
      %swap3A_1161 = arith.index_cast %mul3A_1156 : i32 to index
      %swap3A_1162 = tpu.vector_load %arg10[%swap3A_1159, %swap3A_1160, %swap3A_1161] {strides = array<i32>} : memref<2x5x1024xf32, #tpu.memory_space<vmem>>, vector<16xf32>,
      tpu.vector_store %arg10[%swap3A_1159, %swap3A_1160, %swap3A_1161], %add3A_1154 {strides = array<i32>} : memref<2x5x1024xf32, #tpu.memory_space<vmem>>, vector<16xf32>,
      %add3A_1163 = arith.constant 0 : i32
      %add3A_1164 = vector.broadcast %add3A_1163 : i32 to vector<16xi32>
      %add3A_1165 = arith.addi %broadcast_in_dim3A_1, %add3A_1164 : vector<16xi32>
      %add3A_1166 = arith.constant 12 : i32
      %add3A_1167 = vector.broadcast %add3A_1166 : i32 to vector<16xi32>
      %add3A_1168 = arith.addi %broadcast_in_dim3A_1, %add3A_1167 : vector<16xi32>
      %gather3A_1169 = tpu.vector_load_idx %arg9[%add3A_1165, %add3A_996, %add3A_1168] : memref<2x1024x16xf32, #tpu.memory_space<vmem>>[vector<16xi32>, vector<16xi32>, vector<16xi32>], vector<16xf32>,
      %add3A_1170 = arith.constant 0 : i32
      %add3A_1171 = vector.broadcast %add3A_1170 : i32 to vector<16xi32>
      %add3A_1172 = arith.addi %broadcast_in_dim3A_1, %add3A_1171 : vector<16xi32>
      %add3A_1173 = arith.constant 13 : i32
      %add3A_1174 = vector.broadcast %add3A_1173 : i32 to vector<16xi32>
      %add3A_1175 = arith.addi %broadcast_in_dim3A_1, %add3A_1174 : vector<16xi32>
      %gather3A_1176 = tpu.vector_load_idx %arg9[%add3A_1172, %add3A_996, %add3A_1175] : memref<2x1024x16xf32, #tpu.memory_space<vmem>>[vector<16xi32>, vector<16xi32>, vector<16xi32>], vector<16xf32>,
      %add3A_1177 = arith.constant 0 : i32
      %add3A_1178 = vector.broadcast %add3A_1177 : i32 to vector<16xi32>
      %add3A_1179 = arith.addi %broadcast_in_dim3A_1, %add3A_1178 : vector<16xi32>
      %add3A_1180 = arith.constant 14 : i32
      %add3A_1181 = vector.broadcast %add3A_1180 : i32 to vector<16xi32>
      %add3A_1182 = arith.addi %broadcast_in_dim3A_1, %add3A_1181 : vector<16xi32>
      %gather3A_1183 = tpu.vector_load_idx %arg9[%add3A_1179, %add3A_996, %add3A_1182] : memref<2x1024x16xf32, #tpu.memory_space<vmem>>[vector<16xi32>, vector<16xi32>, vector<16xi32>], vector<16xf32>,
      %sub3A_1184 = arith.subf %gather3A, %gather3A_1169 : vector<16xf32>
      %sub3A_1185 = arith.subf %gather3A_1009, %gather3A_1176 : vector<16xf32>
      %sub3A_1186 = arith.subf %gather3A_1016, %gather3A_1183 : vector<16xf32>
      %mul3A_1187 = arith.mulf %sub3A_1184, %sub3A_1184 : vector<16xf32>
      %mul3A_1188 = arith.mulf %sub3A_1185, %sub3A_1185 : vector<16xf32>
      %add3A_1189 = arith.addf %mul3A_1187, %mul3A_1188 : vector<16xf32>
      %mul3A_1190 = arith.mulf %sub3A_1186, %sub3A_1186 : vector<16xf32>
      %add3A_1191 = arith.addf %add3A_1189, %mul3A_1190 : vector<16xf32>
      %mul3A_1192 = arith.constant 16 : i32
      %mul3A_1193 = arith.muli %scan3A_992, %mul3A_1192 : i32
      %swap3A_1194 = arith.constant 0 : i32
      %swap3A_1195 = arith.constant 4 : i32
      %swap3A_1196 = arith.index_cast %swap3A_1194 : i32 to index
      %swap3A_1197 = arith.index_cast %swap3A_1195 : i32 to index
      %swap3A_1198 = arith.index_cast %mul3A_1193 : i32 to index
      %swap3A_1199 = tpu.vector_load %arg10[%swap3A_1196, %swap3A_1197, %swap3A_1198] {strides = array<i32>} : memref<2x5x1024xf32, #tpu.memory_space<vmem>>, vector<16xf32>,
      tpu.vector_store %arg10[%swap3A_1196, %swap3A_1197, %swap3A_1198], %add3A_1191 {strides = array<i32>} : memref<2x5x1024xf32, #tpu.memory_space<vmem>>, vector<16xf32>,
    }
    %scan3A_93 = arith.constant 64 : i32
    %mul3A_94 = arith.constant 5120 : i32
    %mul3A_95 = arith.muli %add3A, %mul3A_94 : i32
    %add3A_96 = arith.constant 0 : i32
    %add3A_97 = arith.addi %mul3A_95, %add3A_96 : i32
    %min3A_98 = arith.constant 158976 : i32
    %min3A_99 = arith.minsi %add3A_97, %min3A_98 : i32
    %dma_start3A_100 = arith.constant 0 : i32
    %dma_start3A_101 = arith.constant 0 : i32
    %dma_start3A_102 = arith.constant 0 : i32
    %dma_start3A_103 = arith.constant 0 : i32
    %dma_start3A_104 = tpu.memref_slice %arg10[%dma_start3A_100, %dma_start3A_101, %dma_start3A_103] : memref<2x5x1024xf32, #tpu.memory_space<vmem>> -> memref<1x1x1024xf32, #tpu.memory_space<vmem>>
    %dma_start3A_105 = tpu.memref_squeeze %dma_start3A_104 : memref<1x1x1024xf32, #tpu.memory_space<vmem>> -> memref<1024xf32, #tpu.memory_space<vmem>>
    %dma_start3A_106 = tpu.memref_slice %arg5[%dma_start3A_102, %min3A_99] : memref<5x160000xf32, #tpu.memory_space<hbm>> -> memref<1x1024xf32, #tpu.memory_space<hbm>>
    %dma_start3A_107 = tpu.memref_squeeze %dma_start3A_106 : memref<1x1024xf32, #tpu.memory_space<hbm>> -> memref<1024xf32, #tpu.memory_space<hbm>>
    %dma_start3A_108 = tpu.memref_slice %arg5[%dma_start3A_102, %min3A_99] : memref<5x160000xf32, #tpu.memory_space<hbm>> -> memref<1x1024xf32, #tpu.memory_space<hbm>>
    %dma_start3A_109 = tpu.memref_squeeze %dma_start3A_108 : memref<1x1024xf32, #tpu.memory_space<hbm>> -> memref<1024xf32, #tpu.memory_space<hbm>>
    %dma_start3A_110 = arith.constant 0 : i32
    %dma_start3A_111 = tpu.memref_slice %arg10[%dma_start3A_100, %dma_start3A_101, %dma_start3A_110] : memref<2x5x1024xf32, #tpu.memory_space<vmem>> -> memref<1x1x1024xf32, #tpu.memory_space<vmem>>
    %dma_start3A_112 = tpu.memref_squeeze %dma_start3A_111 : memref<1x1x1024xf32, #tpu.memory_space<vmem>> -> memref<1024xf32, #tpu.memory_space<vmem>>
    tpu.enqueue_dma source(%dma_start3A_112 : memref<1024xf32, #tpu.memory_space<vmem>>) target(%dma_start3A_109 : memref<1024xf32, #tpu.memory_space<hbm>>) target_semaphore(%arg15 : memref<!tpu.dma_semaphore, #tpu.memory_space<semaphore_mem>>)
    %dma_start3A_113 = arith.constant 0 : i32
    %dma_start3A_114 = arith.constant 1 : i32
    %dma_start3A_115 = arith.constant 1 : i32
    %dma_start3A_116 = arith.constant 0 : i32
    %dma_start3A_117 = tpu.memref_slice %arg10[%dma_start3A_113, %dma_start3A_114, %dma_start3A_116] : memref<2x5x1024xf32, #tpu.memory_space<vmem>> -> memref<1x1x1024xf32, #tpu.memory_space<vmem>>
    %dma_start3A_118 = tpu.memref_squeeze %dma_start3A_117 : memref<1x1x1024xf32, #tpu.memory_space<vmem>> -> memref<1024xf32, #tpu.memory_space<vmem>>
    %dma_start3A_119 = tpu.memref_slice %arg5[%dma_start3A_115, %min3A_99] : memref<5x160000xf32, #tpu.memory_space<hbm>> -> memref<1x1024xf32, #tpu.memory_space<hbm>>
    %dma_start3A_120 = tpu.memref_squeeze %dma_start3A_119 : memref<1x1024xf32, #tpu.memory_space<hbm>> -> memref<1024xf32, #tpu.memory_space<hbm>>
    %dma_start3A_121 = tpu.memref_slice %arg5[%dma_start3A_115, %min3A_99] : memref<5x160000xf32, #tpu.memory_space<hbm>> -> memref<1x1024xf32, #tpu.memory_space<hbm>>
    %dma_start3A_122 = tpu.memref_squeeze %dma_start3A_121 : memref<1x1024xf32, #tpu.memory_space<hbm>> -> memref<1024xf32, #tpu.memory_space<hbm>>
    %dma_start3A_123 = arith.constant 0 : i32
    %dma_start3A_124 = tpu.memref_slice %arg10[%dma_start3A_113, %dma_start3A_114, %dma_start3A_123] : memref<2x5x1024xf32, #tpu.memory_space<vmem>> -> memref<1x1x1024xf32, #tpu.memory_space<vmem>>
    %dma_start3A_125 = tpu.memref_squeeze %dma_start3A_124 : memref<1x1x1024xf32, #tpu.memory_space<vmem>> -> memref<1024xf32, #tpu.memory_space<vmem>>
    tpu.enqueue_dma source(%dma_start3A_125 : memref<1024xf32, #tpu.memory_space<vmem>>) target(%dma_start3A_122 : memref<1024xf32, #tpu.memory_space<hbm>>) target_semaphore(%arg15 : memref<!tpu.dma_semaphore, #tpu.memory_space<semaphore_mem>>)
    %dma_start3A_126 = arith.constant 0 : i32
    %dma_start3A_127 = arith.constant 2 : i32
    %dma_start3A_128 = arith.constant 2 : i32
    %dma_start3A_129 = arith.constant 0 : i32
    %dma_start3A_130 = tpu.memref_slice %arg10[%dma_start3A_126, %dma_start3A_127, %dma_start3A_129] : memref<2x5x1024xf32, #tpu.memory_space<vmem>> -> memref<1x1x1024xf32, #tpu.memory_space<vmem>>
    %dma_start3A_131 = tpu.memref_squeeze %dma_start3A_130 : memref<1x1x1024xf32, #tpu.memory_space<vmem>> -> memref<1024xf32, #tpu.memory_space<vmem>>
    %dma_start3A_132 = tpu.memref_slice %arg5[%dma_start3A_128, %min3A_99] : memref<5x160000xf32, #tpu.memory_space<hbm>> -> memref<1x1024xf32, #tpu.memory_space<hbm>>
    %dma_start3A_133 = tpu.memref_squeeze %dma_start3A_132 : memref<1x1024xf32, #tpu.memory_space<hbm>> -> memref<1024xf32, #tpu.memory_space<hbm>>
    %dma_start3A_134 = tpu.memref_slice %arg5[%dma_start3A_128, %min3A_99] : memref<5x160000xf32, #tpu.memory_space<hbm>> -> memref<1x1024xf32, #tpu.memory_space<hbm>>
    %dma_start3A_135 = tpu.memref_squeeze %dma_start3A_134 : memref<1x1024xf32, #tpu.memory_space<hbm>> -> memref<1024xf32, #tpu.memory_space<hbm>>
    %dma_start3A_136 = arith.constant 0 : i32
    %dma_start3A_137 = tpu.memref_slice %arg10[%dma_start3A_126, %dma_start3A_127, %dma_start3A_136] : memref<2x5x1024xf32, #tpu.memory_space<vmem>> -> memref<1x1x1024xf32, #tpu.memory_space<vmem>>
    %dma_start3A_138 = tpu.memref_squeeze %dma_start3A_137 : memref<1x1x1024xf32, #tpu.memory_space<vmem>> -> memref<1024xf32, #tpu.memory_space<vmem>>
    tpu.enqueue_dma source(%dma_start3A_138 : memref<1024xf32, #tpu.memory_space<vmem>>) target(%dma_start3A_135 : memref<1024xf32, #tpu.memory_space<hbm>>) target_semaphore(%arg15 : memref<!tpu.dma_semaphore, #tpu.memory_space<semaphore_mem>>)
    %dma_start3A_139 = arith.constant 0 : i32
    %dma_start3A_140 = arith.constant 3 : i32
    %dma_start3A_141 = arith.constant 3 : i32
    %dma_start3A_142 = arith.constant 0 : i32
    %dma_start3A_143 = tpu.memref_slice %arg10[%dma_start3A_139, %dma_start3A_140, %dma_start3A_142] : memref<2x5x1024xf32, #tpu.memory_space<vmem>> -> memref<1x1x1024xf32, #tpu.memory_space<vmem>>
    %dma_start3A_144 = tpu.memref_squeeze %dma_start3A_143 : memref<1x1x1024xf32, #tpu.memory_space<vmem>> -> memref<1024xf32, #tpu.memory_space<vmem>>
    %dma_start3A_145 = tpu.memref_slice %arg5[%dma_start3A_141, %min3A_99] : memref<5x160000xf32, #tpu.memory_space<hbm>> -> memref<1x1024xf32, #tpu.memory_space<hbm>>
    %dma_start3A_146 = tpu.memref_squeeze %dma_start3A_145 : memref<1x1024xf32, #tpu.memory_space<hbm>> -> memref<1024xf32, #tpu.memory_space<hbm>>
    %dma_start3A_147 = tpu.memref_slice %arg5[%dma_start3A_141, %min3A_99] : memref<5x160000xf32, #tpu.memory_space<hbm>> -> memref<1x1024xf32, #tpu.memory_space<hbm>>
    %dma_start3A_148 = tpu.memref_squeeze %dma_start3A_147 : memref<1x1024xf32, #tpu.memory_space<hbm>> -> memref<1024xf32, #tpu.memory_space<hbm>>
    %dma_start3A_149 = arith.constant 0 : i32
    %dma_start3A_150 = tpu.memref_slice %arg10[%dma_start3A_139, %dma_start3A_140, %dma_start3A_149] : memref<2x5x1024xf32, #tpu.memory_space<vmem>> -> memref<1x1x1024xf32, #tpu.memory_space<vmem>>
    %dma_start3A_151 = tpu.memref_squeeze %dma_start3A_150 : memref<1x1x1024xf32, #tpu.memory_space<vmem>> -> memref<1024xf32, #tpu.memory_space<vmem>>
    tpu.enqueue_dma source(%dma_start3A_151 : memref<1024xf32, #tpu.memory_space<vmem>>) target(%dma_start3A_148 : memref<1024xf32, #tpu.memory_space<hbm>>) target_semaphore(%arg15 : memref<!tpu.dma_semaphore, #tpu.memory_space<semaphore_mem>>)
    %dma_start3A_152 = arith.constant 0 : i32
    %dma_start3A_153 = arith.constant 4 : i32
    %dma_start3A_154 = arith.constant 4 : i32
    %dma_start3A_155 = arith.constant 0 : i32
    %dma_start3A_156 = tpu.memref_slice %arg10[%dma_start3A_152, %dma_start3A_153, %dma_start3A_155] : memref<2x5x1024xf32, #tpu.memory_space<vmem>> -> memref<1x1x1024xf32, #tpu.memory_space<vmem>>
    %dma_start3A_157 = tpu.memref_squeeze %dma_start3A_156 : memref<1x1x1024xf32, #tpu.memory_space<vmem>> -> memref<1024xf32, #tpu.memory_space<vmem>>
    %dma_start3A_158 = tpu.memref_slice %arg5[%dma_start3A_154, %min3A_99] : memref<5x160000xf32, #tpu.memory_space<hbm>> -> memref<1x1024xf32, #tpu.memory_space<hbm>>
    %dma_start3A_159 = tpu.memref_squeeze %dma_start3A_158 : memref<1x1024xf32, #tpu.memory_space<hbm>> -> memref<1024xf32, #tpu.memory_space<hbm>>
    %dma_start3A_160 = tpu.memref_slice %arg5[%dma_start3A_154, %min3A_99] : memref<5x160000xf32, #tpu.memory_space<hbm>> -> memref<1x1024xf32, #tpu.memory_space<hbm>>
    %dma_start3A_161 = tpu.memref_squeeze %dma_start3A_160 : memref<1x1024xf32, #tpu.memory_space<hbm>> -> memref<1024xf32, #tpu.memory_space<hbm>>
    %dma_start3A_162 = arith.constant 0 : i32
    %dma_start3A_163 = tpu.memref_slice %arg10[%dma_start3A_152, %dma_start3A_153, %dma_start3A_162] : memref<2x5x1024xf32, #tpu.memory_space<vmem>> -> memref<1x1x1024xf32, #tpu.memory_space<vmem>>
    %dma_start3A_164 = tpu.memref_squeeze %dma_start3A_163 : memref<1x1x1024xf32, #tpu.memory_space<vmem>> -> memref<1024xf32, #tpu.memory_space<vmem>>
    tpu.enqueue_dma source(%dma_start3A_164 : memref<1024xf32, #tpu.memory_space<vmem>>) target(%dma_start3A_161 : memref<1024xf32, #tpu.memory_space<hbm>>) target_semaphore(%arg15 : memref<!tpu.dma_semaphore, #tpu.memory_space<semaphore_mem>>)
    %mul3A_165 = arith.constant 5120 : i32
    %mul3A_166 = arith.muli %add3A, %mul3A_165 : i32
    %add3A_167 = arith.constant 2048 : i32
    %add3A_168 = arith.addi %mul3A_166, %add3A_167 : i32
    %min3A_169 = arith.constant 158976 : i32
    %min3A_170 = arith.minsi %add3A_168, %min3A_169 : i32
    %run_scoped3A_171 = arith.constant 0 : i32
    %run_scoped3A_172 = arith.constant 0 : i32
    "tpu.region"() ({
      %run_scoped3A_992 = tpu.sem_alloc : memref<!tpu.dma_semaphore, #tpu.memory_space<semaphore_mem>>
      %dma_start3A_993 = arith.constant 0 : i32
      %dma_start3A_994 = tpu.memref_slice %arg6[%run_scoped3A_172, %dma_start3A_993] : memref<2x1024xi32, #tpu.memory_space<vmem>> -> memref<1x1024xi32, #tpu.memory_space<vmem>>
      %dma_start3A_995 = tpu.memref_squeeze %dma_start3A_994 : memref<1x1024xi32, #tpu.memory_space<vmem>> -> memref<1024xi32, #tpu.memory_space<vmem>>
      %dma_start3A_996 = tpu.memref_slice %arg4[%run_scoped3A_171, %min3A_170] : memref<2x160000xi32, #tpu.memory_space<hbm>> -> memref<1x1024xi32, #tpu.memory_space<hbm>>
      %dma_start3A_997 = tpu.memref_squeeze %dma_start3A_996 : memref<1x1024xi32, #tpu.memory_space<hbm>> -> memref<1024xi32, #tpu.memory_space<hbm>>
      %dma_start3A_998 = arith.constant 0 : i32
      %dma_start3A_999 = tpu.memref_slice %arg6[%run_scoped3A_172, %dma_start3A_998] : memref<2x1024xi32, #tpu.memory_space<vmem>> -> memref<1x1024xi32, #tpu.memory_space<vmem>>
      %dma_start3A_1000 = tpu.memref_squeeze %dma_start3A_999 : memref<1x1024xi32, #tpu.memory_space<vmem>> -> memref<1024xi32, #tpu.memory_space<vmem>>
      %dma_start3A_1001 = tpu.memref_slice %arg4[%run_scoped3A_171, %min3A_170] : memref<2x160000xi32, #tpu.memory_space<hbm>> -> memref<1x1024xi32, #tpu.memory_space<hbm>>
      %dma_start3A_1002 = tpu.memref_squeeze %dma_start3A_1001 : memref<1x1024xi32, #tpu.memory_space<hbm>> -> memref<1024xi32, #tpu.memory_space<hbm>>
      tpu.enqueue_dma source(%dma_start3A_1002 : memref<1024xi32, #tpu.memory_space<hbm>>) target(%dma_start3A_1000 : memref<1024xi32, #tpu.memory_space<vmem>>) target_semaphore(%run_scoped3A_992 : memref<!tpu.dma_semaphore, #tpu.memory_space<semaphore_mem>>)
      %dma_wait3A_1003 = arith.constant 0 : i32
      %dma_wait3A_1004 = tpu.memref_slice %arg6[%run_scoped3A_172, %dma_wait3A_1003] : memref<2x1024xi32, #tpu.memory_space<vmem>> -> memref<1x1024xi32, #tpu.memory_space<vmem>>
      %dma_wait3A_1005 = tpu.memref_squeeze %dma_wait3A_1004 : memref<1x1024xi32, #tpu.memory_space<vmem>> -> memref<1024xi32, #tpu.memory_space<vmem>>
      %dma_wait3A_1006 = tpu.memref_slice %arg4[%run_scoped3A_171, %min3A_170] : memref<2x160000xi32, #tpu.memory_space<hbm>> -> memref<1x1024xi32, #tpu.memory_space<hbm>>
      %dma_wait3A_1007 = tpu.memref_squeeze %dma_wait3A_1006 : memref<1x1024xi32, #tpu.memory_space<hbm>> -> memref<1024xi32, #tpu.memory_space<hbm>>
      %dma_wait3A_1008 = arith.constant 0 : i32
      %dma_wait3A_1009 = tpu.memref_slice %arg6[%run_scoped3A_172, %dma_wait3A_1008] : memref<2x1024xi32, #tpu.memory_space<vmem>> -> memref<1x1024xi32, #tpu.memory_space<vmem>>
      %dma_wait3A_1010 = tpu.memref_squeeze %dma_wait3A_1009 : memref<1x1024xi32, #tpu.memory_space<vmem>> -> memref<1024xi32, #tpu.memory_space<vmem>>
      %dma_wait3A_1011 = tpu.memref_slice %arg4[%run_scoped3A_171, %min3A_170] : memref<2x160000xi32, #tpu.memory_space<hbm>> -> memref<1x1024xi32, #tpu.memory_space<hbm>>
      %dma_wait3A_1012 = tpu.memref_squeeze %dma_wait3A_1011 : memref<1x1024xi32, #tpu.memory_space<hbm>> -> memref<1024xi32, #tpu.memory_space<hbm>>
      tpu.wait_dma2 semaphore(%run_scoped3A_992 : memref<!tpu.dma_semaphore, #tpu.memory_space<semaphore_mem>>) src(%dma_wait3A_1012 : memref<1024xi32, #tpu.memory_space<hbm>>) dst(%dma_wait3A_1010 : memref<1024xi32, #tpu.memory_space<vmem>>)
      tpu.yield
    }) : () -> ()
    %run_scoped3A_173 = arith.constant 1 : i32
    %run_scoped3A_174 = arith.constant 0 : i32
    "tpu.region"() ({
      %run_scoped3A_992 = tpu.sem_alloc : memref<!tpu.dma_semaphore, #tpu.memory_space<semaphore_mem>>
      %dma_start3A_993 = arith.constant 0 : i32
      %dma_start3A_994 = tpu.memref_slice %arg7[%run_scoped3A_174, %dma_start3A_993] : memref<2x1024xi32, #tpu.memory_space<vmem>> -> memref<1x1024xi32, #tpu.memory_space<vmem>>
      %dma_start3A_995 = tpu.memref_squeeze %dma_start3A_994 : memref<1x1024xi32, #tpu.memory_space<vmem>> -> memref<1024xi32, #tpu.memory_space<vmem>>
      %dma_start3A_996 = tpu.memref_slice %arg4[%run_scoped3A_173, %min3A_170] : memref<2x160000xi32, #tpu.memory_space<hbm>> -> memref<1x1024xi32, #tpu.memory_space<hbm>>
      %dma_start3A_997 = tpu.memref_squeeze %dma_start3A_996 : memref<1x1024xi32, #tpu.memory_space<hbm>> -> memref<1024xi32, #tpu.memory_space<hbm>>
      %dma_start3A_998 = arith.constant 0 : i32
      %dma_start3A_999 = tpu.memref_slice %arg7[%run_scoped3A_174, %dma_start3A_998] : memref<2x1024xi32, #tpu.memory_space<vmem>> -> memref<1x1024xi32, #tpu.memory_space<vmem>>
      %dma_start3A_1000 = tpu.memref_squeeze %dma_start3A_999 : memref<1x1024xi32, #tpu.memory_space<vmem>> -> memref<1024xi32, #tpu.memory_space<vmem>>
      %dma_start3A_1001 = tpu.memref_slice %arg4[%run_scoped3A_173, %min3A_170] : memref<2x160000xi32, #tpu.memory_space<hbm>> -> memref<1x1024xi32, #tpu.memory_space<hbm>>
      %dma_start3A_1002 = tpu.memref_squeeze %dma_start3A_1001 : memref<1x1024xi32, #tpu.memory_space<hbm>> -> memref<1024xi32, #tpu.memory_space<hbm>>
      tpu.enqueue_dma source(%dma_start3A_1002 : memref<1024xi32, #tpu.memory_space<hbm>>) target(%dma_start3A_1000 : memref<1024xi32, #tpu.memory_space<vmem>>) target_semaphore(%run_scoped3A_992 : memref<!tpu.dma_semaphore, #tpu.memory_space<semaphore_mem>>)
      %dma_wait3A_1003 = arith.constant 0 : i32
      %dma_wait3A_1004 = tpu.memref_slice %arg7[%run_scoped3A_174, %dma_wait3A_1003] : memref<2x1024xi32, #tpu.memory_space<vmem>> -> memref<1x1024xi32, #tpu.memory_space<vmem>>
      %dma_wait3A_1005 = tpu.memref_squeeze %dma_wait3A_1004 : memref<1x1024xi32, #tpu.memory_space<vmem>> -> memref<1024xi32, #tpu.memory_space<vmem>>
      %dma_wait3A_1006 = tpu.memref_slice %arg4[%run_scoped3A_173, %min3A_170] : memref<2x160000xi32, #tpu.memory_space<hbm>> -> memref<1x1024xi32, #tpu.memory_space<hbm>>
      %dma_wait3A_1007 = tpu.memref_squeeze %dma_wait3A_1006 : memref<1x1024xi32, #tpu.memory_space<hbm>> -> memref<1024xi32, #tpu.memory_space<hbm>>
      %dma_wait3A_1008 = arith.constant 0 : i32
      %dma_wait3A_1009 = tpu.memref_slice %arg7[%run_scoped3A_174, %dma_wait3A_1008] : memref<2x1024xi32, #tpu.memory_space<vmem>> -> memref<1x1024xi32, #tpu.memory_space<vmem>>
      %dma_wait3A_1010 = tpu.memref_squeeze %dma_wait3A_1009 : memref<1x1024xi32, #tpu.memory_space<vmem>> -> memref<1024xi32, #tpu.memory_space<vmem>>
      %dma_wait3A_1011 = tpu.memref_slice %arg4[%run_scoped3A_173, %min3A_170] : memref<2x160000xi32, #tpu.memory_space<hbm>> -> memref<1x1024xi32, #tpu.memory_space<hbm>>
      %dma_wait3A_1012 = tpu.memref_squeeze %dma_wait3A_1011 : memref<1x1024xi32, #tpu.memory_space<hbm>> -> memref<1024xi32, #tpu.memory_space<hbm>>
      tpu.wait_dma2 semaphore(%run_scoped3A_992 : memref<!tpu.dma_semaphore, #tpu.memory_space<semaphore_mem>>) src(%dma_wait3A_1012 : memref<1024xi32, #tpu.memory_space<hbm>>) dst(%dma_wait3A_1010 : memref<1024xi32, #tpu.memory_space<vmem>>)
      tpu.yield
    }) : () -> ()
    %dma_start3A_175 = arith.constant 0 : i32
    %dma_start3A_176 = arith.constant 0 : i32
    %dma_start3A_177 = arith.constant 0 : i32
    %dma_start3A_178 = arith.constant 0 : i32
    %dma_start3A_179 = tpu.memref_slice %arg8[%dma_start3A_176, %dma_start3A_177, %dma_start3A_178] : memref<2x1024x16xf32, #tpu.memory_space<vmem>> -> memref<1x1024x16xf32, #tpu.memory_space<vmem>>
    %dma_start3A_180 = tpu.memref_squeeze %dma_start3A_179 : memref<1x1024x16xf32, #tpu.memory_space<vmem>> -> memref<1024x16xf32, #tpu.memory_space<vmem>>
    %dma_start3A_181 = arith.constant 0 : i32
    %dma_start3A_182 = tpu.memref_slice %arg6[%dma_start3A_175, %dma_start3A_181] : memref<2x1024xi32, #tpu.memory_space<vmem>> -> memref<1x1024xi32, #tpu.memory_space<vmem>>
    %dma_start3A_183 = tpu.memref_squeeze %dma_start3A_182 : memref<1x1024xi32, #tpu.memory_space<vmem>> -> memref<1024xi32, #tpu.memory_space<vmem>>
    %dma_start3A_184 = arith.constant 0 : i32
    %dma_start3A_185 = arith.constant 0 : i32
    %dma_start3A_186 = tpu.memref_slice %arg2[%dma_start3A_184, %dma_start3A_185] : memref<10000x16xf32, #tpu.memory_space<hbm>> -> memref<10000x16xf32, #tpu.memory_space<hbm>>
    tpu.enqueue_indirect_dma source(%dma_start3A_186 : memref<10000x16xf32, #tpu.memory_space<hbm>>) target(%dma_start3A_180 : memref<1024x16xf32, #tpu.memory_space<vmem>>) offsets(%dma_start3A_183 : memref<1024xi32, #tpu.memory_space<vmem>>) semaphore(%arg11 : memref<!tpu.dma_semaphore, #tpu.memory_space<semaphore_mem>>)
    %dma_start3A_187 = arith.constant 0 : i32
    %dma_start3A_188 = arith.constant 0 : i32
    %dma_start3A_189 = arith.constant 0 : i32
    %dma_start3A_190 = arith.constant 0 : i32
    %dma_start3A_191 = tpu.memref_slice %arg9[%dma_start3A_188, %dma_start3A_189, %dma_start3A_190] : memref<2x1024x16xf32, #tpu.memory_space<vmem>> -> memref<1x1024x16xf32, #tpu.memory_space<vmem>>
    %dma_start3A_192 = tpu.memref_squeeze %dma_start3A_191 : memref<1x1024x16xf32, #tpu.memory_space<vmem>> -> memref<1024x16xf32, #tpu.memory_space<vmem>>
    %dma_start3A_193 = arith.constant 0 : i32
    %dma_start3A_194 = tpu.memref_slice %arg7[%dma_start3A_187, %dma_start3A_193] : memref<2x1024xi32, #tpu.memory_space<vmem>> -> memref<1x1024xi32, #tpu.memory_space<vmem>>
    %dma_start3A_195 = tpu.memref_squeeze %dma_start3A_194 : memref<1x1024xi32, #tpu.memory_space<vmem>> -> memref<1024xi32, #tpu.memory_space<vmem>>
    %dma_start3A_196 = arith.constant 0 : i32
    %dma_start3A_197 = arith.constant 0 : i32
    %dma_start3A_198 = tpu.memref_slice %arg3[%dma_start3A_196, %dma_start3A_197] : memref<10000x16xf32, #tpu.memory_space<hbm>> -> memref<10000x16xf32, #tpu.memory_space<hbm>>
    tpu.enqueue_indirect_dma source(%dma_start3A_198 : memref<10000x16xf32, #tpu.memory_space<hbm>>) target(%dma_start3A_192 : memref<1024x16xf32, #tpu.memory_space<vmem>>) offsets(%dma_start3A_195 : memref<1024xi32, #tpu.memory_space<vmem>>) semaphore(%arg13 : memref<!tpu.dma_semaphore, #tpu.memory_space<semaphore_mem>>)
    %dma_wait3A_199 = arith.constant 1 : i32
    %dma_wait3A_200 = arith.constant 1 : i32
    %dma_wait3A_201 = arith.constant 0 : i32
    %dma_wait3A_202 = arith.constant 0 : i32
    %dma_wait3A_203 = tpu.memref_slice %arg8[%dma_wait3A_200, %dma_wait3A_201, %dma_wait3A_202] : memref<2x1024x16xf32, #tpu.memory_space<vmem>> -> memref<1x1024x16xf32, #tpu.memory_space<vmem>>
    %dma_wait3A_204 = tpu.memref_squeeze %dma_wait3A_203 : memref<1x1024x16xf32, #tpu.memory_space<vmem>> -> memref<1024x16xf32, #tpu.memory_space<vmem>>
    %dma_wait3A_205 = arith.constant 0 : i32
    %dma_wait3A_206 = tpu.memref_slice %arg6[%dma_wait3A_199, %dma_wait3A_205] : memref<2x1024xi32, #tpu.memory_space<vmem>> -> memref<1x1024xi32, #tpu.memory_space<vmem>>
    %dma_wait3A_207 = tpu.memref_squeeze %dma_wait3A_206 : memref<1x1024xi32, #tpu.memory_space<vmem>> -> memref<1024xi32, #tpu.memory_space<vmem>>
    %dma_wait3A_208 = arith.constant 0 : i32
    %dma_wait3A_209 = arith.constant 0 : i32
    %dma_wait3A_210 = tpu.memref_slice %arg2[%dma_wait3A_208, %dma_wait3A_209] : memref<10000x16xf32, #tpu.memory_space<hbm>> -> memref<10000x16xf32, #tpu.memory_space<hbm>>
    tpu.wait_indirect_dma semaphore(%arg12 : memref<!tpu.dma_semaphore, #tpu.memory_space<semaphore_mem>>) src(%dma_wait3A_210 : memref<10000x16xf32, #tpu.memory_space<hbm>>) dst(%dma_wait3A_204 : memref<1024x16xf32, #tpu.memory_space<vmem>>)
    %dma_wait3A_211 = arith.constant 1 : i32
    %dma_wait3A_212 = arith.constant 1 : i32
    %dma_wait3A_213 = arith.constant 0 : i32
    %dma_wait3A_214 = arith.constant 0 : i32
    %dma_wait3A_215 = tpu.memref_slice %arg9[%dma_wait3A_212, %dma_wait3A_213, %dma_wait3A_214] : memref<2x1024x16xf32, #tpu.memory_space<vmem>> -> memref<1x1024x16xf32, #tpu.memory_space<vmem>>
    %dma_wait3A_216 = tpu.memref_squeeze %dma_wait3A_215 : memref<1x1024x16xf32, #tpu.memory_space<vmem>> -> memref<1024x16xf32, #tpu.memory_space<vmem>>
    %dma_wait3A_217 = arith.constant 0 : i32
    %dma_wait3A_218 = tpu.memref_slice %arg7[%dma_wait3A_211, %dma_wait3A_217] : memref<2x1024xi32, #tpu.memory_space<vmem>> -> memref<1x1024xi32, #tpu.memory_space<vmem>>
    %dma_wait3A_219 = tpu.memref_squeeze %dma_wait3A_218 : memref<1x1024xi32, #tpu.memory_space<vmem>> -> memref<1024xi32, #tpu.memory_space<vmem>>
    %dma_wait3A_220 = arith.constant 0 : i32
    %dma_wait3A_221 = arith.constant 0 : i32
    %dma_wait3A_222 = tpu.memref_slice %arg3[%dma_wait3A_220, %dma_wait3A_221] : memref<10000x16xf32, #tpu.memory_space<hbm>> -> memref<10000x16xf32, #tpu.memory_space<hbm>>
    tpu.wait_indirect_dma semaphore(%arg14 : memref<!tpu.dma_semaphore, #tpu.memory_space<semaphore_mem>>) src(%dma_wait3A_222 : memref<10000x16xf32, #tpu.memory_space<hbm>>) dst(%dma_wait3A_216 : memref<1024x16xf32, #tpu.memory_space<vmem>>)
    %scan3A_223 = arith.constant 0 : i32
    %scan3A_224 = arith.constant 64 : i32
    %scan3A_225 = arith.addi %scan3A_223, %scan3A_224 : i32
    %scan3A_226 = arith.constant 1 : i32
    scf.for %scan3A_992 = %scan3A_223 to %scan3A_225 step %scan3A_226  : i32 {
      %mul3A_993 = arith.constant 16 : i32
      %mul3A_994 = arith.muli %scan3A_992, %mul3A_993 : i32
      %add3A_995 = vector.broadcast %mul3A_994 : i32 to vector<16xi32>
      %add3A_996 = arith.addi %iota3A, %add3A_995 : vector<16xi32>
      %add3A_997 = arith.constant 1 : i32
      %add3A_998 = vector.broadcast %add3A_997 : i32 to vector<16xi32>
      %add3A_999 = arith.addi %broadcast_in_dim3A_1, %add3A_998 : vector<16xi32>
      %add3A_1000 = arith.constant 0 : i32
      %add3A_1001 = vector.broadcast %add3A_1000 : i32 to vector<16xi32>
      %add3A_1002 = arith.addi %broadcast_in_dim3A_1, %add3A_1001 : vector<16xi32>
      %gather3A = tpu.vector_load_idx %arg8[%add3A_999, %add3A_996, %add3A_1002] : memref<2x1024x16xf32, #tpu.memory_space<vmem>>[vector<16xi32>, vector<16xi32>, vector<16xi32>], vector<16xf32>,
      %add3A_1003 = arith.constant 1 : i32
      %add3A_1004 = vector.broadcast %add3A_1003 : i32 to vector<16xi32>
      %add3A_1005 = arith.addi %broadcast_in_dim3A_1, %add3A_1004 : vector<16xi32>
      %add3A_1006 = arith.constant 1 : i32
      %add3A_1007 = vector.broadcast %add3A_1006 : i32 to vector<16xi32>
      %add3A_1008 = arith.addi %broadcast_in_dim3A_1, %add3A_1007 : vector<16xi32>
      %gather3A_1009 = tpu.vector_load_idx %arg8[%add3A_1005, %add3A_996, %add3A_1008] : memref<2x1024x16xf32, #tpu.memory_space<vmem>>[vector<16xi32>, vector<16xi32>, vector<16xi32>], vector<16xf32>,
      %add3A_1010 = arith.constant 1 : i32
      %add3A_1011 = vector.broadcast %add3A_1010 : i32 to vector<16xi32>
      %add3A_1012 = arith.addi %broadcast_in_dim3A_1, %add3A_1011 : vector<16xi32>
      %add3A_1013 = arith.constant 2 : i32
      %add3A_1014 = vector.broadcast %add3A_1013 : i32 to vector<16xi32>
      %add3A_1015 = arith.addi %broadcast_in_dim3A_1, %add3A_1014 : vector<16xi32>
      %gather3A_1016 = tpu.vector_load_idx %arg8[%add3A_1012, %add3A_996, %add3A_1015] : memref<2x1024x16xf32, #tpu.memory_space<vmem>>[vector<16xi32>, vector<16xi32>, vector<16xi32>], vector<16xf32>,
      %add3A_1017 = arith.constant 1 : i32
      %add3A_1018 = vector.broadcast %add3A_1017 : i32 to vector<16xi32>
      %add3A_1019 = arith.addi %broadcast_in_dim3A_1, %add3A_1018 : vector<16xi32>
      %add3A_1020 = arith.constant 0 : i32
      %add3A_1021 = vector.broadcast %add3A_1020 : i32 to vector<16xi32>
      %add3A_1022 = arith.addi %broadcast_in_dim3A_1, %add3A_1021 : vector<16xi32>
      %gather3A_1023 = tpu.vector_load_idx %arg9[%add3A_1019, %add3A_996, %add3A_1022] : memref<2x1024x16xf32, #tpu.memory_space<vmem>>[vector<16xi32>, vector<16xi32>, vector<16xi32>], vector<16xf32>,
      %add3A_1024 = arith.constant 1 : i32
      %add3A_1025 = vector.broadcast %add3A_1024 : i32 to vector<16xi32>
      %add3A_1026 = arith.addi %broadcast_in_dim3A_1, %add3A_1025 : vector<16xi32>
      %add3A_1027 = arith.constant 1 : i32
      %add3A_1028 = vector.broadcast %add3A_1027 : i32 to vector<16xi32>
      %add3A_1029 = arith.addi %broadcast_in_dim3A_1, %add3A_1028 : vector<16xi32>
      %gather3A_1030 = tpu.vector_load_idx %arg9[%add3A_1026, %add3A_996, %add3A_1029] : memref<2x1024x16xf32, #tpu.memory_space<vmem>>[vector<16xi32>, vector<16xi32>, vector<16xi32>], vector<16xf32>,
      %add3A_1031 = arith.constant 1 : i32
      %add3A_1032 = vector.broadcast %add3A_1031 : i32 to vector<16xi32>
      %add3A_1033 = arith.addi %broadcast_in_dim3A_1, %add3A_1032 : vector<16xi32>
      %add3A_1034 = arith.constant 2 : i32
      %add3A_1035 = vector.broadcast %add3A_1034 : i32 to vector<16xi32>
      %add3A_1036 = arith.addi %broadcast_in_dim3A_1, %add3A_1035 : vector<16xi32>
      %gather3A_1037 = tpu.vector_load_idx %arg9[%add3A_1033, %add3A_996, %add3A_1036] : memref<2x1024x16xf32, #tpu.memory_space<vmem>>[vector<16xi32>, vector<16xi32>, vector<16xi32>], vector<16xf32>,
      %sub3A = arith.subf %gather3A, %gather3A_1023 : vector<16xf32>
      %sub3A_1038 = arith.subf %gather3A_1009, %gather3A_1030 : vector<16xf32>
      %sub3A_1039 = arith.subf %gather3A_1016, %gather3A_1037 : vector<16xf32>
      %mul3A_1040 = arith.mulf %sub3A, %sub3A : vector<16xf32>
      %mul3A_1041 = arith.mulf %sub3A_1038, %sub3A_1038 : vector<16xf32>
      %add3A_1042 = arith.addf %mul3A_1040, %mul3A_1041 : vector<16xf32>
      %mul3A_1043 = arith.mulf %sub3A_1039, %sub3A_1039 : vector<16xf32>
      %add3A_1044 = arith.addf %add3A_1042, %mul3A_1043 : vector<16xf32>
      %mul3A_1045 = arith.constant 16 : i32
      %mul3A_1046 = arith.muli %scan3A_992, %mul3A_1045 : i32
      %swap3A = arith.constant 1 : i32
      %swap3A_1047 = arith.constant 0 : i32
      %swap3A_1048 = arith.index_cast %swap3A : i32 to index
      %swap3A_1049 = arith.index_cast %swap3A_1047 : i32 to index
      %swap3A_1050 = arith.index_cast %mul3A_1046 : i32 to index
      %swap3A_1051 = tpu.vector_load %arg10[%swap3A_1048, %swap3A_1049, %swap3A_1050] {strides = array<i32>} : memref<2x5x1024xf32, #tpu.memory_space<vmem>>, vector<16xf32>,
      tpu.vector_store %arg10[%swap3A_1048, %swap3A_1049, %swap3A_1050], %add3A_1044 {strides = array<i32>} : memref<2x5x1024xf32, #tpu.memory_space<vmem>>, vector<16xf32>,
      %add3A_1052 = arith.constant 1 : i32
      %add3A_1053 = vector.broadcast %add3A_1052 : i32 to vector<16xi32>
      %add3A_1054 = arith.addi %broadcast_in_dim3A_1, %add3A_1053 : vector<16xi32>
      %add3A_1055 = arith.constant 3 : i32
      %add3A_1056 = vector.broadcast %add3A_1055 : i32 to vector<16xi32>
      %add3A_1057 = arith.addi %broadcast_in_dim3A_1, %add3A_1056 : vector<16xi32>
      %gather3A_1058 = tpu.vector_load_idx %arg9[%add3A_1054, %add3A_996, %add3A_1057] : memref<2x1024x16xf32, #tpu.memory_space<vmem>>[vector<16xi32>, vector<16xi32>, vector<16xi32>], vector<16xf32>,
      %add3A_1059 = arith.constant 1 : i32
      %add3A_1060 = vector.broadcast %add3A_1059 : i32 to vector<16xi32>
      %add3A_1061 = arith.addi %broadcast_in_dim3A_1, %add3A_1060 : vector<16xi32>
      %add3A_1062 = arith.constant 4 : i32
      %add3A_1063 = vector.broadcast %add3A_1062 : i32 to vector<16xi32>
      %add3A_1064 = arith.addi %broadcast_in_dim3A_1, %add3A_1063 : vector<16xi32>
      %gather3A_1065 = tpu.vector_load_idx %arg9[%add3A_1061, %add3A_996, %add3A_1064] : memref<2x1024x16xf32, #tpu.memory_space<vmem>>[vector<16xi32>, vector<16xi32>, vector<16xi32>], vector<16xf32>,
      %add3A_1066 = arith.constant 1 : i32
      %add3A_1067 = vector.broadcast %add3A_1066 : i32 to vector<16xi32>
      %add3A_1068 = arith.addi %broadcast_in_dim3A_1, %add3A_1067 : vector<16xi32>
      %add3A_1069 = arith.constant 5 : i32
      %add3A_1070 = vector.broadcast %add3A_1069 : i32 to vector<16xi32>
      %add3A_1071 = arith.addi %broadcast_in_dim3A_1, %add3A_1070 : vector<16xi32>
      %gather3A_1072 = tpu.vector_load_idx %arg9[%add3A_1068, %add3A_996, %add3A_1071] : memref<2x1024x16xf32, #tpu.memory_space<vmem>>[vector<16xi32>, vector<16xi32>, vector<16xi32>], vector<16xf32>,
      %sub3A_1073 = arith.subf %gather3A, %gather3A_1058 : vector<16xf32>
      %sub3A_1074 = arith.subf %gather3A_1009, %gather3A_1065 : vector<16xf32>
      %sub3A_1075 = arith.subf %gather3A_1016, %gather3A_1072 : vector<16xf32>
      %mul3A_1076 = arith.mulf %sub3A_1073, %sub3A_1073 : vector<16xf32>
      %mul3A_1077 = arith.mulf %sub3A_1074, %sub3A_1074 : vector<16xf32>
      %add3A_1078 = arith.addf %mul3A_1076, %mul3A_1077 : vector<16xf32>
      %mul3A_1079 = arith.mulf %sub3A_1075, %sub3A_1075 : vector<16xf32>
      %add3A_1080 = arith.addf %add3A_1078, %mul3A_1079 : vector<16xf32>
      %mul3A_1081 = arith.constant 16 : i32
      %mul3A_1082 = arith.muli %scan3A_992, %mul3A_1081 : i32
      %swap3A_1083 = arith.constant 1 : i32
      %swap3A_1084 = arith.constant 1 : i32
      %swap3A_1085 = arith.index_cast %swap3A_1083 : i32 to index
      %swap3A_1086 = arith.index_cast %swap3A_1084 : i32 to index
      %swap3A_1087 = arith.index_cast %mul3A_1082 : i32 to index
      %swap3A_1088 = tpu.vector_load %arg10[%swap3A_1085, %swap3A_1086, %swap3A_1087] {strides = array<i32>} : memref<2x5x1024xf32, #tpu.memory_space<vmem>>, vector<16xf32>,
      tpu.vector_store %arg10[%swap3A_1085, %swap3A_1086, %swap3A_1087], %add3A_1080 {strides = array<i32>} : memref<2x5x1024xf32, #tpu.memory_space<vmem>>, vector<16xf32>,
      %add3A_1089 = arith.constant 1 : i32
      %add3A_1090 = vector.broadcast %add3A_1089 : i32 to vector<16xi32>
      %add3A_1091 = arith.addi %broadcast_in_dim3A_1, %add3A_1090 : vector<16xi32>
      %add3A_1092 = arith.constant 6 : i32
      %add3A_1093 = vector.broadcast %add3A_1092 : i32 to vector<16xi32>
      %add3A_1094 = arith.addi %broadcast_in_dim3A_1, %add3A_1093 : vector<16xi32>
      %gather3A_1095 = tpu.vector_load_idx %arg9[%add3A_1091, %add3A_996, %add3A_1094] : memref<2x1024x16xf32, #tpu.memory_space<vmem>>[vector<16xi32>, vector<16xi32>, vector<16xi32>], vector<16xf32>,
      %add3A_1096 = arith.constant 1 : i32
      %add3A_1097 = vector.broadcast %add3A_1096 : i32 to vector<16xi32>
      %add3A_1098 = arith.addi %broadcast_in_dim3A_1, %add3A_1097 : vector<16xi32>
      %add3A_1099 = arith.constant 7 : i32
      %add3A_1100 = vector.broadcast %add3A_1099 : i32 to vector<16xi32>
      %add3A_1101 = arith.addi %broadcast_in_dim3A_1, %add3A_1100 : vector<16xi32>
      %gather3A_1102 = tpu.vector_load_idx %arg9[%add3A_1098, %add3A_996, %add3A_1101] : memref<2x1024x16xf32, #tpu.memory_space<vmem>>[vector<16xi32>, vector<16xi32>, vector<16xi32>], vector<16xf32>,
      %add3A_1103 = arith.constant 1 : i32
      %add3A_1104 = vector.broadcast %add3A_1103 : i32 to vector<16xi32>
      %add3A_1105 = arith.addi %broadcast_in_dim3A_1, %add3A_1104 : vector<16xi32>
      %add3A_1106 = arith.constant 8 : i32
      %add3A_1107 = vector.broadcast %add3A_1106 : i32 to vector<16xi32>
      %add3A_1108 = arith.addi %broadcast_in_dim3A_1, %add3A_1107 : vector<16xi32>
      %gather3A_1109 = tpu.vector_load_idx %arg9[%add3A_1105, %add3A_996, %add3A_1108] : memref<2x1024x16xf32, #tpu.memory_space<vmem>>[vector<16xi32>, vector<16xi32>, vector<16xi32>], vector<16xf32>,
      %sub3A_1110 = arith.subf %gather3A, %gather3A_1095 : vector<16xf32>
      %sub3A_1111 = arith.subf %gather3A_1009, %gather3A_1102 : vector<16xf32>
      %sub3A_1112 = arith.subf %gather3A_1016, %gather3A_1109 : vector<16xf32>
      %mul3A_1113 = arith.mulf %sub3A_1110, %sub3A_1110 : vector<16xf32>
      %mul3A_1114 = arith.mulf %sub3A_1111, %sub3A_1111 : vector<16xf32>
      %add3A_1115 = arith.addf %mul3A_1113, %mul3A_1114 : vector<16xf32>
      %mul3A_1116 = arith.mulf %sub3A_1112, %sub3A_1112 : vector<16xf32>
      %add3A_1117 = arith.addf %add3A_1115, %mul3A_1116 : vector<16xf32>
      %mul3A_1118 = arith.constant 16 : i32
      %mul3A_1119 = arith.muli %scan3A_992, %mul3A_1118 : i32
      %swap3A_1120 = arith.constant 1 : i32
      %swap3A_1121 = arith.constant 2 : i32
      %swap3A_1122 = arith.index_cast %swap3A_1120 : i32 to index
      %swap3A_1123 = arith.index_cast %swap3A_1121 : i32 to index
      %swap3A_1124 = arith.index_cast %mul3A_1119 : i32 to index
      %swap3A_1125 = tpu.vector_load %arg10[%swap3A_1122, %swap3A_1123, %swap3A_1124] {strides = array<i32>} : memref<2x5x1024xf32, #tpu.memory_space<vmem>>, vector<16xf32>,
      tpu.vector_store %arg10[%swap3A_1122, %swap3A_1123, %swap3A_1124], %add3A_1117 {strides = array<i32>} : memref<2x5x1024xf32, #tpu.memory_space<vmem>>, vector<16xf32>,
      %add3A_1126 = arith.constant 1 : i32
      %add3A_1127 = vector.broadcast %add3A_1126 : i32 to vector<16xi32>
      %add3A_1128 = arith.addi %broadcast_in_dim3A_1, %add3A_1127 : vector<16xi32>
      %add3A_1129 = arith.constant 9 : i32
      %add3A_1130 = vector.broadcast %add3A_1129 : i32 to vector<16xi32>
      %add3A_1131 = arith.addi %broadcast_in_dim3A_1, %add3A_1130 : vector<16xi32>
      %gather3A_1132 = tpu.vector_load_idx %arg9[%add3A_1128, %add3A_996, %add3A_1131] : memref<2x1024x16xf32, #tpu.memory_space<vmem>>[vector<16xi32>, vector<16xi32>, vector<16xi32>], vector<16xf32>,
      %add3A_1133 = arith.constant 1 : i32
      %add3A_1134 = vector.broadcast %add3A_1133 : i32 to vector<16xi32>
      %add3A_1135 = arith.addi %broadcast_in_dim3A_1, %add3A_1134 : vector<16xi32>
      %add3A_1136 = arith.constant 10 : i32
      %add3A_1137 = vector.broadcast %add3A_1136 : i32 to vector<16xi32>
      %add3A_1138 = arith.addi %broadcast_in_dim3A_1, %add3A_1137 : vector<16xi32>
      %gather3A_1139 = tpu.vector_load_idx %arg9[%add3A_1135, %add3A_996, %add3A_1138] : memref<2x1024x16xf32, #tpu.memory_space<vmem>>[vector<16xi32>, vector<16xi32>, vector<16xi32>], vector<16xf32>,
      %add3A_1140 = arith.constant 1 : i32
      %add3A_1141 = vector.broadcast %add3A_1140 : i32 to vector<16xi32>
      %add3A_1142 = arith.addi %broadcast_in_dim3A_1, %add3A_1141 : vector<16xi32>
      %add3A_1143 = arith.constant 11 : i32
      %add3A_1144 = vector.broadcast %add3A_1143 : i32 to vector<16xi32>
      %add3A_1145 = arith.addi %broadcast_in_dim3A_1, %add3A_1144 : vector<16xi32>
      %gather3A_1146 = tpu.vector_load_idx %arg9[%add3A_1142, %add3A_996, %add3A_1145] : memref<2x1024x16xf32, #tpu.memory_space<vmem>>[vector<16xi32>, vector<16xi32>, vector<16xi32>], vector<16xf32>,
      %sub3A_1147 = arith.subf %gather3A, %gather3A_1132 : vector<16xf32>
      %sub3A_1148 = arith.subf %gather3A_1009, %gather3A_1139 : vector<16xf32>
      %sub3A_1149 = arith.subf %gather3A_1016, %gather3A_1146 : vector<16xf32>
      %mul3A_1150 = arith.mulf %sub3A_1147, %sub3A_1147 : vector<16xf32>
      %mul3A_1151 = arith.mulf %sub3A_1148, %sub3A_1148 : vector<16xf32>
      %add3A_1152 = arith.addf %mul3A_1150, %mul3A_1151 : vector<16xf32>
      %mul3A_1153 = arith.mulf %sub3A_1149, %sub3A_1149 : vector<16xf32>
      %add3A_1154 = arith.addf %add3A_1152, %mul3A_1153 : vector<16xf32>
      %mul3A_1155 = arith.constant 16 : i32
      %mul3A_1156 = arith.muli %scan3A_992, %mul3A_1155 : i32
      %swap3A_1157 = arith.constant 1 : i32
      %swap3A_1158 = arith.constant 3 : i32
      %swap3A_1159 = arith.index_cast %swap3A_1157 : i32 to index
      %swap3A_1160 = arith.index_cast %swap3A_1158 : i32 to index
      %swap3A_1161 = arith.index_cast %mul3A_1156 : i32 to index
      %swap3A_1162 = tpu.vector_load %arg10[%swap3A_1159, %swap3A_1160, %swap3A_1161] {strides = array<i32>} : memref<2x5x1024xf32, #tpu.memory_space<vmem>>, vector<16xf32>,
      tpu.vector_store %arg10[%swap3A_1159, %swap3A_1160, %swap3A_1161], %add3A_1154 {strides = array<i32>} : memref<2x5x1024xf32, #tpu.memory_space<vmem>>, vector<16xf32>,
      %add3A_1163 = arith.constant 1 : i32
      %add3A_1164 = vector.broadcast %add3A_1163 : i32 to vector<16xi32>
      %add3A_1165 = arith.addi %broadcast_in_dim3A_1, %add3A_1164 : vector<16xi32>
      %add3A_1166 = arith.constant 12 : i32
      %add3A_1167 = vector.broadcast %add3A_1166 : i32 to vector<16xi32>
      %add3A_1168 = arith.addi %broadcast_in_dim3A_1, %add3A_1167 : vector<16xi32>
      %gather3A_1169 = tpu.vector_load_idx %arg9[%add3A_1165, %add3A_996, %add3A_1168] : memref<2x1024x16xf32, #tpu.memory_space<vmem>>[vector<16xi32>, vector<16xi32>, vector<16xi32>], vector<16xf32>,
      %add3A_1170 = arith.constant 1 : i32
      %add3A_1171 = vector.broadcast %add3A_1170 : i32 to vector<16xi32>
      %add3A_1172 = arith.addi %broadcast_in_dim3A_1, %add3A_1171 : vector<16xi32>
      %add3A_1173 = arith.constant 13 : i32
      %add3A_1174 = vector.broadcast %add3A_1173 : i32 to vector<16xi32>
      %add3A_1175 = arith.addi %broadcast_in_dim3A_1, %add3A_1174 : vector<16xi32>
      %gather3A_1176 = tpu.vector_load_idx %arg9[%add3A_1172, %add3A_996, %add3A_1175] : memref<2x1024x16xf32, #tpu.memory_space<vmem>>[vector<16xi32>, vector<16xi32>, vector<16xi32>], vector<16xf32>,
      %add3A_1177 = arith.constant 1 : i32
      %add3A_1178 = vector.broadcast %add3A_1177 : i32 to vector<16xi32>
      %add3A_1179 = arith.addi %broadcast_in_dim3A_1, %add3A_1178 : vector<16xi32>
      %add3A_1180 = arith.constant 14 : i32
      %add3A_1181 = vector.broadcast %add3A_1180 : i32 to vector<16xi32>
      %add3A_1182 = arith.addi %broadcast_in_dim3A_1, %add3A_1181 : vector<16xi32>
      %gather3A_1183 = tpu.vector_load_idx %arg9[%add3A_1179, %add3A_996, %add3A_1182] : memref<2x1024x16xf32, #tpu.memory_space<vmem>>[vector<16xi32>, vector<16xi32>, vector<16xi32>], vector<16xf32>,
      %sub3A_1184 = arith.subf %gather3A, %gather3A_1169 : vector<16xf32>
      %sub3A_1185 = arith.subf %gather3A_1009, %gather3A_1176 : vector<16xf32>
      %sub3A_1186 = arith.subf %gather3A_1016, %gather3A_1183 : vector<16xf32>
      %mul3A_1187 = arith.mulf %sub3A_1184, %sub3A_1184 : vector<16xf32>
      %mul3A_1188 = arith.mulf %sub3A_1185, %sub3A_1185 : vector<16xf32>
      %add3A_1189 = arith.addf %mul3A_1187, %mul3A_1188 : vector<16xf32>
      %mul3A_1190 = arith.mulf %sub3A_1186, %sub3A_1186 : vector<16xf32>
      %add3A_1191 = arith.addf %add3A_1189, %mul3A_1190 : vector<16xf32>
      %mul3A_1192 = arith.constant 16 : i32
      %mul3A_1193 = arith.muli %scan3A_992, %mul3A_1192 : i32
      %swap3A_1194 = arith.constant 1 : i32
      %swap3A_1195 = arith.constant 4 : i32
      %swap3A_1196 = arith.index_cast %swap3A_1194 : i32 to index
      %swap3A_1197 = arith.index_cast %swap3A_1195 : i32 to index
      %swap3A_1198 = arith.index_cast %mul3A_1193 : i32 to index
      %swap3A_1199 = tpu.vector_load %arg10[%swap3A_1196, %swap3A_1197, %swap3A_1198] {strides = array<i32>} : memref<2x5x1024xf32, #tpu.memory_space<vmem>>, vector<16xf32>,
      tpu.vector_store %arg10[%swap3A_1196, %swap3A_1197, %swap3A_1198], %add3A_1191 {strides = array<i32>} : memref<2x5x1024xf32, #tpu.memory_space<vmem>>, vector<16xf32>,
    }
    %scan3A_227 = arith.constant 64 : i32
    %mul3A_228 = arith.constant 5120 : i32
    %mul3A_229 = arith.muli %add3A, %mul3A_228 : i32
    %add3A_230 = arith.constant 1024 : i32
    %add3A_231 = arith.addi %mul3A_229, %add3A_230 : i32
    %min3A_232 = arith.constant 158976 : i32
    %min3A_233 = arith.minsi %add3A_231, %min3A_232 : i32
    %dma_start3A_234 = arith.constant 1 : i32
    %dma_start3A_235 = arith.constant 0 : i32
    %dma_start3A_236 = arith.constant 0 : i32
    %dma_start3A_237 = arith.constant 0 : i32
    %dma_start3A_238 = tpu.memref_slice %arg10[%dma_start3A_234, %dma_start3A_235, %dma_start3A_237] : memref<2x5x1024xf32, #tpu.memory_space<vmem>> -> memref<1x1x1024xf32, #tpu.memory_space<vmem>>
    %dma_start3A_239 = tpu.memref_squeeze %dma_start3A_238 : memref<1x1x1024xf32, #tpu.memory_space<vmem>> -> memref<1024xf32, #tpu.memory_space<vmem>>
    %dma_start3A_240 = tpu.memref_slice %arg5[%dma_start3A_236, %min3A_233] : memref<5x160000xf32, #tpu.memory_space<hbm>> -> memref<1x1024xf32, #tpu.memory_space<hbm>>
    %dma_start3A_241 = tpu.memref_squeeze %dma_start3A_240 : memref<1x1024xf32, #tpu.memory_space<hbm>> -> memref<1024xf32, #tpu.memory_space<hbm>>
    %dma_start3A_242 = tpu.memref_slice %arg5[%dma_start3A_236, %min3A_233] : memref<5x160000xf32, #tpu.memory_space<hbm>> -> memref<1x1024xf32, #tpu.memory_space<hbm>>
    %dma_start3A_243 = tpu.memref_squeeze %dma_start3A_242 : memref<1x1024xf32, #tpu.memory_space<hbm>> -> memref<1024xf32, #tpu.memory_space<hbm>>
    %dma_start3A_244 = arith.constant 0 : i32
    %dma_start3A_245 = tpu.memref_slice %arg10[%dma_start3A_234, %dma_start3A_235, %dma_start3A_244] : memref<2x5x1024xf32, #tpu.memory_space<vmem>> -> memref<1x1x1024xf32, #tpu.memory_space<vmem>>
    %dma_start3A_246 = tpu.memref_squeeze %dma_start3A_245 : memref<1x1x1024xf32, #tpu.memory_space<vmem>> -> memref<1024xf32, #tpu.memory_space<vmem>>
    tpu.enqueue_dma source(%dma_start3A_246 : memref<1024xf32, #tpu.memory_space<vmem>>) target(%dma_start3A_243 : memref<1024xf32, #tpu.memory_space<hbm>>) target_semaphore(%arg16 : memref<!tpu.dma_semaphore, #tpu.memory_space<semaphore_mem>>)
    %dma_start3A_247 = arith.constant 1 : i32
    %dma_start3A_248 = arith.constant 1 : i32
    %dma_start3A_249 = arith.constant 1 : i32
    %dma_start3A_250 = arith.constant 0 : i32
    %dma_start3A_251 = tpu.memref_slice %arg10[%dma_start3A_247, %dma_start3A_248, %dma_start3A_250] : memref<2x5x1024xf32, #tpu.memory_space<vmem>> -> memref<1x1x1024xf32, #tpu.memory_space<vmem>>
    %dma_start3A_252 = tpu.memref_squeeze %dma_start3A_251 : memref<1x1x1024xf32, #tpu.memory_space<vmem>> -> memref<1024xf32, #tpu.memory_space<vmem>>
    %dma_start3A_253 = tpu.memref_slice %arg5[%dma_start3A_249, %min3A_233] : memref<5x160000xf32, #tpu.memory_space<hbm>> -> memref<1x1024xf32, #tpu.memory_space<hbm>>
    %dma_start3A_254 = tpu.memref_squeeze %dma_start3A_253 : memref<1x1024xf32, #tpu.memory_space<hbm>> -> memref<1024xf32, #tpu.memory_space<hbm>>
    %dma_start3A_255 = tpu.memref_slice %arg5[%dma_start3A_249, %min3A_233] : memref<5x160000xf32, #tpu.memory_space<hbm>> -> memref<1x1024xf32, #tpu.memory_space<hbm>>
    %dma_start3A_256 = tpu.memref_squeeze %dma_start3A_255 : memref<1x1024xf32, #tpu.memory_space<hbm>> -> memref<1024xf32, #tpu.memory_space<hbm>>
    %dma_start3A_257 = arith.constant 0 : i32
    %dma_start3A_258 = tpu.memref_slice %arg10[%dma_start3A_247, %dma_start3A_248, %dma_start3A_257] : memref<2x5x1024xf32, #tpu.memory_space<vmem>> -> memref<1x1x1024xf32, #tpu.memory_space<vmem>>
    %dma_start3A_259 = tpu.memref_squeeze %dma_start3A_258 : memref<1x1x1024xf32, #tpu.memory_space<vmem>> -> memref<1024xf32, #tpu.memory_space<vmem>>
    tpu.enqueue_dma source(%dma_start3A_259 : memref<1024xf32, #tpu.memory_space<vmem>>) target(%dma_start3A_256 : memref<1024xf32, #tpu.memory_space<hbm>>) target_semaphore(%arg16 : memref<!tpu.dma_semaphore, #tpu.memory_space<semaphore_mem>>)
    %dma_start3A_260 = arith.constant 1 : i32
    %dma_start3A_261 = arith.constant 2 : i32
    %dma_start3A_262 = arith.constant 2 : i32
    %dma_start3A_263 = arith.constant 0 : i32
    %dma_start3A_264 = tpu.memref_slice %arg10[%dma_start3A_260, %dma_start3A_261, %dma_start3A_263] : memref<2x5x1024xf32, #tpu.memory_space<vmem>> -> memref<1x1x1024xf32, #tpu.memory_space<vmem>>
    %dma_start3A_265 = tpu.memref_squeeze %dma_start3A_264 : memref<1x1x1024xf32, #tpu.memory_space<vmem>> -> memref<1024xf32, #tpu.memory_space<vmem>>
    %dma_start3A_266 = tpu.memref_slice %arg5[%dma_start3A_262, %min3A_233] : memref<5x160000xf32, #tpu.memory_space<hbm>> -> memref<1x1024xf32, #tpu.memory_space<hbm>>
    %dma_start3A_267 = tpu.memref_squeeze %dma_start3A_266 : memref<1x1024xf32, #tpu.memory_space<hbm>> -> memref<1024xf32, #tpu.memory_space<hbm>>
    %dma_start3A_268 = tpu.memref_slice %arg5[%dma_start3A_262, %min3A_233] : memref<5x160000xf32, #tpu.memory_space<hbm>> -> memref<1x1024xf32, #tpu.memory_space<hbm>>
    %dma_start3A_269 = tpu.memref_squeeze %dma_start3A_268 : memref<1x1024xf32, #tpu.memory_space<hbm>> -> memref<1024xf32, #tpu.memory_space<hbm>>
    %dma_start3A_270 = arith.constant 0 : i32
    %dma_start3A_271 = tpu.memref_slice %arg10[%dma_start3A_260, %dma_start3A_261, %dma_start3A_270] : memref<2x5x1024xf32, #tpu.memory_space<vmem>> -> memref<1x1x1024xf32, #tpu.memory_space<vmem>>
    %dma_start3A_272 = tpu.memref_squeeze %dma_start3A_271 : memref<1x1x1024xf32, #tpu.memory_space<vmem>> -> memref<1024xf32, #tpu.memory_space<vmem>>
    tpu.enqueue_dma source(%dma_start3A_272 : memref<1024xf32, #tpu.memory_space<vmem>>) target(%dma_start3A_269 : memref<1024xf32, #tpu.memory_space<hbm>>) target_semaphore(%arg16 : memref<!tpu.dma_semaphore, #tpu.memory_space<semaphore_mem>>)
    %dma_start3A_273 = arith.constant 1 : i32
    %dma_start3A_274 = arith.constant 3 : i32
    %dma_start3A_275 = arith.constant 3 : i32
    %dma_start3A_276 = arith.constant 0 : i32
    %dma_start3A_277 = tpu.memref_slice %arg10[%dma_start3A_273, %dma_start3A_274, %dma_start3A_276] : memref<2x5x1024xf32, #tpu.memory_space<vmem>> -> memref<1x1x1024xf32, #tpu.memory_space<vmem>>
    %dma_start3A_278 = tpu.memref_squeeze %dma_start3A_277 : memref<1x1x1024xf32, #tpu.memory_space<vmem>> -> memref<1024xf32, #tpu.memory_space<vmem>>
    %dma_start3A_279 = tpu.memref_slice %arg5[%dma_start3A_275, %min3A_233] : memref<5x160000xf32, #tpu.memory_space<hbm>> -> memref<1x1024xf32, #tpu.memory_space<hbm>>
    %dma_start3A_280 = tpu.memref_squeeze %dma_start3A_279 : memref<1x1024xf32, #tpu.memory_space<hbm>> -> memref<1024xf32, #tpu.memory_space<hbm>>
    %dma_start3A_281 = tpu.memref_slice %arg5[%dma_start3A_275, %min3A_233] : memref<5x160000xf32, #tpu.memory_space<hbm>> -> memref<1x1024xf32, #tpu.memory_space<hbm>>
    %dma_start3A_282 = tpu.memref_squeeze %dma_start3A_281 : memref<1x1024xf32, #tpu.memory_space<hbm>> -> memref<1024xf32, #tpu.memory_space<hbm>>
    %dma_start3A_283 = arith.constant 0 : i32
    %dma_start3A_284 = tpu.memref_slice %arg10[%dma_start3A_273, %dma_start3A_274, %dma_start3A_283] : memref<2x5x1024xf32, #tpu.memory_space<vmem>> -> memref<1x1x1024xf32, #tpu.memory_space<vmem>>
    %dma_start3A_285 = tpu.memref_squeeze %dma_start3A_284 : memref<1x1x1024xf32, #tpu.memory_space<vmem>> -> memref<1024xf32, #tpu.memory_space<vmem>>
    tpu.enqueue_dma source(%dma_start3A_285 : memref<1024xf32, #tpu.memory_space<vmem>>) target(%dma_start3A_282 : memref<1024xf32, #tpu.memory_space<hbm>>) target_semaphore(%arg16 : memref<!tpu.dma_semaphore, #tpu.memory_space<semaphore_mem>>)
    %dma_start3A_286 = arith.constant 1 : i32
    %dma_start3A_287 = arith.constant 4 : i32
    %dma_start3A_288 = arith.constant 4 : i32
    %dma_start3A_289 = arith.constant 0 : i32
    %dma_start3A_290 = tpu.memref_slice %arg10[%dma_start3A_286, %dma_start3A_287, %dma_start3A_289] : memref<2x5x1024xf32, #tpu.memory_space<vmem>> -> memref<1x1x1024xf32, #tpu.memory_space<vmem>>
    %dma_start3A_291 = tpu.memref_squeeze %dma_start3A_290 : memref<1x1x1024xf32, #tpu.memory_space<vmem>> -> memref<1024xf32, #tpu.memory_space<vmem>>
    %dma_start3A_292 = tpu.memref_slice %arg5[%dma_start3A_288, %min3A_233] : memref<5x160000xf32, #tpu.memory_space<hbm>> -> memref<1x1024xf32, #tpu.memory_space<hbm>>
    %dma_start3A_293 = tpu.memref_squeeze %dma_start3A_292 : memref<1x1024xf32, #tpu.memory_space<hbm>> -> memref<1024xf32, #tpu.memory_space<hbm>>
    %dma_start3A_294 = tpu.memref_slice %arg5[%dma_start3A_288, %min3A_233] : memref<5x160000xf32, #tpu.memory_space<hbm>> -> memref<1x1024xf32, #tpu.memory_space<hbm>>
    %dma_start3A_295 = tpu.memref_squeeze %dma_start3A_294 : memref<1x1024xf32, #tpu.memory_space<hbm>> -> memref<1024xf32, #tpu.memory_space<hbm>>
    %dma_start3A_296 = arith.constant 0 : i32
    %dma_start3A_297 = tpu.memref_slice %arg10[%dma_start3A_286, %dma_start3A_287, %dma_start3A_296] : memref<2x5x1024xf32, #tpu.memory_space<vmem>> -> memref<1x1x1024xf32, #tpu.memory_space<vmem>>
    %dma_start3A_298 = tpu.memref_squeeze %dma_start3A_297 : memref<1x1x1024xf32, #tpu.memory_space<vmem>> -> memref<1024xf32, #tpu.memory_space<vmem>>
    tpu.enqueue_dma source(%dma_start3A_298 : memref<1024xf32, #tpu.memory_space<vmem>>) target(%dma_start3A_295 : memref<1024xf32, #tpu.memory_space<hbm>>) target_semaphore(%arg16 : memref<!tpu.dma_semaphore, #tpu.memory_space<semaphore_mem>>)
    %mul3A_299 = arith.constant 5120 : i32
    %mul3A_300 = arith.muli %add3A, %mul3A_299 : i32
    %add3A_301 = arith.constant 3072 : i32
    %add3A_302 = arith.addi %mul3A_300, %add3A_301 : i32
    %min3A_303 = arith.constant 158976 : i32
    %min3A_304 = arith.minsi %add3A_302, %min3A_303 : i32
    %run_scoped3A_305 = arith.constant 0 : i32
    %run_scoped3A_306 = arith.constant 1 : i32
    "tpu.region"() ({
      %run_scoped3A_992 = tpu.sem_alloc : memref<!tpu.dma_semaphore, #tpu.memory_space<semaphore_mem>>
      %dma_start3A_993 = arith.constant 0 : i32
      %dma_start3A_994 = tpu.memref_slice %arg6[%run_scoped3A_306, %dma_start3A_993] : memref<2x1024xi32, #tpu.memory_space<vmem>> -> memref<1x1024xi32, #tpu.memory_space<vmem>>
      %dma_start3A_995 = tpu.memref_squeeze %dma_start3A_994 : memref<1x1024xi32, #tpu.memory_space<vmem>> -> memref<1024xi32, #tpu.memory_space<vmem>>
      %dma_start3A_996 = tpu.memref_slice %arg4[%run_scoped3A_305, %min3A_304] : memref<2x160000xi32, #tpu.memory_space<hbm>> -> memref<1x1024xi32, #tpu.memory_space<hbm>>
      %dma_start3A_997 = tpu.memref_squeeze %dma_start3A_996 : memref<1x1024xi32, #tpu.memory_space<hbm>> -> memref<1024xi32, #tpu.memory_space<hbm>>
      %dma_start3A_998 = arith.constant 0 : i32
      %dma_start3A_999 = tpu.memref_slice %arg6[%run_scoped3A_306, %dma_start3A_998] : memref<2x1024xi32, #tpu.memory_space<vmem>> -> memref<1x1024xi32, #tpu.memory_space<vmem>>
      %dma_start3A_1000 = tpu.memref_squeeze %dma_start3A_999 : memref<1x1024xi32, #tpu.memory_space<vmem>> -> memref<1024xi32, #tpu.memory_space<vmem>>
      %dma_start3A_1001 = tpu.memref_slice %arg4[%run_scoped3A_305, %min3A_304] : memref<2x160000xi32, #tpu.memory_space<hbm>> -> memref<1x1024xi32, #tpu.memory_space<hbm>>
      %dma_start3A_1002 = tpu.memref_squeeze %dma_start3A_1001 : memref<1x1024xi32, #tpu.memory_space<hbm>> -> memref<1024xi32, #tpu.memory_space<hbm>>
      tpu.enqueue_dma source(%dma_start3A_1002 : memref<1024xi32, #tpu.memory_space<hbm>>) target(%dma_start3A_1000 : memref<1024xi32, #tpu.memory_space<vmem>>) target_semaphore(%run_scoped3A_992 : memref<!tpu.dma_semaphore, #tpu.memory_space<semaphore_mem>>)
      %dma_wait3A_1003 = arith.constant 0 : i32
      %dma_wait3A_1004 = tpu.memref_slice %arg6[%run_scoped3A_306, %dma_wait3A_1003] : memref<2x1024xi32, #tpu.memory_space<vmem>> -> memref<1x1024xi32, #tpu.memory_space<vmem>>
      %dma_wait3A_1005 = tpu.memref_squeeze %dma_wait3A_1004 : memref<1x1024xi32, #tpu.memory_space<vmem>> -> memref<1024xi32, #tpu.memory_space<vmem>>
      %dma_wait3A_1006 = tpu.memref_slice %arg4[%run_scoped3A_305, %min3A_304] : memref<2x160000xi32, #tpu.memory_space<hbm>> -> memref<1x1024xi32, #tpu.memory_space<hbm>>
      %dma_wait3A_1007 = tpu.memref_squeeze %dma_wait3A_1006 : memref<1x1024xi32, #tpu.memory_space<hbm>> -> memref<1024xi32, #tpu.memory_space<hbm>>
      %dma_wait3A_1008 = arith.constant 0 : i32
      %dma_wait3A_1009 = tpu.memref_slice %arg6[%run_scoped3A_306, %dma_wait3A_1008] : memref<2x1024xi32, #tpu.memory_space<vmem>> -> memref<1x1024xi32, #tpu.memory_space<vmem>>
      %dma_wait3A_1010 = tpu.memref_squeeze %dma_wait3A_1009 : memref<1x1024xi32, #tpu.memory_space<vmem>> -> memref<1024xi32, #tpu.memory_space<vmem>>
      %dma_wait3A_1011 = tpu.memref_slice %arg4[%run_scoped3A_305, %min3A_304] : memref<2x160000xi32, #tpu.memory_space<hbm>> -> memref<1x1024xi32, #tpu.memory_space<hbm>>
      %dma_wait3A_1012 = tpu.memref_squeeze %dma_wait3A_1011 : memref<1x1024xi32, #tpu.memory_space<hbm>> -> memref<1024xi32, #tpu.memory_space<hbm>>
      tpu.wait_dma2 semaphore(%run_scoped3A_992 : memref<!tpu.dma_semaphore, #tpu.memory_space<semaphore_mem>>) src(%dma_wait3A_1012 : memref<1024xi32, #tpu.memory_space<hbm>>) dst(%dma_wait3A_1010 : memref<1024xi32, #tpu.memory_space<vmem>>)
      tpu.yield
    }) : () -> ()
    %run_scoped3A_307 = arith.constant 1 : i32
    %run_scoped3A_308 = arith.constant 1 : i32
    "tpu.region"() ({
      %run_scoped3A_992 = tpu.sem_alloc : memref<!tpu.dma_semaphore, #tpu.memory_space<semaphore_mem>>
      %dma_start3A_993 = arith.constant 0 : i32
      %dma_start3A_994 = tpu.memref_slice %arg7[%run_scoped3A_308, %dma_start3A_993] : memref<2x1024xi32, #tpu.memory_space<vmem>> -> memref<1x1024xi32, #tpu.memory_space<vmem>>
      %dma_start3A_995 = tpu.memref_squeeze %dma_start3A_994 : memref<1x1024xi32, #tpu.memory_space<vmem>> -> memref<1024xi32, #tpu.memory_space<vmem>>
      %dma_start3A_996 = tpu.memref_slice %arg4[%run_scoped3A_307, %min3A_304] : memref<2x160000xi32, #tpu.memory_space<hbm>> -> memref<1x1024xi32, #tpu.memory_space<hbm>>
      %dma_start3A_997 = tpu.memref_squeeze %dma_start3A_996 : memref<1x1024xi32, #tpu.memory_space<hbm>> -> memref<1024xi32, #tpu.memory_space<hbm>>
      %dma_start3A_998 = arith.constant 0 : i32
      %dma_start3A_999 = tpu.memref_slice %arg7[%run_scoped3A_308, %dma_start3A_998] : memref<2x1024xi32, #tpu.memory_space<vmem>> -> memref<1x1024xi32, #tpu.memory_space<vmem>>
      %dma_start3A_1000 = tpu.memref_squeeze %dma_start3A_999 : memref<1x1024xi32, #tpu.memory_space<vmem>> -> memref<1024xi32, #tpu.memory_space<vmem>>
      %dma_start3A_1001 = tpu.memref_slice %arg4[%run_scoped3A_307, %min3A_304] : memref<2x160000xi32, #tpu.memory_space<hbm>> -> memref<1x1024xi32, #tpu.memory_space<hbm>>
      %dma_start3A_1002 = tpu.memref_squeeze %dma_start3A_1001 : memref<1x1024xi32, #tpu.memory_space<hbm>> -> memref<1024xi32, #tpu.memory_space<hbm>>
      tpu.enqueue_dma source(%dma_start3A_1002 : memref<1024xi32, #tpu.memory_space<hbm>>) target(%dma_start3A_1000 : memref<1024xi32, #tpu.memory_space<vmem>>) target_semaphore(%run_scoped3A_992 : memref<!tpu.dma_semaphore, #tpu.memory_space<semaphore_mem>>)
      %dma_wait3A_1003 = arith.constant 0 : i32
      %dma_wait3A_1004 = tpu.memref_slice %arg7[%run_scoped3A_308, %dma_wait3A_1003] : memref<2x1024xi32, #tpu.memory_space<vmem>> -> memref<1x1024xi32, #tpu.memory_space<vmem>>
      %dma_wait3A_1005 = tpu.memref_squeeze %dma_wait3A_1004 : memref<1x1024xi32, #tpu.memory_space<vmem>> -> memref<1024xi32, #tpu.memory_space<vmem>>
      %dma_wait3A_1006 = tpu.memref_slice %arg4[%run_scoped3A_307, %min3A_304] : memref<2x160000xi32, #tpu.memory_space<hbm>> -> memref<1x1024xi32, #tpu.memory_space<hbm>>
      %dma_wait3A_1007 = tpu.memref_squeeze %dma_wait3A_1006 : memref<1x1024xi32, #tpu.memory_space<hbm>> -> memref<1024xi32, #tpu.memory_space<hbm>>
      %dma_wait3A_1008 = arith.constant 0 : i32
      %dma_wait3A_1009 = tpu.memref_slice %arg7[%run_scoped3A_308, %dma_wait3A_1008] : memref<2x1024xi32, #tpu.memory_space<vmem>> -> memref<1x1024xi32, #tpu.memory_space<vmem>>
      %dma_wait3A_1010 = tpu.memref_squeeze %dma_wait3A_1009 : memref<1x1024xi32, #tpu.memory_space<vmem>> -> memref<1024xi32, #tpu.memory_space<vmem>>
      %dma_wait3A_1011 = tpu.memref_slice %arg4[%run_scoped3A_307, %min3A_304] : memref<2x160000xi32, #tpu.memory_space<hbm>> -> memref<1x1024xi32, #tpu.memory_space<hbm>>
      %dma_wait3A_1012 = tpu.memref_squeeze %dma_wait3A_1011 : memref<1x1024xi32, #tpu.memory_space<hbm>> -> memref<1024xi32, #tpu.memory_space<hbm>>
      tpu.wait_dma2 semaphore(%run_scoped3A_992 : memref<!tpu.dma_semaphore, #tpu.memory_space<semaphore_mem>>) src(%dma_wait3A_1012 : memref<1024xi32, #tpu.memory_space<hbm>>) dst(%dma_wait3A_1010 : memref<1024xi32, #tpu.memory_space<vmem>>)
      tpu.yield
    }) : () -> ()
    %dma_start3A_309 = arith.constant 1 : i32
    %dma_start3A_310 = arith.constant 1 : i32
    %dma_start3A_311 = arith.constant 0 : i32
    %dma_start3A_312 = arith.constant 0 : i32
    %dma_start3A_313 = tpu.memref_slice %arg8[%dma_start3A_310, %dma_start3A_311, %dma_start3A_312] : memref<2x1024x16xf32, #tpu.memory_space<vmem>> -> memref<1x1024x16xf32, #tpu.memory_space<vmem>>
    %dma_start3A_314 = tpu.memref_squeeze %dma_start3A_313 : memref<1x1024x16xf32, #tpu.memory_space<vmem>> -> memref<1024x16xf32, #tpu.memory_space<vmem>>
    %dma_start3A_315 = arith.constant 0 : i32
    %dma_start3A_316 = tpu.memref_slice %arg6[%dma_start3A_309, %dma_start3A_315] : memref<2x1024xi32, #tpu.memory_space<vmem>> -> memref<1x1024xi32, #tpu.memory_space<vmem>>
    %dma_start3A_317 = tpu.memref_squeeze %dma_start3A_316 : memref<1x1024xi32, #tpu.memory_space<vmem>> -> memref<1024xi32, #tpu.memory_space<vmem>>
    %dma_start3A_318 = arith.constant 0 : i32
    %dma_start3A_319 = arith.constant 0 : i32
    %dma_start3A_320 = tpu.memref_slice %arg2[%dma_start3A_318, %dma_start3A_319] : memref<10000x16xf32, #tpu.memory_space<hbm>> -> memref<10000x16xf32, #tpu.memory_space<hbm>>
    tpu.enqueue_indirect_dma source(%dma_start3A_320 : memref<10000x16xf32, #tpu.memory_space<hbm>>) target(%dma_start3A_314 : memref<1024x16xf32, #tpu.memory_space<vmem>>) offsets(%dma_start3A_317 : memref<1024xi32, #tpu.memory_space<vmem>>) semaphore(%arg12 : memref<!tpu.dma_semaphore, #tpu.memory_space<semaphore_mem>>)
    %dma_start3A_321 = arith.constant 1 : i32
    %dma_start3A_322 = arith.constant 1 : i32
    %dma_start3A_323 = arith.constant 0 : i32
    %dma_start3A_324 = arith.constant 0 : i32
    %dma_start3A_325 = tpu.memref_slice %arg9[%dma_start3A_322, %dma_start3A_323, %dma_start3A_324] : memref<2x1024x16xf32, #tpu.memory_space<vmem>> -> memref<1x1024x16xf32, #tpu.memory_space<vmem>>
    %dma_start3A_326 = tpu.memref_squeeze %dma_start3A_325 : memref<1x1024x16xf32, #tpu.memory_space<vmem>> -> memref<1024x16xf32, #tpu.memory_space<vmem>>
    %dma_start3A_327 = arith.constant 0 : i32
    %dma_start3A_328 = tpu.memref_slice %arg7[%dma_start3A_321, %dma_start3A_327] : memref<2x1024xi32, #tpu.memory_space<vmem>> -> memref<1x1024xi32, #tpu.memory_space<vmem>>
    %dma_start3A_329 = tpu.memref_squeeze %dma_start3A_328 : memref<1x1024xi32, #tpu.memory_space<vmem>> -> memref<1024xi32, #tpu.memory_space<vmem>>
    %dma_start3A_330 = arith.constant 0 : i32
    %dma_start3A_331 = arith.constant 0 : i32
    %dma_start3A_332 = tpu.memref_slice %arg3[%dma_start3A_330, %dma_start3A_331] : memref<10000x16xf32, #tpu.memory_space<hbm>> -> memref<10000x16xf32, #tpu.memory_space<hbm>>
    tpu.enqueue_indirect_dma source(%dma_start3A_332 : memref<10000x16xf32, #tpu.memory_space<hbm>>) target(%dma_start3A_326 : memref<1024x16xf32, #tpu.memory_space<vmem>>) offsets(%dma_start3A_329 : memref<1024xi32, #tpu.memory_space<vmem>>) semaphore(%arg14 : memref<!tpu.dma_semaphore, #tpu.memory_space<semaphore_mem>>)
    %dma_wait3A_333 = arith.constant 0 : i32
    %dma_wait3A_334 = arith.constant 0 : i32
    %dma_wait3A_335 = arith.constant 0 : i32
    %dma_wait3A_336 = arith.constant 0 : i32
    %dma_wait3A_337 = tpu.memref_slice %arg8[%dma_wait3A_334, %dma_wait3A_335, %dma_wait3A_336] : memref<2x1024x16xf32, #tpu.memory_space<vmem>> -> memref<1x1024x16xf32, #tpu.memory_space<vmem>>
    %dma_wait3A_338 = tpu.memref_squeeze %dma_wait3A_337 : memref<1x1024x16xf32, #tpu.memory_space<vmem>> -> memref<1024x16xf32, #tpu.memory_space<vmem>>
    %dma_wait3A_339 = arith.constant 0 : i32
    %dma_wait3A_340 = tpu.memref_slice %arg6[%dma_wait3A_333, %dma_wait3A_339] : memref<2x1024xi32, #tpu.memory_space<vmem>> -> memref<1x1024xi32, #tpu.memory_space<vmem>>
    %dma_wait3A_341 = tpu.memref_squeeze %dma_wait3A_340 : memref<1x1024xi32, #tpu.memory_space<vmem>> -> memref<1024xi32, #tpu.memory_space<vmem>>
    %dma_wait3A_342 = arith.constant 0 : i32
    %dma_wait3A_343 = arith.constant 0 : i32
    %dma_wait3A_344 = tpu.memref_slice %arg2[%dma_wait3A_342, %dma_wait3A_343] : memref<10000x16xf32, #tpu.memory_space<hbm>> -> memref<10000x16xf32, #tpu.memory_space<hbm>>
    tpu.wait_indirect_dma semaphore(%arg11 : memref<!tpu.dma_semaphore, #tpu.memory_space<semaphore_mem>>) src(%dma_wait3A_344 : memref<10000x16xf32, #tpu.memory_space<hbm>>) dst(%dma_wait3A_338 : memref<1024x16xf32, #tpu.memory_space<vmem>>)
    %dma_wait3A_345 = arith.constant 0 : i32
    %dma_wait3A_346 = arith.constant 0 : i32
    %dma_wait3A_347 = arith.constant 0 : i32
    %dma_wait3A_348 = arith.constant 0 : i32
    %dma_wait3A_349 = tpu.memref_slice %arg9[%dma_wait3A_346, %dma_wait3A_347, %dma_wait3A_348] : memref<2x1024x16xf32, #tpu.memory_space<vmem>> -> memref<1x1024x16xf32, #tpu.memory_space<vmem>>
    %dma_wait3A_350 = tpu.memref_squeeze %dma_wait3A_349 : memref<1x1024x16xf32, #tpu.memory_space<vmem>> -> memref<1024x16xf32, #tpu.memory_space<vmem>>
    %dma_wait3A_351 = arith.constant 0 : i32
    %dma_wait3A_352 = tpu.memref_slice %arg7[%dma_wait3A_345, %dma_wait3A_351] : memref<2x1024xi32, #tpu.memory_space<vmem>> -> memref<1x1024xi32, #tpu.memory_space<vmem>>
    %dma_wait3A_353 = tpu.memref_squeeze %dma_wait3A_352 : memref<1x1024xi32, #tpu.memory_space<vmem>> -> memref<1024xi32, #tpu.memory_space<vmem>>
    %dma_wait3A_354 = arith.constant 0 : i32
    %dma_wait3A_355 = arith.constant 0 : i32
    %dma_wait3A_356 = tpu.memref_slice %arg3[%dma_wait3A_354, %dma_wait3A_355] : memref<10000x16xf32, #tpu.memory_space<hbm>> -> memref<10000x16xf32, #tpu.memory_space<hbm>>
    tpu.wait_indirect_dma semaphore(%arg13 : memref<!tpu.dma_semaphore, #tpu.memory_space<semaphore_mem>>) src(%dma_wait3A_356 : memref<10000x16xf32, #tpu.memory_space<hbm>>) dst(%dma_wait3A_350 : memref<1024x16xf32, #tpu.memory_space<vmem>>)
    %dma_wait3A_357 = arith.constant 0 : i32
    %dma_wait3A_358 = arith.constant 0 : i32
    %dma_wait3A_359 = arith.constant 0 : i32
    %dma_wait3A_360 = arith.constant 0 : i32
    %dma_wait3A_361 = tpu.memref_slice %arg10[%dma_wait3A_357, %dma_wait3A_358, %dma_wait3A_360] : memref<2x5x1024xf32, #tpu.memory_space<vmem>> -> memref<1x1x1024xf32, #tpu.memory_space<vmem>>
    %dma_wait3A_362 = tpu.memref_squeeze %dma_wait3A_361 : memref<1x1x1024xf32, #tpu.memory_space<vmem>> -> memref<1024xf32, #tpu.memory_space<vmem>>
    %dma_wait3A_363 = tpu.memref_slice %arg5[%dma_wait3A_359, %min3A_99] : memref<5x160000xf32, #tpu.memory_space<hbm>> -> memref<1x1024xf32, #tpu.memory_space<hbm>>
    %dma_wait3A_364 = tpu.memref_squeeze %dma_wait3A_363 : memref<1x1024xf32, #tpu.memory_space<hbm>> -> memref<1024xf32, #tpu.memory_space<hbm>>
    %dma_wait3A_365 = tpu.memref_slice %arg5[%dma_wait3A_359, %min3A_99] : memref<5x160000xf32, #tpu.memory_space<hbm>> -> memref<1x1024xf32, #tpu.memory_space<hbm>>
    %dma_wait3A_366 = tpu.memref_squeeze %dma_wait3A_365 : memref<1x1024xf32, #tpu.memory_space<hbm>> -> memref<1024xf32, #tpu.memory_space<hbm>>
    %dma_wait3A_367 = arith.constant 0 : i32
    %dma_wait3A_368 = tpu.memref_slice %arg10[%dma_wait3A_357, %dma_wait3A_358, %dma_wait3A_367] : memref<2x5x1024xf32, #tpu.memory_space<vmem>> -> memref<1x1x1024xf32, #tpu.memory_space<vmem>>
    %dma_wait3A_369 = tpu.memref_squeeze %dma_wait3A_368 : memref<1x1x1024xf32, #tpu.memory_space<vmem>> -> memref<1024xf32, #tpu.memory_space<vmem>>
    tpu.wait_dma2 semaphore(%arg15 : memref<!tpu.dma_semaphore, #tpu.memory_space<semaphore_mem>>) src(%dma_wait3A_369 : memref<1024xf32, #tpu.memory_space<vmem>>) dst(%dma_wait3A_366 : memref<1024xf32, #tpu.memory_space<hbm>>)
    %dma_wait3A_370 = arith.constant 0 : i32
    %dma_wait3A_371 = arith.constant 1 : i32
    %dma_wait3A_372 = arith.constant 1 : i32
    %dma_wait3A_373 = arith.constant 0 : i32
    %dma_wait3A_374 = tpu.memref_slice %arg10[%dma_wait3A_370, %dma_wait3A_371, %dma_wait3A_373] : memref<2x5x1024xf32, #tpu.memory_space<vmem>> -> memref<1x1x1024xf32, #tpu.memory_space<vmem>>
    %dma_wait3A_375 = tpu.memref_squeeze %dma_wait3A_374 : memref<1x1x1024xf32, #tpu.memory_space<vmem>> -> memref<1024xf32, #tpu.memory_space<vmem>>
    %dma_wait3A_376 = tpu.memref_slice %arg5[%dma_wait3A_372, %min3A_99] : memref<5x160000xf32, #tpu.memory_space<hbm>> -> memref<1x1024xf32, #tpu.memory_space<hbm>>
    %dma_wait3A_377 = tpu.memref_squeeze %dma_wait3A_376 : memref<1x1024xf32, #tpu.memory_space<hbm>> -> memref<1024xf32, #tpu.memory_space<hbm>>
    %dma_wait3A_378 = tpu.memref_slice %arg5[%dma_wait3A_372, %min3A_99] : memref<5x160000xf32, #tpu.memory_space<hbm>> -> memref<1x1024xf32, #tpu.memory_space<hbm>>
    %dma_wait3A_379 = tpu.memref_squeeze %dma_wait3A_378 : memref<1x1024xf32, #tpu.memory_space<hbm>> -> memref<1024xf32, #tpu.memory_space<hbm>>
    %dma_wait3A_380 = arith.constant 0 : i32
    %dma_wait3A_381 = tpu.memref_slice %arg10[%dma_wait3A_370, %dma_wait3A_371, %dma_wait3A_380] : memref<2x5x1024xf32, #tpu.memory_space<vmem>> -> memref<1x1x1024xf32, #tpu.memory_space<vmem>>
    %dma_wait3A_382 = tpu.memref_squeeze %dma_wait3A_381 : memref<1x1x1024xf32, #tpu.memory_space<vmem>> -> memref<1024xf32, #tpu.memory_space<vmem>>
    tpu.wait_dma2 semaphore(%arg15 : memref<!tpu.dma_semaphore, #tpu.memory_space<semaphore_mem>>) src(%dma_wait3A_382 : memref<1024xf32, #tpu.memory_space<vmem>>) dst(%dma_wait3A_379 : memref<1024xf32, #tpu.memory_space<hbm>>)
    %dma_wait3A_383 = arith.constant 0 : i32
    %dma_wait3A_384 = arith.constant 2 : i32
    %dma_wait3A_385 = arith.constant 2 : i32
    %dma_wait3A_386 = arith.constant 0 : i32
    %dma_wait3A_387 = tpu.memref_slice %arg10[%dma_wait3A_383, %dma_wait3A_384, %dma_wait3A_386] : memref<2x5x1024xf32, #tpu.memory_space<vmem>> -> memref<1x1x1024xf32, #tpu.memory_space<vmem>>
    %dma_wait3A_388 = tpu.memref_squeeze %dma_wait3A_387 : memref<1x1x1024xf32, #tpu.memory_space<vmem>> -> memref<1024xf32, #tpu.memory_space<vmem>>
    %dma_wait3A_389 = tpu.memref_slice %arg5[%dma_wait3A_385, %min3A_99] : memref<5x160000xf32, #tpu.memory_space<hbm>> -> memref<1x1024xf32, #tpu.memory_space<hbm>>
    %dma_wait3A_390 = tpu.memref_squeeze %dma_wait3A_389 : memref<1x1024xf32, #tpu.memory_space<hbm>> -> memref<1024xf32, #tpu.memory_space<hbm>>
    %dma_wait3A_391 = tpu.memref_slice %arg5[%dma_wait3A_385, %min3A_99] : memref<5x160000xf32, #tpu.memory_space<hbm>> -> memref<1x1024xf32, #tpu.memory_space<hbm>>
    %dma_wait3A_392 = tpu.memref_squeeze %dma_wait3A_391 : memref<1x1024xf32, #tpu.memory_space<hbm>> -> memref<1024xf32, #tpu.memory_space<hbm>>
    %dma_wait3A_393 = arith.constant 0 : i32
    %dma_wait3A_394 = tpu.memref_slice %arg10[%dma_wait3A_383, %dma_wait3A_384, %dma_wait3A_393] : memref<2x5x1024xf32, #tpu.memory_space<vmem>> -> memref<1x1x1024xf32, #tpu.memory_space<vmem>>
    %dma_wait3A_395 = tpu.memref_squeeze %dma_wait3A_394 : memref<1x1x1024xf32, #tpu.memory_space<vmem>> -> memref<1024xf32, #tpu.memory_space<vmem>>
    tpu.wait_dma2 semaphore(%arg15 : memref<!tpu.dma_semaphore, #tpu.memory_space<semaphore_mem>>) src(%dma_wait3A_395 : memref<1024xf32, #tpu.memory_space<vmem>>) dst(%dma_wait3A_392 : memref<1024xf32, #tpu.memory_space<hbm>>)
    %dma_wait3A_396 = arith.constant 0 : i32
    %dma_wait3A_397 = arith.constant 3 : i32
    %dma_wait3A_398 = arith.constant 3 : i32
    %dma_wait3A_399 = arith.constant 0 : i32
    %dma_wait3A_400 = tpu.memref_slice %arg10[%dma_wait3A_396, %dma_wait3A_397, %dma_wait3A_399] : memref<2x5x1024xf32, #tpu.memory_space<vmem>> -> memref<1x1x1024xf32, #tpu.memory_space<vmem>>
    %dma_wait3A_401 = tpu.memref_squeeze %dma_wait3A_400 : memref<1x1x1024xf32, #tpu.memory_space<vmem>> -> memref<1024xf32, #tpu.memory_space<vmem>>
    %dma_wait3A_402 = tpu.memref_slice %arg5[%dma_wait3A_398, %min3A_99] : memref<5x160000xf32, #tpu.memory_space<hbm>> -> memref<1x1024xf32, #tpu.memory_space<hbm>>
    %dma_wait3A_403 = tpu.memref_squeeze %dma_wait3A_402 : memref<1x1024xf32, #tpu.memory_space<hbm>> -> memref<1024xf32, #tpu.memory_space<hbm>>
    %dma_wait3A_404 = tpu.memref_slice %arg5[%dma_wait3A_398, %min3A_99] : memref<5x160000xf32, #tpu.memory_space<hbm>> -> memref<1x1024xf32, #tpu.memory_space<hbm>>
    %dma_wait3A_405 = tpu.memref_squeeze %dma_wait3A_404 : memref<1x1024xf32, #tpu.memory_space<hbm>> -> memref<1024xf32, #tpu.memory_space<hbm>>
    %dma_wait3A_406 = arith.constant 0 : i32
    %dma_wait3A_407 = tpu.memref_slice %arg10[%dma_wait3A_396, %dma_wait3A_397, %dma_wait3A_406] : memref<2x5x1024xf32, #tpu.memory_space<vmem>> -> memref<1x1x1024xf32, #tpu.memory_space<vmem>>
    %dma_wait3A_408 = tpu.memref_squeeze %dma_wait3A_407 : memref<1x1x1024xf32, #tpu.memory_space<vmem>> -> memref<1024xf32, #tpu.memory_space<vmem>>
    tpu.wait_dma2 semaphore(%arg15 : memref<!tpu.dma_semaphore, #tpu.memory_space<semaphore_mem>>) src(%dma_wait3A_408 : memref<1024xf32, #tpu.memory_space<vmem>>) dst(%dma_wait3A_405 : memref<1024xf32, #tpu.memory_space<hbm>>)
    %dma_wait3A_409 = arith.constant 0 : i32
    %dma_wait3A_410 = arith.constant 4 : i32
    %dma_wait3A_411 = arith.constant 4 : i32
    %dma_wait3A_412 = arith.constant 0 : i32
    %dma_wait3A_413 = tpu.memref_slice %arg10[%dma_wait3A_409, %dma_wait3A_410, %dma_wait3A_412] : memref<2x5x1024xf32, #tpu.memory_space<vmem>> -> memref<1x1x1024xf32, #tpu.memory_space<vmem>>
    %dma_wait3A_414 = tpu.memref_squeeze %dma_wait3A_413 : memref<1x1x1024xf32, #tpu.memory_space<vmem>> -> memref<1024xf32, #tpu.memory_space<vmem>>
    %dma_wait3A_415 = tpu.memref_slice %arg5[%dma_wait3A_411, %min3A_99] : memref<5x160000xf32, #tpu.memory_space<hbm>> -> memref<1x1024xf32, #tpu.memory_space<hbm>>
    %dma_wait3A_416 = tpu.memref_squeeze %dma_wait3A_415 : memref<1x1024xf32, #tpu.memory_space<hbm>> -> memref<1024xf32, #tpu.memory_space<hbm>>
    %dma_wait3A_417 = tpu.memref_slice %arg5[%dma_wait3A_411, %min3A_99] : memref<5x160000xf32, #tpu.memory_space<hbm>> -> memref<1x1024xf32, #tpu.memory_space<hbm>>
    %dma_wait3A_418 = tpu.memref_squeeze %dma_wait3A_417 : memref<1x1024xf32, #tpu.memory_space<hbm>> -> memref<1024xf32, #tpu.memory_space<hbm>>
    %dma_wait3A_419 = arith.constant 0 : i32
    %dma_wait3A_420 = tpu.memref_slice %arg10[%dma_wait3A_409, %dma_wait3A_410, %dma_wait3A_419] : memref<2x5x1024xf32, #tpu.memory_space<vmem>> -> memref<1x1x1024xf32, #tpu.memory_space<vmem>>
    %dma_wait3A_421 = tpu.memref_squeeze %dma_wait3A_420 : memref<1x1x1024xf32, #tpu.memory_space<vmem>> -> memref<1024xf32, #tpu.memory_space<vmem>>
    tpu.wait_dma2 semaphore(%arg15 : memref<!tpu.dma_semaphore, #tpu.memory_space<semaphore_mem>>) src(%dma_wait3A_421 : memref<1024xf32, #tpu.memory_space<vmem>>) dst(%dma_wait3A_418 : memref<1024xf32, #tpu.memory_space<hbm>>)
    %scan3A_422 = arith.constant 0 : i32
    %scan3A_423 = arith.constant 64 : i32
    %scan3A_424 = arith.addi %scan3A_422, %scan3A_423 : i32
    %scan3A_425 = arith.constant 1 : i32
    scf.for %scan3A_992 = %scan3A_422 to %scan3A_424 step %scan3A_425  : i32 {
      %mul3A_993 = arith.constant 16 : i32
      %mul3A_994 = arith.muli %scan3A_992, %mul3A_993 : i32
      %add3A_995 = vector.broadcast %mul3A_994 : i32 to vector<16xi32>
      %add3A_996 = arith.addi %iota3A, %add3A_995 : vector<16xi32>
      %add3A_997 = arith.constant 0 : i32
      %add3A_998 = vector.broadcast %add3A_997 : i32 to vector<16xi32>
      %add3A_999 = arith.addi %broadcast_in_dim3A_1, %add3A_998 : vector<16xi32>
      %add3A_1000 = arith.constant 0 : i32
      %add3A_1001 = vector.broadcast %add3A_1000 : i32 to vector<16xi32>
      %add3A_1002 = arith.addi %broadcast_in_dim3A_1, %add3A_1001 : vector<16xi32>
      %gather3A = tpu.vector_load_idx %arg8[%add3A_999, %add3A_996, %add3A_1002] : memref<2x1024x16xf32, #tpu.memory_space<vmem>>[vector<16xi32>, vector<16xi32>, vector<16xi32>], vector<16xf32>,
      %add3A_1003 = arith.constant 0 : i32
      %add3A_1004 = vector.broadcast %add3A_1003 : i32 to vector<16xi32>
      %add3A_1005 = arith.addi %broadcast_in_dim3A_1, %add3A_1004 : vector<16xi32>
      %add3A_1006 = arith.constant 1 : i32
      %add3A_1007 = vector.broadcast %add3A_1006 : i32 to vector<16xi32>
      %add3A_1008 = arith.addi %broadcast_in_dim3A_1, %add3A_1007 : vector<16xi32>
      %gather3A_1009 = tpu.vector_load_idx %arg8[%add3A_1005, %add3A_996, %add3A_1008] : memref<2x1024x16xf32, #tpu.memory_space<vmem>>[vector<16xi32>, vector<16xi32>, vector<16xi32>], vector<16xf32>,
      %add3A_1010 = arith.constant 0 : i32
      %add3A_1011 = vector.broadcast %add3A_1010 : i32 to vector<16xi32>
      %add3A_1012 = arith.addi %broadcast_in_dim3A_1, %add3A_1011 : vector<16xi32>
      %add3A_1013 = arith.constant 2 : i32
      %add3A_1014 = vector.broadcast %add3A_1013 : i32 to vector<16xi32>
      %add3A_1015 = arith.addi %broadcast_in_dim3A_1, %add3A_1014 : vector<16xi32>
      %gather3A_1016 = tpu.vector_load_idx %arg8[%add3A_1012, %add3A_996, %add3A_1015] : memref<2x1024x16xf32, #tpu.memory_space<vmem>>[vector<16xi32>, vector<16xi32>, vector<16xi32>], vector<16xf32>,
      %add3A_1017 = arith.constant 0 : i32
      %add3A_1018 = vector.broadcast %add3A_1017 : i32 to vector<16xi32>
      %add3A_1019 = arith.addi %broadcast_in_dim3A_1, %add3A_1018 : vector<16xi32>
      %add3A_1020 = arith.constant 0 : i32
      %add3A_1021 = vector.broadcast %add3A_1020 : i32 to vector<16xi32>
      %add3A_1022 = arith.addi %broadcast_in_dim3A_1, %add3A_1021 : vector<16xi32>
      %gather3A_1023 = tpu.vector_load_idx %arg9[%add3A_1019, %add3A_996, %add3A_1022] : memref<2x1024x16xf32, #tpu.memory_space<vmem>>[vector<16xi32>, vector<16xi32>, vector<16xi32>], vector<16xf32>,
      %add3A_1024 = arith.constant 0 : i32
      %add3A_1025 = vector.broadcast %add3A_1024 : i32 to vector<16xi32>
      %add3A_1026 = arith.addi %broadcast_in_dim3A_1, %add3A_1025 : vector<16xi32>
      %add3A_1027 = arith.constant 1 : i32
      %add3A_1028 = vector.broadcast %add3A_1027 : i32 to vector<16xi32>
      %add3A_1029 = arith.addi %broadcast_in_dim3A_1, %add3A_1028 : vector<16xi32>
      %gather3A_1030 = tpu.vector_load_idx %arg9[%add3A_1026, %add3A_996, %add3A_1029] : memref<2x1024x16xf32, #tpu.memory_space<vmem>>[vector<16xi32>, vector<16xi32>, vector<16xi32>], vector<16xf32>,
      %add3A_1031 = arith.constant 0 : i32
      %add3A_1032 = vector.broadcast %add3A_1031 : i32 to vector<16xi32>
      %add3A_1033 = arith.addi %broadcast_in_dim3A_1, %add3A_1032 : vector<16xi32>
      %add3A_1034 = arith.constant 2 : i32
      %add3A_1035 = vector.broadcast %add3A_1034 : i32 to vector<16xi32>
      %add3A_1036 = arith.addi %broadcast_in_dim3A_1, %add3A_1035 : vector<16xi32>
      %gather3A_1037 = tpu.vector_load_idx %arg9[%add3A_1033, %add3A_996, %add3A_1036] : memref<2x1024x16xf32, #tpu.memory_space<vmem>>[vector<16xi32>, vector<16xi32>, vector<16xi32>], vector<16xf32>,
      %sub3A = arith.subf %gather3A, %gather3A_1023 : vector<16xf32>
      %sub3A_1038 = arith.subf %gather3A_1009, %gather3A_1030 : vector<16xf32>
      %sub3A_1039 = arith.subf %gather3A_1016, %gather3A_1037 : vector<16xf32>
      %mul3A_1040 = arith.mulf %sub3A, %sub3A : vector<16xf32>
      %mul3A_1041 = arith.mulf %sub3A_1038, %sub3A_1038 : vector<16xf32>
      %add3A_1042 = arith.addf %mul3A_1040, %mul3A_1041 : vector<16xf32>
      %mul3A_1043 = arith.mulf %sub3A_1039, %sub3A_1039 : vector<16xf32>
      %add3A_1044 = arith.addf %add3A_1042, %mul3A_1043 : vector<16xf32>
      %mul3A_1045 = arith.constant 16 : i32
      %mul3A_1046 = arith.muli %scan3A_992, %mul3A_1045 : i32
      %swap3A = arith.constant 0 : i32
      %swap3A_1047 = arith.constant 0 : i32
      %swap3A_1048 = arith.index_cast %swap3A : i32 to index
      %swap3A_1049 = arith.index_cast %swap3A_1047 : i32 to index
      %swap3A_1050 = arith.index_cast %mul3A_1046 : i32 to index
      %swap3A_1051 = tpu.vector_load %arg10[%swap3A_1048, %swap3A_1049, %swap3A_1050] {strides = array<i32>} : memref<2x5x1024xf32, #tpu.memory_space<vmem>>, vector<16xf32>,
      tpu.vector_store %arg10[%swap3A_1048, %swap3A_1049, %swap3A_1050], %add3A_1044 {strides = array<i32>} : memref<2x5x1024xf32, #tpu.memory_space<vmem>>, vector<16xf32>,
      %add3A_1052 = arith.constant 0 : i32
      %add3A_1053 = vector.broadcast %add3A_1052 : i32 to vector<16xi32>
      %add3A_1054 = arith.addi %broadcast_in_dim3A_1, %add3A_1053 : vector<16xi32>
      %add3A_1055 = arith.constant 3 : i32
      %add3A_1056 = vector.broadcast %add3A_1055 : i32 to vector<16xi32>
      %add3A_1057 = arith.addi %broadcast_in_dim3A_1, %add3A_1056 : vector<16xi32>
      %gather3A_1058 = tpu.vector_load_idx %arg9[%add3A_1054, %add3A_996, %add3A_1057] : memref<2x1024x16xf32, #tpu.memory_space<vmem>>[vector<16xi32>, vector<16xi32>, vector<16xi32>], vector<16xf32>,
      %add3A_1059 = arith.constant 0 : i32
      %add3A_1060 = vector.broadcast %add3A_1059 : i32 to vector<16xi32>
      %add3A_1061 = arith.addi %broadcast_in_dim3A_1, %add3A_1060 : vector<16xi32>
      %add3A_1062 = arith.constant 4 : i32
      %add3A_1063 = vector.broadcast %add3A_1062 : i32 to vector<16xi32>
      %add3A_1064 = arith.addi %broadcast_in_dim3A_1, %add3A_1063 : vector<16xi32>
      %gather3A_1065 = tpu.vector_load_idx %arg9[%add3A_1061, %add3A_996, %add3A_1064] : memref<2x1024x16xf32, #tpu.memory_space<vmem>>[vector<16xi32>, vector<16xi32>, vector<16xi32>], vector<16xf32>,
      %add3A_1066 = arith.constant 0 : i32
      %add3A_1067 = vector.broadcast %add3A_1066 : i32 to vector<16xi32>
      %add3A_1068 = arith.addi %broadcast_in_dim3A_1, %add3A_1067 : vector<16xi32>
      %add3A_1069 = arith.constant 5 : i32
      %add3A_1070 = vector.broadcast %add3A_1069 : i32 to vector<16xi32>
      %add3A_1071 = arith.addi %broadcast_in_dim3A_1, %add3A_1070 : vector<16xi32>
      %gather3A_1072 = tpu.vector_load_idx %arg9[%add3A_1068, %add3A_996, %add3A_1071] : memref<2x1024x16xf32, #tpu.memory_space<vmem>>[vector<16xi32>, vector<16xi32>, vector<16xi32>], vector<16xf32>,
      %sub3A_1073 = arith.subf %gather3A, %gather3A_1058 : vector<16xf32>
      %sub3A_1074 = arith.subf %gather3A_1009, %gather3A_1065 : vector<16xf32>
      %sub3A_1075 = arith.subf %gather3A_1016, %gather3A_1072 : vector<16xf32>
      %mul3A_1076 = arith.mulf %sub3A_1073, %sub3A_1073 : vector<16xf32>
      %mul3A_1077 = arith.mulf %sub3A_1074, %sub3A_1074 : vector<16xf32>
      %add3A_1078 = arith.addf %mul3A_1076, %mul3A_1077 : vector<16xf32>
      %mul3A_1079 = arith.mulf %sub3A_1075, %sub3A_1075 : vector<16xf32>
      %add3A_1080 = arith.addf %add3A_1078, %mul3A_1079 : vector<16xf32>
      %mul3A_1081 = arith.constant 16 : i32
      %mul3A_1082 = arith.muli %scan3A_992, %mul3A_1081 : i32
      %swap3A_1083 = arith.constant 0 : i32
      %swap3A_1084 = arith.constant 1 : i32
      %swap3A_1085 = arith.index_cast %swap3A_1083 : i32 to index
      %swap3A_1086 = arith.index_cast %swap3A_1084 : i32 to index
      %swap3A_1087 = arith.index_cast %mul3A_1082 : i32 to index
      %swap3A_1088 = tpu.vector_load %arg10[%swap3A_1085, %swap3A_1086, %swap3A_1087] {strides = array<i32>} : memref<2x5x1024xf32, #tpu.memory_space<vmem>>, vector<16xf32>,
      tpu.vector_store %arg10[%swap3A_1085, %swap3A_1086, %swap3A_1087], %add3A_1080 {strides = array<i32>} : memref<2x5x1024xf32, #tpu.memory_space<vmem>>, vector<16xf32>,
      %add3A_1089 = arith.constant 0 : i32
      %add3A_1090 = vector.broadcast %add3A_1089 : i32 to vector<16xi32>
      %add3A_1091 = arith.addi %broadcast_in_dim3A_1, %add3A_1090 : vector<16xi32>
      %add3A_1092 = arith.constant 6 : i32
      %add3A_1093 = vector.broadcast %add3A_1092 : i32 to vector<16xi32>
      %add3A_1094 = arith.addi %broadcast_in_dim3A_1, %add3A_1093 : vector<16xi32>
      %gather3A_1095 = tpu.vector_load_idx %arg9[%add3A_1091, %add3A_996, %add3A_1094] : memref<2x1024x16xf32, #tpu.memory_space<vmem>>[vector<16xi32>, vector<16xi32>, vector<16xi32>], vector<16xf32>,
      %add3A_1096 = arith.constant 0 : i32
      %add3A_1097 = vector.broadcast %add3A_1096 : i32 to vector<16xi32>
      %add3A_1098 = arith.addi %broadcast_in_dim3A_1, %add3A_1097 : vector<16xi32>
      %add3A_1099 = arith.constant 7 : i32
      %add3A_1100 = vector.broadcast %add3A_1099 : i32 to vector<16xi32>
      %add3A_1101 = arith.addi %broadcast_in_dim3A_1, %add3A_1100 : vector<16xi32>
      %gather3A_1102 = tpu.vector_load_idx %arg9[%add3A_1098, %add3A_996, %add3A_1101] : memref<2x1024x16xf32, #tpu.memory_space<vmem>>[vector<16xi32>, vector<16xi32>, vector<16xi32>], vector<16xf32>,
      %add3A_1103 = arith.constant 0 : i32
      %add3A_1104 = vector.broadcast %add3A_1103 : i32 to vector<16xi32>
      %add3A_1105 = arith.addi %broadcast_in_dim3A_1, %add3A_1104 : vector<16xi32>
      %add3A_1106 = arith.constant 8 : i32
      %add3A_1107 = vector.broadcast %add3A_1106 : i32 to vector<16xi32>
      %add3A_1108 = arith.addi %broadcast_in_dim3A_1, %add3A_1107 : vector<16xi32>
      %gather3A_1109 = tpu.vector_load_idx %arg9[%add3A_1105, %add3A_996, %add3A_1108] : memref<2x1024x16xf32, #tpu.memory_space<vmem>>[vector<16xi32>, vector<16xi32>, vector<16xi32>], vector<16xf32>,
      %sub3A_1110 = arith.subf %gather3A, %gather3A_1095 : vector<16xf32>
      %sub3A_1111 = arith.subf %gather3A_1009, %gather3A_1102 : vector<16xf32>
      %sub3A_1112 = arith.subf %gather3A_1016, %gather3A_1109 : vector<16xf32>
      %mul3A_1113 = arith.mulf %sub3A_1110, %sub3A_1110 : vector<16xf32>
      %mul3A_1114 = arith.mulf %sub3A_1111, %sub3A_1111 : vector<16xf32>
      %add3A_1115 = arith.addf %mul3A_1113, %mul3A_1114 : vector<16xf32>
      %mul3A_1116 = arith.mulf %sub3A_1112, %sub3A_1112 : vector<16xf32>
      %add3A_1117 = arith.addf %add3A_1115, %mul3A_1116 : vector<16xf32>
      %mul3A_1118 = arith.constant 16 : i32
      %mul3A_1119 = arith.muli %scan3A_992, %mul3A_1118 : i32
      %swap3A_1120 = arith.constant 0 : i32
      %swap3A_1121 = arith.constant 2 : i32
      %swap3A_1122 = arith.index_cast %swap3A_1120 : i32 to index
      %swap3A_1123 = arith.index_cast %swap3A_1121 : i32 to index
      %swap3A_1124 = arith.index_cast %mul3A_1119 : i32 to index
      %swap3A_1125 = tpu.vector_load %arg10[%swap3A_1122, %swap3A_1123, %swap3A_1124] {strides = array<i32>} : memref<2x5x1024xf32, #tpu.memory_space<vmem>>, vector<16xf32>,
      tpu.vector_store %arg10[%swap3A_1122, %swap3A_1123, %swap3A_1124], %add3A_1117 {strides = array<i32>} : memref<2x5x1024xf32, #tpu.memory_space<vmem>>, vector<16xf32>,
      %add3A_1126 = arith.constant 0 : i32
      %add3A_1127 = vector.broadcast %add3A_1126 : i32 to vector<16xi32>
      %add3A_1128 = arith.addi %broadcast_in_dim3A_1, %add3A_1127 : vector<16xi32>
      %add3A_1129 = arith.constant 9 : i32
      %add3A_1130 = vector.broadcast %add3A_1129 : i32 to vector<16xi32>
      %add3A_1131 = arith.addi %broadcast_in_dim3A_1, %add3A_1130 : vector<16xi32>
      %gather3A_1132 = tpu.vector_load_idx %arg9[%add3A_1128, %add3A_996, %add3A_1131] : memref<2x1024x16xf32, #tpu.memory_space<vmem>>[vector<16xi32>, vector<16xi32>, vector<16xi32>], vector<16xf32>,
      %add3A_1133 = arith.constant 0 : i32
      %add3A_1134 = vector.broadcast %add3A_1133 : i32 to vector<16xi32>
      %add3A_1135 = arith.addi %broadcast_in_dim3A_1, %add3A_1134 : vector<16xi32>
      %add3A_1136 = arith.constant 10 : i32
      %add3A_1137 = vector.broadcast %add3A_1136 : i32 to vector<16xi32>
      %add3A_1138 = arith.addi %broadcast_in_dim3A_1, %add3A_1137 : vector<16xi32>
      %gather3A_1139 = tpu.vector_load_idx %arg9[%add3A_1135, %add3A_996, %add3A_1138] : memref<2x1024x16xf32, #tpu.memory_space<vmem>>[vector<16xi32>, vector<16xi32>, vector<16xi32>], vector<16xf32>,
      %add3A_1140 = arith.constant 0 : i32
      %add3A_1141 = vector.broadcast %add3A_1140 : i32 to vector<16xi32>
      %add3A_1142 = arith.addi %broadcast_in_dim3A_1, %add3A_1141 : vector<16xi32>
      %add3A_1143 = arith.constant 11 : i32
      %add3A_1144 = vector.broadcast %add3A_1143 : i32 to vector<16xi32>
      %add3A_1145 = arith.addi %broadcast_in_dim3A_1, %add3A_1144 : vector<16xi32>
      %gather3A_1146 = tpu.vector_load_idx %arg9[%add3A_1142, %add3A_996, %add3A_1145] : memref<2x1024x16xf32, #tpu.memory_space<vmem>>[vector<16xi32>, vector<16xi32>, vector<16xi32>], vector<16xf32>,
      %sub3A_1147 = arith.subf %gather3A, %gather3A_1132 : vector<16xf32>
      %sub3A_1148 = arith.subf %gather3A_1009, %gather3A_1139 : vector<16xf32>
      %sub3A_1149 = arith.subf %gather3A_1016, %gather3A_1146 : vector<16xf32>
      %mul3A_1150 = arith.mulf %sub3A_1147, %sub3A_1147 : vector<16xf32>
      %mul3A_1151 = arith.mulf %sub3A_1148, %sub3A_1148 : vector<16xf32>
      %add3A_1152 = arith.addf %mul3A_1150, %mul3A_1151 : vector<16xf32>
      %mul3A_1153 = arith.mulf %sub3A_1149, %sub3A_1149 : vector<16xf32>
      %add3A_1154 = arith.addf %add3A_1152, %mul3A_1153 : vector<16xf32>
      %mul3A_1155 = arith.constant 16 : i32
      %mul3A_1156 = arith.muli %scan3A_992, %mul3A_1155 : i32
      %swap3A_1157 = arith.constant 0 : i32
      %swap3A_1158 = arith.constant 3 : i32
      %swap3A_1159 = arith.index_cast %swap3A_1157 : i32 to index
      %swap3A_1160 = arith.index_cast %swap3A_1158 : i32 to index
      %swap3A_1161 = arith.index_cast %mul3A_1156 : i32 to index
      %swap3A_1162 = tpu.vector_load %arg10[%swap3A_1159, %swap3A_1160, %swap3A_1161] {strides = array<i32>} : memref<2x5x1024xf32, #tpu.memory_space<vmem>>, vector<16xf32>,
      tpu.vector_store %arg10[%swap3A_1159, %swap3A_1160, %swap3A_1161], %add3A_1154 {strides = array<i32>} : memref<2x5x1024xf32, #tpu.memory_space<vmem>>, vector<16xf32>,
      %add3A_1163 = arith.constant 0 : i32
      %add3A_1164 = vector.broadcast %add3A_1163 : i32 to vector<16xi32>
      %add3A_1165 = arith.addi %broadcast_in_dim3A_1, %add3A_1164 : vector<16xi32>
      %add3A_1166 = arith.constant 12 : i32
      %add3A_1167 = vector.broadcast %add3A_1166 : i32 to vector<16xi32>
      %add3A_1168 = arith.addi %broadcast_in_dim3A_1, %add3A_1167 : vector<16xi32>
      %gather3A_1169 = tpu.vector_load_idx %arg9[%add3A_1165, %add3A_996, %add3A_1168] : memref<2x1024x16xf32, #tpu.memory_space<vmem>>[vector<16xi32>, vector<16xi32>, vector<16xi32>], vector<16xf32>,
      %add3A_1170 = arith.constant 0 : i32
      %add3A_1171 = vector.broadcast %add3A_1170 : i32 to vector<16xi32>
      %add3A_1172 = arith.addi %broadcast_in_dim3A_1, %add3A_1171 : vector<16xi32>
      %add3A_1173 = arith.constant 13 : i32
      %add3A_1174 = vector.broadcast %add3A_1173 : i32 to vector<16xi32>
      %add3A_1175 = arith.addi %broadcast_in_dim3A_1, %add3A_1174 : vector<16xi32>
      %gather3A_1176 = tpu.vector_load_idx %arg9[%add3A_1172, %add3A_996, %add3A_1175] : memref<2x1024x16xf32, #tpu.memory_space<vmem>>[vector<16xi32>, vector<16xi32>, vector<16xi32>], vector<16xf32>,
      %add3A_1177 = arith.constant 0 : i32
      %add3A_1178 = vector.broadcast %add3A_1177 : i32 to vector<16xi32>
      %add3A_1179 = arith.addi %broadcast_in_dim3A_1, %add3A_1178 : vector<16xi32>
      %add3A_1180 = arith.constant 14 : i32
      %add3A_1181 = vector.broadcast %add3A_1180 : i32 to vector<16xi32>
      %add3A_1182 = arith.addi %broadcast_in_dim3A_1, %add3A_1181 : vector<16xi32>
      %gather3A_1183 = tpu.vector_load_idx %arg9[%add3A_1179, %add3A_996, %add3A_1182] : memref<2x1024x16xf32, #tpu.memory_space<vmem>>[vector<16xi32>, vector<16xi32>, vector<16xi32>], vector<16xf32>,
      %sub3A_1184 = arith.subf %gather3A, %gather3A_1169 : vector<16xf32>
      %sub3A_1185 = arith.subf %gather3A_1009, %gather3A_1176 : vector<16xf32>
      %sub3A_1186 = arith.subf %gather3A_1016, %gather3A_1183 : vector<16xf32>
      %mul3A_1187 = arith.mulf %sub3A_1184, %sub3A_1184 : vector<16xf32>
      %mul3A_1188 = arith.mulf %sub3A_1185, %sub3A_1185 : vector<16xf32>
      %add3A_1189 = arith.addf %mul3A_1187, %mul3A_1188 : vector<16xf32>
      %mul3A_1190 = arith.mulf %sub3A_1186, %sub3A_1186 : vector<16xf32>
      %add3A_1191 = arith.addf %add3A_1189, %mul3A_1190 : vector<16xf32>
      %mul3A_1192 = arith.constant 16 : i32
      %mul3A_1193 = arith.muli %scan3A_992, %mul3A_1192 : i32
      %swap3A_1194 = arith.constant 0 : i32
      %swap3A_1195 = arith.constant 4 : i32
      %swap3A_1196 = arith.index_cast %swap3A_1194 : i32 to index
      %swap3A_1197 = arith.index_cast %swap3A_1195 : i32 to index
      %swap3A_1198 = arith.index_cast %mul3A_1193 : i32 to index
      %swap3A_1199 = tpu.vector_load %arg10[%swap3A_1196, %swap3A_1197, %swap3A_1198] {strides = array<i32>} : memref<2x5x1024xf32, #tpu.memory_space<vmem>>, vector<16xf32>,
      tpu.vector_store %arg10[%swap3A_1196, %swap3A_1197, %swap3A_1198], %add3A_1191 {strides = array<i32>} : memref<2x5x1024xf32, #tpu.memory_space<vmem>>, vector<16xf32>,
    }
    %scan3A_426 = arith.constant 64 : i32
    %mul3A_427 = arith.constant 5120 : i32
    %mul3A_428 = arith.muli %add3A, %mul3A_427 : i32
    %add3A_429 = arith.constant 2048 : i32
    %add3A_430 = arith.addi %mul3A_428, %add3A_429 : i32
    %min3A_431 = arith.constant 158976 : i32
    %min3A_432 = arith.minsi %add3A_430, %min3A_431 : i32
    %dma_start3A_433 = arith.constant 0 : i32
    %dma_start3A_434 = arith.constant 0 : i32
    %dma_start3A_435 = arith.constant 0 : i32
    %dma_start3A_436 = arith.constant 0 : i32
    %dma_start3A_437 = tpu.memref_slice %arg10[%dma_start3A_433, %dma_start3A_434, %dma_start3A_436] : memref<2x5x1024xf32, #tpu.memory_space<vmem>> -> memref<1x1x1024xf32, #tpu.memory_space<vmem>>
    %dma_start3A_438 = tpu.memref_squeeze %dma_start3A_437 : memref<1x1x1024xf32, #tpu.memory_space<vmem>> -> memref<1024xf32, #tpu.memory_space<vmem>>
    %dma_start3A_439 = tpu.memref_slice %arg5[%dma_start3A_435, %min3A_432] : memref<5x160000xf32, #tpu.memory_space<hbm>> -> memref<1x1024xf32, #tpu.memory_space<hbm>>
    %dma_start3A_440 = tpu.memref_squeeze %dma_start3A_439 : memref<1x1024xf32, #tpu.memory_space<hbm>> -> memref<1024xf32, #tpu.memory_space<hbm>>
    %dma_start3A_441 = tpu.memref_slice %arg5[%dma_start3A_435, %min3A_432] : memref<5x160000xf32, #tpu.memory_space<hbm>> -> memref<1x1024xf32, #tpu.memory_space<hbm>>
    %dma_start3A_442 = tpu.memref_squeeze %dma_start3A_441 : memref<1x1024xf32, #tpu.memory_space<hbm>> -> memref<1024xf32, #tpu.memory_space<hbm>>
    %dma_start3A_443 = arith.constant 0 : i32
    %dma_start3A_444 = tpu.memref_slice %arg10[%dma_start3A_433, %dma_start3A_434, %dma_start3A_443] : memref<2x5x1024xf32, #tpu.memory_space<vmem>> -> memref<1x1x1024xf32, #tpu.memory_space<vmem>>
    %dma_start3A_445 = tpu.memref_squeeze %dma_start3A_444 : memref<1x1x1024xf32, #tpu.memory_space<vmem>> -> memref<1024xf32, #tpu.memory_space<vmem>>
    tpu.enqueue_dma source(%dma_start3A_445 : memref<1024xf32, #tpu.memory_space<vmem>>) target(%dma_start3A_442 : memref<1024xf32, #tpu.memory_space<hbm>>) target_semaphore(%arg15 : memref<!tpu.dma_semaphore, #tpu.memory_space<semaphore_mem>>)
    %dma_start3A_446 = arith.constant 0 : i32
    %dma_start3A_447 = arith.constant 1 : i32
    %dma_start3A_448 = arith.constant 1 : i32
    %dma_start3A_449 = arith.constant 0 : i32
    %dma_start3A_450 = tpu.memref_slice %arg10[%dma_start3A_446, %dma_start3A_447, %dma_start3A_449] : memref<2x5x1024xf32, #tpu.memory_space<vmem>> -> memref<1x1x1024xf32, #tpu.memory_space<vmem>>
    %dma_start3A_451 = tpu.memref_squeeze %dma_start3A_450 : memref<1x1x1024xf32, #tpu.memory_space<vmem>> -> memref<1024xf32, #tpu.memory_space<vmem>>
    %dma_start3A_452 = tpu.memref_slice %arg5[%dma_start3A_448, %min3A_432] : memref<5x160000xf32, #tpu.memory_space<hbm>> -> memref<1x1024xf32, #tpu.memory_space<hbm>>
    %dma_start3A_453 = tpu.memref_squeeze %dma_start3A_452 : memref<1x1024xf32, #tpu.memory_space<hbm>> -> memref<1024xf32, #tpu.memory_space<hbm>>
    %dma_start3A_454 = tpu.memref_slice %arg5[%dma_start3A_448, %min3A_432] : memref<5x160000xf32, #tpu.memory_space<hbm>> -> memref<1x1024xf32, #tpu.memory_space<hbm>>
    %dma_start3A_455 = tpu.memref_squeeze %dma_start3A_454 : memref<1x1024xf32, #tpu.memory_space<hbm>> -> memref<1024xf32, #tpu.memory_space<hbm>>
    %dma_start3A_456 = arith.constant 0 : i32
    %dma_start3A_457 = tpu.memref_slice %arg10[%dma_start3A_446, %dma_start3A_447, %dma_start3A_456] : memref<2x5x1024xf32, #tpu.memory_space<vmem>> -> memref<1x1x1024xf32, #tpu.memory_space<vmem>>
    %dma_start3A_458 = tpu.memref_squeeze %dma_start3A_457 : memref<1x1x1024xf32, #tpu.memory_space<vmem>> -> memref<1024xf32, #tpu.memory_space<vmem>>
    tpu.enqueue_dma source(%dma_start3A_458 : memref<1024xf32, #tpu.memory_space<vmem>>) target(%dma_start3A_455 : memref<1024xf32, #tpu.memory_space<hbm>>) target_semaphore(%arg15 : memref<!tpu.dma_semaphore, #tpu.memory_space<semaphore_mem>>)
    %dma_start3A_459 = arith.constant 0 : i32
    %dma_start3A_460 = arith.constant 2 : i32
    %dma_start3A_461 = arith.constant 2 : i32
    %dma_start3A_462 = arith.constant 0 : i32
    %dma_start3A_463 = tpu.memref_slice %arg10[%dma_start3A_459, %dma_start3A_460, %dma_start3A_462] : memref<2x5x1024xf32, #tpu.memory_space<vmem>> -> memref<1x1x1024xf32, #tpu.memory_space<vmem>>
    %dma_start3A_464 = tpu.memref_squeeze %dma_start3A_463 : memref<1x1x1024xf32, #tpu.memory_space<vmem>> -> memref<1024xf32, #tpu.memory_space<vmem>>
    %dma_start3A_465 = tpu.memref_slice %arg5[%dma_start3A_461, %min3A_432] : memref<5x160000xf32, #tpu.memory_space<hbm>> -> memref<1x1024xf32, #tpu.memory_space<hbm>>
    %dma_start3A_466 = tpu.memref_squeeze %dma_start3A_465 : memref<1x1024xf32, #tpu.memory_space<hbm>> -> memref<1024xf32, #tpu.memory_space<hbm>>
    %dma_start3A_467 = tpu.memref_slice %arg5[%dma_start3A_461, %min3A_432] : memref<5x160000xf32, #tpu.memory_space<hbm>> -> memref<1x1024xf32, #tpu.memory_space<hbm>>
    %dma_start3A_468 = tpu.memref_squeeze %dma_start3A_467 : memref<1x1024xf32, #tpu.memory_space<hbm>> -> memref<1024xf32, #tpu.memory_space<hbm>>
    %dma_start3A_469 = arith.constant 0 : i32
    %dma_start3A_470 = tpu.memref_slice %arg10[%dma_start3A_459, %dma_start3A_460, %dma_start3A_469] : memref<2x5x1024xf32, #tpu.memory_space<vmem>> -> memref<1x1x1024xf32, #tpu.memory_space<vmem>>
    %dma_start3A_471 = tpu.memref_squeeze %dma_start3A_470 : memref<1x1x1024xf32, #tpu.memory_space<vmem>> -> memref<1024xf32, #tpu.memory_space<vmem>>
    tpu.enqueue_dma source(%dma_start3A_471 : memref<1024xf32, #tpu.memory_space<vmem>>) target(%dma_start3A_468 : memref<1024xf32, #tpu.memory_space<hbm>>) target_semaphore(%arg15 : memref<!tpu.dma_semaphore, #tpu.memory_space<semaphore_mem>>)
    %dma_start3A_472 = arith.constant 0 : i32
    %dma_start3A_473 = arith.constant 3 : i32
    %dma_start3A_474 = arith.constant 3 : i32
    %dma_start3A_475 = arith.constant 0 : i32
    %dma_start3A_476 = tpu.memref_slice %arg10[%dma_start3A_472, %dma_start3A_473, %dma_start3A_475] : memref<2x5x1024xf32, #tpu.memory_space<vmem>> -> memref<1x1x1024xf32, #tpu.memory_space<vmem>>
    %dma_start3A_477 = tpu.memref_squeeze %dma_start3A_476 : memref<1x1x1024xf32, #tpu.memory_space<vmem>> -> memref<1024xf32, #tpu.memory_space<vmem>>
    %dma_start3A_478 = tpu.memref_slice %arg5[%dma_start3A_474, %min3A_432] : memref<5x160000xf32, #tpu.memory_space<hbm>> -> memref<1x1024xf32, #tpu.memory_space<hbm>>
    %dma_start3A_479 = tpu.memref_squeeze %dma_start3A_478 : memref<1x1024xf32, #tpu.memory_space<hbm>> -> memref<1024xf32, #tpu.memory_space<hbm>>
    %dma_start3A_480 = tpu.memref_slice %arg5[%dma_start3A_474, %min3A_432] : memref<5x160000xf32, #tpu.memory_space<hbm>> -> memref<1x1024xf32, #tpu.memory_space<hbm>>
    %dma_start3A_481 = tpu.memref_squeeze %dma_start3A_480 : memref<1x1024xf32, #tpu.memory_space<hbm>> -> memref<1024xf32, #tpu.memory_space<hbm>>
    %dma_start3A_482 = arith.constant 0 : i32
    %dma_start3A_483 = tpu.memref_slice %arg10[%dma_start3A_472, %dma_start3A_473, %dma_start3A_482] : memref<2x5x1024xf32, #tpu.memory_space<vmem>> -> memref<1x1x1024xf32, #tpu.memory_space<vmem>>
    %dma_start3A_484 = tpu.memref_squeeze %dma_start3A_483 : memref<1x1x1024xf32, #tpu.memory_space<vmem>> -> memref<1024xf32, #tpu.memory_space<vmem>>
    tpu.enqueue_dma source(%dma_start3A_484 : memref<1024xf32, #tpu.memory_space<vmem>>) target(%dma_start3A_481 : memref<1024xf32, #tpu.memory_space<hbm>>) target_semaphore(%arg15 : memref<!tpu.dma_semaphore, #tpu.memory_space<semaphore_mem>>)
    %dma_start3A_485 = arith.constant 0 : i32
    %dma_start3A_486 = arith.constant 4 : i32
    %dma_start3A_487 = arith.constant 4 : i32
    %dma_start3A_488 = arith.constant 0 : i32
    %dma_start3A_489 = tpu.memref_slice %arg10[%dma_start3A_485, %dma_start3A_486, %dma_start3A_488] : memref<2x5x1024xf32, #tpu.memory_space<vmem>> -> memref<1x1x1024xf32, #tpu.memory_space<vmem>>
    %dma_start3A_490 = tpu.memref_squeeze %dma_start3A_489 : memref<1x1x1024xf32, #tpu.memory_space<vmem>> -> memref<1024xf32, #tpu.memory_space<vmem>>
    %dma_start3A_491 = tpu.memref_slice %arg5[%dma_start3A_487, %min3A_432] : memref<5x160000xf32, #tpu.memory_space<hbm>> -> memref<1x1024xf32, #tpu.memory_space<hbm>>
    %dma_start3A_492 = tpu.memref_squeeze %dma_start3A_491 : memref<1x1024xf32, #tpu.memory_space<hbm>> -> memref<1024xf32, #tpu.memory_space<hbm>>
    %dma_start3A_493 = tpu.memref_slice %arg5[%dma_start3A_487, %min3A_432] : memref<5x160000xf32, #tpu.memory_space<hbm>> -> memref<1x1024xf32, #tpu.memory_space<hbm>>
    %dma_start3A_494 = tpu.memref_squeeze %dma_start3A_493 : memref<1x1024xf32, #tpu.memory_space<hbm>> -> memref<1024xf32, #tpu.memory_space<hbm>>
    %dma_start3A_495 = arith.constant 0 : i32
    %dma_start3A_496 = tpu.memref_slice %arg10[%dma_start3A_485, %dma_start3A_486, %dma_start3A_495] : memref<2x5x1024xf32, #tpu.memory_space<vmem>> -> memref<1x1x1024xf32, #tpu.memory_space<vmem>>
    %dma_start3A_497 = tpu.memref_squeeze %dma_start3A_496 : memref<1x1x1024xf32, #tpu.memory_space<vmem>> -> memref<1024xf32, #tpu.memory_space<vmem>>
    tpu.enqueue_dma source(%dma_start3A_497 : memref<1024xf32, #tpu.memory_space<vmem>>) target(%dma_start3A_494 : memref<1024xf32, #tpu.memory_space<hbm>>) target_semaphore(%arg15 : memref<!tpu.dma_semaphore, #tpu.memory_space<semaphore_mem>>)
    %mul3A_498 = arith.constant 5120 : i32
    %mul3A_499 = arith.muli %add3A, %mul3A_498 : i32
    %add3A_500 = arith.constant 4096 : i32
    %add3A_501 = arith.addi %mul3A_499, %add3A_500 : i32
    %min3A_502 = arith.constant 158976 : i32
    %min3A_503 = arith.minsi %add3A_501, %min3A_502 : i32
    %run_scoped3A_504 = arith.constant 0 : i32
    %run_scoped3A_505 = arith.constant 0 : i32
    "tpu.region"() ({
      %run_scoped3A_992 = tpu.sem_alloc : memref<!tpu.dma_semaphore, #tpu.memory_space<semaphore_mem>>
      %dma_start3A_993 = arith.constant 0 : i32
      %dma_start3A_994 = tpu.memref_slice %arg6[%run_scoped3A_505, %dma_start3A_993] : memref<2x1024xi32, #tpu.memory_space<vmem>> -> memref<1x1024xi32, #tpu.memory_space<vmem>>
      %dma_start3A_995 = tpu.memref_squeeze %dma_start3A_994 : memref<1x1024xi32, #tpu.memory_space<vmem>> -> memref<1024xi32, #tpu.memory_space<vmem>>
      %dma_start3A_996 = tpu.memref_slice %arg4[%run_scoped3A_504, %min3A_503] : memref<2x160000xi32, #tpu.memory_space<hbm>> -> memref<1x1024xi32, #tpu.memory_space<hbm>>
      %dma_start3A_997 = tpu.memref_squeeze %dma_start3A_996 : memref<1x1024xi32, #tpu.memory_space<hbm>> -> memref<1024xi32, #tpu.memory_space<hbm>>
      %dma_start3A_998 = arith.constant 0 : i32
      %dma_start3A_999 = tpu.memref_slice %arg6[%run_scoped3A_505, %dma_start3A_998] : memref<2x1024xi32, #tpu.memory_space<vmem>> -> memref<1x1024xi32, #tpu.memory_space<vmem>>
      %dma_start3A_1000 = tpu.memref_squeeze %dma_start3A_999 : memref<1x1024xi32, #tpu.memory_space<vmem>> -> memref<1024xi32, #tpu.memory_space<vmem>>
      %dma_start3A_1001 = tpu.memref_slice %arg4[%run_scoped3A_504, %min3A_503] : memref<2x160000xi32, #tpu.memory_space<hbm>> -> memref<1x1024xi32, #tpu.memory_space<hbm>>
      %dma_start3A_1002 = tpu.memref_squeeze %dma_start3A_1001 : memref<1x1024xi32, #tpu.memory_space<hbm>> -> memref<1024xi32, #tpu.memory_space<hbm>>
      tpu.enqueue_dma source(%dma_start3A_1002 : memref<1024xi32, #tpu.memory_space<hbm>>) target(%dma_start3A_1000 : memref<1024xi32, #tpu.memory_space<vmem>>) target_semaphore(%run_scoped3A_992 : memref<!tpu.dma_semaphore, #tpu.memory_space<semaphore_mem>>)
      %dma_wait3A_1003 = arith.constant 0 : i32
      %dma_wait3A_1004 = tpu.memref_slice %arg6[%run_scoped3A_505, %dma_wait3A_1003] : memref<2x1024xi32, #tpu.memory_space<vmem>> -> memref<1x1024xi32, #tpu.memory_space<vmem>>
      %dma_wait3A_1005 = tpu.memref_squeeze %dma_wait3A_1004 : memref<1x1024xi32, #tpu.memory_space<vmem>> -> memref<1024xi32, #tpu.memory_space<vmem>>
      %dma_wait3A_1006 = tpu.memref_slice %arg4[%run_scoped3A_504, %min3A_503] : memref<2x160000xi32, #tpu.memory_space<hbm>> -> memref<1x1024xi32, #tpu.memory_space<hbm>>
      %dma_wait3A_1007 = tpu.memref_squeeze %dma_wait3A_1006 : memref<1x1024xi32, #tpu.memory_space<hbm>> -> memref<1024xi32, #tpu.memory_space<hbm>>
      %dma_wait3A_1008 = arith.constant 0 : i32
      %dma_wait3A_1009 = tpu.memref_slice %arg6[%run_scoped3A_505, %dma_wait3A_1008] : memref<2x1024xi32, #tpu.memory_space<vmem>> -> memref<1x1024xi32, #tpu.memory_space<vmem>>
      %dma_wait3A_1010 = tpu.memref_squeeze %dma_wait3A_1009 : memref<1x1024xi32, #tpu.memory_space<vmem>> -> memref<1024xi32, #tpu.memory_space<vmem>>
      %dma_wait3A_1011 = tpu.memref_slice %arg4[%run_scoped3A_504, %min3A_503] : memref<2x160000xi32, #tpu.memory_space<hbm>> -> memref<1x1024xi32, #tpu.memory_space<hbm>>
      %dma_wait3A_1012 = tpu.memref_squeeze %dma_wait3A_1011 : memref<1x1024xi32, #tpu.memory_space<hbm>> -> memref<1024xi32, #tpu.memory_space<hbm>>
      tpu.wait_dma2 semaphore(%run_scoped3A_992 : memref<!tpu.dma_semaphore, #tpu.memory_space<semaphore_mem>>) src(%dma_wait3A_1012 : memref<1024xi32, #tpu.memory_space<hbm>>) dst(%dma_wait3A_1010 : memref<1024xi32, #tpu.memory_space<vmem>>)
      tpu.yield
    }) : () -> ()
    %run_scoped3A_506 = arith.constant 1 : i32
    %run_scoped3A_507 = arith.constant 0 : i32
    "tpu.region"() ({
      %run_scoped3A_992 = tpu.sem_alloc : memref<!tpu.dma_semaphore, #tpu.memory_space<semaphore_mem>>
      %dma_start3A_993 = arith.constant 0 : i32
      %dma_start3A_994 = tpu.memref_slice %arg7[%run_scoped3A_507, %dma_start3A_993] : memref<2x1024xi32, #tpu.memory_space<vmem>> -> memref<1x1024xi32, #tpu.memory_space<vmem>>
      %dma_start3A_995 = tpu.memref_squeeze %dma_start3A_994 : memref<1x1024xi32, #tpu.memory_space<vmem>> -> memref<1024xi32, #tpu.memory_space<vmem>>
      %dma_start3A_996 = tpu.memref_slice %arg4[%run_scoped3A_506, %min3A_503] : memref<2x160000xi32, #tpu.memory_space<hbm>> -> memref<1x1024xi32, #tpu.memory_space<hbm>>
      %dma_start3A_997 = tpu.memref_squeeze %dma_start3A_996 : memref<1x1024xi32, #tpu.memory_space<hbm>> -> memref<1024xi32, #tpu.memory_space<hbm>>
      %dma_start3A_998 = arith.constant 0 : i32
      %dma_start3A_999 = tpu.memref_slice %arg7[%run_scoped3A_507, %dma_start3A_998] : memref<2x1024xi32, #tpu.memory_space<vmem>> -> memref<1x1024xi32, #tpu.memory_space<vmem>>
      %dma_start3A_1000 = tpu.memref_squeeze %dma_start3A_999 : memref<1x1024xi32, #tpu.memory_space<vmem>> -> memref<1024xi32, #tpu.memory_space<vmem>>
      %dma_start3A_1001 = tpu.memref_slice %arg4[%run_scoped3A_506, %min3A_503] : memref<2x160000xi32, #tpu.memory_space<hbm>> -> memref<1x1024xi32, #tpu.memory_space<hbm>>
      %dma_start3A_1002 = tpu.memref_squeeze %dma_start3A_1001 : memref<1x1024xi32, #tpu.memory_space<hbm>> -> memref<1024xi32, #tpu.memory_space<hbm>>
      tpu.enqueue_dma source(%dma_start3A_1002 : memref<1024xi32, #tpu.memory_space<hbm>>) target(%dma_start3A_1000 : memref<1024xi32, #tpu.memory_space<vmem>>) target_semaphore(%run_scoped3A_992 : memref<!tpu.dma_semaphore, #tpu.memory_space<semaphore_mem>>)
      %dma_wait3A_1003 = arith.constant 0 : i32
      %dma_wait3A_1004 = tpu.memref_slice %arg7[%run_scoped3A_507, %dma_wait3A_1003] : memref<2x1024xi32, #tpu.memory_space<vmem>> -> memref<1x1024xi32, #tpu.memory_space<vmem>>
      %dma_wait3A_1005 = tpu.memref_squeeze %dma_wait3A_1004 : memref<1x1024xi32, #tpu.memory_space<vmem>> -> memref<1024xi32, #tpu.memory_space<vmem>>
      %dma_wait3A_1006 = tpu.memref_slice %arg4[%run_scoped3A_506, %min3A_503] : memref<2x160000xi32, #tpu.memory_space<hbm>> -> memref<1x1024xi32, #tpu.memory_space<hbm>>
      %dma_wait3A_1007 = tpu.memref_squeeze %dma_wait3A_1006 : memref<1x1024xi32, #tpu.memory_space<hbm>> -> memref<1024xi32, #tpu.memory_space<hbm>>
      %dma_wait3A_1008 = arith.constant 0 : i32
      %dma_wait3A_1009 = tpu.memref_slice %arg7[%run_scoped3A_507, %dma_wait3A_1008] : memref<2x1024xi32, #tpu.memory_space<vmem>> -> memref<1x1024xi32, #tpu.memory_space<vmem>>
      %dma_wait3A_1010 = tpu.memref_squeeze %dma_wait3A_1009 : memref<1x1024xi32, #tpu.memory_space<vmem>> -> memref<1024xi32, #tpu.memory_space<vmem>>
      %dma_wait3A_1011 = tpu.memref_slice %arg4[%run_scoped3A_506, %min3A_503] : memref<2x160000xi32, #tpu.memory_space<hbm>> -> memref<1x1024xi32, #tpu.memory_space<hbm>>
      %dma_wait3A_1012 = tpu.memref_squeeze %dma_wait3A_1011 : memref<1x1024xi32, #tpu.memory_space<hbm>> -> memref<1024xi32, #tpu.memory_space<hbm>>
      tpu.wait_dma2 semaphore(%run_scoped3A_992 : memref<!tpu.dma_semaphore, #tpu.memory_space<semaphore_mem>>) src(%dma_wait3A_1012 : memref<1024xi32, #tpu.memory_space<hbm>>) dst(%dma_wait3A_1010 : memref<1024xi32, #tpu.memory_space<vmem>>)
      tpu.yield
    }) : () -> ()
    %dma_start3A_508 = arith.constant 0 : i32
    %dma_start3A_509 = arith.constant 0 : i32
    %dma_start3A_510 = arith.constant 0 : i32
    %dma_start3A_511 = arith.constant 0 : i32
    %dma_start3A_512 = tpu.memref_slice %arg8[%dma_start3A_509, %dma_start3A_510, %dma_start3A_511] : memref<2x1024x16xf32, #tpu.memory_space<vmem>> -> memref<1x1024x16xf32, #tpu.memory_space<vmem>>
    %dma_start3A_513 = tpu.memref_squeeze %dma_start3A_512 : memref<1x1024x16xf32, #tpu.memory_space<vmem>> -> memref<1024x16xf32, #tpu.memory_space<vmem>>
    %dma_start3A_514 = arith.constant 0 : i32
    %dma_start3A_515 = tpu.memref_slice %arg6[%dma_start3A_508, %dma_start3A_514] : memref<2x1024xi32, #tpu.memory_space<vmem>> -> memref<1x1024xi32, #tpu.memory_space<vmem>>
    %dma_start3A_516 = tpu.memref_squeeze %dma_start3A_515 : memref<1x1024xi32, #tpu.memory_space<vmem>> -> memref<1024xi32, #tpu.memory_space<vmem>>
    %dma_start3A_517 = arith.constant 0 : i32
    %dma_start3A_518 = arith.constant 0 : i32
    %dma_start3A_519 = tpu.memref_slice %arg2[%dma_start3A_517, %dma_start3A_518] : memref<10000x16xf32, #tpu.memory_space<hbm>> -> memref<10000x16xf32, #tpu.memory_space<hbm>>
    tpu.enqueue_indirect_dma source(%dma_start3A_519 : memref<10000x16xf32, #tpu.memory_space<hbm>>) target(%dma_start3A_513 : memref<1024x16xf32, #tpu.memory_space<vmem>>) offsets(%dma_start3A_516 : memref<1024xi32, #tpu.memory_space<vmem>>) semaphore(%arg11 : memref<!tpu.dma_semaphore, #tpu.memory_space<semaphore_mem>>)
    %dma_start3A_520 = arith.constant 0 : i32
    %dma_start3A_521 = arith.constant 0 : i32
    %dma_start3A_522 = arith.constant 0 : i32
    %dma_start3A_523 = arith.constant 0 : i32
    %dma_start3A_524 = tpu.memref_slice %arg9[%dma_start3A_521, %dma_start3A_522, %dma_start3A_523] : memref<2x1024x16xf32, #tpu.memory_space<vmem>> -> memref<1x1024x16xf32, #tpu.memory_space<vmem>>
    %dma_start3A_525 = tpu.memref_squeeze %dma_start3A_524 : memref<1x1024x16xf32, #tpu.memory_space<vmem>> -> memref<1024x16xf32, #tpu.memory_space<vmem>>
    %dma_start3A_526 = arith.constant 0 : i32
    %dma_start3A_527 = tpu.memref_slice %arg7[%dma_start3A_520, %dma_start3A_526] : memref<2x1024xi32, #tpu.memory_space<vmem>> -> memref<1x1024xi32, #tpu.memory_space<vmem>>
    %dma_start3A_528 = tpu.memref_squeeze %dma_start3A_527 : memref<1x1024xi32, #tpu.memory_space<vmem>> -> memref<1024xi32, #tpu.memory_space<vmem>>
    %dma_start3A_529 = arith.constant 0 : i32
    %dma_start3A_530 = arith.constant 0 : i32
    %dma_start3A_531 = tpu.memref_slice %arg3[%dma_start3A_529, %dma_start3A_530] : memref<10000x16xf32, #tpu.memory_space<hbm>> -> memref<10000x16xf32, #tpu.memory_space<hbm>>
    tpu.enqueue_indirect_dma source(%dma_start3A_531 : memref<10000x16xf32, #tpu.memory_space<hbm>>) target(%dma_start3A_525 : memref<1024x16xf32, #tpu.memory_space<vmem>>) offsets(%dma_start3A_528 : memref<1024xi32, #tpu.memory_space<vmem>>) semaphore(%arg13 : memref<!tpu.dma_semaphore, #tpu.memory_space<semaphore_mem>>)
    %dma_wait3A_532 = arith.constant 1 : i32
    %dma_wait3A_533 = arith.constant 1 : i32
    %dma_wait3A_534 = arith.constant 0 : i32
    %dma_wait3A_535 = arith.constant 0 : i32
    %dma_wait3A_536 = tpu.memref_slice %arg8[%dma_wait3A_533, %dma_wait3A_534, %dma_wait3A_535] : memref<2x1024x16xf32, #tpu.memory_space<vmem>> -> memref<1x1024x16xf32, #tpu.memory_space<vmem>>
    %dma_wait3A_537 = tpu.memref_squeeze %dma_wait3A_536 : memref<1x1024x16xf32, #tpu.memory_space<vmem>> -> memref<1024x16xf32, #tpu.memory_space<vmem>>
    %dma_wait3A_538 = arith.constant 0 : i32
    %dma_wait3A_539 = tpu.memref_slice %arg6[%dma_wait3A_532, %dma_wait3A_538] : memref<2x1024xi32, #tpu.memory_space<vmem>> -> memref<1x1024xi32, #tpu.memory_space<vmem>>
    %dma_wait3A_540 = tpu.memref_squeeze %dma_wait3A_539 : memref<1x1024xi32, #tpu.memory_space<vmem>> -> memref<1024xi32, #tpu.memory_space<vmem>>
    %dma_wait3A_541 = arith.constant 0 : i32
    %dma_wait3A_542 = arith.constant 0 : i32
    %dma_wait3A_543 = tpu.memref_slice %arg2[%dma_wait3A_541, %dma_wait3A_542] : memref<10000x16xf32, #tpu.memory_space<hbm>> -> memref<10000x16xf32, #tpu.memory_space<hbm>>
    tpu.wait_indirect_dma semaphore(%arg12 : memref<!tpu.dma_semaphore, #tpu.memory_space<semaphore_mem>>) src(%dma_wait3A_543 : memref<10000x16xf32, #tpu.memory_space<hbm>>) dst(%dma_wait3A_537 : memref<1024x16xf32, #tpu.memory_space<vmem>>)
    %dma_wait3A_544 = arith.constant 1 : i32
    %dma_wait3A_545 = arith.constant 1 : i32
    %dma_wait3A_546 = arith.constant 0 : i32
    %dma_wait3A_547 = arith.constant 0 : i32
    %dma_wait3A_548 = tpu.memref_slice %arg9[%dma_wait3A_545, %dma_wait3A_546, %dma_wait3A_547] : memref<2x1024x16xf32, #tpu.memory_space<vmem>> -> memref<1x1024x16xf32, #tpu.memory_space<vmem>>
    %dma_wait3A_549 = tpu.memref_squeeze %dma_wait3A_548 : memref<1x1024x16xf32, #tpu.memory_space<vmem>> -> memref<1024x16xf32, #tpu.memory_space<vmem>>
    %dma_wait3A_550 = arith.constant 0 : i32
    %dma_wait3A_551 = tpu.memref_slice %arg7[%dma_wait3A_544, %dma_wait3A_550] : memref<2x1024xi32, #tpu.memory_space<vmem>> -> memref<1x1024xi32, #tpu.memory_space<vmem>>
    %dma_wait3A_552 = tpu.memref_squeeze %dma_wait3A_551 : memref<1x1024xi32, #tpu.memory_space<vmem>> -> memref<1024xi32, #tpu.memory_space<vmem>>
    %dma_wait3A_553 = arith.constant 0 : i32
    %dma_wait3A_554 = arith.constant 0 : i32
    %dma_wait3A_555 = tpu.memref_slice %arg3[%dma_wait3A_553, %dma_wait3A_554] : memref<10000x16xf32, #tpu.memory_space<hbm>> -> memref<10000x16xf32, #tpu.memory_space<hbm>>
    tpu.wait_indirect_dma semaphore(%arg14 : memref<!tpu.dma_semaphore, #tpu.memory_space<semaphore_mem>>) src(%dma_wait3A_555 : memref<10000x16xf32, #tpu.memory_space<hbm>>) dst(%dma_wait3A_549 : memref<1024x16xf32, #tpu.memory_space<vmem>>)
    %dma_wait3A_556 = arith.constant 1 : i32
    %dma_wait3A_557 = arith.constant 0 : i32
    %dma_wait3A_558 = arith.constant 0 : i32
    %dma_wait3A_559 = arith.constant 0 : i32
    %dma_wait3A_560 = tpu.memref_slice %arg10[%dma_wait3A_556, %dma_wait3A_557, %dma_wait3A_559] : memref<2x5x1024xf32, #tpu.memory_space<vmem>> -> memref<1x1x1024xf32, #tpu.memory_space<vmem>>
    %dma_wait3A_561 = tpu.memref_squeeze %dma_wait3A_560 : memref<1x1x1024xf32, #tpu.memory_space<vmem>> -> memref<1024xf32, #tpu.memory_space<vmem>>
    %dma_wait3A_562 = tpu.memref_slice %arg5[%dma_wait3A_558, %min3A_233] : memref<5x160000xf32, #tpu.memory_space<hbm>> -> memref<1x1024xf32, #tpu.memory_space<hbm>>
    %dma_wait3A_563 = tpu.memref_squeeze %dma_wait3A_562 : memref<1x1024xf32, #tpu.memory_space<hbm>> -> memref<1024xf32, #tpu.memory_space<hbm>>
    %dma_wait3A_564 = tpu.memref_slice %arg5[%dma_wait3A_558, %min3A_233] : memref<5x160000xf32, #tpu.memory_space<hbm>> -> memref<1x1024xf32, #tpu.memory_space<hbm>>
    %dma_wait3A_565 = tpu.memref_squeeze %dma_wait3A_564 : memref<1x1024xf32, #tpu.memory_space<hbm>> -> memref<1024xf32, #tpu.memory_space<hbm>>
    %dma_wait3A_566 = arith.constant 0 : i32
    %dma_wait3A_567 = tpu.memref_slice %arg10[%dma_wait3A_556, %dma_wait3A_557, %dma_wait3A_566] : memref<2x5x1024xf32, #tpu.memory_space<vmem>> -> memref<1x1x1024xf32, #tpu.memory_space<vmem>>
    %dma_wait3A_568 = tpu.memref_squeeze %dma_wait3A_567 : memref<1x1x1024xf32, #tpu.memory_space<vmem>> -> memref<1024xf32, #tpu.memory_space<vmem>>
    tpu.wait_dma2 semaphore(%arg16 : memref<!tpu.dma_semaphore, #tpu.memory_space<semaphore_mem>>) src(%dma_wait3A_568 : memref<1024xf32, #tpu.memory_space<vmem>>) dst(%dma_wait3A_565 : memref<1024xf32, #tpu.memory_space<hbm>>)
    %dma_wait3A_569 = arith.constant 1 : i32
    %dma_wait3A_570 = arith.constant 1 : i32
    %dma_wait3A_571 = arith.constant 1 : i32
    %dma_wait3A_572 = arith.constant 0 : i32
    %dma_wait3A_573 = tpu.memref_slice %arg10[%dma_wait3A_569, %dma_wait3A_570, %dma_wait3A_572] : memref<2x5x1024xf32, #tpu.memory_space<vmem>> -> memref<1x1x1024xf32, #tpu.memory_space<vmem>>
    %dma_wait3A_574 = tpu.memref_squeeze %dma_wait3A_573 : memref<1x1x1024xf32, #tpu.memory_space<vmem>> -> memref<1024xf32, #tpu.memory_space<vmem>>
    %dma_wait3A_575 = tpu.memref_slice %arg5[%dma_wait3A_571, %min3A_233] : memref<5x160000xf32, #tpu.memory_space<hbm>> -> memref<1x1024xf32, #tpu.memory_space<hbm>>
    %dma_wait3A_576 = tpu.memref_squeeze %dma_wait3A_575 : memref<1x1024xf32, #tpu.memory_space<hbm>> -> memref<1024xf32, #tpu.memory_space<hbm>>
    %dma_wait3A_577 = tpu.memref_slice %arg5[%dma_wait3A_571, %min3A_233] : memref<5x160000xf32, #tpu.memory_space<hbm>> -> memref<1x1024xf32, #tpu.memory_space<hbm>>
    %dma_wait3A_578 = tpu.memref_squeeze %dma_wait3A_577 : memref<1x1024xf32, #tpu.memory_space<hbm>> -> memref<1024xf32, #tpu.memory_space<hbm>>
    %dma_wait3A_579 = arith.constant 0 : i32
    %dma_wait3A_580 = tpu.memref_slice %arg10[%dma_wait3A_569, %dma_wait3A_570, %dma_wait3A_579] : memref<2x5x1024xf32, #tpu.memory_space<vmem>> -> memref<1x1x1024xf32, #tpu.memory_space<vmem>>
    %dma_wait3A_581 = tpu.memref_squeeze %dma_wait3A_580 : memref<1x1x1024xf32, #tpu.memory_space<vmem>> -> memref<1024xf32, #tpu.memory_space<vmem>>
    tpu.wait_dma2 semaphore(%arg16 : memref<!tpu.dma_semaphore, #tpu.memory_space<semaphore_mem>>) src(%dma_wait3A_581 : memref<1024xf32, #tpu.memory_space<vmem>>) dst(%dma_wait3A_578 : memref<1024xf32, #tpu.memory_space<hbm>>)
    %dma_wait3A_582 = arith.constant 1 : i32
    %dma_wait3A_583 = arith.constant 2 : i32
    %dma_wait3A_584 = arith.constant 2 : i32
    %dma_wait3A_585 = arith.constant 0 : i32
    %dma_wait3A_586 = tpu.memref_slice %arg10[%dma_wait3A_582, %dma_wait3A_583, %dma_wait3A_585] : memref<2x5x1024xf32, #tpu.memory_space<vmem>> -> memref<1x1x1024xf32, #tpu.memory_space<vmem>>
    %dma_wait3A_587 = tpu.memref_squeeze %dma_wait3A_586 : memref<1x1x1024xf32, #tpu.memory_space<vmem>> -> memref<1024xf32, #tpu.memory_space<vmem>>
    %dma_wait3A_588 = tpu.memref_slice %arg5[%dma_wait3A_584, %min3A_233] : memref<5x160000xf32, #tpu.memory_space<hbm>> -> memref<1x1024xf32, #tpu.memory_space<hbm>>
    %dma_wait3A_589 = tpu.memref_squeeze %dma_wait3A_588 : memref<1x1024xf32, #tpu.memory_space<hbm>> -> memref<1024xf32, #tpu.memory_space<hbm>>
    %dma_wait3A_590 = tpu.memref_slice %arg5[%dma_wait3A_584, %min3A_233] : memref<5x160000xf32, #tpu.memory_space<hbm>> -> memref<1x1024xf32, #tpu.memory_space<hbm>>
    %dma_wait3A_591 = tpu.memref_squeeze %dma_wait3A_590 : memref<1x1024xf32, #tpu.memory_space<hbm>> -> memref<1024xf32, #tpu.memory_space<hbm>>
    %dma_wait3A_592 = arith.constant 0 : i32
    %dma_wait3A_593 = tpu.memref_slice %arg10[%dma_wait3A_582, %dma_wait3A_583, %dma_wait3A_592] : memref<2x5x1024xf32, #tpu.memory_space<vmem>> -> memref<1x1x1024xf32, #tpu.memory_space<vmem>>
    %dma_wait3A_594 = tpu.memref_squeeze %dma_wait3A_593 : memref<1x1x1024xf32, #tpu.memory_space<vmem>> -> memref<1024xf32, #tpu.memory_space<vmem>>
    tpu.wait_dma2 semaphore(%arg16 : memref<!tpu.dma_semaphore, #tpu.memory_space<semaphore_mem>>) src(%dma_wait3A_594 : memref<1024xf32, #tpu.memory_space<vmem>>) dst(%dma_wait3A_591 : memref<1024xf32, #tpu.memory_space<hbm>>)
    %dma_wait3A_595 = arith.constant 1 : i32
    %dma_wait3A_596 = arith.constant 3 : i32
    %dma_wait3A_597 = arith.constant 3 : i32
    %dma_wait3A_598 = arith.constant 0 : i32
    %dma_wait3A_599 = tpu.memref_slice %arg10[%dma_wait3A_595, %dma_wait3A_596, %dma_wait3A_598] : memref<2x5x1024xf32, #tpu.memory_space<vmem>> -> memref<1x1x1024xf32, #tpu.memory_space<vmem>>
    %dma_wait3A_600 = tpu.memref_squeeze %dma_wait3A_599 : memref<1x1x1024xf32, #tpu.memory_space<vmem>> -> memref<1024xf32, #tpu.memory_space<vmem>>
    %dma_wait3A_601 = tpu.memref_slice %arg5[%dma_wait3A_597, %min3A_233] : memref<5x160000xf32, #tpu.memory_space<hbm>> -> memref<1x1024xf32, #tpu.memory_space<hbm>>
    %dma_wait3A_602 = tpu.memref_squeeze %dma_wait3A_601 : memref<1x1024xf32, #tpu.memory_space<hbm>> -> memref<1024xf32, #tpu.memory_space<hbm>>
    %dma_wait3A_603 = tpu.memref_slice %arg5[%dma_wait3A_597, %min3A_233] : memref<5x160000xf32, #tpu.memory_space<hbm>> -> memref<1x1024xf32, #tpu.memory_space<hbm>>
    %dma_wait3A_604 = tpu.memref_squeeze %dma_wait3A_603 : memref<1x1024xf32, #tpu.memory_space<hbm>> -> memref<1024xf32, #tpu.memory_space<hbm>>
    %dma_wait3A_605 = arith.constant 0 : i32
    %dma_wait3A_606 = tpu.memref_slice %arg10[%dma_wait3A_595, %dma_wait3A_596, %dma_wait3A_605] : memref<2x5x1024xf32, #tpu.memory_space<vmem>> -> memref<1x1x1024xf32, #tpu.memory_space<vmem>>
    %dma_wait3A_607 = tpu.memref_squeeze %dma_wait3A_606 : memref<1x1x1024xf32, #tpu.memory_space<vmem>> -> memref<1024xf32, #tpu.memory_space<vmem>>
    tpu.wait_dma2 semaphore(%arg16 : memref<!tpu.dma_semaphore, #tpu.memory_space<semaphore_mem>>) src(%dma_wait3A_607 : memref<1024xf32, #tpu.memory_space<vmem>>) dst(%dma_wait3A_604 : memref<1024xf32, #tpu.memory_space<hbm>>)
    %dma_wait3A_608 = arith.constant 1 : i32
    %dma_wait3A_609 = arith.constant 4 : i32
    %dma_wait3A_610 = arith.constant 4 : i32
    %dma_wait3A_611 = arith.constant 0 : i32
    %dma_wait3A_612 = tpu.memref_slice %arg10[%dma_wait3A_608, %dma_wait3A_609, %dma_wait3A_611] : memref<2x5x1024xf32, #tpu.memory_space<vmem>> -> memref<1x1x1024xf32, #tpu.memory_space<vmem>>
    %dma_wait3A_613 = tpu.memref_squeeze %dma_wait3A_612 : memref<1x1x1024xf32, #tpu.memory_space<vmem>> -> memref<1024xf32, #tpu.memory_space<vmem>>
    %dma_wait3A_614 = tpu.memref_slice %arg5[%dma_wait3A_610, %min3A_233] : memref<5x160000xf32, #tpu.memory_space<hbm>> -> memref<1x1024xf32, #tpu.memory_space<hbm>>
    %dma_wait3A_615 = tpu.memref_squeeze %dma_wait3A_614 : memref<1x1024xf32, #tpu.memory_space<hbm>> -> memref<1024xf32, #tpu.memory_space<hbm>>
    %dma_wait3A_616 = tpu.memref_slice %arg5[%dma_wait3A_610, %min3A_233] : memref<5x160000xf32, #tpu.memory_space<hbm>> -> memref<1x1024xf32, #tpu.memory_space<hbm>>
    %dma_wait3A_617 = tpu.memref_squeeze %dma_wait3A_616 : memref<1x1024xf32, #tpu.memory_space<hbm>> -> memref<1024xf32, #tpu.memory_space<hbm>>
    %dma_wait3A_618 = arith.constant 0 : i32
    %dma_wait3A_619 = tpu.memref_slice %arg10[%dma_wait3A_608, %dma_wait3A_609, %dma_wait3A_618] : memref<2x5x1024xf32, #tpu.memory_space<vmem>> -> memref<1x1x1024xf32, #tpu.memory_space<vmem>>
    %dma_wait3A_620 = tpu.memref_squeeze %dma_wait3A_619 : memref<1x1x1024xf32, #tpu.memory_space<vmem>> -> memref<1024xf32, #tpu.memory_space<vmem>>
    tpu.wait_dma2 semaphore(%arg16 : memref<!tpu.dma_semaphore, #tpu.memory_space<semaphore_mem>>) src(%dma_wait3A_620 : memref<1024xf32, #tpu.memory_space<vmem>>) dst(%dma_wait3A_617 : memref<1024xf32, #tpu.memory_space<hbm>>)
    %scan3A_621 = arith.constant 0 : i32
    %scan3A_622 = arith.constant 64 : i32
    %scan3A_623 = arith.addi %scan3A_621, %scan3A_622 : i32
    %scan3A_624 = arith.constant 1 : i32
    scf.for %scan3A_992 = %scan3A_621 to %scan3A_623 step %scan3A_624  : i32 {
      %mul3A_993 = arith.constant 16 : i32
      %mul3A_994 = arith.muli %scan3A_992, %mul3A_993 : i32
      %add3A_995 = vector.broadcast %mul3A_994 : i32 to vector<16xi32>
      %add3A_996 = arith.addi %iota3A, %add3A_995 : vector<16xi32>
      %add3A_997 = arith.constant 1 : i32
      %add3A_998 = vector.broadcast %add3A_997 : i32 to vector<16xi32>
      %add3A_999 = arith.addi %broadcast_in_dim3A_1, %add3A_998 : vector<16xi32>
      %add3A_1000 = arith.constant 0 : i32
      %add3A_1001 = vector.broadcast %add3A_1000 : i32 to vector<16xi32>
      %add3A_1002 = arith.addi %broadcast_in_dim3A_1, %add3A_1001 : vector<16xi32>
      %gather3A = tpu.vector_load_idx %arg8[%add3A_999, %add3A_996, %add3A_1002] : memref<2x1024x16xf32, #tpu.memory_space<vmem>>[vector<16xi32>, vector<16xi32>, vector<16xi32>], vector<16xf32>,
      %add3A_1003 = arith.constant 1 : i32
      %add3A_1004 = vector.broadcast %add3A_1003 : i32 to vector<16xi32>
      %add3A_1005 = arith.addi %broadcast_in_dim3A_1, %add3A_1004 : vector<16xi32>
      %add3A_1006 = arith.constant 1 : i32
      %add3A_1007 = vector.broadcast %add3A_1006 : i32 to vector<16xi32>
      %add3A_1008 = arith.addi %broadcast_in_dim3A_1, %add3A_1007 : vector<16xi32>
      %gather3A_1009 = tpu.vector_load_idx %arg8[%add3A_1005, %add3A_996, %add3A_1008] : memref<2x1024x16xf32, #tpu.memory_space<vmem>>[vector<16xi32>, vector<16xi32>, vector<16xi32>], vector<16xf32>,
      %add3A_1010 = arith.constant 1 : i32
      %add3A_1011 = vector.broadcast %add3A_1010 : i32 to vector<16xi32>
      %add3A_1012 = arith.addi %broadcast_in_dim3A_1, %add3A_1011 : vector<16xi32>
      %add3A_1013 = arith.constant 2 : i32
      %add3A_1014 = vector.broadcast %add3A_1013 : i32 to vector<16xi32>
      %add3A_1015 = arith.addi %broadcast_in_dim3A_1, %add3A_1014 : vector<16xi32>
      %gather3A_1016 = tpu.vector_load_idx %arg8[%add3A_1012, %add3A_996, %add3A_1015] : memref<2x1024x16xf32, #tpu.memory_space<vmem>>[vector<16xi32>, vector<16xi32>, vector<16xi32>], vector<16xf32>,
      %add3A_1017 = arith.constant 1 : i32
      %add3A_1018 = vector.broadcast %add3A_1017 : i32 to vector<16xi32>
      %add3A_1019 = arith.addi %broadcast_in_dim3A_1, %add3A_1018 : vector<16xi32>
      %add3A_1020 = arith.constant 0 : i32
      %add3A_1021 = vector.broadcast %add3A_1020 : i32 to vector<16xi32>
      %add3A_1022 = arith.addi %broadcast_in_dim3A_1, %add3A_1021 : vector<16xi32>
      %gather3A_1023 = tpu.vector_load_idx %arg9[%add3A_1019, %add3A_996, %add3A_1022] : memref<2x1024x16xf32, #tpu.memory_space<vmem>>[vector<16xi32>, vector<16xi32>, vector<16xi32>], vector<16xf32>,
      %add3A_1024 = arith.constant 1 : i32
      %add3A_1025 = vector.broadcast %add3A_1024 : i32 to vector<16xi32>
      %add3A_1026 = arith.addi %broadcast_in_dim3A_1, %add3A_1025 : vector<16xi32>
      %add3A_1027 = arith.constant 1 : i32
      %add3A_1028 = vector.broadcast %add3A_1027 : i32 to vector<16xi32>
      %add3A_1029 = arith.addi %broadcast_in_dim3A_1, %add3A_1028 : vector<16xi32>
      %gather3A_1030 = tpu.vector_load_idx %arg9[%add3A_1026, %add3A_996, %add3A_1029] : memref<2x1024x16xf32, #tpu.memory_space<vmem>>[vector<16xi32>, vector<16xi32>, vector<16xi32>], vector<16xf32>,
      %add3A_1031 = arith.constant 1 : i32
      %add3A_1032 = vector.broadcast %add3A_1031 : i32 to vector<16xi32>
      %add3A_1033 = arith.addi %broadcast_in_dim3A_1, %add3A_1032 : vector<16xi32>
      %add3A_1034 = arith.constant 2 : i32
      %add3A_1035 = vector.broadcast %add3A_1034 : i32 to vector<16xi32>
      %add3A_1036 = arith.addi %broadcast_in_dim3A_1, %add3A_1035 : vector<16xi32>
      %gather3A_1037 = tpu.vector_load_idx %arg9[%add3A_1033, %add3A_996, %add3A_1036] : memref<2x1024x16xf32, #tpu.memory_space<vmem>>[vector<16xi32>, vector<16xi32>, vector<16xi32>], vector<16xf32>,
      %sub3A = arith.subf %gather3A, %gather3A_1023 : vector<16xf32>
      %sub3A_1038 = arith.subf %gather3A_1009, %gather3A_1030 : vector<16xf32>
      %sub3A_1039 = arith.subf %gather3A_1016, %gather3A_1037 : vector<16xf32>
      %mul3A_1040 = arith.mulf %sub3A, %sub3A : vector<16xf32>
      %mul3A_1041 = arith.mulf %sub3A_1038, %sub3A_1038 : vector<16xf32>
      %add3A_1042 = arith.addf %mul3A_1040, %mul3A_1041 : vector<16xf32>
      %mul3A_1043 = arith.mulf %sub3A_1039, %sub3A_1039 : vector<16xf32>
      %add3A_1044 = arith.addf %add3A_1042, %mul3A_1043 : vector<16xf32>
      %mul3A_1045 = arith.constant 16 : i32
      %mul3A_1046 = arith.muli %scan3A_992, %mul3A_1045 : i32
      %swap3A = arith.constant 1 : i32
      %swap3A_1047 = arith.constant 0 : i32
      %swap3A_1048 = arith.index_cast %swap3A : i32 to index
      %swap3A_1049 = arith.index_cast %swap3A_1047 : i32 to index
      %swap3A_1050 = arith.index_cast %mul3A_1046 : i32 to index
      %swap3A_1051 = tpu.vector_load %arg10[%swap3A_1048, %swap3A_1049, %swap3A_1050] {strides = array<i32>} : memref<2x5x1024xf32, #tpu.memory_space<vmem>>, vector<16xf32>,
      tpu.vector_store %arg10[%swap3A_1048, %swap3A_1049, %swap3A_1050], %add3A_1044 {strides = array<i32>} : memref<2x5x1024xf32, #tpu.memory_space<vmem>>, vector<16xf32>,
      %add3A_1052 = arith.constant 1 : i32
      %add3A_1053 = vector.broadcast %add3A_1052 : i32 to vector<16xi32>
      %add3A_1054 = arith.addi %broadcast_in_dim3A_1, %add3A_1053 : vector<16xi32>
      %add3A_1055 = arith.constant 3 : i32
      %add3A_1056 = vector.broadcast %add3A_1055 : i32 to vector<16xi32>
      %add3A_1057 = arith.addi %broadcast_in_dim3A_1, %add3A_1056 : vector<16xi32>
      %gather3A_1058 = tpu.vector_load_idx %arg9[%add3A_1054, %add3A_996, %add3A_1057] : memref<2x1024x16xf32, #tpu.memory_space<vmem>>[vector<16xi32>, vector<16xi32>, vector<16xi32>], vector<16xf32>,
      %add3A_1059 = arith.constant 1 : i32
      %add3A_1060 = vector.broadcast %add3A_1059 : i32 to vector<16xi32>
      %add3A_1061 = arith.addi %broadcast_in_dim3A_1, %add3A_1060 : vector<16xi32>
      %add3A_1062 = arith.constant 4 : i32
      %add3A_1063 = vector.broadcast %add3A_1062 : i32 to vector<16xi32>
      %add3A_1064 = arith.addi %broadcast_in_dim3A_1, %add3A_1063 : vector<16xi32>
      %gather3A_1065 = tpu.vector_load_idx %arg9[%add3A_1061, %add3A_996, %add3A_1064] : memref<2x1024x16xf32, #tpu.memory_space<vmem>>[vector<16xi32>, vector<16xi32>, vector<16xi32>], vector<16xf32>,
      %add3A_1066 = arith.constant 1 : i32
      %add3A_1067 = vector.broadcast %add3A_1066 : i32 to vector<16xi32>
      %add3A_1068 = arith.addi %broadcast_in_dim3A_1, %add3A_1067 : vector<16xi32>
      %add3A_1069 = arith.constant 5 : i32
      %add3A_1070 = vector.broadcast %add3A_1069 : i32 to vector<16xi32>
      %add3A_1071 = arith.addi %broadcast_in_dim3A_1, %add3A_1070 : vector<16xi32>
      %gather3A_1072 = tpu.vector_load_idx %arg9[%add3A_1068, %add3A_996, %add3A_1071] : memref<2x1024x16xf32, #tpu.memory_space<vmem>>[vector<16xi32>, vector<16xi32>, vector<16xi32>], vector<16xf32>,
      %sub3A_1073 = arith.subf %gather3A, %gather3A_1058 : vector<16xf32>
      %sub3A_1074 = arith.subf %gather3A_1009, %gather3A_1065 : vector<16xf32>
      %sub3A_1075 = arith.subf %gather3A_1016, %gather3A_1072 : vector<16xf32>
      %mul3A_1076 = arith.mulf %sub3A_1073, %sub3A_1073 : vector<16xf32>
      %mul3A_1077 = arith.mulf %sub3A_1074, %sub3A_1074 : vector<16xf32>
      %add3A_1078 = arith.addf %mul3A_1076, %mul3A_1077 : vector<16xf32>
      %mul3A_1079 = arith.mulf %sub3A_1075, %sub3A_1075 : vector<16xf32>
      %add3A_1080 = arith.addf %add3A_1078, %mul3A_1079 : vector<16xf32>
      %mul3A_1081 = arith.constant 16 : i32
      %mul3A_1082 = arith.muli %scan3A_992, %mul3A_1081 : i32
      %swap3A_1083 = arith.constant 1 : i32
      %swap3A_1084 = arith.constant 1 : i32
      %swap3A_1085 = arith.index_cast %swap3A_1083 : i32 to index
      %swap3A_1086 = arith.index_cast %swap3A_1084 : i32 to index
      %swap3A_1087 = arith.index_cast %mul3A_1082 : i32 to index
      %swap3A_1088 = tpu.vector_load %arg10[%swap3A_1085, %swap3A_1086, %swap3A_1087] {strides = array<i32>} : memref<2x5x1024xf32, #tpu.memory_space<vmem>>, vector<16xf32>,
      tpu.vector_store %arg10[%swap3A_1085, %swap3A_1086, %swap3A_1087], %add3A_1080 {strides = array<i32>} : memref<2x5x1024xf32, #tpu.memory_space<vmem>>, vector<16xf32>,
      %add3A_1089 = arith.constant 1 : i32
      %add3A_1090 = vector.broadcast %add3A_1089 : i32 to vector<16xi32>
      %add3A_1091 = arith.addi %broadcast_in_dim3A_1, %add3A_1090 : vector<16xi32>
      %add3A_1092 = arith.constant 6 : i32
      %add3A_1093 = vector.broadcast %add3A_1092 : i32 to vector<16xi32>
      %add3A_1094 = arith.addi %broadcast_in_dim3A_1, %add3A_1093 : vector<16xi32>
      %gather3A_1095 = tpu.vector_load_idx %arg9[%add3A_1091, %add3A_996, %add3A_1094] : memref<2x1024x16xf32, #tpu.memory_space<vmem>>[vector<16xi32>, vector<16xi32>, vector<16xi32>], vector<16xf32>,
      %add3A_1096 = arith.constant 1 : i32
      %add3A_1097 = vector.broadcast %add3A_1096 : i32 to vector<16xi32>
      %add3A_1098 = arith.addi %broadcast_in_dim3A_1, %add3A_1097 : vector<16xi32>
      %add3A_1099 = arith.constant 7 : i32
      %add3A_1100 = vector.broadcast %add3A_1099 : i32 to vector<16xi32>
      %add3A_1101 = arith.addi %broadcast_in_dim3A_1, %add3A_1100 : vector<16xi32>
      %gather3A_1102 = tpu.vector_load_idx %arg9[%add3A_1098, %add3A_996, %add3A_1101] : memref<2x1024x16xf32, #tpu.memory_space<vmem>>[vector<16xi32>, vector<16xi32>, vector<16xi32>], vector<16xf32>,
      %add3A_1103 = arith.constant 1 : i32
      %add3A_1104 = vector.broadcast %add3A_1103 : i32 to vector<16xi32>
      %add3A_1105 = arith.addi %broadcast_in_dim3A_1, %add3A_1104 : vector<16xi32>
      %add3A_1106 = arith.constant 8 : i32
      %add3A_1107 = vector.broadcast %add3A_1106 : i32 to vector<16xi32>
      %add3A_1108 = arith.addi %broadcast_in_dim3A_1, %add3A_1107 : vector<16xi32>
      %gather3A_1109 = tpu.vector_load_idx %arg9[%add3A_1105, %add3A_996, %add3A_1108] : memref<2x1024x16xf32, #tpu.memory_space<vmem>>[vector<16xi32>, vector<16xi32>, vector<16xi32>], vector<16xf32>,
      %sub3A_1110 = arith.subf %gather3A, %gather3A_1095 : vector<16xf32>
      %sub3A_1111 = arith.subf %gather3A_1009, %gather3A_1102 : vector<16xf32>
      %sub3A_1112 = arith.subf %gather3A_1016, %gather3A_1109 : vector<16xf32>
      %mul3A_1113 = arith.mulf %sub3A_1110, %sub3A_1110 : vector<16xf32>
      %mul3A_1114 = arith.mulf %sub3A_1111, %sub3A_1111 : vector<16xf32>
      %add3A_1115 = arith.addf %mul3A_1113, %mul3A_1114 : vector<16xf32>
      %mul3A_1116 = arith.mulf %sub3A_1112, %sub3A_1112 : vector<16xf32>
      %add3A_1117 = arith.addf %add3A_1115, %mul3A_1116 : vector<16xf32>
      %mul3A_1118 = arith.constant 16 : i32
      %mul3A_1119 = arith.muli %scan3A_992, %mul3A_1118 : i32
      %swap3A_1120 = arith.constant 1 : i32
      %swap3A_1121 = arith.constant 2 : i32
      %swap3A_1122 = arith.index_cast %swap3A_1120 : i32 to index
      %swap3A_1123 = arith.index_cast %swap3A_1121 : i32 to index
      %swap3A_1124 = arith.index_cast %mul3A_1119 : i32 to index
      %swap3A_1125 = tpu.vector_load %arg10[%swap3A_1122, %swap3A_1123, %swap3A_1124] {strides = array<i32>} : memref<2x5x1024xf32, #tpu.memory_space<vmem>>, vector<16xf32>,
      tpu.vector_store %arg10[%swap3A_1122, %swap3A_1123, %swap3A_1124], %add3A_1117 {strides = array<i32>} : memref<2x5x1024xf32, #tpu.memory_space<vmem>>, vector<16xf32>,
      %add3A_1126 = arith.constant 1 : i32
      %add3A_1127 = vector.broadcast %add3A_1126 : i32 to vector<16xi32>
      %add3A_1128 = arith.addi %broadcast_in_dim3A_1, %add3A_1127 : vector<16xi32>
      %add3A_1129 = arith.constant 9 : i32
      %add3A_1130 = vector.broadcast %add3A_1129 : i32 to vector<16xi32>
      %add3A_1131 = arith.addi %broadcast_in_dim3A_1, %add3A_1130 : vector<16xi32>
      %gather3A_1132 = tpu.vector_load_idx %arg9[%add3A_1128, %add3A_996, %add3A_1131] : memref<2x1024x16xf32, #tpu.memory_space<vmem>>[vector<16xi32>, vector<16xi32>, vector<16xi32>], vector<16xf32>,
      %add3A_1133 = arith.constant 1 : i32
      %add3A_1134 = vector.broadcast %add3A_1133 : i32 to vector<16xi32>
      %add3A_1135 = arith.addi %broadcast_in_dim3A_1, %add3A_1134 : vector<16xi32>
      %add3A_1136 = arith.constant 10 : i32
      %add3A_1137 = vector.broadcast %add3A_1136 : i32 to vector<16xi32>
      %add3A_1138 = arith.addi %broadcast_in_dim3A_1, %add3A_1137 : vector<16xi32>
      %gather3A_1139 = tpu.vector_load_idx %arg9[%add3A_1135, %add3A_996, %add3A_1138] : memref<2x1024x16xf32, #tpu.memory_space<vmem>>[vector<16xi32>, vector<16xi32>, vector<16xi32>], vector<16xf32>,
      %add3A_1140 = arith.constant 1 : i32
      %add3A_1141 = vector.broadcast %add3A_1140 : i32 to vector<16xi32>
      %add3A_1142 = arith.addi %broadcast_in_dim3A_1, %add3A_1141 : vector<16xi32>
      %add3A_1143 = arith.constant 11 : i32
      %add3A_1144 = vector.broadcast %add3A_1143 : i32 to vector<16xi32>
      %add3A_1145 = arith.addi %broadcast_in_dim3A_1, %add3A_1144 : vector<16xi32>
      %gather3A_1146 = tpu.vector_load_idx %arg9[%add3A_1142, %add3A_996, %add3A_1145] : memref<2x1024x16xf32, #tpu.memory_space<vmem>>[vector<16xi32>, vector<16xi32>, vector<16xi32>], vector<16xf32>,
      %sub3A_1147 = arith.subf %gather3A, %gather3A_1132 : vector<16xf32>
      %sub3A_1148 = arith.subf %gather3A_1009, %gather3A_1139 : vector<16xf32>
      %sub3A_1149 = arith.subf %gather3A_1016, %gather3A_1146 : vector<16xf32>
      %mul3A_1150 = arith.mulf %sub3A_1147, %sub3A_1147 : vector<16xf32>
      %mul3A_1151 = arith.mulf %sub3A_1148, %sub3A_1148 : vector<16xf32>
      %add3A_1152 = arith.addf %mul3A_1150, %mul3A_1151 : vector<16xf32>
      %mul3A_1153 = arith.mulf %sub3A_1149, %sub3A_1149 : vector<16xf32>
      %add3A_1154 = arith.addf %add3A_1152, %mul3A_1153 : vector<16xf32>
      %mul3A_1155 = arith.constant 16 : i32
      %mul3A_1156 = arith.muli %scan3A_992, %mul3A_1155 : i32
      %swap3A_1157 = arith.constant 1 : i32
      %swap3A_1158 = arith.constant 3 : i32
      %swap3A_1159 = arith.index_cast %swap3A_1157 : i32 to index
      %swap3A_1160 = arith.index_cast %swap3A_1158 : i32 to index
      %swap3A_1161 = arith.index_cast %mul3A_1156 : i32 to index
      %swap3A_1162 = tpu.vector_load %arg10[%swap3A_1159, %swap3A_1160, %swap3A_1161] {strides = array<i32>} : memref<2x5x1024xf32, #tpu.memory_space<vmem>>, vector<16xf32>,
      tpu.vector_store %arg10[%swap3A_1159, %swap3A_1160, %swap3A_1161], %add3A_1154 {strides = array<i32>} : memref<2x5x1024xf32, #tpu.memory_space<vmem>>, vector<16xf32>,
      %add3A_1163 = arith.constant 1 : i32
      %add3A_1164 = vector.broadcast %add3A_1163 : i32 to vector<16xi32>
      %add3A_1165 = arith.addi %broadcast_in_dim3A_1, %add3A_1164 : vector<16xi32>
      %add3A_1166 = arith.constant 12 : i32
      %add3A_1167 = vector.broadcast %add3A_1166 : i32 to vector<16xi32>
      %add3A_1168 = arith.addi %broadcast_in_dim3A_1, %add3A_1167 : vector<16xi32>
      %gather3A_1169 = tpu.vector_load_idx %arg9[%add3A_1165, %add3A_996, %add3A_1168] : memref<2x1024x16xf32, #tpu.memory_space<vmem>>[vector<16xi32>, vector<16xi32>, vector<16xi32>], vector<16xf32>,
      %add3A_1170 = arith.constant 1 : i32
      %add3A_1171 = vector.broadcast %add3A_1170 : i32 to vector<16xi32>
      %add3A_1172 = arith.addi %broadcast_in_dim3A_1, %add3A_1171 : vector<16xi32>
      %add3A_1173 = arith.constant 13 : i32
      %add3A_1174 = vector.broadcast %add3A_1173 : i32 to vector<16xi32>
      %add3A_1175 = arith.addi %broadcast_in_dim3A_1, %add3A_1174 : vector<16xi32>
      %gather3A_1176 = tpu.vector_load_idx %arg9[%add3A_1172, %add3A_996, %add3A_1175] : memref<2x1024x16xf32, #tpu.memory_space<vmem>>[vector<16xi32>, vector<16xi32>, vector<16xi32>], vector<16xf32>,
      %add3A_1177 = arith.constant 1 : i32
      %add3A_1178 = vector.broadcast %add3A_1177 : i32 to vector<16xi32>
      %add3A_1179 = arith.addi %broadcast_in_dim3A_1, %add3A_1178 : vector<16xi32>
      %add3A_1180 = arith.constant 14 : i32
      %add3A_1181 = vector.broadcast %add3A_1180 : i32 to vector<16xi32>
      %add3A_1182 = arith.addi %broadcast_in_dim3A_1, %add3A_1181 : vector<16xi32>
      %gather3A_1183 = tpu.vector_load_idx %arg9[%add3A_1179, %add3A_996, %add3A_1182] : memref<2x1024x16xf32, #tpu.memory_space<vmem>>[vector<16xi32>, vector<16xi32>, vector<16xi32>], vector<16xf32>,
      %sub3A_1184 = arith.subf %gather3A, %gather3A_1169 : vector<16xf32>
      %sub3A_1185 = arith.subf %gather3A_1009, %gather3A_1176 : vector<16xf32>
      %sub3A_1186 = arith.subf %gather3A_1016, %gather3A_1183 : vector<16xf32>
      %mul3A_1187 = arith.mulf %sub3A_1184, %sub3A_1184 : vector<16xf32>
      %mul3A_1188 = arith.mulf %sub3A_1185, %sub3A_1185 : vector<16xf32>
      %add3A_1189 = arith.addf %mul3A_1187, %mul3A_1188 : vector<16xf32>
      %mul3A_1190 = arith.mulf %sub3A_1186, %sub3A_1186 : vector<16xf32>
      %add3A_1191 = arith.addf %add3A_1189, %mul3A_1190 : vector<16xf32>
      %mul3A_1192 = arith.constant 16 : i32
      %mul3A_1193 = arith.muli %scan3A_992, %mul3A_1192 : i32
      %swap3A_1194 = arith.constant 1 : i32
      %swap3A_1195 = arith.constant 4 : i32
      %swap3A_1196 = arith.index_cast %swap3A_1194 : i32 to index
      %swap3A_1197 = arith.index_cast %swap3A_1195 : i32 to index
      %swap3A_1198 = arith.index_cast %mul3A_1193 : i32 to index
      %swap3A_1199 = tpu.vector_load %arg10[%swap3A_1196, %swap3A_1197, %swap3A_1198] {strides = array<i32>} : memref<2x5x1024xf32, #tpu.memory_space<vmem>>, vector<16xf32>,
      tpu.vector_store %arg10[%swap3A_1196, %swap3A_1197, %swap3A_1198], %add3A_1191 {strides = array<i32>} : memref<2x5x1024xf32, #tpu.memory_space<vmem>>, vector<16xf32>,
    }
    %scan3A_625 = arith.constant 64 : i32
    %mul3A_626 = arith.constant 5120 : i32
    %mul3A_627 = arith.muli %add3A, %mul3A_626 : i32
    %add3A_628 = arith.constant 3072 : i32
    %add3A_629 = arith.addi %mul3A_627, %add3A_628 : i32
    %min3A_630 = arith.constant 158976 : i32
    %min3A_631 = arith.minsi %add3A_629, %min3A_630 : i32
    %dma_start3A_632 = arith.constant 1 : i32
    %dma_start3A_633 = arith.constant 0 : i32
    %dma_start3A_634 = arith.constant 0 : i32
    %dma_start3A_635 = arith.constant 0 : i32
    %dma_start3A_636 = tpu.memref_slice %arg10[%dma_start3A_632, %dma_start3A_633, %dma_start3A_635] : memref<2x5x1024xf32, #tpu.memory_space<vmem>> -> memref<1x1x1024xf32, #tpu.memory_space<vmem>>
    %dma_start3A_637 = tpu.memref_squeeze %dma_start3A_636 : memref<1x1x1024xf32, #tpu.memory_space<vmem>> -> memref<1024xf32, #tpu.memory_space<vmem>>
    %dma_start3A_638 = tpu.memref_slice %arg5[%dma_start3A_634, %min3A_631] : memref<5x160000xf32, #tpu.memory_space<hbm>> -> memref<1x1024xf32, #tpu.memory_space<hbm>>
    %dma_start3A_639 = tpu.memref_squeeze %dma_start3A_638 : memref<1x1024xf32, #tpu.memory_space<hbm>> -> memref<1024xf32, #tpu.memory_space<hbm>>
    %dma_start3A_640 = tpu.memref_slice %arg5[%dma_start3A_634, %min3A_631] : memref<5x160000xf32, #tpu.memory_space<hbm>> -> memref<1x1024xf32, #tpu.memory_space<hbm>>
    %dma_start3A_641 = tpu.memref_squeeze %dma_start3A_640 : memref<1x1024xf32, #tpu.memory_space<hbm>> -> memref<1024xf32, #tpu.memory_space<hbm>>
    %dma_start3A_642 = arith.constant 0 : i32
    %dma_start3A_643 = tpu.memref_slice %arg10[%dma_start3A_632, %dma_start3A_633, %dma_start3A_642] : memref<2x5x1024xf32, #tpu.memory_space<vmem>> -> memref<1x1x1024xf32, #tpu.memory_space<vmem>>
    %dma_start3A_644 = tpu.memref_squeeze %dma_start3A_643 : memref<1x1x1024xf32, #tpu.memory_space<vmem>> -> memref<1024xf32, #tpu.memory_space<vmem>>
    tpu.enqueue_dma source(%dma_start3A_644 : memref<1024xf32, #tpu.memory_space<vmem>>) target(%dma_start3A_641 : memref<1024xf32, #tpu.memory_space<hbm>>) target_semaphore(%arg16 : memref<!tpu.dma_semaphore, #tpu.memory_space<semaphore_mem>>)
    %dma_start3A_645 = arith.constant 1 : i32
    %dma_start3A_646 = arith.constant 1 : i32
    %dma_start3A_647 = arith.constant 1 : i32
    %dma_start3A_648 = arith.constant 0 : i32
    %dma_start3A_649 = tpu.memref_slice %arg10[%dma_start3A_645, %dma_start3A_646, %dma_start3A_648] : memref<2x5x1024xf32, #tpu.memory_space<vmem>> -> memref<1x1x1024xf32, #tpu.memory_space<vmem>>
    %dma_start3A_650 = tpu.memref_squeeze %dma_start3A_649 : memref<1x1x1024xf32, #tpu.memory_space<vmem>> -> memref<1024xf32, #tpu.memory_space<vmem>>
    %dma_start3A_651 = tpu.memref_slice %arg5[%dma_start3A_647, %min3A_631] : memref<5x160000xf32, #tpu.memory_space<hbm>> -> memref<1x1024xf32, #tpu.memory_space<hbm>>
    %dma_start3A_652 = tpu.memref_squeeze %dma_start3A_651 : memref<1x1024xf32, #tpu.memory_space<hbm>> -> memref<1024xf32, #tpu.memory_space<hbm>>
    %dma_start3A_653 = tpu.memref_slice %arg5[%dma_start3A_647, %min3A_631] : memref<5x160000xf32, #tpu.memory_space<hbm>> -> memref<1x1024xf32, #tpu.memory_space<hbm>>
    %dma_start3A_654 = tpu.memref_squeeze %dma_start3A_653 : memref<1x1024xf32, #tpu.memory_space<hbm>> -> memref<1024xf32, #tpu.memory_space<hbm>>
    %dma_start3A_655 = arith.constant 0 : i32
    %dma_start3A_656 = tpu.memref_slice %arg10[%dma_start3A_645, %dma_start3A_646, %dma_start3A_655] : memref<2x5x1024xf32, #tpu.memory_space<vmem>> -> memref<1x1x1024xf32, #tpu.memory_space<vmem>>
    %dma_start3A_657 = tpu.memref_squeeze %dma_start3A_656 : memref<1x1x1024xf32, #tpu.memory_space<vmem>> -> memref<1024xf32, #tpu.memory_space<vmem>>
    tpu.enqueue_dma source(%dma_start3A_657 : memref<1024xf32, #tpu.memory_space<vmem>>) target(%dma_start3A_654 : memref<1024xf32, #tpu.memory_space<hbm>>) target_semaphore(%arg16 : memref<!tpu.dma_semaphore, #tpu.memory_space<semaphore_mem>>)
    %dma_start3A_658 = arith.constant 1 : i32
    %dma_start3A_659 = arith.constant 2 : i32
    %dma_start3A_660 = arith.constant 2 : i32
    %dma_start3A_661 = arith.constant 0 : i32
    %dma_start3A_662 = tpu.memref_slice %arg10[%dma_start3A_658, %dma_start3A_659, %dma_start3A_661] : memref<2x5x1024xf32, #tpu.memory_space<vmem>> -> memref<1x1x1024xf32, #tpu.memory_space<vmem>>
    %dma_start3A_663 = tpu.memref_squeeze %dma_start3A_662 : memref<1x1x1024xf32, #tpu.memory_space<vmem>> -> memref<1024xf32, #tpu.memory_space<vmem>>
    %dma_start3A_664 = tpu.memref_slice %arg5[%dma_start3A_660, %min3A_631] : memref<5x160000xf32, #tpu.memory_space<hbm>> -> memref<1x1024xf32, #tpu.memory_space<hbm>>
    %dma_start3A_665 = tpu.memref_squeeze %dma_start3A_664 : memref<1x1024xf32, #tpu.memory_space<hbm>> -> memref<1024xf32, #tpu.memory_space<hbm>>
    %dma_start3A_666 = tpu.memref_slice %arg5[%dma_start3A_660, %min3A_631] : memref<5x160000xf32, #tpu.memory_space<hbm>> -> memref<1x1024xf32, #tpu.memory_space<hbm>>
    %dma_start3A_667 = tpu.memref_squeeze %dma_start3A_666 : memref<1x1024xf32, #tpu.memory_space<hbm>> -> memref<1024xf32, #tpu.memory_space<hbm>>
    %dma_start3A_668 = arith.constant 0 : i32
    %dma_start3A_669 = tpu.memref_slice %arg10[%dma_start3A_658, %dma_start3A_659, %dma_start3A_668] : memref<2x5x1024xf32, #tpu.memory_space<vmem>> -> memref<1x1x1024xf32, #tpu.memory_space<vmem>>
    %dma_start3A_670 = tpu.memref_squeeze %dma_start3A_669 : memref<1x1x1024xf32, #tpu.memory_space<vmem>> -> memref<1024xf32, #tpu.memory_space<vmem>>
    tpu.enqueue_dma source(%dma_start3A_670 : memref<1024xf32, #tpu.memory_space<vmem>>) target(%dma_start3A_667 : memref<1024xf32, #tpu.memory_space<hbm>>) target_semaphore(%arg16 : memref<!tpu.dma_semaphore, #tpu.memory_space<semaphore_mem>>)
    %dma_start3A_671 = arith.constant 1 : i32
    %dma_start3A_672 = arith.constant 3 : i32
    %dma_start3A_673 = arith.constant 3 : i32
    %dma_start3A_674 = arith.constant 0 : i32
    %dma_start3A_675 = tpu.memref_slice %arg10[%dma_start3A_671, %dma_start3A_672, %dma_start3A_674] : memref<2x5x1024xf32, #tpu.memory_space<vmem>> -> memref<1x1x1024xf32, #tpu.memory_space<vmem>>
    %dma_start3A_676 = tpu.memref_squeeze %dma_start3A_675 : memref<1x1x1024xf32, #tpu.memory_space<vmem>> -> memref<1024xf32, #tpu.memory_space<vmem>>
    %dma_start3A_677 = tpu.memref_slice %arg5[%dma_start3A_673, %min3A_631] : memref<5x160000xf32, #tpu.memory_space<hbm>> -> memref<1x1024xf32, #tpu.memory_space<hbm>>
    %dma_start3A_678 = tpu.memref_squeeze %dma_start3A_677 : memref<1x1024xf32, #tpu.memory_space<hbm>> -> memref<1024xf32, #tpu.memory_space<hbm>>
    %dma_start3A_679 = tpu.memref_slice %arg5[%dma_start3A_673, %min3A_631] : memref<5x160000xf32, #tpu.memory_space<hbm>> -> memref<1x1024xf32, #tpu.memory_space<hbm>>
    %dma_start3A_680 = tpu.memref_squeeze %dma_start3A_679 : memref<1x1024xf32, #tpu.memory_space<hbm>> -> memref<1024xf32, #tpu.memory_space<hbm>>
    %dma_start3A_681 = arith.constant 0 : i32
    %dma_start3A_682 = tpu.memref_slice %arg10[%dma_start3A_671, %dma_start3A_672, %dma_start3A_681] : memref<2x5x1024xf32, #tpu.memory_space<vmem>> -> memref<1x1x1024xf32, #tpu.memory_space<vmem>>
    %dma_start3A_683 = tpu.memref_squeeze %dma_start3A_682 : memref<1x1x1024xf32, #tpu.memory_space<vmem>> -> memref<1024xf32, #tpu.memory_space<vmem>>
    tpu.enqueue_dma source(%dma_start3A_683 : memref<1024xf32, #tpu.memory_space<vmem>>) target(%dma_start3A_680 : memref<1024xf32, #tpu.memory_space<hbm>>) target_semaphore(%arg16 : memref<!tpu.dma_semaphore, #tpu.memory_space<semaphore_mem>>)
    %dma_start3A_684 = arith.constant 1 : i32
    %dma_start3A_685 = arith.constant 4 : i32
    %dma_start3A_686 = arith.constant 4 : i32
    %dma_start3A_687 = arith.constant 0 : i32
    %dma_start3A_688 = tpu.memref_slice %arg10[%dma_start3A_684, %dma_start3A_685, %dma_start3A_687] : memref<2x5x1024xf32, #tpu.memory_space<vmem>> -> memref<1x1x1024xf32, #tpu.memory_space<vmem>>
    %dma_start3A_689 = tpu.memref_squeeze %dma_start3A_688 : memref<1x1x1024xf32, #tpu.memory_space<vmem>> -> memref<1024xf32, #tpu.memory_space<vmem>>
    %dma_start3A_690 = tpu.memref_slice %arg5[%dma_start3A_686, %min3A_631] : memref<5x160000xf32, #tpu.memory_space<hbm>> -> memref<1x1024xf32, #tpu.memory_space<hbm>>
    %dma_start3A_691 = tpu.memref_squeeze %dma_start3A_690 : memref<1x1024xf32, #tpu.memory_space<hbm>> -> memref<1024xf32, #tpu.memory_space<hbm>>
    %dma_start3A_692 = tpu.memref_slice %arg5[%dma_start3A_686, %min3A_631] : memref<5x160000xf32, #tpu.memory_space<hbm>> -> memref<1x1024xf32, #tpu.memory_space<hbm>>
    %dma_start3A_693 = tpu.memref_squeeze %dma_start3A_692 : memref<1x1024xf32, #tpu.memory_space<hbm>> -> memref<1024xf32, #tpu.memory_space<hbm>>
    %dma_start3A_694 = arith.constant 0 : i32
    %dma_start3A_695 = tpu.memref_slice %arg10[%dma_start3A_684, %dma_start3A_685, %dma_start3A_694] : memref<2x5x1024xf32, #tpu.memory_space<vmem>> -> memref<1x1x1024xf32, #tpu.memory_space<vmem>>
    %dma_start3A_696 = tpu.memref_squeeze %dma_start3A_695 : memref<1x1x1024xf32, #tpu.memory_space<vmem>> -> memref<1024xf32, #tpu.memory_space<vmem>>
    tpu.enqueue_dma source(%dma_start3A_696 : memref<1024xf32, #tpu.memory_space<vmem>>) target(%dma_start3A_693 : memref<1024xf32, #tpu.memory_space<hbm>>) target_semaphore(%arg16 : memref<!tpu.dma_semaphore, #tpu.memory_space<semaphore_mem>>)
    %dma_wait3A_697 = arith.constant 0 : i32
    %dma_wait3A_698 = arith.constant 0 : i32
    %dma_wait3A_699 = arith.constant 0 : i32
    %dma_wait3A_700 = arith.constant 0 : i32
    %dma_wait3A_701 = tpu.memref_slice %arg8[%dma_wait3A_698, %dma_wait3A_699, %dma_wait3A_700] : memref<2x1024x16xf32, #tpu.memory_space<vmem>> -> memref<1x1024x16xf32, #tpu.memory_space<vmem>>
    %dma_wait3A_702 = tpu.memref_squeeze %dma_wait3A_701 : memref<1x1024x16xf32, #tpu.memory_space<vmem>> -> memref<1024x16xf32, #tpu.memory_space<vmem>>
    %dma_wait3A_703 = arith.constant 0 : i32
    %dma_wait3A_704 = tpu.memref_slice %arg6[%dma_wait3A_697, %dma_wait3A_703] : memref<2x1024xi32, #tpu.memory_space<vmem>> -> memref<1x1024xi32, #tpu.memory_space<vmem>>
    %dma_wait3A_705 = tpu.memref_squeeze %dma_wait3A_704 : memref<1x1024xi32, #tpu.memory_space<vmem>> -> memref<1024xi32, #tpu.memory_space<vmem>>
    %dma_wait3A_706 = arith.constant 0 : i32
    %dma_wait3A_707 = arith.constant 0 : i32
    %dma_wait3A_708 = tpu.memref_slice %arg2[%dma_wait3A_706, %dma_wait3A_707] : memref<10000x16xf32, #tpu.memory_space<hbm>> -> memref<10000x16xf32, #tpu.memory_space<hbm>>
    tpu.wait_indirect_dma semaphore(%arg11 : memref<!tpu.dma_semaphore, #tpu.memory_space<semaphore_mem>>) src(%dma_wait3A_708 : memref<10000x16xf32, #tpu.memory_space<hbm>>) dst(%dma_wait3A_702 : memref<1024x16xf32, #tpu.memory_space<vmem>>)
    %dma_wait3A_709 = arith.constant 0 : i32
    %dma_wait3A_710 = arith.constant 0 : i32
    %dma_wait3A_711 = arith.constant 0 : i32
    %dma_wait3A_712 = arith.constant 0 : i32
    %dma_wait3A_713 = tpu.memref_slice %arg9[%dma_wait3A_710, %dma_wait3A_711, %dma_wait3A_712] : memref<2x1024x16xf32, #tpu.memory_space<vmem>> -> memref<1x1024x16xf32, #tpu.memory_space<vmem>>
    %dma_wait3A_714 = tpu.memref_squeeze %dma_wait3A_713 : memref<1x1024x16xf32, #tpu.memory_space<vmem>> -> memref<1024x16xf32, #tpu.memory_space<vmem>>
    %dma_wait3A_715 = arith.constant 0 : i32
    %dma_wait3A_716 = tpu.memref_slice %arg7[%dma_wait3A_709, %dma_wait3A_715] : memref<2x1024xi32, #tpu.memory_space<vmem>> -> memref<1x1024xi32, #tpu.memory_space<vmem>>
    %dma_wait3A_717 = tpu.memref_squeeze %dma_wait3A_716 : memref<1x1024xi32, #tpu.memory_space<vmem>> -> memref<1024xi32, #tpu.memory_space<vmem>>
    %dma_wait3A_718 = arith.constant 0 : i32
    %dma_wait3A_719 = arith.constant 0 : i32
    %dma_wait3A_720 = tpu.memref_slice %arg3[%dma_wait3A_718, %dma_wait3A_719] : memref<10000x16xf32, #tpu.memory_space<hbm>> -> memref<10000x16xf32, #tpu.memory_space<hbm>>
    tpu.wait_indirect_dma semaphore(%arg13 : memref<!tpu.dma_semaphore, #tpu.memory_space<semaphore_mem>>) src(%dma_wait3A_720 : memref<10000x16xf32, #tpu.memory_space<hbm>>) dst(%dma_wait3A_714 : memref<1024x16xf32, #tpu.memory_space<vmem>>)
    %dma_wait3A_721 = arith.constant 0 : i32
    %dma_wait3A_722 = arith.constant 0 : i32
    %dma_wait3A_723 = arith.constant 0 : i32
    %dma_wait3A_724 = arith.constant 0 : i32
    %dma_wait3A_725 = tpu.memref_slice %arg10[%dma_wait3A_721, %dma_wait3A_722, %dma_wait3A_724] : memref<2x5x1024xf32, #tpu.memory_space<vmem>> -> memref<1x1x1024xf32, #tpu.memory_space<vmem>>
    %dma_wait3A_726 = tpu.memref_squeeze %dma_wait3A_725 : memref<1x1x1024xf32, #tpu.memory_space<vmem>> -> memref<1024xf32, #tpu.memory_space<vmem>>
    %dma_wait3A_727 = tpu.memref_slice %arg5[%dma_wait3A_723, %min3A_432] : memref<5x160000xf32, #tpu.memory_space<hbm>> -> memref<1x1024xf32, #tpu.memory_space<hbm>>
    %dma_wait3A_728 = tpu.memref_squeeze %dma_wait3A_727 : memref<1x1024xf32, #tpu.memory_space<hbm>> -> memref<1024xf32, #tpu.memory_space<hbm>>
    %dma_wait3A_729 = tpu.memref_slice %arg5[%dma_wait3A_723, %min3A_432] : memref<5x160000xf32, #tpu.memory_space<hbm>> -> memref<1x1024xf32, #tpu.memory_space<hbm>>
    %dma_wait3A_730 = tpu.memref_squeeze %dma_wait3A_729 : memref<1x1024xf32, #tpu.memory_space<hbm>> -> memref<1024xf32, #tpu.memory_space<hbm>>
    %dma_wait3A_731 = arith.constant 0 : i32
    %dma_wait3A_732 = tpu.memref_slice %arg10[%dma_wait3A_721, %dma_wait3A_722, %dma_wait3A_731] : memref<2x5x1024xf32, #tpu.memory_space<vmem>> -> memref<1x1x1024xf32, #tpu.memory_space<vmem>>
    %dma_wait3A_733 = tpu.memref_squeeze %dma_wait3A_732 : memref<1x1x1024xf32, #tpu.memory_space<vmem>> -> memref<1024xf32, #tpu.memory_space<vmem>>
    tpu.wait_dma2 semaphore(%arg15 : memref<!tpu.dma_semaphore, #tpu.memory_space<semaphore_mem>>) src(%dma_wait3A_733 : memref<1024xf32, #tpu.memory_space<vmem>>) dst(%dma_wait3A_730 : memref<1024xf32, #tpu.memory_space<hbm>>)
    %dma_wait3A_734 = arith.constant 0 : i32
    %dma_wait3A_735 = arith.constant 1 : i32
    %dma_wait3A_736 = arith.constant 1 : i32
    %dma_wait3A_737 = arith.constant 0 : i32
    %dma_wait3A_738 = tpu.memref_slice %arg10[%dma_wait3A_734, %dma_wait3A_735, %dma_wait3A_737] : memref<2x5x1024xf32, #tpu.memory_space<vmem>> -> memref<1x1x1024xf32, #tpu.memory_space<vmem>>
    %dma_wait3A_739 = tpu.memref_squeeze %dma_wait3A_738 : memref<1x1x1024xf32, #tpu.memory_space<vmem>> -> memref<1024xf32, #tpu.memory_space<vmem>>
    %dma_wait3A_740 = tpu.memref_slice %arg5[%dma_wait3A_736, %min3A_432] : memref<5x160000xf32, #tpu.memory_space<hbm>> -> memref<1x1024xf32, #tpu.memory_space<hbm>>
    %dma_wait3A_741 = tpu.memref_squeeze %dma_wait3A_740 : memref<1x1024xf32, #tpu.memory_space<hbm>> -> memref<1024xf32, #tpu.memory_space<hbm>>
    %dma_wait3A_742 = tpu.memref_slice %arg5[%dma_wait3A_736, %min3A_432] : memref<5x160000xf32, #tpu.memory_space<hbm>> -> memref<1x1024xf32, #tpu.memory_space<hbm>>
    %dma_wait3A_743 = tpu.memref_squeeze %dma_wait3A_742 : memref<1x1024xf32, #tpu.memory_space<hbm>> -> memref<1024xf32, #tpu.memory_space<hbm>>
    %dma_wait3A_744 = arith.constant 0 : i32
    %dma_wait3A_745 = tpu.memref_slice %arg10[%dma_wait3A_734, %dma_wait3A_735, %dma_wait3A_744] : memref<2x5x1024xf32, #tpu.memory_space<vmem>> -> memref<1x1x1024xf32, #tpu.memory_space<vmem>>
    %dma_wait3A_746 = tpu.memref_squeeze %dma_wait3A_745 : memref<1x1x1024xf32, #tpu.memory_space<vmem>> -> memref<1024xf32, #tpu.memory_space<vmem>>
    tpu.wait_dma2 semaphore(%arg15 : memref<!tpu.dma_semaphore, #tpu.memory_space<semaphore_mem>>) src(%dma_wait3A_746 : memref<1024xf32, #tpu.memory_space<vmem>>) dst(%dma_wait3A_743 : memref<1024xf32, #tpu.memory_space<hbm>>)
    %dma_wait3A_747 = arith.constant 0 : i32
    %dma_wait3A_748 = arith.constant 2 : i32
    %dma_wait3A_749 = arith.constant 2 : i32
    %dma_wait3A_750 = arith.constant 0 : i32
    %dma_wait3A_751 = tpu.memref_slice %arg10[%dma_wait3A_747, %dma_wait3A_748, %dma_wait3A_750] : memref<2x5x1024xf32, #tpu.memory_space<vmem>> -> memref<1x1x1024xf32, #tpu.memory_space<vmem>>
    %dma_wait3A_752 = tpu.memref_squeeze %dma_wait3A_751 : memref<1x1x1024xf32, #tpu.memory_space<vmem>> -> memref<1024xf32, #tpu.memory_space<vmem>>
    %dma_wait3A_753 = tpu.memref_slice %arg5[%dma_wait3A_749, %min3A_432] : memref<5x160000xf32, #tpu.memory_space<hbm>> -> memref<1x1024xf32, #tpu.memory_space<hbm>>
    %dma_wait3A_754 = tpu.memref_squeeze %dma_wait3A_753 : memref<1x1024xf32, #tpu.memory_space<hbm>> -> memref<1024xf32, #tpu.memory_space<hbm>>
    %dma_wait3A_755 = tpu.memref_slice %arg5[%dma_wait3A_749, %min3A_432] : memref<5x160000xf32, #tpu.memory_space<hbm>> -> memref<1x1024xf32, #tpu.memory_space<hbm>>
    %dma_wait3A_756 = tpu.memref_squeeze %dma_wait3A_755 : memref<1x1024xf32, #tpu.memory_space<hbm>> -> memref<1024xf32, #tpu.memory_space<hbm>>
    %dma_wait3A_757 = arith.constant 0 : i32
    %dma_wait3A_758 = tpu.memref_slice %arg10[%dma_wait3A_747, %dma_wait3A_748, %dma_wait3A_757] : memref<2x5x1024xf32, #tpu.memory_space<vmem>> -> memref<1x1x1024xf32, #tpu.memory_space<vmem>>
    %dma_wait3A_759 = tpu.memref_squeeze %dma_wait3A_758 : memref<1x1x1024xf32, #tpu.memory_space<vmem>> -> memref<1024xf32, #tpu.memory_space<vmem>>
    tpu.wait_dma2 semaphore(%arg15 : memref<!tpu.dma_semaphore, #tpu.memory_space<semaphore_mem>>) src(%dma_wait3A_759 : memref<1024xf32, #tpu.memory_space<vmem>>) dst(%dma_wait3A_756 : memref<1024xf32, #tpu.memory_space<hbm>>)
    %dma_wait3A_760 = arith.constant 0 : i32
    %dma_wait3A_761 = arith.constant 3 : i32
    %dma_wait3A_762 = arith.constant 3 : i32
    %dma_wait3A_763 = arith.constant 0 : i32
    %dma_wait3A_764 = tpu.memref_slice %arg10[%dma_wait3A_760, %dma_wait3A_761, %dma_wait3A_763] : memref<2x5x1024xf32, #tpu.memory_space<vmem>> -> memref<1x1x1024xf32, #tpu.memory_space<vmem>>
    %dma_wait3A_765 = tpu.memref_squeeze %dma_wait3A_764 : memref<1x1x1024xf32, #tpu.memory_space<vmem>> -> memref<1024xf32, #tpu.memory_space<vmem>>
    %dma_wait3A_766 = tpu.memref_slice %arg5[%dma_wait3A_762, %min3A_432] : memref<5x160000xf32, #tpu.memory_space<hbm>> -> memref<1x1024xf32, #tpu.memory_space<hbm>>
    %dma_wait3A_767 = tpu.memref_squeeze %dma_wait3A_766 : memref<1x1024xf32, #tpu.memory_space<hbm>> -> memref<1024xf32, #tpu.memory_space<hbm>>
    %dma_wait3A_768 = tpu.memref_slice %arg5[%dma_wait3A_762, %min3A_432] : memref<5x160000xf32, #tpu.memory_space<hbm>> -> memref<1x1024xf32, #tpu.memory_space<hbm>>
    %dma_wait3A_769 = tpu.memref_squeeze %dma_wait3A_768 : memref<1x1024xf32, #tpu.memory_space<hbm>> -> memref<1024xf32, #tpu.memory_space<hbm>>
    %dma_wait3A_770 = arith.constant 0 : i32
    %dma_wait3A_771 = tpu.memref_slice %arg10[%dma_wait3A_760, %dma_wait3A_761, %dma_wait3A_770] : memref<2x5x1024xf32, #tpu.memory_space<vmem>> -> memref<1x1x1024xf32, #tpu.memory_space<vmem>>
    %dma_wait3A_772 = tpu.memref_squeeze %dma_wait3A_771 : memref<1x1x1024xf32, #tpu.memory_space<vmem>> -> memref<1024xf32, #tpu.memory_space<vmem>>
    tpu.wait_dma2 semaphore(%arg15 : memref<!tpu.dma_semaphore, #tpu.memory_space<semaphore_mem>>) src(%dma_wait3A_772 : memref<1024xf32, #tpu.memory_space<vmem>>) dst(%dma_wait3A_769 : memref<1024xf32, #tpu.memory_space<hbm>>)
    %dma_wait3A_773 = arith.constant 0 : i32
    %dma_wait3A_774 = arith.constant 4 : i32
    %dma_wait3A_775 = arith.constant 4 : i32
    %dma_wait3A_776 = arith.constant 0 : i32
    %dma_wait3A_777 = tpu.memref_slice %arg10[%dma_wait3A_773, %dma_wait3A_774, %dma_wait3A_776] : memref<2x5x1024xf32, #tpu.memory_space<vmem>> -> memref<1x1x1024xf32, #tpu.memory_space<vmem>>
    %dma_wait3A_778 = tpu.memref_squeeze %dma_wait3A_777 : memref<1x1x1024xf32, #tpu.memory_space<vmem>> -> memref<1024xf32, #tpu.memory_space<vmem>>
    %dma_wait3A_779 = tpu.memref_slice %arg5[%dma_wait3A_775, %min3A_432] : memref<5x160000xf32, #tpu.memory_space<hbm>> -> memref<1x1024xf32, #tpu.memory_space<hbm>>
    %dma_wait3A_780 = tpu.memref_squeeze %dma_wait3A_779 : memref<1x1024xf32, #tpu.memory_space<hbm>> -> memref<1024xf32, #tpu.memory_space<hbm>>
    %dma_wait3A_781 = tpu.memref_slice %arg5[%dma_wait3A_775, %min3A_432] : memref<5x160000xf32, #tpu.memory_space<hbm>> -> memref<1x1024xf32, #tpu.memory_space<hbm>>
    %dma_wait3A_782 = tpu.memref_squeeze %dma_wait3A_781 : memref<1x1024xf32, #tpu.memory_space<hbm>> -> memref<1024xf32, #tpu.memory_space<hbm>>
    %dma_wait3A_783 = arith.constant 0 : i32
    %dma_wait3A_784 = tpu.memref_slice %arg10[%dma_wait3A_773, %dma_wait3A_774, %dma_wait3A_783] : memref<2x5x1024xf32, #tpu.memory_space<vmem>> -> memref<1x1x1024xf32, #tpu.memory_space<vmem>>
    %dma_wait3A_785 = tpu.memref_squeeze %dma_wait3A_784 : memref<1x1x1024xf32, #tpu.memory_space<vmem>> -> memref<1024xf32, #tpu.memory_space<vmem>>
    tpu.wait_dma2 semaphore(%arg15 : memref<!tpu.dma_semaphore, #tpu.memory_space<semaphore_mem>>) src(%dma_wait3A_785 : memref<1024xf32, #tpu.memory_space<vmem>>) dst(%dma_wait3A_782 : memref<1024xf32, #tpu.memory_space<hbm>>)
    %scan3A_786 = arith.constant 0 : i32
    %scan3A_787 = arith.constant 64 : i32
    %scan3A_788 = arith.addi %scan3A_786, %scan3A_787 : i32
    %scan3A_789 = arith.constant 1 : i32
    scf.for %scan3A_992 = %scan3A_786 to %scan3A_788 step %scan3A_789  : i32 {
      %mul3A_993 = arith.constant 16 : i32
      %mul3A_994 = arith.muli %scan3A_992, %mul3A_993 : i32
      %add3A_995 = vector.broadcast %mul3A_994 : i32 to vector<16xi32>
      %add3A_996 = arith.addi %iota3A, %add3A_995 : vector<16xi32>
      %add3A_997 = arith.constant 0 : i32
      %add3A_998 = vector.broadcast %add3A_997 : i32 to vector<16xi32>
      %add3A_999 = arith.addi %broadcast_in_dim3A_1, %add3A_998 : vector<16xi32>
      %add3A_1000 = arith.constant 0 : i32
      %add3A_1001 = vector.broadcast %add3A_1000 : i32 to vector<16xi32>
      %add3A_1002 = arith.addi %broadcast_in_dim3A_1, %add3A_1001 : vector<16xi32>
      %gather3A = tpu.vector_load_idx %arg8[%add3A_999, %add3A_996, %add3A_1002] : memref<2x1024x16xf32, #tpu.memory_space<vmem>>[vector<16xi32>, vector<16xi32>, vector<16xi32>], vector<16xf32>,
      %add3A_1003 = arith.constant 0 : i32
      %add3A_1004 = vector.broadcast %add3A_1003 : i32 to vector<16xi32>
      %add3A_1005 = arith.addi %broadcast_in_dim3A_1, %add3A_1004 : vector<16xi32>
      %add3A_1006 = arith.constant 1 : i32
      %add3A_1007 = vector.broadcast %add3A_1006 : i32 to vector<16xi32>
      %add3A_1008 = arith.addi %broadcast_in_dim3A_1, %add3A_1007 : vector<16xi32>
      %gather3A_1009 = tpu.vector_load_idx %arg8[%add3A_1005, %add3A_996, %add3A_1008] : memref<2x1024x16xf32, #tpu.memory_space<vmem>>[vector<16xi32>, vector<16xi32>, vector<16xi32>], vector<16xf32>,
      %add3A_1010 = arith.constant 0 : i32
      %add3A_1011 = vector.broadcast %add3A_1010 : i32 to vector<16xi32>
      %add3A_1012 = arith.addi %broadcast_in_dim3A_1, %add3A_1011 : vector<16xi32>
      %add3A_1013 = arith.constant 2 : i32
      %add3A_1014 = vector.broadcast %add3A_1013 : i32 to vector<16xi32>
      %add3A_1015 = arith.addi %broadcast_in_dim3A_1, %add3A_1014 : vector<16xi32>
      %gather3A_1016 = tpu.vector_load_idx %arg8[%add3A_1012, %add3A_996, %add3A_1015] : memref<2x1024x16xf32, #tpu.memory_space<vmem>>[vector<16xi32>, vector<16xi32>, vector<16xi32>], vector<16xf32>,
      %add3A_1017 = arith.constant 0 : i32
      %add3A_1018 = vector.broadcast %add3A_1017 : i32 to vector<16xi32>
      %add3A_1019 = arith.addi %broadcast_in_dim3A_1, %add3A_1018 : vector<16xi32>
      %add3A_1020 = arith.constant 0 : i32
      %add3A_1021 = vector.broadcast %add3A_1020 : i32 to vector<16xi32>
      %add3A_1022 = arith.addi %broadcast_in_dim3A_1, %add3A_1021 : vector<16xi32>
      %gather3A_1023 = tpu.vector_load_idx %arg9[%add3A_1019, %add3A_996, %add3A_1022] : memref<2x1024x16xf32, #tpu.memory_space<vmem>>[vector<16xi32>, vector<16xi32>, vector<16xi32>], vector<16xf32>,
      %add3A_1024 = arith.constant 0 : i32
      %add3A_1025 = vector.broadcast %add3A_1024 : i32 to vector<16xi32>
      %add3A_1026 = arith.addi %broadcast_in_dim3A_1, %add3A_1025 : vector<16xi32>
      %add3A_1027 = arith.constant 1 : i32
      %add3A_1028 = vector.broadcast %add3A_1027 : i32 to vector<16xi32>
      %add3A_1029 = arith.addi %broadcast_in_dim3A_1, %add3A_1028 : vector<16xi32>
      %gather3A_1030 = tpu.vector_load_idx %arg9[%add3A_1026, %add3A_996, %add3A_1029] : memref<2x1024x16xf32, #tpu.memory_space<vmem>>[vector<16xi32>, vector<16xi32>, vector<16xi32>], vector<16xf32>,
      %add3A_1031 = arith.constant 0 : i32
      %add3A_1032 = vector.broadcast %add3A_1031 : i32 to vector<16xi32>
      %add3A_1033 = arith.addi %broadcast_in_dim3A_1, %add3A_1032 : vector<16xi32>
      %add3A_1034 = arith.constant 2 : i32
      %add3A_1035 = vector.broadcast %add3A_1034 : i32 to vector<16xi32>
      %add3A_1036 = arith.addi %broadcast_in_dim3A_1, %add3A_1035 : vector<16xi32>
      %gather3A_1037 = tpu.vector_load_idx %arg9[%add3A_1033, %add3A_996, %add3A_1036] : memref<2x1024x16xf32, #tpu.memory_space<vmem>>[vector<16xi32>, vector<16xi32>, vector<16xi32>], vector<16xf32>,
      %sub3A = arith.subf %gather3A, %gather3A_1023 : vector<16xf32>
      %sub3A_1038 = arith.subf %gather3A_1009, %gather3A_1030 : vector<16xf32>
      %sub3A_1039 = arith.subf %gather3A_1016, %gather3A_1037 : vector<16xf32>
      %mul3A_1040 = arith.mulf %sub3A, %sub3A : vector<16xf32>
      %mul3A_1041 = arith.mulf %sub3A_1038, %sub3A_1038 : vector<16xf32>
      %add3A_1042 = arith.addf %mul3A_1040, %mul3A_1041 : vector<16xf32>
      %mul3A_1043 = arith.mulf %sub3A_1039, %sub3A_1039 : vector<16xf32>
      %add3A_1044 = arith.addf %add3A_1042, %mul3A_1043 : vector<16xf32>
      %mul3A_1045 = arith.constant 16 : i32
      %mul3A_1046 = arith.muli %scan3A_992, %mul3A_1045 : i32
      %swap3A = arith.constant 0 : i32
      %swap3A_1047 = arith.constant 0 : i32
      %swap3A_1048 = arith.index_cast %swap3A : i32 to index
      %swap3A_1049 = arith.index_cast %swap3A_1047 : i32 to index
      %swap3A_1050 = arith.index_cast %mul3A_1046 : i32 to index
      %swap3A_1051 = tpu.vector_load %arg10[%swap3A_1048, %swap3A_1049, %swap3A_1050] {strides = array<i32>} : memref<2x5x1024xf32, #tpu.memory_space<vmem>>, vector<16xf32>,
      tpu.vector_store %arg10[%swap3A_1048, %swap3A_1049, %swap3A_1050], %add3A_1044 {strides = array<i32>} : memref<2x5x1024xf32, #tpu.memory_space<vmem>>, vector<16xf32>,
      %add3A_1052 = arith.constant 0 : i32
      %add3A_1053 = vector.broadcast %add3A_1052 : i32 to vector<16xi32>
      %add3A_1054 = arith.addi %broadcast_in_dim3A_1, %add3A_1053 : vector<16xi32>
      %add3A_1055 = arith.constant 3 : i32
      %add3A_1056 = vector.broadcast %add3A_1055 : i32 to vector<16xi32>
      %add3A_1057 = arith.addi %broadcast_in_dim3A_1, %add3A_1056 : vector<16xi32>
      %gather3A_1058 = tpu.vector_load_idx %arg9[%add3A_1054, %add3A_996, %add3A_1057] : memref<2x1024x16xf32, #tpu.memory_space<vmem>>[vector<16xi32>, vector<16xi32>, vector<16xi32>], vector<16xf32>,
      %add3A_1059 = arith.constant 0 : i32
      %add3A_1060 = vector.broadcast %add3A_1059 : i32 to vector<16xi32>
      %add3A_1061 = arith.addi %broadcast_in_dim3A_1, %add3A_1060 : vector<16xi32>
      %add3A_1062 = arith.constant 4 : i32
      %add3A_1063 = vector.broadcast %add3A_1062 : i32 to vector<16xi32>
      %add3A_1064 = arith.addi %broadcast_in_dim3A_1, %add3A_1063 : vector<16xi32>
      %gather3A_1065 = tpu.vector_load_idx %arg9[%add3A_1061, %add3A_996, %add3A_1064] : memref<2x1024x16xf32, #tpu.memory_space<vmem>>[vector<16xi32>, vector<16xi32>, vector<16xi32>], vector<16xf32>,
      %add3A_1066 = arith.constant 0 : i32
      %add3A_1067 = vector.broadcast %add3A_1066 : i32 to vector<16xi32>
      %add3A_1068 = arith.addi %broadcast_in_dim3A_1, %add3A_1067 : vector<16xi32>
      %add3A_1069 = arith.constant 5 : i32
      %add3A_1070 = vector.broadcast %add3A_1069 : i32 to vector<16xi32>
      %add3A_1071 = arith.addi %broadcast_in_dim3A_1, %add3A_1070 : vector<16xi32>
      %gather3A_1072 = tpu.vector_load_idx %arg9[%add3A_1068, %add3A_996, %add3A_1071] : memref<2x1024x16xf32, #tpu.memory_space<vmem>>[vector<16xi32>, vector<16xi32>, vector<16xi32>], vector<16xf32>,
      %sub3A_1073 = arith.subf %gather3A, %gather3A_1058 : vector<16xf32>
      %sub3A_1074 = arith.subf %gather3A_1009, %gather3A_1065 : vector<16xf32>
      %sub3A_1075 = arith.subf %gather3A_1016, %gather3A_1072 : vector<16xf32>
      %mul3A_1076 = arith.mulf %sub3A_1073, %sub3A_1073 : vector<16xf32>
      %mul3A_1077 = arith.mulf %sub3A_1074, %sub3A_1074 : vector<16xf32>
      %add3A_1078 = arith.addf %mul3A_1076, %mul3A_1077 : vector<16xf32>
      %mul3A_1079 = arith.mulf %sub3A_1075, %sub3A_1075 : vector<16xf32>
      %add3A_1080 = arith.addf %add3A_1078, %mul3A_1079 : vector<16xf32>
      %mul3A_1081 = arith.constant 16 : i32
      %mul3A_1082 = arith.muli %scan3A_992, %mul3A_1081 : i32
      %swap3A_1083 = arith.constant 0 : i32
      %swap3A_1084 = arith.constant 1 : i32
      %swap3A_1085 = arith.index_cast %swap3A_1083 : i32 to index
      %swap3A_1086 = arith.index_cast %swap3A_1084 : i32 to index
      %swap3A_1087 = arith.index_cast %mul3A_1082 : i32 to index
      %swap3A_1088 = tpu.vector_load %arg10[%swap3A_1085, %swap3A_1086, %swap3A_1087] {strides = array<i32>} : memref<2x5x1024xf32, #tpu.memory_space<vmem>>, vector<16xf32>,
      tpu.vector_store %arg10[%swap3A_1085, %swap3A_1086, %swap3A_1087], %add3A_1080 {strides = array<i32>} : memref<2x5x1024xf32, #tpu.memory_space<vmem>>, vector<16xf32>,
      %add3A_1089 = arith.constant 0 : i32
      %add3A_1090 = vector.broadcast %add3A_1089 : i32 to vector<16xi32>
      %add3A_1091 = arith.addi %broadcast_in_dim3A_1, %add3A_1090 : vector<16xi32>
      %add3A_1092 = arith.constant 6 : i32
      %add3A_1093 = vector.broadcast %add3A_1092 : i32 to vector<16xi32>
      %add3A_1094 = arith.addi %broadcast_in_dim3A_1, %add3A_1093 : vector<16xi32>
      %gather3A_1095 = tpu.vector_load_idx %arg9[%add3A_1091, %add3A_996, %add3A_1094] : memref<2x1024x16xf32, #tpu.memory_space<vmem>>[vector<16xi32>, vector<16xi32>, vector<16xi32>], vector<16xf32>,
      %add3A_1096 = arith.constant 0 : i32
      %add3A_1097 = vector.broadcast %add3A_1096 : i32 to vector<16xi32>
      %add3A_1098 = arith.addi %broadcast_in_dim3A_1, %add3A_1097 : vector<16xi32>
      %add3A_1099 = arith.constant 7 : i32
      %add3A_1100 = vector.broadcast %add3A_1099 : i32 to vector<16xi32>
      %add3A_1101 = arith.addi %broadcast_in_dim3A_1, %add3A_1100 : vector<16xi32>
      %gather3A_1102 = tpu.vector_load_idx %arg9[%add3A_1098, %add3A_996, %add3A_1101] : memref<2x1024x16xf32, #tpu.memory_space<vmem>>[vector<16xi32>, vector<16xi32>, vector<16xi32>], vector<16xf32>,
      %add3A_1103 = arith.constant 0 : i32
      %add3A_1104 = vector.broadcast %add3A_1103 : i32 to vector<16xi32>
      %add3A_1105 = arith.addi %broadcast_in_dim3A_1, %add3A_1104 : vector<16xi32>
      %add3A_1106 = arith.constant 8 : i32
      %add3A_1107 = vector.broadcast %add3A_1106 : i32 to vector<16xi32>
      %add3A_1108 = arith.addi %broadcast_in_dim3A_1, %add3A_1107 : vector<16xi32>
      %gather3A_1109 = tpu.vector_load_idx %arg9[%add3A_1105, %add3A_996, %add3A_1108] : memref<2x1024x16xf32, #tpu.memory_space<vmem>>[vector<16xi32>, vector<16xi32>, vector<16xi32>], vector<16xf32>,
      %sub3A_1110 = arith.subf %gather3A, %gather3A_1095 : vector<16xf32>
      %sub3A_1111 = arith.subf %gather3A_1009, %gather3A_1102 : vector<16xf32>
      %sub3A_1112 = arith.subf %gather3A_1016, %gather3A_1109 : vector<16xf32>
      %mul3A_1113 = arith.mulf %sub3A_1110, %sub3A_1110 : vector<16xf32>
      %mul3A_1114 = arith.mulf %sub3A_1111, %sub3A_1111 : vector<16xf32>
      %add3A_1115 = arith.addf %mul3A_1113, %mul3A_1114 : vector<16xf32>
      %mul3A_1116 = arith.mulf %sub3A_1112, %sub3A_1112 : vector<16xf32>
      %add3A_1117 = arith.addf %add3A_1115, %mul3A_1116 : vector<16xf32>
      %mul3A_1118 = arith.constant 16 : i32
      %mul3A_1119 = arith.muli %scan3A_992, %mul3A_1118 : i32
      %swap3A_1120 = arith.constant 0 : i32
      %swap3A_1121 = arith.constant 2 : i32
      %swap3A_1122 = arith.index_cast %swap3A_1120 : i32 to index
      %swap3A_1123 = arith.index_cast %swap3A_1121 : i32 to index
      %swap3A_1124 = arith.index_cast %mul3A_1119 : i32 to index
      %swap3A_1125 = tpu.vector_load %arg10[%swap3A_1122, %swap3A_1123, %swap3A_1124] {strides = array<i32>} : memref<2x5x1024xf32, #tpu.memory_space<vmem>>, vector<16xf32>,
      tpu.vector_store %arg10[%swap3A_1122, %swap3A_1123, %swap3A_1124], %add3A_1117 {strides = array<i32>} : memref<2x5x1024xf32, #tpu.memory_space<vmem>>, vector<16xf32>,
      %add3A_1126 = arith.constant 0 : i32
      %add3A_1127 = vector.broadcast %add3A_1126 : i32 to vector<16xi32>
      %add3A_1128 = arith.addi %broadcast_in_dim3A_1, %add3A_1127 : vector<16xi32>
      %add3A_1129 = arith.constant 9 : i32
      %add3A_1130 = vector.broadcast %add3A_1129 : i32 to vector<16xi32>
      %add3A_1131 = arith.addi %broadcast_in_dim3A_1, %add3A_1130 : vector<16xi32>
      %gather3A_1132 = tpu.vector_load_idx %arg9[%add3A_1128, %add3A_996, %add3A_1131] : memref<2x1024x16xf32, #tpu.memory_space<vmem>>[vector<16xi32>, vector<16xi32>, vector<16xi32>], vector<16xf32>,
      %add3A_1133 = arith.constant 0 : i32
      %add3A_1134 = vector.broadcast %add3A_1133 : i32 to vector<16xi32>
      %add3A_1135 = arith.addi %broadcast_in_dim3A_1, %add3A_1134 : vector<16xi32>
      %add3A_1136 = arith.constant 10 : i32
      %add3A_1137 = vector.broadcast %add3A_1136 : i32 to vector<16xi32>
      %add3A_1138 = arith.addi %broadcast_in_dim3A_1, %add3A_1137 : vector<16xi32>
      %gather3A_1139 = tpu.vector_load_idx %arg9[%add3A_1135, %add3A_996, %add3A_1138] : memref<2x1024x16xf32, #tpu.memory_space<vmem>>[vector<16xi32>, vector<16xi32>, vector<16xi32>], vector<16xf32>,
      %add3A_1140 = arith.constant 0 : i32
      %add3A_1141 = vector.broadcast %add3A_1140 : i32 to vector<16xi32>
      %add3A_1142 = arith.addi %broadcast_in_dim3A_1, %add3A_1141 : vector<16xi32>
      %add3A_1143 = arith.constant 11 : i32
      %add3A_1144 = vector.broadcast %add3A_1143 : i32 to vector<16xi32>
      %add3A_1145 = arith.addi %broadcast_in_dim3A_1, %add3A_1144 : vector<16xi32>
      %gather3A_1146 = tpu.vector_load_idx %arg9[%add3A_1142, %add3A_996, %add3A_1145] : memref<2x1024x16xf32, #tpu.memory_space<vmem>>[vector<16xi32>, vector<16xi32>, vector<16xi32>], vector<16xf32>,
      %sub3A_1147 = arith.subf %gather3A, %gather3A_1132 : vector<16xf32>
      %sub3A_1148 = arith.subf %gather3A_1009, %gather3A_1139 : vector<16xf32>
      %sub3A_1149 = arith.subf %gather3A_1016, %gather3A_1146 : vector<16xf32>
      %mul3A_1150 = arith.mulf %sub3A_1147, %sub3A_1147 : vector<16xf32>
      %mul3A_1151 = arith.mulf %sub3A_1148, %sub3A_1148 : vector<16xf32>
      %add3A_1152 = arith.addf %mul3A_1150, %mul3A_1151 : vector<16xf32>
      %mul3A_1153 = arith.mulf %sub3A_1149, %sub3A_1149 : vector<16xf32>
      %add3A_1154 = arith.addf %add3A_1152, %mul3A_1153 : vector<16xf32>
      %mul3A_1155 = arith.constant 16 : i32
      %mul3A_1156 = arith.muli %scan3A_992, %mul3A_1155 : i32
      %swap3A_1157 = arith.constant 0 : i32
      %swap3A_1158 = arith.constant 3 : i32
      %swap3A_1159 = arith.index_cast %swap3A_1157 : i32 to index
      %swap3A_1160 = arith.index_cast %swap3A_1158 : i32 to index
      %swap3A_1161 = arith.index_cast %mul3A_1156 : i32 to index
      %swap3A_1162 = tpu.vector_load %arg10[%swap3A_1159, %swap3A_1160, %swap3A_1161] {strides = array<i32>} : memref<2x5x1024xf32, #tpu.memory_space<vmem>>, vector<16xf32>,
      tpu.vector_store %arg10[%swap3A_1159, %swap3A_1160, %swap3A_1161], %add3A_1154 {strides = array<i32>} : memref<2x5x1024xf32, #tpu.memory_space<vmem>>, vector<16xf32>,
      %add3A_1163 = arith.constant 0 : i32
      %add3A_1164 = vector.broadcast %add3A_1163 : i32 to vector<16xi32>
      %add3A_1165 = arith.addi %broadcast_in_dim3A_1, %add3A_1164 : vector<16xi32>
      %add3A_1166 = arith.constant 12 : i32
      %add3A_1167 = vector.broadcast %add3A_1166 : i32 to vector<16xi32>
      %add3A_1168 = arith.addi %broadcast_in_dim3A_1, %add3A_1167 : vector<16xi32>
      %gather3A_1169 = tpu.vector_load_idx %arg9[%add3A_1165, %add3A_996, %add3A_1168] : memref<2x1024x16xf32, #tpu.memory_space<vmem>>[vector<16xi32>, vector<16xi32>, vector<16xi32>], vector<16xf32>,
      %add3A_1170 = arith.constant 0 : i32
      %add3A_1171 = vector.broadcast %add3A_1170 : i32 to vector<16xi32>
      %add3A_1172 = arith.addi %broadcast_in_dim3A_1, %add3A_1171 : vector<16xi32>
      %add3A_1173 = arith.constant 13 : i32
      %add3A_1174 = vector.broadcast %add3A_1173 : i32 to vector<16xi32>
      %add3A_1175 = arith.addi %broadcast_in_dim3A_1, %add3A_1174 : vector<16xi32>
      %gather3A_1176 = tpu.vector_load_idx %arg9[%add3A_1172, %add3A_996, %add3A_1175] : memref<2x1024x16xf32, #tpu.memory_space<vmem>>[vector<16xi32>, vector<16xi32>, vector<16xi32>], vector<16xf32>,
      %add3A_1177 = arith.constant 0 : i32
      %add3A_1178 = vector.broadcast %add3A_1177 : i32 to vector<16xi32>
      %add3A_1179 = arith.addi %broadcast_in_dim3A_1, %add3A_1178 : vector<16xi32>
      %add3A_1180 = arith.constant 14 : i32
      %add3A_1181 = vector.broadcast %add3A_1180 : i32 to vector<16xi32>
      %add3A_1182 = arith.addi %broadcast_in_dim3A_1, %add3A_1181 : vector<16xi32>
      %gather3A_1183 = tpu.vector_load_idx %arg9[%add3A_1179, %add3A_996, %add3A_1182] : memref<2x1024x16xf32, #tpu.memory_space<vmem>>[vector<16xi32>, vector<16xi32>, vector<16xi32>], vector<16xf32>,
      %sub3A_1184 = arith.subf %gather3A, %gather3A_1169 : vector<16xf32>
      %sub3A_1185 = arith.subf %gather3A_1009, %gather3A_1176 : vector<16xf32>
      %sub3A_1186 = arith.subf %gather3A_1016, %gather3A_1183 : vector<16xf32>
      %mul3A_1187 = arith.mulf %sub3A_1184, %sub3A_1184 : vector<16xf32>
      %mul3A_1188 = arith.mulf %sub3A_1185, %sub3A_1185 : vector<16xf32>
      %add3A_1189 = arith.addf %mul3A_1187, %mul3A_1188 : vector<16xf32>
      %mul3A_1190 = arith.mulf %sub3A_1186, %sub3A_1186 : vector<16xf32>
      %add3A_1191 = arith.addf %add3A_1189, %mul3A_1190 : vector<16xf32>
      %mul3A_1192 = arith.constant 16 : i32
      %mul3A_1193 = arith.muli %scan3A_992, %mul3A_1192 : i32
      %swap3A_1194 = arith.constant 0 : i32
      %swap3A_1195 = arith.constant 4 : i32
      %swap3A_1196 = arith.index_cast %swap3A_1194 : i32 to index
      %swap3A_1197 = arith.index_cast %swap3A_1195 : i32 to index
      %swap3A_1198 = arith.index_cast %mul3A_1193 : i32 to index
      %swap3A_1199 = tpu.vector_load %arg10[%swap3A_1196, %swap3A_1197, %swap3A_1198] {strides = array<i32>} : memref<2x5x1024xf32, #tpu.memory_space<vmem>>, vector<16xf32>,
      tpu.vector_store %arg10[%swap3A_1196, %swap3A_1197, %swap3A_1198], %add3A_1191 {strides = array<i32>} : memref<2x5x1024xf32, #tpu.memory_space<vmem>>, vector<16xf32>,
    }
    %scan3A_790 = arith.constant 64 : i32
    %mul3A_791 = arith.constant 5120 : i32
    %mul3A_792 = arith.muli %add3A, %mul3A_791 : i32
    %add3A_793 = arith.constant 4096 : i32
    %add3A_794 = arith.addi %mul3A_792, %add3A_793 : i32
    %min3A_795 = arith.constant 158976 : i32
    %min3A_796 = arith.minsi %add3A_794, %min3A_795 : i32
    %dma_start3A_797 = arith.constant 0 : i32
    %dma_start3A_798 = arith.constant 0 : i32
    %dma_start3A_799 = arith.constant 0 : i32
    %dma_start3A_800 = arith.constant 0 : i32
    %dma_start3A_801 = tpu.memref_slice %arg10[%dma_start3A_797, %dma_start3A_798, %dma_start3A_800] : memref<2x5x1024xf32, #tpu.memory_space<vmem>> -> memref<1x1x1024xf32, #tpu.memory_space<vmem>>
    %dma_start3A_802 = tpu.memref_squeeze %dma_start3A_801 : memref<1x1x1024xf32, #tpu.memory_space<vmem>> -> memref<1024xf32, #tpu.memory_space<vmem>>
    %dma_start3A_803 = tpu.memref_slice %arg5[%dma_start3A_799, %min3A_796] : memref<5x160000xf32, #tpu.memory_space<hbm>> -> memref<1x1024xf32, #tpu.memory_space<hbm>>
    %dma_start3A_804 = tpu.memref_squeeze %dma_start3A_803 : memref<1x1024xf32, #tpu.memory_space<hbm>> -> memref<1024xf32, #tpu.memory_space<hbm>>
    %dma_start3A_805 = tpu.memref_slice %arg5[%dma_start3A_799, %min3A_796] : memref<5x160000xf32, #tpu.memory_space<hbm>> -> memref<1x1024xf32, #tpu.memory_space<hbm>>
    %dma_start3A_806 = tpu.memref_squeeze %dma_start3A_805 : memref<1x1024xf32, #tpu.memory_space<hbm>> -> memref<1024xf32, #tpu.memory_space<hbm>>
    %dma_start3A_807 = arith.constant 0 : i32
    %dma_start3A_808 = tpu.memref_slice %arg10[%dma_start3A_797, %dma_start3A_798, %dma_start3A_807] : memref<2x5x1024xf32, #tpu.memory_space<vmem>> -> memref<1x1x1024xf32, #tpu.memory_space<vmem>>
    %dma_start3A_809 = tpu.memref_squeeze %dma_start3A_808 : memref<1x1x1024xf32, #tpu.memory_space<vmem>> -> memref<1024xf32, #tpu.memory_space<vmem>>
    tpu.enqueue_dma source(%dma_start3A_809 : memref<1024xf32, #tpu.memory_space<vmem>>) target(%dma_start3A_806 : memref<1024xf32, #tpu.memory_space<hbm>>) target_semaphore(%arg15 : memref<!tpu.dma_semaphore, #tpu.memory_space<semaphore_mem>>)
    %dma_start3A_810 = arith.constant 0 : i32
    %dma_start3A_811 = arith.constant 1 : i32
    %dma_start3A_812 = arith.constant 1 : i32
    %dma_start3A_813 = arith.constant 0 : i32
    %dma_start3A_814 = tpu.memref_slice %arg10[%dma_start3A_810, %dma_start3A_811, %dma_start3A_813] : memref<2x5x1024xf32, #tpu.memory_space<vmem>> -> memref<1x1x1024xf32, #tpu.memory_space<vmem>>
    %dma_start3A_815 = tpu.memref_squeeze %dma_start3A_814 : memref<1x1x1024xf32, #tpu.memory_space<vmem>> -> memref<1024xf32, #tpu.memory_space<vmem>>
    %dma_start3A_816 = tpu.memref_slice %arg5[%dma_start3A_812, %min3A_796] : memref<5x160000xf32, #tpu.memory_space<hbm>> -> memref<1x1024xf32, #tpu.memory_space<hbm>>
    %dma_start3A_817 = tpu.memref_squeeze %dma_start3A_816 : memref<1x1024xf32, #tpu.memory_space<hbm>> -> memref<1024xf32, #tpu.memory_space<hbm>>
    %dma_start3A_818 = tpu.memref_slice %arg5[%dma_start3A_812, %min3A_796] : memref<5x160000xf32, #tpu.memory_space<hbm>> -> memref<1x1024xf32, #tpu.memory_space<hbm>>
    %dma_start3A_819 = tpu.memref_squeeze %dma_start3A_818 : memref<1x1024xf32, #tpu.memory_space<hbm>> -> memref<1024xf32, #tpu.memory_space<hbm>>
    %dma_start3A_820 = arith.constant 0 : i32
    %dma_start3A_821 = tpu.memref_slice %arg10[%dma_start3A_810, %dma_start3A_811, %dma_start3A_820] : memref<2x5x1024xf32, #tpu.memory_space<vmem>> -> memref<1x1x1024xf32, #tpu.memory_space<vmem>>
    %dma_start3A_822 = tpu.memref_squeeze %dma_start3A_821 : memref<1x1x1024xf32, #tpu.memory_space<vmem>> -> memref<1024xf32, #tpu.memory_space<vmem>>
    tpu.enqueue_dma source(%dma_start3A_822 : memref<1024xf32, #tpu.memory_space<vmem>>) target(%dma_start3A_819 : memref<1024xf32, #tpu.memory_space<hbm>>) target_semaphore(%arg15 : memref<!tpu.dma_semaphore, #tpu.memory_space<semaphore_mem>>)
    %dma_start3A_823 = arith.constant 0 : i32
    %dma_start3A_824 = arith.constant 2 : i32
    %dma_start3A_825 = arith.constant 2 : i32
    %dma_start3A_826 = arith.constant 0 : i32
    %dma_start3A_827 = tpu.memref_slice %arg10[%dma_start3A_823, %dma_start3A_824, %dma_start3A_826] : memref<2x5x1024xf32, #tpu.memory_space<vmem>> -> memref<1x1x1024xf32, #tpu.memory_space<vmem>>
    %dma_start3A_828 = tpu.memref_squeeze %dma_start3A_827 : memref<1x1x1024xf32, #tpu.memory_space<vmem>> -> memref<1024xf32, #tpu.memory_space<vmem>>
    %dma_start3A_829 = tpu.memref_slice %arg5[%dma_start3A_825, %min3A_796] : memref<5x160000xf32, #tpu.memory_space<hbm>> -> memref<1x1024xf32, #tpu.memory_space<hbm>>
    %dma_start3A_830 = tpu.memref_squeeze %dma_start3A_829 : memref<1x1024xf32, #tpu.memory_space<hbm>> -> memref<1024xf32, #tpu.memory_space<hbm>>
    %dma_start3A_831 = tpu.memref_slice %arg5[%dma_start3A_825, %min3A_796] : memref<5x160000xf32, #tpu.memory_space<hbm>> -> memref<1x1024xf32, #tpu.memory_space<hbm>>
    %dma_start3A_832 = tpu.memref_squeeze %dma_start3A_831 : memref<1x1024xf32, #tpu.memory_space<hbm>> -> memref<1024xf32, #tpu.memory_space<hbm>>
    %dma_start3A_833 = arith.constant 0 : i32
    %dma_start3A_834 = tpu.memref_slice %arg10[%dma_start3A_823, %dma_start3A_824, %dma_start3A_833] : memref<2x5x1024xf32, #tpu.memory_space<vmem>> -> memref<1x1x1024xf32, #tpu.memory_space<vmem>>
    %dma_start3A_835 = tpu.memref_squeeze %dma_start3A_834 : memref<1x1x1024xf32, #tpu.memory_space<vmem>> -> memref<1024xf32, #tpu.memory_space<vmem>>
    tpu.enqueue_dma source(%dma_start3A_835 : memref<1024xf32, #tpu.memory_space<vmem>>) target(%dma_start3A_832 : memref<1024xf32, #tpu.memory_space<hbm>>) target_semaphore(%arg15 : memref<!tpu.dma_semaphore, #tpu.memory_space<semaphore_mem>>)
    %dma_start3A_836 = arith.constant 0 : i32
    %dma_start3A_837 = arith.constant 3 : i32
    %dma_start3A_838 = arith.constant 3 : i32
    %dma_start3A_839 = arith.constant 0 : i32
    %dma_start3A_840 = tpu.memref_slice %arg10[%dma_start3A_836, %dma_start3A_837, %dma_start3A_839] : memref<2x5x1024xf32, #tpu.memory_space<vmem>> -> memref<1x1x1024xf32, #tpu.memory_space<vmem>>
    %dma_start3A_841 = tpu.memref_squeeze %dma_start3A_840 : memref<1x1x1024xf32, #tpu.memory_space<vmem>> -> memref<1024xf32, #tpu.memory_space<vmem>>
    %dma_start3A_842 = tpu.memref_slice %arg5[%dma_start3A_838, %min3A_796] : memref<5x160000xf32, #tpu.memory_space<hbm>> -> memref<1x1024xf32, #tpu.memory_space<hbm>>
    %dma_start3A_843 = tpu.memref_squeeze %dma_start3A_842 : memref<1x1024xf32, #tpu.memory_space<hbm>> -> memref<1024xf32, #tpu.memory_space<hbm>>
    %dma_start3A_844 = tpu.memref_slice %arg5[%dma_start3A_838, %min3A_796] : memref<5x160000xf32, #tpu.memory_space<hbm>> -> memref<1x1024xf32, #tpu.memory_space<hbm>>
    %dma_start3A_845 = tpu.memref_squeeze %dma_start3A_844 : memref<1x1024xf32, #tpu.memory_space<hbm>> -> memref<1024xf32, #tpu.memory_space<hbm>>
    %dma_start3A_846 = arith.constant 0 : i32
    %dma_start3A_847 = tpu.memref_slice %arg10[%dma_start3A_836, %dma_start3A_837, %dma_start3A_846] : memref<2x5x1024xf32, #tpu.memory_space<vmem>> -> memref<1x1x1024xf32, #tpu.memory_space<vmem>>
    %dma_start3A_848 = tpu.memref_squeeze %dma_start3A_847 : memref<1x1x1024xf32, #tpu.memory_space<vmem>> -> memref<1024xf32, #tpu.memory_space<vmem>>
    tpu.enqueue_dma source(%dma_start3A_848 : memref<1024xf32, #tpu.memory_space<vmem>>) target(%dma_start3A_845 : memref<1024xf32, #tpu.memory_space<hbm>>) target_semaphore(%arg15 : memref<!tpu.dma_semaphore, #tpu.memory_space<semaphore_mem>>)
    %dma_start3A_849 = arith.constant 0 : i32
    %dma_start3A_850 = arith.constant 4 : i32
    %dma_start3A_851 = arith.constant 4 : i32
    %dma_start3A_852 = arith.constant 0 : i32
    %dma_start3A_853 = tpu.memref_slice %arg10[%dma_start3A_849, %dma_start3A_850, %dma_start3A_852] : memref<2x5x1024xf32, #tpu.memory_space<vmem>> -> memref<1x1x1024xf32, #tpu.memory_space<vmem>>
    %dma_start3A_854 = tpu.memref_squeeze %dma_start3A_853 : memref<1x1x1024xf32, #tpu.memory_space<vmem>> -> memref<1024xf32, #tpu.memory_space<vmem>>
    %dma_start3A_855 = tpu.memref_slice %arg5[%dma_start3A_851, %min3A_796] : memref<5x160000xf32, #tpu.memory_space<hbm>> -> memref<1x1024xf32, #tpu.memory_space<hbm>>
    %dma_start3A_856 = tpu.memref_squeeze %dma_start3A_855 : memref<1x1024xf32, #tpu.memory_space<hbm>> -> memref<1024xf32, #tpu.memory_space<hbm>>
    %dma_start3A_857 = tpu.memref_slice %arg5[%dma_start3A_851, %min3A_796] : memref<5x160000xf32, #tpu.memory_space<hbm>> -> memref<1x1024xf32, #tpu.memory_space<hbm>>
    %dma_start3A_858 = tpu.memref_squeeze %dma_start3A_857 : memref<1x1024xf32, #tpu.memory_space<hbm>> -> memref<1024xf32, #tpu.memory_space<hbm>>
    %dma_start3A_859 = arith.constant 0 : i32
    %dma_start3A_860 = tpu.memref_slice %arg10[%dma_start3A_849, %dma_start3A_850, %dma_start3A_859] : memref<2x5x1024xf32, #tpu.memory_space<vmem>> -> memref<1x1x1024xf32, #tpu.memory_space<vmem>>
    %dma_start3A_861 = tpu.memref_squeeze %dma_start3A_860 : memref<1x1x1024xf32, #tpu.memory_space<vmem>> -> memref<1024xf32, #tpu.memory_space<vmem>>
    tpu.enqueue_dma source(%dma_start3A_861 : memref<1024xf32, #tpu.memory_space<vmem>>) target(%dma_start3A_858 : memref<1024xf32, #tpu.memory_space<hbm>>) target_semaphore(%arg15 : memref<!tpu.dma_semaphore, #tpu.memory_space<semaphore_mem>>)
    %dma_wait3A_862 = arith.constant 0 : i32
    %dma_wait3A_863 = arith.constant 0 : i32
    %dma_wait3A_864 = arith.constant 0 : i32
    %dma_wait3A_865 = arith.constant 0 : i32
    %dma_wait3A_866 = tpu.memref_slice %arg10[%dma_wait3A_862, %dma_wait3A_863, %dma_wait3A_865] : memref<2x5x1024xf32, #tpu.memory_space<vmem>> -> memref<1x1x1024xf32, #tpu.memory_space<vmem>>
    %dma_wait3A_867 = tpu.memref_squeeze %dma_wait3A_866 : memref<1x1x1024xf32, #tpu.memory_space<vmem>> -> memref<1024xf32, #tpu.memory_space<vmem>>
    %dma_wait3A_868 = tpu.memref_slice %arg5[%dma_wait3A_864, %min3A_796] : memref<5x160000xf32, #tpu.memory_space<hbm>> -> memref<1x1024xf32, #tpu.memory_space<hbm>>
    %dma_wait3A_869 = tpu.memref_squeeze %dma_wait3A_868 : memref<1x1024xf32, #tpu.memory_space<hbm>> -> memref<1024xf32, #tpu.memory_space<hbm>>
    %dma_wait3A_870 = tpu.memref_slice %arg5[%dma_wait3A_864, %min3A_796] : memref<5x160000xf32, #tpu.memory_space<hbm>> -> memref<1x1024xf32, #tpu.memory_space<hbm>>
    %dma_wait3A_871 = tpu.memref_squeeze %dma_wait3A_870 : memref<1x1024xf32, #tpu.memory_space<hbm>> -> memref<1024xf32, #tpu.memory_space<hbm>>
    %dma_wait3A_872 = arith.constant 0 : i32
    %dma_wait3A_873 = tpu.memref_slice %arg10[%dma_wait3A_862, %dma_wait3A_863, %dma_wait3A_872] : memref<2x5x1024xf32, #tpu.memory_space<vmem>> -> memref<1x1x1024xf32, #tpu.memory_space<vmem>>
    %dma_wait3A_874 = tpu.memref_squeeze %dma_wait3A_873 : memref<1x1x1024xf32, #tpu.memory_space<vmem>> -> memref<1024xf32, #tpu.memory_space<vmem>>
    tpu.wait_dma2 semaphore(%arg15 : memref<!tpu.dma_semaphore, #tpu.memory_space<semaphore_mem>>) src(%dma_wait3A_874 : memref<1024xf32, #tpu.memory_space<vmem>>) dst(%dma_wait3A_871 : memref<1024xf32, #tpu.memory_space<hbm>>)
    %dma_wait3A_875 = arith.constant 0 : i32
    %dma_wait3A_876 = arith.constant 1 : i32
    %dma_wait3A_877 = arith.constant 1 : i32
    %dma_wait3A_878 = arith.constant 0 : i32
    %dma_wait3A_879 = tpu.memref_slice %arg10[%dma_wait3A_875, %dma_wait3A_876, %dma_wait3A_878] : memref<2x5x1024xf32, #tpu.memory_space<vmem>> -> memref<1x1x1024xf32, #tpu.memory_space<vmem>>
    %dma_wait3A_880 = tpu.memref_squeeze %dma_wait3A_879 : memref<1x1x1024xf32, #tpu.memory_space<vmem>> -> memref<1024xf32, #tpu.memory_space<vmem>>
    %dma_wait3A_881 = tpu.memref_slice %arg5[%dma_wait3A_877, %min3A_796] : memref<5x160000xf32, #tpu.memory_space<hbm>> -> memref<1x1024xf32, #tpu.memory_space<hbm>>
    %dma_wait3A_882 = tpu.memref_squeeze %dma_wait3A_881 : memref<1x1024xf32, #tpu.memory_space<hbm>> -> memref<1024xf32, #tpu.memory_space<hbm>>
    %dma_wait3A_883 = tpu.memref_slice %arg5[%dma_wait3A_877, %min3A_796] : memref<5x160000xf32, #tpu.memory_space<hbm>> -> memref<1x1024xf32, #tpu.memory_space<hbm>>
    %dma_wait3A_884 = tpu.memref_squeeze %dma_wait3A_883 : memref<1x1024xf32, #tpu.memory_space<hbm>> -> memref<1024xf32, #tpu.memory_space<hbm>>
    %dma_wait3A_885 = arith.constant 0 : i32
    %dma_wait3A_886 = tpu.memref_slice %arg10[%dma_wait3A_875, %dma_wait3A_876, %dma_wait3A_885] : memref<2x5x1024xf32, #tpu.memory_space<vmem>> -> memref<1x1x1024xf32, #tpu.memory_space<vmem>>
    %dma_wait3A_887 = tpu.memref_squeeze %dma_wait3A_886 : memref<1x1x1024xf32, #tpu.memory_space<vmem>> -> memref<1024xf32, #tpu.memory_space<vmem>>
    tpu.wait_dma2 semaphore(%arg15 : memref<!tpu.dma_semaphore, #tpu.memory_space<semaphore_mem>>) src(%dma_wait3A_887 : memref<1024xf32, #tpu.memory_space<vmem>>) dst(%dma_wait3A_884 : memref<1024xf32, #tpu.memory_space<hbm>>)
    %dma_wait3A_888 = arith.constant 0 : i32
    %dma_wait3A_889 = arith.constant 2 : i32
    %dma_wait3A_890 = arith.constant 2 : i32
    %dma_wait3A_891 = arith.constant 0 : i32
    %dma_wait3A_892 = tpu.memref_slice %arg10[%dma_wait3A_888, %dma_wait3A_889, %dma_wait3A_891] : memref<2x5x1024xf32, #tpu.memory_space<vmem>> -> memref<1x1x1024xf32, #tpu.memory_space<vmem>>
    %dma_wait3A_893 = tpu.memref_squeeze %dma_wait3A_892 : memref<1x1x1024xf32, #tpu.memory_space<vmem>> -> memref<1024xf32, #tpu.memory_space<vmem>>
    %dma_wait3A_894 = tpu.memref_slice %arg5[%dma_wait3A_890, %min3A_796] : memref<5x160000xf32, #tpu.memory_space<hbm>> -> memref<1x1024xf32, #tpu.memory_space<hbm>>
    %dma_wait3A_895 = tpu.memref_squeeze %dma_wait3A_894 : memref<1x1024xf32, #tpu.memory_space<hbm>> -> memref<1024xf32, #tpu.memory_space<hbm>>
    %dma_wait3A_896 = tpu.memref_slice %arg5[%dma_wait3A_890, %min3A_796] : memref<5x160000xf32, #tpu.memory_space<hbm>> -> memref<1x1024xf32, #tpu.memory_space<hbm>>
    %dma_wait3A_897 = tpu.memref_squeeze %dma_wait3A_896 : memref<1x1024xf32, #tpu.memory_space<hbm>> -> memref<1024xf32, #tpu.memory_space<hbm>>
    %dma_wait3A_898 = arith.constant 0 : i32
    %dma_wait3A_899 = tpu.memref_slice %arg10[%dma_wait3A_888, %dma_wait3A_889, %dma_wait3A_898] : memref<2x5x1024xf32, #tpu.memory_space<vmem>> -> memref<1x1x1024xf32, #tpu.memory_space<vmem>>
    %dma_wait3A_900 = tpu.memref_squeeze %dma_wait3A_899 : memref<1x1x1024xf32, #tpu.memory_space<vmem>> -> memref<1024xf32, #tpu.memory_space<vmem>>
    tpu.wait_dma2 semaphore(%arg15 : memref<!tpu.dma_semaphore, #tpu.memory_space<semaphore_mem>>) src(%dma_wait3A_900 : memref<1024xf32, #tpu.memory_space<vmem>>) dst(%dma_wait3A_897 : memref<1024xf32, #tpu.memory_space<hbm>>)
    %dma_wait3A_901 = arith.constant 0 : i32
    %dma_wait3A_902 = arith.constant 3 : i32
    %dma_wait3A_903 = arith.constant 3 : i32
    %dma_wait3A_904 = arith.constant 0 : i32
    %dma_wait3A_905 = tpu.memref_slice %arg10[%dma_wait3A_901, %dma_wait3A_902, %dma_wait3A_904] : memref<2x5x1024xf32, #tpu.memory_space<vmem>> -> memref<1x1x1024xf32, #tpu.memory_space<vmem>>
    %dma_wait3A_906 = tpu.memref_squeeze %dma_wait3A_905 : memref<1x1x1024xf32, #tpu.memory_space<vmem>> -> memref<1024xf32, #tpu.memory_space<vmem>>
    %dma_wait3A_907 = tpu.memref_slice %arg5[%dma_wait3A_903, %min3A_796] : memref<5x160000xf32, #tpu.memory_space<hbm>> -> memref<1x1024xf32, #tpu.memory_space<hbm>>
    %dma_wait3A_908 = tpu.memref_squeeze %dma_wait3A_907 : memref<1x1024xf32, #tpu.memory_space<hbm>> -> memref<1024xf32, #tpu.memory_space<hbm>>
    %dma_wait3A_909 = tpu.memref_slice %arg5[%dma_wait3A_903, %min3A_796] : memref<5x160000xf32, #tpu.memory_space<hbm>> -> memref<1x1024xf32, #tpu.memory_space<hbm>>
    %dma_wait3A_910 = tpu.memref_squeeze %dma_wait3A_909 : memref<1x1024xf32, #tpu.memory_space<hbm>> -> memref<1024xf32, #tpu.memory_space<hbm>>
    %dma_wait3A_911 = arith.constant 0 : i32
    %dma_wait3A_912 = tpu.memref_slice %arg10[%dma_wait3A_901, %dma_wait3A_902, %dma_wait3A_911] : memref<2x5x1024xf32, #tpu.memory_space<vmem>> -> memref<1x1x1024xf32, #tpu.memory_space<vmem>>
    %dma_wait3A_913 = tpu.memref_squeeze %dma_wait3A_912 : memref<1x1x1024xf32, #tpu.memory_space<vmem>> -> memref<1024xf32, #tpu.memory_space<vmem>>
    tpu.wait_dma2 semaphore(%arg15 : memref<!tpu.dma_semaphore, #tpu.memory_space<semaphore_mem>>) src(%dma_wait3A_913 : memref<1024xf32, #tpu.memory_space<vmem>>) dst(%dma_wait3A_910 : memref<1024xf32, #tpu.memory_space<hbm>>)
    %dma_wait3A_914 = arith.constant 0 : i32
    %dma_wait3A_915 = arith.constant 4 : i32
    %dma_wait3A_916 = arith.constant 4 : i32
    %dma_wait3A_917 = arith.constant 0 : i32
    %dma_wait3A_918 = tpu.memref_slice %arg10[%dma_wait3A_914, %dma_wait3A_915, %dma_wait3A_917] : memref<2x5x1024xf32, #tpu.memory_space<vmem>> -> memref<1x1x1024xf32, #tpu.memory_space<vmem>>
    %dma_wait3A_919 = tpu.memref_squeeze %dma_wait3A_918 : memref<1x1x1024xf32, #tpu.memory_space<vmem>> -> memref<1024xf32, #tpu.memory_space<vmem>>
    %dma_wait3A_920 = tpu.memref_slice %arg5[%dma_wait3A_916, %min3A_796] : memref<5x160000xf32, #tpu.memory_space<hbm>> -> memref<1x1024xf32, #tpu.memory_space<hbm>>
    %dma_wait3A_921 = tpu.memref_squeeze %dma_wait3A_920 : memref<1x1024xf32, #tpu.memory_space<hbm>> -> memref<1024xf32, #tpu.memory_space<hbm>>
    %dma_wait3A_922 = tpu.memref_slice %arg5[%dma_wait3A_916, %min3A_796] : memref<5x160000xf32, #tpu.memory_space<hbm>> -> memref<1x1024xf32, #tpu.memory_space<hbm>>
    %dma_wait3A_923 = tpu.memref_squeeze %dma_wait3A_922 : memref<1x1024xf32, #tpu.memory_space<hbm>> -> memref<1024xf32, #tpu.memory_space<hbm>>
    %dma_wait3A_924 = arith.constant 0 : i32
    %dma_wait3A_925 = tpu.memref_slice %arg10[%dma_wait3A_914, %dma_wait3A_915, %dma_wait3A_924] : memref<2x5x1024xf32, #tpu.memory_space<vmem>> -> memref<1x1x1024xf32, #tpu.memory_space<vmem>>
    %dma_wait3A_926 = tpu.memref_squeeze %dma_wait3A_925 : memref<1x1x1024xf32, #tpu.memory_space<vmem>> -> memref<1024xf32, #tpu.memory_space<vmem>>
    tpu.wait_dma2 semaphore(%arg15 : memref<!tpu.dma_semaphore, #tpu.memory_space<semaphore_mem>>) src(%dma_wait3A_926 : memref<1024xf32, #tpu.memory_space<vmem>>) dst(%dma_wait3A_923 : memref<1024xf32, #tpu.memory_space<hbm>>)
    %dma_wait3A_927 = arith.constant 1 : i32
    %dma_wait3A_928 = arith.constant 0 : i32
    %dma_wait3A_929 = arith.constant 0 : i32
    %dma_wait3A_930 = arith.constant 0 : i32
    %dma_wait3A_931 = tpu.memref_slice %arg10[%dma_wait3A_927, %dma_wait3A_928, %dma_wait3A_930] : memref<2x5x1024xf32, #tpu.memory_space<vmem>> -> memref<1x1x1024xf32, #tpu.memory_space<vmem>>
    %dma_wait3A_932 = tpu.memref_squeeze %dma_wait3A_931 : memref<1x1x1024xf32, #tpu.memory_space<vmem>> -> memref<1024xf32, #tpu.memory_space<vmem>>
    %dma_wait3A_933 = tpu.memref_slice %arg5[%dma_wait3A_929, %min3A_631] : memref<5x160000xf32, #tpu.memory_space<hbm>> -> memref<1x1024xf32, #tpu.memory_space<hbm>>
    %dma_wait3A_934 = tpu.memref_squeeze %dma_wait3A_933 : memref<1x1024xf32, #tpu.memory_space<hbm>> -> memref<1024xf32, #tpu.memory_space<hbm>>
    %dma_wait3A_935 = tpu.memref_slice %arg5[%dma_wait3A_929, %min3A_631] : memref<5x160000xf32, #tpu.memory_space<hbm>> -> memref<1x1024xf32, #tpu.memory_space<hbm>>
    %dma_wait3A_936 = tpu.memref_squeeze %dma_wait3A_935 : memref<1x1024xf32, #tpu.memory_space<hbm>> -> memref<1024xf32, #tpu.memory_space<hbm>>
    %dma_wait3A_937 = arith.constant 0 : i32
    %dma_wait3A_938 = tpu.memref_slice %arg10[%dma_wait3A_927, %dma_wait3A_928, %dma_wait3A_937] : memref<2x5x1024xf32, #tpu.memory_space<vmem>> -> memref<1x1x1024xf32, #tpu.memory_space<vmem>>
    %dma_wait3A_939 = tpu.memref_squeeze %dma_wait3A_938 : memref<1x1x1024xf32, #tpu.memory_space<vmem>> -> memref<1024xf32, #tpu.memory_space<vmem>>
    tpu.wait_dma2 semaphore(%arg16 : memref<!tpu.dma_semaphore, #tpu.memory_space<semaphore_mem>>) src(%dma_wait3A_939 : memref<1024xf32, #tpu.memory_space<vmem>>) dst(%dma_wait3A_936 : memref<1024xf32, #tpu.memory_space<hbm>>)
    %dma_wait3A_940 = arith.constant 1 : i32
    %dma_wait3A_941 = arith.constant 1 : i32
    %dma_wait3A_942 = arith.constant 1 : i32
    %dma_wait3A_943 = arith.constant 0 : i32
    %dma_wait3A_944 = tpu.memref_slice %arg10[%dma_wait3A_940, %dma_wait3A_941, %dma_wait3A_943] : memref<2x5x1024xf32, #tpu.memory_space<vmem>> -> memref<1x1x1024xf32, #tpu.memory_space<vmem>>
    %dma_wait3A_945 = tpu.memref_squeeze %dma_wait3A_944 : memref<1x1x1024xf32, #tpu.memory_space<vmem>> -> memref<1024xf32, #tpu.memory_space<vmem>>
    %dma_wait3A_946 = tpu.memref_slice %arg5[%dma_wait3A_942, %min3A_631] : memref<5x160000xf32, #tpu.memory_space<hbm>> -> memref<1x1024xf32, #tpu.memory_space<hbm>>
    %dma_wait3A_947 = tpu.memref_squeeze %dma_wait3A_946 : memref<1x1024xf32, #tpu.memory_space<hbm>> -> memref<1024xf32, #tpu.memory_space<hbm>>
    %dma_wait3A_948 = tpu.memref_slice %arg5[%dma_wait3A_942, %min3A_631] : memref<5x160000xf32, #tpu.memory_space<hbm>> -> memref<1x1024xf32, #tpu.memory_space<hbm>>
    %dma_wait3A_949 = tpu.memref_squeeze %dma_wait3A_948 : memref<1x1024xf32, #tpu.memory_space<hbm>> -> memref<1024xf32, #tpu.memory_space<hbm>>
    %dma_wait3A_950 = arith.constant 0 : i32
    %dma_wait3A_951 = tpu.memref_slice %arg10[%dma_wait3A_940, %dma_wait3A_941, %dma_wait3A_950] : memref<2x5x1024xf32, #tpu.memory_space<vmem>> -> memref<1x1x1024xf32, #tpu.memory_space<vmem>>
    %dma_wait3A_952 = tpu.memref_squeeze %dma_wait3A_951 : memref<1x1x1024xf32, #tpu.memory_space<vmem>> -> memref<1024xf32, #tpu.memory_space<vmem>>
    tpu.wait_dma2 semaphore(%arg16 : memref<!tpu.dma_semaphore, #tpu.memory_space<semaphore_mem>>) src(%dma_wait3A_952 : memref<1024xf32, #tpu.memory_space<vmem>>) dst(%dma_wait3A_949 : memref<1024xf32, #tpu.memory_space<hbm>>)
    %dma_wait3A_953 = arith.constant 1 : i32
    %dma_wait3A_954 = arith.constant 2 : i32
    %dma_wait3A_955 = arith.constant 2 : i32
    %dma_wait3A_956 = arith.constant 0 : i32
    %dma_wait3A_957 = tpu.memref_slice %arg10[%dma_wait3A_953, %dma_wait3A_954, %dma_wait3A_956] : memref<2x5x1024xf32, #tpu.memory_space<vmem>> -> memref<1x1x1024xf32, #tpu.memory_space<vmem>>
    %dma_wait3A_958 = tpu.memref_squeeze %dma_wait3A_957 : memref<1x1x1024xf32, #tpu.memory_space<vmem>> -> memref<1024xf32, #tpu.memory_space<vmem>>
    %dma_wait3A_959 = tpu.memref_slice %arg5[%dma_wait3A_955, %min3A_631] : memref<5x160000xf32, #tpu.memory_space<hbm>> -> memref<1x1024xf32, #tpu.memory_space<hbm>>
    %dma_wait3A_960 = tpu.memref_squeeze %dma_wait3A_959 : memref<1x1024xf32, #tpu.memory_space<hbm>> -> memref<1024xf32, #tpu.memory_space<hbm>>
    %dma_wait3A_961 = tpu.memref_slice %arg5[%dma_wait3A_955, %min3A_631] : memref<5x160000xf32, #tpu.memory_space<hbm>> -> memref<1x1024xf32, #tpu.memory_space<hbm>>
    %dma_wait3A_962 = tpu.memref_squeeze %dma_wait3A_961 : memref<1x1024xf32, #tpu.memory_space<hbm>> -> memref<1024xf32, #tpu.memory_space<hbm>>
    %dma_wait3A_963 = arith.constant 0 : i32
    %dma_wait3A_964 = tpu.memref_slice %arg10[%dma_wait3A_953, %dma_wait3A_954, %dma_wait3A_963] : memref<2x5x1024xf32, #tpu.memory_space<vmem>> -> memref<1x1x1024xf32, #tpu.memory_space<vmem>>
    %dma_wait3A_965 = tpu.memref_squeeze %dma_wait3A_964 : memref<1x1x1024xf32, #tpu.memory_space<vmem>> -> memref<1024xf32, #tpu.memory_space<vmem>>
    tpu.wait_dma2 semaphore(%arg16 : memref<!tpu.dma_semaphore, #tpu.memory_space<semaphore_mem>>) src(%dma_wait3A_965 : memref<1024xf32, #tpu.memory_space<vmem>>) dst(%dma_wait3A_962 : memref<1024xf32, #tpu.memory_space<hbm>>)
    %dma_wait3A_966 = arith.constant 1 : i32
    %dma_wait3A_967 = arith.constant 3 : i32
    %dma_wait3A_968 = arith.constant 3 : i32
    %dma_wait3A_969 = arith.constant 0 : i32
    %dma_wait3A_970 = tpu.memref_slice %arg10[%dma_wait3A_966, %dma_wait3A_967, %dma_wait3A_969] : memref<2x5x1024xf32, #tpu.memory_space<vmem>> -> memref<1x1x1024xf32, #tpu.memory_space<vmem>>
    %dma_wait3A_971 = tpu.memref_squeeze %dma_wait3A_970 : memref<1x1x1024xf32, #tpu.memory_space<vmem>> -> memref<1024xf32, #tpu.memory_space<vmem>>
    %dma_wait3A_972 = tpu.memref_slice %arg5[%dma_wait3A_968, %min3A_631] : memref<5x160000xf32, #tpu.memory_space<hbm>> -> memref<1x1024xf32, #tpu.memory_space<hbm>>
    %dma_wait3A_973 = tpu.memref_squeeze %dma_wait3A_972 : memref<1x1024xf32, #tpu.memory_space<hbm>> -> memref<1024xf32, #tpu.memory_space<hbm>>
    %dma_wait3A_974 = tpu.memref_slice %arg5[%dma_wait3A_968, %min3A_631] : memref<5x160000xf32, #tpu.memory_space<hbm>> -> memref<1x1024xf32, #tpu.memory_space<hbm>>
    %dma_wait3A_975 = tpu.memref_squeeze %dma_wait3A_974 : memref<1x1024xf32, #tpu.memory_space<hbm>> -> memref<1024xf32, #tpu.memory_space<hbm>>
    %dma_wait3A_976 = arith.constant 0 : i32
    %dma_wait3A_977 = tpu.memref_slice %arg10[%dma_wait3A_966, %dma_wait3A_967, %dma_wait3A_976] : memref<2x5x1024xf32, #tpu.memory_space<vmem>> -> memref<1x1x1024xf32, #tpu.memory_space<vmem>>
    %dma_wait3A_978 = tpu.memref_squeeze %dma_wait3A_977 : memref<1x1x1024xf32, #tpu.memory_space<vmem>> -> memref<1024xf32, #tpu.memory_space<vmem>>
    tpu.wait_dma2 semaphore(%arg16 : memref<!tpu.dma_semaphore, #tpu.memory_space<semaphore_mem>>) src(%dma_wait3A_978 : memref<1024xf32, #tpu.memory_space<vmem>>) dst(%dma_wait3A_975 : memref<1024xf32, #tpu.memory_space<hbm>>)
    %dma_wait3A_979 = arith.constant 1 : i32
    %dma_wait3A_980 = arith.constant 4 : i32
    %dma_wait3A_981 = arith.constant 4 : i32
    %dma_wait3A_982 = arith.constant 0 : i32
    %dma_wait3A_983 = tpu.memref_slice %arg10[%dma_wait3A_979, %dma_wait3A_980, %dma_wait3A_982] : memref<2x5x1024xf32, #tpu.memory_space<vmem>> -> memref<1x1x1024xf32, #tpu.memory_space<vmem>>
    %dma_wait3A_984 = tpu.memref_squeeze %dma_wait3A_983 : memref<1x1x1024xf32, #tpu.memory_space<vmem>> -> memref<1024xf32, #tpu.memory_space<vmem>>
    %dma_wait3A_985 = tpu.memref_slice %arg5[%dma_wait3A_981, %min3A_631] : memref<5x160000xf32, #tpu.memory_space<hbm>> -> memref<1x1024xf32, #tpu.memory_space<hbm>>
    %dma_wait3A_986 = tpu.memref_squeeze %dma_wait3A_985 : memref<1x1024xf32, #tpu.memory_space<hbm>> -> memref<1024xf32, #tpu.memory_space<hbm>>
    %dma_wait3A_987 = tpu.memref_slice %arg5[%dma_wait3A_981, %min3A_631] : memref<5x160000xf32, #tpu.memory_space<hbm>> -> memref<1x1024xf32, #tpu.memory_space<hbm>>
    %dma_wait3A_988 = tpu.memref_squeeze %dma_wait3A_987 : memref<1x1024xf32, #tpu.memory_space<hbm>> -> memref<1024xf32, #tpu.memory_space<hbm>>
    %dma_wait3A_989 = arith.constant 0 : i32
    %dma_wait3A_990 = tpu.memref_slice %arg10[%dma_wait3A_979, %dma_wait3A_980, %dma_wait3A_989] : memref<2x5x1024xf32, #tpu.memory_space<vmem>> -> memref<1x1x1024xf32, #tpu.memory_space<vmem>>
    %dma_wait3A_991 = tpu.memref_squeeze %dma_wait3A_990 : memref<1x1x1024xf32, #tpu.memory_space<vmem>> -> memref<1024xf32, #tpu.memory_space<vmem>>
    tpu.wait_dma2 semaphore(%arg16 : memref<!tpu.dma_semaphore, #tpu.memory_space<semaphore_mem>>) src(%dma_wait3A_991 : memref<1024xf32, #tpu.memory_space<vmem>>) dst(%dma_wait3A_988 : memref<1024xf32, #tpu.memory_space<hbm>>)
    return
  }
}

module attributes {stable_mosaic.version = 14 : i64} {
  func.func @_tc_mlp_body(%arg0: i32, %arg1: memref<5x6400xf32, #tpu.memory_space<vmem>>, %arg2: memref<12x320xf32, #tpu.memory_space<vmem>>, %arg3: memref<320x256xf32, #tpu.memory_space<vmem>>, %arg4: memref<1x256xf32, #tpu.memory_space<vmem>>, %arg5: memref<256x256xf32, #tpu.memory_space<vmem>>, %arg6: memref<1x256xf32, #tpu.memory_space<vmem>>, %arg7: memref<6400x256xf32, #tpu.memory_space<vmem>>) attributes {dimension_semantics = [#tpu.dimension_semantics<arbitrary>], iteration_bounds = array<i64: 25>, scalar_prefetch = 0 : i64, scratch_operands = 0 : i64, tpu.core_type = #tpu.core_type<tc>, window_params = [{transform_indices = @transform_0, window_bounds = array<i64: 5, 6400>}, {pipeline_mode = #tpu.pipeline_mode<synchronous>, transform_indices = @transform_1, window_bounds = array<i64: 12, 320>}, {pipeline_mode = #tpu.pipeline_mode<synchronous>, transform_indices = @transform_2, window_bounds = array<i64: 320, 256>}, {pipeline_mode = #tpu.pipeline_mode<synchronous>, transform_indices = @transform_3, window_bounds = array<i64: 1, 256>}, {pipeline_mode = #tpu.pipeline_mode<synchronous>, transform_indices = @transform_4, window_bounds = array<i64: 256, 256>}, {pipeline_mode = #tpu.pipeline_mode<synchronous>, transform_indices = @transform_5, window_bounds = array<i64: 1, 256>}, {transform_indices = @transform_6, window_bounds = array<i64: 6400, 256>}]} {
    %get3A = arith.constant 0 : index
    %get3A_0 = arith.constant 0 : index
    %get3A_1 = vector.load %arg1[%get3A, %get3A_0] : memref<5x6400xf32, #tpu.memory_space<vmem>>, vector<5x6400xf32>
    %max3A = arith.constant 1.000000e-24 : f32
    %max3A_2 = vector.broadcast %max3A : f32 to vector<5x6400xf32>
    %max3A_3 = arith.maximumf %get3A_1, %max3A_2 : vector<5x6400xf32>
    %rsqrt3A = math.rsqrt %max3A_3 : vector<5x6400xf32>
    %mul3A = arith.constant 5.000000e-01 : f32
    %mul3A_4 = vector.broadcast %mul3A : f32 to vector<5x6400xf32>
    %mul3A_5 = arith.mulf %mul3A_4, %max3A_3 : vector<5x6400xf32>
    %mul3A_6 = arith.mulf %mul3A_5, %rsqrt3A : vector<5x6400xf32>
    %mul3A_7 = arith.mulf %mul3A_6, %rsqrt3A : vector<5x6400xf32>
    %sub3A = arith.constant 1.500000e+00 : f32
    %sub3A_8 = vector.broadcast %sub3A : f32 to vector<5x6400xf32>
    %sub3A_9 = arith.subf %sub3A_8, %mul3A_7 : vector<5x6400xf32>
    %mul3A_10 = arith.mulf %rsqrt3A, %sub3A_9 : vector<5x6400xf32>
    %mul3A_11 = arith.constant 5.000000e-01 : f32
    %mul3A_12 = vector.broadcast %mul3A_11 : f32 to vector<5x6400xf32>
    %mul3A_13 = arith.mulf %mul3A_12, %max3A_3 : vector<5x6400xf32>
    %mul3A_14 = arith.mulf %mul3A_13, %mul3A_10 : vector<5x6400xf32>
    %mul3A_15 = arith.mulf %mul3A_14, %mul3A_10 : vector<5x6400xf32>
    %sub3A_16 = arith.constant 1.500000e+00 : f32
    %sub3A_17 = vector.broadcast %sub3A_16 : f32 to vector<5x6400xf32>
    %sub3A_18 = arith.subf %sub3A_17, %mul3A_15 : vector<5x6400xf32>
    %mul3A_19 = arith.mulf %mul3A_10, %sub3A_18 : vector<5x6400xf32>
    %mul3A_20 = arith.mulf %get3A_1, %mul3A_19 : vector<5x6400xf32>
    %convert_element_type3A = arith.truncf %mul3A_20 : vector<5x6400xf32> to vector<5x6400xbf16>
    %convert_element_type3A_21 = arith.extf %convert_element_type3A : vector<5x6400xbf16> to vector<5x6400xf32>
    %sub3A_22 = arith.subf %mul3A_20, %convert_element_type3A_21 : vector<5x6400xf32>
    %broadcast_in_dim3A = arith.constant 1.000000e+00 : f32
    %broadcast_in_dim3A_23 = vector.broadcast %broadcast_in_dim3A : f32 to vector<2x6400xf32>
    %concatenate3A = tpu.concatenate %convert_element_type3A_21, %sub3A_22, %broadcast_in_dim3A_23 in 0 : vector<5x6400xf32>, vector<5x6400xf32>, vector<2x6400xf32> -> vector<12x6400xf32>
    %transpose3A = tpu.transpose %concatenate3A, [1, 0] : vector<12x6400xf32> -> vector<6400x12xf32>
    %get3A_24 = arith.constant 0 : index
    %get3A_25 = arith.constant 0 : index
    %get3A_26 = vector.load %arg2[%get3A_24, %get3A_25] : memref<12x320xf32, #tpu.memory_space<vmem>>, vector<12x320xf32>
    %dot_general3A = arith.constant dense<0.000000e+00> : vector<6400x320xf32>
    %dot_general3A_27 = tpu.matmul %transpose3A, %get3A_26, %dot_general3A {dimension_numbers = #tpu.dot_dimension_numbers<[1], [0], [0], [1], [0, 0, 1, 1], [], []>, transpose_lhs_hint = false} : vector<6400x12xf32>, vector<12x320xf32>, vector<6400x320xf32> -> vector<6400x320xf32>
    %mul3A_28 = arith.constant -31.0078125 : f32
    %mul3A_29 = vector.broadcast %mul3A_28 : f32 to vector<6400x320xf32>
    %mul3A_30 = arith.mulf %mul3A_29, %dot_general3A_27 : vector<6400x320xf32>
    %mul3A_31 = arith.mulf %mul3A_30, %dot_general3A_27 : vector<6400x320xf32>
    %exp3A = math.exp %mul3A_31 : vector<6400x320xf32>
    %get3A_32 = arith.constant 0 : index
    %get3A_33 = arith.constant 0 : index
    %get3A_34 = vector.load %arg3[%get3A_32, %get3A_33] : memref<320x256xf32, #tpu.memory_space<vmem>>, vector<320x256xf32>
    %dot_general3A_35 = arith.constant dense<0.000000e+00> : vector<6400x256xf32>
    %dot_general3A_36 = tpu.matmul %exp3A, %get3A_34, %dot_general3A_35 {dimension_numbers = #tpu.dot_dimension_numbers<[1], [0], [0], [1], [0, 0, 1, 1], [], []>, transpose_lhs_hint = false} : vector<6400x320xf32>, vector<320x256xf32>, vector<6400x256xf32> -> vector<6400x256xf32>
    %get3A_37 = arith.constant 0 : index
    %get3A_38 = arith.constant 0 : index
    %get3A_39 = vector.load %arg4[%get3A_37, %get3A_38] : memref<1x256xf32, #tpu.memory_space<vmem>>, vector<1x256xf32>
    %add3A = vector.broadcast %get3A_39 : vector<1x256xf32> to vector<6400x256xf32>
    %add3A_40 = arith.addf %dot_general3A_36, %add3A : vector<6400x256xf32>
    %max3A_41 = arith.constant 0.000000e+00 : f32
    %max3A_42 = vector.broadcast %max3A_41 : f32 to vector<6400x256xf32>
    %max3A_43 = arith.maximumf %add3A_40, %max3A_42 : vector<6400x256xf32>
    %get3A_44 = arith.constant 0 : index
    %get3A_45 = arith.constant 0 : index
    %get3A_46 = vector.load %arg5[%get3A_44, %get3A_45] : memref<256x256xf32, #tpu.memory_space<vmem>>, vector<256x256xf32>
    %dot_general3A_47 = arith.constant dense<0.000000e+00> : vector<6400x256xf32>
    %dot_general3A_48 = tpu.matmul %max3A_43, %get3A_46, %dot_general3A_47 {dimension_numbers = #tpu.dot_dimension_numbers<[1], [0], [0], [1], [0, 0, 1, 1], [], []>, transpose_lhs_hint = false} : vector<6400x256xf32>, vector<256x256xf32>, vector<6400x256xf32> -> vector<6400x256xf32>
    %get3A_49 = arith.constant 0 : index
    %get3A_50 = arith.constant 0 : index
    %get3A_51 = vector.load %arg6[%get3A_49, %get3A_50] : memref<1x256xf32, #tpu.memory_space<vmem>>, vector<1x256xf32>
    %add3A_52 = vector.broadcast %get3A_51 : vector<1x256xf32> to vector<6400x256xf32>
    %add3A_53 = arith.addf %dot_general3A_48, %add3A_52 : vector<6400x256xf32>
    %swap3A = arith.constant 0 : index
    %swap3A_54 = arith.constant 0 : index
    %swap3A_55 = vector.load %arg7[%swap3A, %swap3A_54] : memref<6400x256xf32, #tpu.memory_space<vmem>>, vector<6400x256xf32>
    tpu.vector_store %arg7[%swap3A, %swap3A_54], %add3A_53 {strides = array<i32>} : memref<6400x256xf32, #tpu.memory_space<vmem>>, vector<6400x256xf32>,
    return
  }
  func.func @transform_0(%arg0: i32) -> (i32, i32) {
    %c0_i32 = arith.constant 0 : i32
    %c0_i32_0 = arith.constant 0 : i32
    return %c0_i32, %arg0 : i32, i32
  }
  func.func @transform_1(%arg0: i32) -> (i32, i32) {
    %c0_i32 = arith.constant 0 : i32
    %c0_i32_0 = arith.constant 0 : i32
    %c0_i32_1 = arith.constant 0 : i32
    return %c0_i32, %c0_i32_0 : i32, i32
  }
  func.func @transform_2(%arg0: i32) -> (i32, i32) {
    %c0_i32 = arith.constant 0 : i32
    %c0_i32_0 = arith.constant 0 : i32
    %c0_i32_1 = arith.constant 0 : i32
    return %c0_i32, %c0_i32_0 : i32, i32
  }
  func.func @transform_3(%arg0: i32) -> (i32, i32) {
    %c0_i32 = arith.constant 0 : i32
    %c0_i32_0 = arith.constant 0 : i32
    %c0_i32_1 = arith.constant 0 : i32
    return %c0_i32, %c0_i32_0 : i32, i32
  }
  func.func @transform_4(%arg0: i32) -> (i32, i32) {
    %c0_i32 = arith.constant 0 : i32
    %c0_i32_0 = arith.constant 0 : i32
    %c0_i32_1 = arith.constant 0 : i32
    return %c0_i32, %c0_i32_0 : i32, i32
  }
  func.func @transform_5(%arg0: i32) -> (i32, i32) {
    %c0_i32 = arith.constant 0 : i32
    %c0_i32_0 = arith.constant 0 : i32
    %c0_i32_1 = arith.constant 0 : i32
    return %c0_i32, %c0_i32_0 : i32, i32
  }
  func.func @transform_6(%arg0: i32) -> (i32, i32) {
    %c0_i32 = arith.constant 0 : i32
    %c0_i32_0 = arith.constant 0 : i32
    return %arg0, %c0_i32 : i32, i32
  }
}

</mosaic_0001>

<sc_bundles>
// kernel: kernel.4.cloned.1.call-start
scs
__scs_entry_jumppad:
0x0: {  	(pc) =	sbr.rel $0x88, $3  }
0x1: {  	(tag) =	ssettag $0x0;
	lr =	simm.s32 $0x1  }
0x2: {  	[smem:$0x3F96] =	sst lr;
	_ =	strace $0xD0000000  }
0x3: {  	_ = 	snop  }
0x4: {  	_ = 	snop  }
0x5: {  	_ = 	snop  }
0x6: {  	_ = 	snop  }
0x7: {  	_ = 	snop  }
__scs_overlays_trampoline_lowered:
0x8: {  	[smem:$0x3FA5] =	sst s0  }
0x9: {  	[smem:$0x3FA6] =	sst s1  }
0xa: {  	[smem:$0x3FA7] =	sst s2  }
0xb: {  	[smem:$0x3FA8] =	sst s3  }
0xc: {  	[smem:$0x3FA9] =	sst s4  }
0xd: {  	[smem:$0x3FAA] =	sst s5  }
0xe: {  	[smem:$0x3FAB] =	sst s6  }
0xf: {  	[smem:$0x3FAC] =	sst s7  }
0x10: {  	[smem:$0x3FAD] =	sst s8  }
0x11: {  	[smem:$0x3FAE] =	sst s9;
	s0 =	simm.s32 @!p0 $0x0  }
0x12: {  	s1 =	sld [smem:$0x3F94];
	s0 =	simm.s32 @p0 $0x1  }
0x13: {  	[smem:$0x3FAF] =	sst s0;
	s0 =	simm.s32 @!p1 $0x0  }
0x14: {  	s2 =	sld [smem:$0x3F93];
	s0 =	simm.s32 @p1 $0x1  }
0x15: {  	[smem:$0x3FB0] =	sst s0;
	s0 =	simm.s32 @!p2 $0x0  }
0x16: {  	s3 =	sld [smem:$0x3FDB];
	s0 =	simm.s32 @p2 $0x1  }
0x17: {  	s4 =	simm.s32 $0x1BF5;
	[smem:$0x3FB2] =	sst s0  }
0x18: {  	s0 =	sld [smem:$0x3F95];
	_ =	swait.ge [sflag:s4], $0x0  }
0x19: {  	s7 =	sld [smem:$0x3F96]  }
0x1a: {  	s8 =	sadd.s32 $0xFFFFE003, lr  }
0x1b: {  	s9 =	sadd.s32 $0xFFFFFEF7, lr;
	s5 =	simm.s32 $0xFFFFFFFF;
	p2 =	slt.u32 s8, $0xFFFFF086  }
0x1c: {  	p1 =	slt.u32 s9, $0xF7A;
	s5 =	simm.s32 @!p2 $0x0  }
0x1d: {  	s5 =	simm.s32 @p1 $0x1;
	p0 =	seq.s32 s7, s2  }
0x1e: {  	s7 =	smul.u32 @!p0 $0xF7A, s2;
	p2 =	seq.s32 @!p0 s5, $0x0  }
0x1f: {  	s9 =	smul.u32 $0xF7A, s1;
	s8 =	simm.s32 @!p0 $0x1BF5;
	p2 =	por !p2, p0  }
0x20: {  	[sflag:s8] =	ssyncset.s32 @!p0 $0xFFFFF086;
	s6 =	sadd.s32 @!p0 s3, s7;
	s7 =	simm.s32 @!p0 $0x108  }
0x21: {  	s3 =	sadd.s32 s3, s9;
	s6 =	sadd.s32 @!p0 $0x88, s6;
	s7 =	simm.s32 @p2 $0x1082  }
0x22: {  	[simem:s7], [sflag:s8] =	dma.local @!p0 [hbm:s6], $0xF7A  }
0x23: {  	s9 =	sor.u32 $0xD0000000, s2;
	s6 =	simm.s32 $0x108;
	_ =	swait.ge @!p0 [sflag:s8], $0x0  }
0x24: {  	s3 =	sadd.s32 $0x88, s3;
	s6 =	simm.s32 @!p1 $0x1082;
	[sflag:s4] =	ssyncset.s32 $0xFFFFF086  }
0x25: {  	[simem:s6], [sflag:s4] =	dma.local [hbm:s3], $0xF7A  }
0x26: {  	[smem:$0x3F96] =	sst s1;
	(tag) =	ssettag s2;
	_ =	strace s9  }
0x27: {  	s1 =	sld [smem:$0x3FA6]  }
0x28: {  	s2 =	sld [smem:$0x3FA7]  }
0x29: {  	s4 =	sld [smem:$0x3FA9]  }
0x2a: {  	p0 =	seq.s32 s5, $0x0;
	s5 =	sld [smem:$0x3FAA]  }
0x2b: {  	s6 =	sld [smem:$0x3FAB]  }
0x2c: {  	s7 =	sld [smem:$0x3FAC]  }
0x2d: {  	s3 =	simm.s32 $0x108;
	s8 =	sld [smem:$0x3FAD]  }
0x2e: {  	s3 =	simm.s32 @!p0 $0x1082;
	s9 =	sld [smem:$0x3FAE]  }
0x2f: {  	lr =	sadd.s32 s0, s3;
	s0 =	sld [smem:$0x3FA5]  }
0x30: {  	s3 =	sld [smem:$0x3FA8]  }
0x31: {  	[smem:$0x3FB1] =	sst s10  }
0x32: {  	s10 =	sld [smem:$0x3FAF];
	_ =	sdelay $0x3  }
0x33: {  	p0 =	seq.s32 s10, $0x1;
	s10 =	sld [smem:$0x3FB1];
	_ =	sdelay $0x3  }
0x34: {  	[smem:$0x3FB1] =	sst s10  }
0x35: {  	s10 =	sld [smem:$0x3FB0];
	_ =	sdelay $0x3  }
0x36: {  	p1 =	seq.s32 s10, $0x1;
	s10 =	sld [smem:$0x3FB1];
	_ =	sdelay $0x3  }
0x37: {  	[smem:$0x3FB1] =	sst s10  }
0x38: {  	s10 =	sld [smem:$0x3FB2]  }
0x39: {  	_ = 	snop;
	(pc) =	sbr.ind lr, $3  }
0x3a: {  	_ = 	snop  }
0x3b: {  	_ = 	snop  }
0x3c: {  	p2 =	seq.s32 s10, $0x1;
	s10 =	sld [smem:$0x3FB1]  }
0x3d: {  	_ =	shalt  }
0x3e: {  	_ =	shalt  }
0x3f: {  	_ =	shalt  }
0x40: {  	_ =	shalt  }
0x41: {  	_ =	shalt  }
0x42: {  	_ =	shalt  }
0x43: {  	_ =	shalt  }
0x44: {  	_ =	shalt  }
0x45: {  	_ =	shalt  }
0x46: {  	_ =	shalt  }
0x47: {  	_ =	shalt  }
0x48: {  	_ =	shalt  }
0x49: {  	_ =	shalt  }
0x4a: {  	_ =	shalt  }
0x4b: {  	_ =	shalt  }
0x4c: {  	_ =	shalt  }
0x4d: {  	_ =	shalt  }
0x4e: {  	_ =	shalt  }
0x4f: {  	_ =	shalt  }
0x50: {  	_ =	shalt  }
0x51: {  	_ =	shalt  }
0x52: {  	_ =	shalt  }
0x53: {  	_ =	shalt  }
0x54: {  	_ =	shalt  }
0x55: {  	_ =	shalt  }
0x56: {  	_ =	shalt  }
0x57: {  	_ =	shalt  }
0x58: {  	_ =	shalt  }
0x59: {  	_ =	shalt  }
0x5a: {  	_ =	shalt  }
0x5b: {  	_ =	shalt  }
0x5c: {  	_ =	shalt  }
0x5d: {  	_ =	shalt  }
0x5e: {  	_ =	shalt  }
0x5f: {  	_ =	shalt  }
0x60: {  	_ =	shalt  }
0x61: {  	_ =	shalt  }
0x62: {  	_ =	shalt  }
0x63: {  	_ =	shalt  }
0x64: {  	_ =	shalt  }
0x65: {  	_ =	shalt  }
0x66: {  	_ =	shalt  }
0x67: {  	_ =	shalt  }
0x68: {  	_ =	shalt  }
0x69: {  	_ =	shalt  }
0x6a: {  	_ =	shalt  }
0x6b: {  	_ =	shalt  }
0x6c: {  	_ =	shalt  }
0x6d: {  	_ =	shalt  }
0x6e: {  	_ =	shalt  }
0x6f: {  	_ =	shalt  }
0x70: {  	_ =	shalt  }
0x71: {  	_ =	shalt  }
0x72: {  	_ =	shalt  }
0x73: {  	_ =	shalt  }
0x74: {  	_ =	shalt  }
0x75: {  	_ =	shalt  }
0x76: {  	_ =	shalt  }
0x77: {  	_ =	shalt  }
0x78: {  	_ =	shalt  }
0x79: {  	_ =	shalt  }
0x7a: {  	_ =	shalt  }
0x7b: {  	_ =	shalt  }
0x7c: {  	_ =	shalt  }
0x7d: {  	_ =	shalt  }
0x7e: {  	_ =	shalt  }
0x7f: {  	_ =	shalt  }
0x80: {  	_ =	shalt  }
0x81: {  	_ =	shalt  }
0x82: {  	_ =	shalt  }
0x83: {  	_ =	shalt  }
0x84: {  	_ =	shalt  }
0x85: {  	_ =	shalt  }
0x86: {  	_ =	shalt  }
0x87: {  	_ =	shalt  }
.Lfunc_end0:
.L_simem_size_0:
called_computation_lowered:
.L_overlay_start_0:
0x88: {  	s2 =	sld [smem:$0x3FD9]  }
0x89: {  	s3 =	sld [smem:$0x3FFE];
	_ =	sdelay $0x1  }
0x8a: {  	s1 =	srdreg.scid  }
0x8b: {  	s0 =	sand.u32 $0x1, s1  }
0x8c: {  	s14 =	sshll.u32 s0, $0xA;
	s2 =	sadd.s32 s3, s2  }
0x8d: {  	s2 =	sadd.s32 s2, s14  }
0x8e: {  	[smem:$0x3FBD] =	sst s2  }
0x8f: {  	_ = 	snop  }
0x90: {  	s2 =	sld [smem:$0x3FD0];
	_ =	sdelay $0x2  }
0x91: {  	s15 =	simm.s32 $0xA;
	s4 =	simm.s32 $0x10  }
0x92: {  	[smem:s4], [sflag:s15] =	dma.local [hbm:s2], $0x1  }
0x93: {  	_ =	swait.eq [sflag:s15], $0x1  }
0x94: {  	[sflag:s15] =	ssyncset.done $0x0  }
0x95: {  	s16 =	sld [smem:$0x10];
	[sflag:s15] =	ssyncadd.s32 $0xFFFFFFFF  }
0x96: {  	s17 =	sld [smem:$0x11];
	(tm) =	ssettm $0x1  }
0x97: {  	s18 =	sld [smem:$0x3FFB];
	_ =	sdelay $0x3  }
0x98: {  	_ =	strace s18  }
0x99: {  	s4 =	sld [smem:$0x3FFC];
	_ =	sdelay $0x3  }
0x9a: {  	_ =	strace s4  }
0x9b: {  	s4 =	sld [smem:$0x3FFD];
	_ =	sdelay $0x3  }
0x9c: {  	_ =	strace s4  }
0x9d: {  	_ =	strace $0x8FFFFFFF  }
0x9e: {  	s19 =	sld [smem:$0x3FDB];
	_ =	sdelay $0x1  }
0x9f: {  	s5 =	simm.s32 $_scs_section_size  }
0xa0: {  	s6 =	simm.s32 $_size__tile_overlayer_lowered;
	s7 =	simm.s32 $_tile_overlayer_lowered  }
0xa1: {  	s22 =	simm.s32 $0x1BFF;
	s21 =	sshll.u32 s7, $0x1;
	s4 =	sadd.s32 s5, s19  }
0xa2: {  	s8 =	simm.s32 $0x0;
	s20 =	sshll.u32 s6, $0x1;
	s6 =	sadd.s32 s21, s4  }
0xa3: {  	[timem:s8], [sflag:s22] =	dma.local [hbm:s6], s20  }
0xa4: {  	_ =	swait.ge [sflag:s22], s20  }
0xa5: {  	s5 =	ssub.s32 $0x0, s20;
	[sflag:s22] =	ssyncset.done $0x0  }
0xa6: {  	[sflag:s22] =	ssyncadd.s32 s5;
	_ =	sdelay $0x1  }
0xa7: {  	s23 =	simm.s32 $0x1B8B  }
0xa8: {  	_ =	swait.ge [sflag:s23], $0x1  }
0xa9: {  	[sflag:s23] =	ssyncset.done $0x0  }
0xaa: {  	s25 =	simm.s32 $0x1B8E;
	s24 =	sld [smem:$0x3FFE];
	[sflag:s23] =	ssyncadd.s32 $0xFFFFFFFF  }
0xab: {  	s26 =	simm.s32 $execute0_lowered;
	[smem:$0x3FD2] =	sst s25  }
0xac: {  	s6 =	sshll.u32 s26, $0x1;
	_ =	strace $0x80000046;
	[dreg:$0x1] =	wrdreg $0xFFFFFFFF  }
0xad: {  	s28 =	simm.s32 $_size_execute0_lowered;
	s4 =	sadd.s32 s4, s6;
	[dreg:$0x0] =	wrdreg $0x0  }
0xae: {  	s6 =	sshll.u32 s28, $0x1;
	[dreg:$0x2] =	wrdreg s4  }
0xaf: {  	[dreg:$0x3] =	wrdreg s6  }
0xb0: {  	[dreg:$0x4] =	wrdreg $0xC0  }
0xb1: {  	_ =	task [dreg:s8], $0x5FFFF  }
0xb2: {  	[dreg:$0x1] =	wrdreg $0xFFFFFFFF  }
0xb3: {  	[dreg:$0x0] =	wrdreg $0x60  }
0xb4: {  	[dreg:$0x2] =	wrdreg s16  }
0xb5: {  	[dreg:$0x3] =	wrdreg s24  }
0xb6: {  	[dreg:$0x4] =	wrdreg s17  }
0xb7: {  	[dreg:$0x5] =	wrdreg $0x9  }
0xb8: {  	_ =	task.clear_ibuf [dreg:s8], $0x6FFFF;
	_ =	strace $0x90000046  }
0xb9: {  	s29 =	simm.s32 $0x9;
	_ =	strace $0x80000048  }
0xba: {  	_ =	swait.ge [sflag:s29], $0x1  }
0xbb: {  	[sflag:s29] =	ssyncadd.s32 $0xFFFFFFFF  }
0xbc: {  	_ =	strace $0x90000048  }
0xbd: {  	_ =	sfence  }
0xbe: {  	s30 =	sld [smem:$0x0];
	_ =	sdelay $0x2  }
0xbf: {  	s31 =	sshll.u32 s1, $0xD;
	s1 =	sshrl.u32 s1, $0x2  }
0xc0: {  	s3 =	sand.u32 $0x4000, s31;
	s1 =	sadd.s32 s1, s30  }
0xc1: {  	s0 =	sor.u32 s3, s0;
	s1 =	sshll.u32 s1, $0x11  }
0xc2: {  	s0 =	sor.u32 s1, s0  }
0xc3: {  	s0 =	sadd.s32 $0x8F2B, s0  }
0xc4: {  	[sflag:s0] =	ssyncadd.remote.s32 $0x1  }
0xc5: {  	_ =	sfence.sel $0xFFFF  }
0xc6: {  	[dreg:$0x0] =	wrdreg $0xFFFFFFFF;
	(pc) =	sbr.abs _section_cstart, $3  }
0xc7: {  	[dreg:$0x1] =	wrdreg $0xFFFFFFFF  }
0xc8: {  	_ =	task.clear_ibuf [dreg:s8], $0x2FFFF;
	_ =	strace $0x9FFFFFFF  }
0xc9: {  	(tm) =	ssettm $0x7FFFFFFF  }
tec
execute0_lowered:
.L_overlay_start_1:
0x0: {  	(tag) =	ssettag $0x1  }
0x1: {  	s0 =	srdreg.scid  }
0x2: {  	s1 =	stileid.u32;
	s2 =	rddreg [dreg:$0x1]  }
0x3: {  	s4 =	rddreg [dreg:$0x2];
	s0 =	sand.u32 $0x1, s0;
	s1 =	sshll.u32 s1, $0x1  }
0x4: {  	s28 =	simm.s32 $0x2;
	s3 =	sor.u32 s0, s1;
	s0 =	ssub.s32 $0x2, s0  }
0x5: {  	s1 =	simm.s32 $0x0;
	s3 =	smul.u32 $0x1400, s3;
	s6 =	sshrl.u32 s0, $0x1  }
0x6: {  	s5 =	sadd.s32 $0x6A00, s2;
	[smem:$0x7FF] =	sst s1;
	s0 =	ssub.s32 s0, s6  }
0x7: {  	s7 =	sshrl.u32 s3, $0x3;
	s17 =	smin.u32 s3, $0x26900;
	s20 =	smin.u32 s3, $0x26500  }
0x8: {  	s8 =	sadd.s32 $0x4E20, s7;
	s9 =	sadd.s32 s5, s7;
	s19 =	sshrl.u32 s17, $0x3  }
0x9: {  	s22 =	sshrl.u32 s20, $0x3;
	[dreg:$0x4] =	wrdreg s9;
	s18 =	sadd.s32 s5, s8  }
0xa: {  	s10 =	sadd.s32 $0x80, s19;
	s23 =	sadd.s32 s4, s8;
	[dreg:$0x5] =	wrdreg s18  }
0xb: {  	s11 =	sadd.s32 $0x4EA0, s19;
	s12 =	sadd.s32 s5, s10;
	[dreg:$0x8] =	wrdreg s23  }
0xc: {  	s24 =	sadd.s32 $0x100, s22;
	s21 =	sadd.s32 s5, s11;
	[dreg:$0x6] =	wrdreg s12  }
0xd: {  	s26 =	sadd.s32 $0x4F20, s22;
	s25 =	sadd.s32 s5, s24;
	[dreg:$0x7] =	wrdreg s21  }
0xe: {  	s13 =	smin.u32 s3, $0x26100;
	s14 =	sadd.s32 s5, s26;
	[dreg:$0x9] =	wrdreg s25  }
0xf: {  	s3 =	smin.u32 s3, $0x25D00;
	s10 =	sadd.s32 s4, s10;
	[dreg:$0xa] =	wrdreg s14  }
0x10: {  	s6 =	sadd.s32 s4, s7;
	s11 =	sadd.s32 s4, s11;
	[dreg:$0xb] =	wrdreg s10  }
0x11: {  	s3 =	sshrl.u32 s3, $0x3;
	s7 =	sadd.s32 s4, s24;
	[dreg:$0xc] =	wrdreg s11  }
0x12: {  	s20 =	sadd.s32 $0x200, s3;
	s18 =	sadd.s32 s4, s26;
	[dreg:$0xe] =	wrdreg s7  }
0x13: {  	s9 =	sadd.s32 s4, s19;
	s24 =	sadd.s32 s5, s20;
	[dreg:$0xf] =	wrdreg s18  }
0x14: {  	s19 =	sadd.s32 s4, s22;
	s22 =	sadd.s32 $0x5020, s3;
	[dreg:$0x11] =	wrdreg s24  }
0x15: {  	s8 =	sadd.s32 s4, s20;
	s10 =	sshrl.u32 s13, $0x3;
	s21 =	rddreg [dreg:$0x0]  }
0x16: {  	[dreg:$0x15] =	wrdreg s8;
	s13 =	sadd.s32 s4, s22;
	s15 =	sadd.s32 $0x180, s10  }
0x17: {  	s17 =	sadd.s32 $0x4FA0, s10;
	[dreg:$0x16] =	wrdreg s13;
	s16 =	sadd.s32 s5, s15  }
0x18: {  	s29 =	simm.s32 $0x4;
	s23 =	sadd.s32 s5, s17;
	[dreg:$0xd] =	wrdreg s16  }
0x19: {  	s30 =	simm.s32 $0x5;
	s5 =	sadd.s32 s5, s22;
	[dreg:$0x10] =	wrdreg s23  }
0x1a: {  	s31 =	simm.s32 $0x0;
	s25 =	sadd.s32 s4, s15;
	[dreg:$0x12] =	wrdreg s5  }
0x1b: {  	s3 =	sadd.s32 s4, s3;
	s26 =	sadd.s32 s4, s17;
	[dreg:$0x13] =	wrdreg s25  }
0x1c: {  	s24 =	sadd.s32 $0x1A00, s2;
	s14 =	sadd.s32 $0x9CC0, s9;
	[dreg:$0x14] =	wrdreg s26  }
0x1d: {  	s15 =	sadd.s32 $0xEAE0, s9;
	_ =	strace $0x80000047;
	[dreg:$0x17] =	wrdreg s14  }
0x1e: {  	s18 =	sadd.s32 $0xEB60, s19;
	s16 =	sadd.s32 $0x13900, s9;
	[dreg:$0x18] =	wrdreg s15  }
0x1f: {  	s7 =	smax.u32 s0, $0x1;
	s17 =	sadd.s32 $0x9D40, s19;
	[dreg:$0x19] =	wrdreg s16  }
0x20: {  	s8 =	sadd.s32 $0x9C40, s6;
	s12 =	simm.s32 $0x800;
	[dreg:$0x1a] =	wrdreg s17  }
0x21: {  	s11 =	sadd.s32 s4, s10;
	s19 =	sadd.s32 $0x13980, s19;
	[dreg:$0x1b] =	wrdreg s18  }
0x22: {  	s0 =	simm.s32 $0x6;
	s20 =	sadd.s32 $0x9DC0, s11;
	[dreg:$0x1c] =	wrdreg s19  }
0x23: {  	s10 =	sadd.s32 $0x13880, s6;
	s22 =	sadd.s32 $0xEBE0, s11;
	[dreg:$0x1d] =	wrdreg s20  }
0x24: {  	s13 =	simm.s32 $0x400;
	s23 =	sadd.s32 $0x13A00, s11;
	[dreg:$0x1e] =	wrdreg s22  }
0x25: {  	s25 =	sadd.s32 $0x9E40, s3;
	s26 =	sadd.s32 $0xEC60, s3;
	[dreg:$0x1f] =	wrdreg s23  }
0x26: {  	s5 =	sadd.s32 $0x13A80, s3;
	s9 =	sadd.s32 $0xEA60, s6;
	[smem:$0x7FC] =	sst s25  }
0x27: {  	s11 =	simm.s32 $0x7;
	[smem:$0x7FD] =	sst s26;
	s14 =	simm.s32 $0x1000  }
0x28: {  	s15 =	simm.s32 $0x9000;
	s16 =	simm.s32 $0xC00;
	s20 =	simm.s32 $0x1  }
0x29: {  	v0 =	vlaneseq.u32;
	s18 =	simm.s32 $0x3;
	s19 =	simm.s32 $0x11000;
	s22 =	simm.s32 $0x11400  }
0x2a: {  	v0 =	vmul.u32 $0x10, v0;
	s23 =	simm.s32 $0x11800;
	s25 =	simm.s32 $0x11C00;
	s26 =	simm.s32 $0x12000  }
.LBB2_1:
0x2b: {  	s2 =	rddreg [dreg:$0x4]  }
0x2c: {  	[tilespmem:s1], [sflag:$0x7] =	stream.linear.gather [hbm4b:s2+s1], $0x400, $0x38;
	[tilespmem:$0x13800] =	vst v63  }
0x2d: {  	_ =	swait.ge [sflag:s11], $0x400  }
0x2e: {  	[sflag:s11] =	ssyncset.done $0x0  }
0x2f: {  	s4 =	rddreg [dreg:$0x5];
	[sflag:s11] =	ssyncadd.s32 $0xFFFFFC00  }
0x30: {  	[tilespmem:s12], [sflag:$0x7] =	stream.linear.gather [hbm4b:s4+s1], $0x400, $0x38;
	[tilespmem:$0x13800] =	vst v63  }
0x31: {  	_ =	swait.ge [sflag:s11], $0x400  }
0x32: {  	[sflag:s11] =	ssyncset.done $0x0  }
0x33: {  	[sflag:s11] =	ssyncadd.s32 $0xFFFFFC00  }
0x34: {  	[tilespmem:s14], [sflag:$0x1] =	stream.indirect.gather [hbm4b:s21+s13], $0x10, s1, s13, $0xb8;
	[tilespmem:$0x13800] =	vst v63  }
0x35: {  	_ = 	snop  }
0x36: {  	[tilespmem:s15], [sflag:$0x3] =	stream.indirect.gather [hbm4b:s24+s13], $0x10, s12, s13, $0xb8;
	[tilespmem:$0x13800] =	vst v63  }
0x37: {  	s17 =	rddreg [dreg:$0x6]  }
0x38: {  	[tilespmem:s13], [sflag:$0x7] =	stream.linear.gather [hbm4b:s17+s1], $0x400, $0x38;
	[tilespmem:$0x13800] =	vst v63  }
0x39: {  	_ =	swait.ge [sflag:s11], $0x400  }
0x3a: {  	[sflag:s11] =	ssyncset.done $0x0  }
0x3b: {  	s3 =	rddreg [dreg:$0x7];
	[sflag:s11] =	ssyncadd.s32 $0xFFFFFC00  }
0x3c: {  	[tilespmem:s16], [sflag:$0x7] =	stream.linear.gather [hbm4b:s3+s1], $0x400, $0x38;
	[tilespmem:$0x13800] =	vst v63  }
0x3d: {  	_ =	swait.ge [sflag:s11], $0x400  }
0x3e: {  	[sflag:s11] =	ssyncset.done $0x0  }
0x3f: {  	s4 =	simm.s32 $0x5000;
	[sflag:s11] =	ssyncadd.s32 $0xFFFFFC00  }
0x40: {  	[tilespmem:s4], [sflag:$0x2] =	stream.indirect.gather [hbm4b:s21+s13], $0x10, s13, s13, $0xb8;
	[tilespmem:$0x13800] =	vst v63  }
0x41: {  	s17 =	simm.s32 $0xD000  }
0x42: {  	v1 =	vmov s1;
	[tilespmem:s17], [sflag:$0x4] =	stream.indirect.gather [hbm4b:s24+s13], $0x10, s16, s13, $0xb8;
	[tilespmem:$0x13800] =	vst v63  }
0x43: {  	v1 =	vshll.u32 v1, $0x4;
	_ =	swait.ge [sflag:s20], $0x4000  }
0x44: {  	v1 =	vor.u32 v0, v1;
	[sflag:s20] =	ssyncset.done $0x0  }
0x45: {  	[sflag:s20] =	ssyncadd.s32 $0xFFFFC000  }
0x46: {  	v2 =	vor.u32 $0x1, v1;
	_ =	swait.ge [sflag:s18], $0x4000  }
0x47: {  	[sflag:s18] =	ssyncset.done $0x0  }
0x48: {  	v3 =	vor.u32 $0x2, v1;
	[sflag:s18] =	ssyncadd.s32 $0xFFFFC000  }
0x49: {  	v4 =	vld.idx.msk [tilespmem:v1+s14+$0x0], $0xffff  }
0x4a: {  	v5 =	vld.idx.msk [tilespmem:v1+s15+$0x0], $0xffff  }
0x4b: {  	v6 =	vld.idx.msk [tilespmem:v2+s14+$0x0], $0xffff  }
0x4c: {  	v2 =	vld.idx.msk [tilespmem:v2+s15+$0x0], $0xffff  }
0x4d: {  	v7 =	vld.idx.msk [tilespmem:v3+s15+$0x0], $0xffff  }
0x4e: {  	v8 =	vld.idx.msk [tilespmem:v3+s14+$0x0], $0xffff;
	_ =	sdelay $0x2  }
0x4f: {  	v3 =	vsub.f32 v4, v5;
	v2 =	vsub.f32 v6, v2;
	_ =	sdelay $0x1  }
0x50: {  	v5 =	vsub.f32 v8, v7;
	v3 =	vmul.f32 v3, v3;
	v2 =	vmul.f32 v2, v2;
	_ =	sdelay $0x1  }
0x51: {  	v2 =	vadd.f32 v2, v3;
	v3 =	vmul.f32 v5, v5;
	v5 =	vor.u32 $0x3, v1  }
0x52: {  	v60 =	vor.u32 $0x4, v1  }
0x53: {  	v2 =	vadd.f32 v3, v2  }
0x54: {  	v3 =	vor.u32 $0x5, v1  }
0x55: {  	[tilespmem:s23+$0xFFFFF800] =	vst v2  }
0x56: {  	v2 =	vld.idx.msk [tilespmem:v5+s15+$0x0], $0xffff  }
0x57: {  	v5 =	vld.idx.msk [tilespmem:v60+s15+$0x0], $0xffff;
	_ =	sdelay $0x1  }
0x58: {  	v3 =	vld.idx.msk [tilespmem:v3+s15+$0x0], $0xffff;
	_ =	sdelay $0x2  }
0x59: {  	v2 =	vsub.f32 v4, v2;
	v5 =	vsub.f32 v6, v5;
	_ =	sdelay $0x1  }
0x5a: {  	v3 =	vsub.f32 v8, v3;
	v2 =	vmul.f32 v2, v2;
	v5 =	vmul.f32 v5, v5;
	_ =	sdelay $0x1  }
0x5b: {  	v2 =	vadd.f32 v5, v2;
	v3 =	vmul.f32 v3, v3;
	v5 =	vor.u32 $0x6, v1  }
0x5c: {  	v61 =	vor.u32 $0x7, v1  }
0x5d: {  	v2 =	vadd.f32 v3, v2  }
0x5e: {  	v3 =	vor.u32 $0x8, v1  }
0x5f: {  	[tilespmem:s23+$0xFFFFFC00] =	vst v2  }
0x60: {  	v2 =	vld.idx.msk [tilespmem:v5+s15+$0x0], $0xffff  }
0x61: {  	v5 =	vld.idx.msk [tilespmem:v61+s15+$0x0], $0xffff;
	_ =	sdelay $0x1  }
0x62: {  	v3 =	vld.idx.msk [tilespmem:v3+s15+$0x0], $0xffff;
	_ =	sdelay $0x2  }
0x63: {  	v2 =	vsub.f32 v4, v2;
	v5 =	vsub.f32 v6, v5;
	_ =	sdelay $0x1  }
0x64: {  	v2 =	vmul.f32 v2, v2;
	v3 =	vsub.f32 v8, v3;
	v5 =	vmul.f32 v5, v5;
	_ =	sdelay $0x1  }
0x65: {  	v2 =	vadd.f32 v5, v2;
	v3 =	vmul.f32 v3, v3;
	v5 =	vor.u32 $0x9, v1  }
0x66: {  	v62 =	vor.u32 $0xA, v1  }
0x67: {  	v2 =	vadd.f32 v3, v2  }
0x68: {  	v3 =	vor.u32 $0xB, v1  }
0x69: {  	[tilespmem:s23+$0x0] =	vst v2  }
0x6a: {  	v2 =	vld.idx.msk [tilespmem:v5+s15+$0x0], $0xffff  }
0x6b: {  	v5 =	vld.idx.msk [tilespmem:v62+s15+$0x0], $0xffff;
	_ =	sdelay $0x1  }
0x6c: {  	v3 =	vld.idx.msk [tilespmem:v3+s15+$0x0], $0xffff;
	_ =	sdelay $0x2  }
0x6d: {  	v2 =	vsub.f32 v4, v2;
	v5 =	vsub.f32 v6, v5;
	_ =	sdelay $0x1  }
0x6e: {  	v3 =	vsub.f32 v8, v3;
	v2 =	vmul.f32 v2, v2;
	v5 =	vmul.f32 v5, v5;
	_ =	sdelay $0x1  }
0x6f: {  	v2 =	vadd.f32 v5, v2;
	v3 =	vmul.f32 v3, v3;
	v5 =	vor.u32 $0xC, v1  }
0x70: {  	v63 =	vor.u32 $0xD, v1  }
0x71: {  	v1 =	vor.u32 $0xE, v1;
	v2 =	vadd.f32 v3, v2;
	_ =	sdelay $0x1  }
0x72: {  	[tilespmem:s23+$0x400] =	vst v2  }
0x73: {  	v2 =	vld.idx.msk [tilespmem:v5+s15+$0x0], $0xffff  }
0x74: {  	v3 =	vld.idx.msk [tilespmem:v63+s15+$0x0], $0xffff  }
0x75: {  	v1 =	vld.idx.msk [tilespmem:v1+s15+$0x0], $0xffff;
	_ =	sdelay $0x2  }
0x76: {  	v4 =	vsub.f32 v4, v2  }
0x77: {  	s2 =	simm.s32 $0x11800  }
0x78: {  	s3 =	simm.s32 $0x20;
	s4 =	simm.s32 $0x10;
	s17 =	simm.s32 $0x11800;
	v3 =	vsub.f32 v6, v3;
	v2 =	vsub.f32 v8, v1;
	v1 =	vmul.f32 v4, v4  }
.LBB2_2:
0x79: {  	p0 =	sne.s32 s3, $0x3F0  }
0x7a: {  	v4 =	vmov s4;
	v3 =	vmul.f32 v3, v3;
	s2 =	sadd.s32 $0x10, s2;
	s4 =	smov.u32 s3;
	s3 =	sadd.s32 $0x10, s3  }
0x7b: {  	v4 =	vshll.u32 v4, $0x4;
	v5 =	vmul.f32 v2, v2  }
0x7c: {  	v2 =	vor.u32 v0, v4;
	v1 =	vadd.f32 v3, v1  }
0x7d: {  	v4 =	vor.u32 $0x1, v2;
	v6 =	vor.u32 $0x2, v2  }
0x7e: {  	v1 =	vadd.f32 v5, v1;
	_ =	sdelay $0x1  }
0x7f: {  	[tilespmem:s17+$0x800] =	vst v1;
	s17 =	smov.u32 s2  }
0x80: {  	v1 =	vld.idx.msk [tilespmem:v2+s14+$0x0], $0xffff  }
0x81: {  	v5 =	vld.idx.msk [tilespmem:v2+s15+$0x0], $0xffff  }
0x82: {  	v3 =	vld.idx.msk [tilespmem:v4+s14+$0x0], $0xffff  }
0x83: {  	v7 =	vld.idx.msk [tilespmem:v4+s15+$0x0], $0xffff  }
0x84: {  	v8 =	vld.idx.msk [tilespmem:v6+s15+$0x0], $0xffff  }
0x85: {  	v4 =	vld.idx.msk [tilespmem:v6+s14+$0x0], $0xffff;
	_ =	sdelay $0x1  }
0x86: {  	v5 =	vsub.f32 v1, v5;
	_ =	sdelay $0x1  }
0x87: {  	v6 =	vsub.f32 v3, v7;
	_ =	sdelay $0x1  }
0x88: {  	v5 =	vmul.f32 v5, v5;
	v7 =	vsub.f32 v4, v8;
	v6 =	vmul.f32 v6, v6;
	_ =	sdelay $0x1  }
0x89: {  	v5 =	vadd.f32 v6, v5;
	v6 =	vmul.f32 v7, v7;
	v7 =	vor.u32 $0x3, v2  }
0x8a: {  	v8 =	vor.u32 $0x4, v2  }
0x8b: {  	v5 =	vadd.f32 v6, v5  }
0x8c: {  	v6 =	vor.u32 $0x5, v2  }
0x8d: {  	[tilespmem:s2+$0xFFFFF800] =	vst v5  }
0x8e: {  	v5 =	vld.idx.msk [tilespmem:v7+s15+$0x0], $0xffff  }
0x8f: {  	v7 =	vld.idx.msk [tilespmem:v8+s15+$0x0], $0xffff;
	_ =	sdelay $0x1  }
0x90: {  	v6 =	vld.idx.msk [tilespmem:v6+s15+$0x0], $0xffff;
	_ =	sdelay $0x2  }
0x91: {  	v5 =	vsub.f32 v1, v5  }
0x92: {  	v7 =	vsub.f32 v3, v7;
	_ =	sdelay $0x1  }
0x93: {  	v5 =	vmul.f32 v5, v5;
	v6 =	vsub.f32 v4, v6;
	v7 =	vmul.f32 v7, v7;
	_ =	sdelay $0x1  }
0x94: {  	v5 =	vadd.f32 v7, v5;
	v6 =	vmul.f32 v6, v6;
	v7 =	vor.u32 $0x6, v2  }
0x95: {  	v8 =	vor.u32 $0x7, v2  }
0x96: {  	v5 =	vadd.f32 v6, v5  }
0x97: {  	v6 =	vor.u32 $0x8, v2  }
0x98: {  	[tilespmem:s2+$0xFFFFFC00] =	vst v5  }
0x99: {  	v5 =	vld.idx.msk [tilespmem:v7+s15+$0x0], $0xffff  }
0x9a: {  	v7 =	vld.idx.msk [tilespmem:v8+s15+$0x0], $0xffff;
	_ =	sdelay $0x1  }
0x9b: {  	v6 =	vld.idx.msk [tilespmem:v6+s15+$0x0], $0xffff;
	_ =	sdelay $0x2  }
0x9c: {  	v5 =	vsub.f32 v1, v5  }
0x9d: {  	v7 =	vsub.f32 v3, v7  }
0x9e: {  	v5 =	vmul.f32 v5, v5  }
0x9f: {  	v6 =	vsub.f32 v4, v6;
	v7 =	vmul.f32 v7, v7;
	_ =	sdelay $0x1  }
0xa0: {  	v5 =	vadd.f32 v7, v5;
	v6 =	vmul.f32 v6, v6;
	v7 =	vor.u32 $0x9, v2  }
0xa1: {  	v8 =	vor.u32 $0xA, v2  }
0xa2: {  	v5 =	vadd.f32 v6, v5;
	v6 =	vor.u32 $0xB, v2;
	_ =	sdelay $0x1  }
0xa3: {  	[tilespmem:s2+$0x0] =	vst v5  }
0xa4: {  	v5 =	vld.idx.msk [tilespmem:v7+s15+$0x0], $0xffff  }
0xa5: {  	v7 =	vld.idx.msk [tilespmem:v8+s15+$0x0], $0xffff  }
0xa6: {  	v6 =	vld.idx.msk [tilespmem:v6+s15+$0x0], $0xffff;
	_ =	sdelay $0x3  }
0xa7: {  	v5 =	vsub.f32 v1, v5  }
0xa8: {  	v7 =	vsub.f32 v3, v7  }
0xa9: {  	v6 =	vsub.f32 v4, v6  }
0xaa: {  	v5 =	vmul.f32 v5, v5;
	v7 =	vmul.f32 v7, v7  }
0xab: {  	v8 =	vor.u32 $0xD, v2  }
0xac: {  	v6 =	vmul.f32 v6, v6;
	v5 =	vadd.f32 v7, v5;
	v7 =	vor.u32 $0xC, v2;
	_ =	sdelay $0x1  }
0xad: {  	v2 =	vor.u32 $0xE, v2;
	v5 =	vadd.f32 v6, v5;
	_ =	sdelay $0x1  }
0xae: {  	[tilespmem:s2+$0x400] =	vst v5  }
0xaf: {  	v5 =	vld.idx.msk [tilespmem:v7+s15+$0x0], $0xffff  }
0xb0: {  	v6 =	vld.idx.msk [tilespmem:v8+s15+$0x0], $0xffff  }
0xb1: {  	v2 =	vld.idx.msk [tilespmem:v2+s15+$0x0], $0xffff;
	_ =	sdelay $0x1  }
.Ltmp0:
0xb2: {  	(pc) =	sbr.rel @p0 .LBB2_2-.Ltmp0, $4  }
0xb3: {  	_ = 	snop  }
0xb4: {  	v1 =	vsub.f32 v1, v5  }
0xb5: {  	v3 =	vsub.f32 v3, v6  }
0xb6: {  	v2 =	vsub.f32 v4, v2;
	v1 =	vmul.f32 v1, v1  }
0xb7: {  	v4 =	vmov s4;
	v3 =	vmul.f32 v3, v3  }
0xb8: {  	v4 =	vshll.u32 v4, $0x4  }
0xb9: {  	v2 =	vmul.f32 v2, v2;
	v4 =	vor.u32 v0, v4;
	v1 =	vadd.f32 v3, v1;
	_ =	sdelay $0x1  }
0xba: {  	v3 =	vor.u32 $0x1, v4;
	v1 =	vadd.f32 v2, v1;
	_ =	sdelay $0x1  }
0xbb: {  	v2 =	vor.u32 $0x2, v4;
	[tilespmem:s17+$0x800] =	vst v1  }
0xbc: {  	v1 =	vld.idx.msk [tilespmem:v4+s14+$0x0], $0xffff  }
0xbd: {  	v5 =	vld.idx.msk [tilespmem:v4+s15+$0x0], $0xffff  }
0xbe: {  	v6 =	vld.idx.msk [tilespmem:v3+s14+$0x0], $0xffff  }
0xbf: {  	v3 =	vld.idx.msk [tilespmem:v3+s15+$0x0], $0xffff  }
0xc0: {  	v7 =	vld.idx.msk [tilespmem:v2+s15+$0x0], $0xffff  }
0xc1: {  	v2 =	vld.idx.msk [tilespmem:v2+s14+$0x0], $0xffff;
	_ =	sdelay $0x2  }
0xc2: {  	v5 =	vsub.f32 v1, v5;
	v3 =	vsub.f32 v6, v3;
	_ =	sdelay $0x1  }
0xc3: {  	v7 =	vsub.f32 v2, v7;
	v5 =	vmul.f32 v5, v5;
	v3 =	vmul.f32 v3, v3;
	_ =	sdelay $0x1  }
0xc4: {  	v3 =	vadd.f32 v3, v5;
	v5 =	vmul.f32 v7, v7;
	v7 =	vor.u32 $0x3, v4  }
0xc5: {  	v8 =	vor.u32 $0x4, v4  }
0xc6: {  	v3 =	vadd.f32 v5, v3  }
0xc7: {  	s2 =	sadd.s32 $0x10, s2;
	v5 =	vor.u32 $0x5, v4  }
0xc8: {  	[tilespmem:s2+$0xFFFFF800] =	vst v3  }
0xc9: {  	v3 =	vld.idx.msk [tilespmem:v7+s15+$0x0], $0xffff  }
0xca: {  	v7 =	vld.idx.msk [tilespmem:v8+s15+$0x0], $0xffff;
	_ =	sdelay $0x1  }
0xcb: {  	v5 =	vld.idx.msk [tilespmem:v5+s15+$0x0], $0xffff;
	_ =	sdelay $0x2  }
0xcc: {  	v3 =	vsub.f32 v1, v3;
	v7 =	vsub.f32 v6, v7;
	_ =	sdelay $0x1  }
0xcd: {  	v5 =	vsub.f32 v2, v5;
	v3 =	vmul.f32 v3, v3;
	v7 =	vmul.f32 v7, v7;
	_ =	sdelay $0x1  }
0xce: {  	v3 =	vadd.f32 v7, v3;
	v5 =	vmul.f32 v5, v5;
	v7 =	vor.u32 $0x6, v4  }
0xcf: {  	v56 =	vor.u32 $0x7, v4  }
0xd0: {  	v3 =	vadd.f32 v5, v3  }
0xd1: {  	v5 =	vor.u32 $0x8, v4  }
0xd2: {  	[tilespmem:s2+$0xFFFFFC00] =	vst v3  }
0xd3: {  	v3 =	vld.idx.msk [tilespmem:v7+s15+$0x0], $0xffff  }
0xd4: {  	v7 =	vld.idx.msk [tilespmem:v56+s15+$0x0], $0xffff;
	_ =	sdelay $0x1  }
0xd5: {  	v5 =	vld.idx.msk [tilespmem:v5+s15+$0x0], $0xffff;
	_ =	sdelay $0x2  }
0xd6: {  	v3 =	vsub.f32 v1, v3;
	v7 =	vsub.f32 v6, v7;
	_ =	sdelay $0x1  }
0xd7: {  	v3 =	vmul.f32 v3, v3;
	v5 =	vsub.f32 v2, v5;
	v7 =	vmul.f32 v7, v7;
	_ =	sdelay $0x1  }
0xd8: {  	v3 =	vadd.f32 v7, v3;
	v5 =	vmul.f32 v5, v5;
	v7 =	vor.u32 $0x9, v4  }
0xd9: {  	v57 =	vor.u32 $0xA, v4  }
0xda: {  	v3 =	vadd.f32 v5, v3  }
0xdb: {  	v5 =	vor.u32 $0xB, v4  }
0xdc: {  	[tilespmem:s2+$0x0] =	vst v3  }
0xdd: {  	v3 =	vld.idx.msk [tilespmem:v7+s15+$0x0], $0xffff  }
0xde: {  	v7 =	vld.idx.msk [tilespmem:v57+s15+$0x0], $0xffff;
	_ =	sdelay $0x1  }
0xdf: {  	v5 =	vld.idx.msk [tilespmem:v5+s15+$0x0], $0xffff;
	_ =	sdelay $0x2  }
0xe0: {  	v3 =	vsub.f32 v1, v3;
	v7 =	vsub.f32 v6, v7;
	_ =	sdelay $0x1  }
0xe1: {  	v5 =	vsub.f32 v2, v5;
	v3 =	vmul.f32 v3, v3;
	v7 =	vmul.f32 v7, v7;
	_ =	sdelay $0x1  }
0xe2: {  	v3 =	vadd.f32 v7, v3;
	v5 =	vmul.f32 v5, v5;
	v7 =	vor.u32 $0xC, v4  }
0xe3: {  	v58 =	vor.u32 $0xD, v4  }
0xe4: {  	v3 =	vadd.f32 v5, v3  }
0xe5: {  	v4 =	vor.u32 $0xE, v4  }
0xe6: {  	[tilespmem:s2+$0x400] =	vst v3  }
0xe7: {  	v3 =	vld.idx.msk [tilespmem:v7+s15+$0x0], $0xffff  }
0xe8: {  	v5 =	vld.idx.msk [tilespmem:v58+s15+$0x0], $0xffff;
	_ =	sdelay $0x1  }
0xe9: {  	v4 =	vld.idx.msk [tilespmem:v4+s15+$0x0], $0xffff;
	_ =	sdelay $0x2  }
0xea: {  	v1 =	vsub.f32 v1, v3;
	v3 =	vsub.f32 v6, v5;
	_ =	sdelay $0x1  }
0xeb: {  	v2 =	vsub.f32 v2, v4;
	v1 =	vmul.f32 v1, v1;
	v3 =	vmul.f32 v3, v3;
	_ =	sdelay $0x1  }
0xec: {  	v2 =	vmul.f32 v2, v2;
	v1 =	vadd.f32 v3, v1;
	_ =	sdelay $0x1  }
0xed: {  	v1 =	vadd.f32 v2, v1;
	_ =	sdelay $0x1  }
0xee: {  	[tilespmem:s2+$0x800] =	vst v1;
	s2 =	simm.s32 $0x0  }
0xef: {  	[hbm4b:s6+s2] =	stream.linear.scatter [tilespmem:s19], [sflag:$0x5], $0x400, $0x38;
	[tilespmem:$0x13800] =	vst v63  }
0xf0: {  	s3 =	rddreg [dreg:$0x8]  }
0xf1: {  	[hbm4b:s3+s2] =	stream.linear.scatter [tilespmem:s22], [sflag:$0x5], $0x400, $0x38;
	[tilespmem:$0x13800] =	vst v63  }
0xf2: {  	_ = 	snop  }
0xf3: {  	[hbm4b:s8+s2] =	stream.linear.scatter [tilespmem:s23], [sflag:$0x5], $0x400, $0x38;
	[tilespmem:$0x13800] =	vst v63  }
0xf4: {  	_ = 	snop  }
0xf5: {  	[hbm4b:s9+s2] =	stream.linear.scatter [tilespmem:s25], [sflag:$0x5], $0x400, $0x38;
	[tilespmem:$0x13800] =	vst v63  }
0xf6: {  	_ = 	snop  }
0xf7: {  	[hbm4b:s10+s2] =	stream.linear.scatter [tilespmem:s26], [sflag:$0x5], $0x400, $0x38;
	[tilespmem:$0x13800] =	vst v63  }
0xf8: {  	s4 =	rddreg [dreg:$0x9]  }
0xf9: {  	[tilespmem:s2], [sflag:$0x7] =	stream.linear.gather [hbm4b:s4+s2], $0x400, $0x38;
	[tilespmem:$0x13800] =	vst v63  }
0xfa: {  	_ =	swait.ge [sflag:s11], $0x400  }
0xfb: {  	[sflag:s11] =	ssyncset.done $0x0  }
0xfc: {  	s17 =	rddreg [dreg:$0xa];
	[sflag:s11] =	ssyncadd.s32 $0xFFFFFC00  }
0xfd: {  	[tilespmem:s12], [sflag:$0x7] =	stream.linear.gather [hbm4b:s17+s2], $0x400, $0x38;
	[tilespmem:$0x13800] =	vst v63  }
0xfe: {  	_ =	swait.ge [sflag:s11], $0x400  }
0xff: {  	[sflag:s11] =	ssyncset.done $0x0  }
0x100: {  	[sflag:s11] =	ssyncadd.s32 $0xFFFFFC00  }
0x101: {  	[tilespmem:s14], [sflag:$0x1] =	stream.indirect.gather [hbm4b:s21+s13], $0x10, s2, s13, $0xb8;
	[tilespmem:$0x13800] =	vst v63  }
0x102: {  	v1 =	vmov s2  }
0x103: {  	v1 =	vshll.u32 v1, $0x4;
	[tilespmem:s15], [sflag:$0x3] =	stream.indirect.gather [hbm4b:s24+s13], $0x10, s12, s13, $0xb8;
	[tilespmem:$0x13800] =	vst v63  }
0x104: {  	v2 =	vor.u32 v0, v1;
	_ =	swait.ge [sflag:s28], $0x4000  }
0x105: {  	v1 =	vor.u32 $0x4001, v2;
	[sflag:s28] =	ssyncset.done $0x0  }
0x106: {  	v3 =	vor.u32 $0x4000, v2;
	[sflag:s28] =	ssyncadd.s32 $0xFFFFC000  }
0x107: {  	_ =	swait.ge [sflag:s29], $0x4000  }
0x108: {  	[sflag:s29] =	ssyncset.done $0x0  }
0x109: {  	v4 =	vor.u32 $0x4002, v2;
	[sflag:s29] =	ssyncadd.s32 $0xFFFFC000  }
0x10a: {  	v5 =	vld.idx.msk [tilespmem:v1+s15+$0x0], $0xffff  }
0x10b: {  	v6 =	vld.idx.msk [tilespmem:v3+s15+$0x0], $0xffff  }
0x10c: {  	v3 =	vld.idx.msk [tilespmem:v3+s14+$0x0], $0xffff  }
0x10d: {  	v7 =	vld.idx.msk [tilespmem:v1+s14+$0x0], $0xffff  }
0x10e: {  	v59 =	vld.idx.msk [tilespmem:v4+s15+$0x0], $0xffff  }
0x10f: {  	v1 =	vld.idx.msk [tilespmem:v4+s14+$0x0], $0xffff;
	_ =	sdelay $0x2  }
0x110: {  	v4 =	vsub.f32 v3, v6;
	v5 =	vsub.f32 v7, v5;
	_ =	sdelay $0x1  }
0x111: {  	v6 =	vsub.f32 v1, v59;
	v4 =	vmul.f32 v4, v4;
	v5 =	vmul.f32 v5, v5;
	_ =	sdelay $0x1  }
0x112: {  	v4 =	vadd.f32 v5, v4;
	v5 =	vmul.f32 v6, v6;
	v6 =	vor.u32 $0x4003, v2  }
0x113: {  	v60 =	vor.u32 $0x4004, v2  }
0x114: {  	v4 =	vadd.f32 v5, v4  }
0x115: {  	s2 =	simm.s32 $0x13400;
	v5 =	vor.u32 $0x4005, v2  }
0x116: {  	[tilespmem:s2+$0xFFFFF000] =	vst v4  }
0x117: {  	v4 =	vld.idx.msk [tilespmem:v6+s15+$0x0], $0xffff  }
0x118: {  	v6 =	vld.idx.msk [tilespmem:v60+s15+$0x0], $0xffff;
	_ =	sdelay $0x1  }
0x119: {  	v5 =	vld.idx.msk [tilespmem:v5+s15+$0x0], $0xffff;
	_ =	sdelay $0x2  }
0x11a: {  	v4 =	vsub.f32 v3, v4;
	v6 =	vsub.f32 v7, v6;
	_ =	sdelay $0x1  }
0x11b: {  	v4 =	vmul.f32 v4, v4;
	v5 =	vsub.f32 v1, v5;
	v6 =	vmul.f32 v6, v6;
	_ =	sdelay $0x1  }
0x11c: {  	v4 =	vadd.f32 v6, v4;
	v5 =	vmul.f32 v5, v5;
	v6 =	vor.u32 $0x4006, v2  }
0x11d: {  	v61 =	vor.u32 $0x4007, v2  }
0x11e: {  	v4 =	vadd.f32 v5, v4  }
0x11f: {  	v5 =	vor.u32 $0x4008, v2  }
0x120: {  	[tilespmem:s2+$0xFFFFF400] =	vst v4  }
0x121: {  	v4 =	vld.idx.msk [tilespmem:v6+s15+$0x0], $0xffff  }
0x122: {  	v6 =	vld.idx.msk [tilespmem:v61+s15+$0x0], $0xffff;
	_ =	sdelay $0x1  }
0x123: {  	v5 =	vld.idx.msk [tilespmem:v5+s15+$0x0], $0xffff;
	_ =	sdelay $0x2  }
0x124: {  	v4 =	vsub.f32 v3, v4;
	v6 =	vsub.f32 v7, v6;
	_ =	sdelay $0x1  }
0x125: {  	v4 =	vmul.f32 v4, v4;
	v5 =	vsub.f32 v1, v5;
	v6 =	vmul.f32 v6, v6;
	_ =	sdelay $0x1  }
0x126: {  	v4 =	vadd.f32 v6, v4;
	v5 =	vmul.f32 v5, v5;
	v6 =	vor.u32 $0x4009, v2  }
0x127: {  	v62 =	vor.u32 $0x400A, v2  }
0x128: {  	v4 =	vadd.f32 v5, v4  }
0x129: {  	v5 =	vor.u32 $0x400B, v2  }
0x12a: {  	[tilespmem:s2+$0xFFFFF800] =	vst v4  }
0x12b: {  	v4 =	vld.idx.msk [tilespmem:v6+s15+$0x0], $0xffff  }
0x12c: {  	v6 =	vld.idx.msk [tilespmem:v62+s15+$0x0], $0xffff;
	_ =	sdelay $0x1  }
0x12d: {  	v5 =	vld.idx.msk [tilespmem:v5+s15+$0x0], $0xffff;
	_ =	sdelay $0x2  }
0x12e: {  	v4 =	vsub.f32 v3, v4;
	v6 =	vsub.f32 v7, v6;
	_ =	sdelay $0x1  }
0x12f: {  	v5 =	vsub.f32 v1, v5;
	v4 =	vmul.f32 v4, v4;
	v6 =	vmul.f32 v6, v6;
	_ =	sdelay $0x1  }
0x130: {  	v4 =	vadd.f32 v6, v4;
	v5 =	vmul.f32 v5, v5;
	v6 =	vor.u32 $0x400C, v2  }
0x131: {  	v63 =	vor.u32 $0x400D, v2  }
0x132: {  	v4 =	vadd.f32 v5, v4  }
0x133: {  	v2 =	vor.u32 $0x400E, v2  }
0x134: {  	[tilespmem:s2+$0xFFFFFC00] =	vst v4  }
0x135: {  	v4 =	vld.idx.msk [tilespmem:v6+s15+$0x0], $0xffff  }
0x136: {  	v6 =	vld.idx.msk [tilespmem:v63+s15+$0x0], $0xffff;
	_ =	sdelay $0x1  }
0x137: {  	v5 =	vld.idx.msk [tilespmem:v2+s15+$0x0], $0xffff;
	_ =	sdelay $0x2  }
0x138: {  	s3 =	simm.s32 $0x20;
	s4 =	simm.s32 $0x10;
	s17 =	simm.s32 $0x13400;
	v3 =	vsub.f32 v3, v4;
	v2 =	vsub.f32 v7, v6  }
.LBB2_4:
0x139: {  	p0 =	sne.s32 s3, $0x3F0  }
0x13a: {  	v4 =	vmov s4;
	v1 =	vsub.f32 v1, v5;
	v3 =	vmul.f32 v3, v3;
	s2 =	sadd.s32 $0x10, s2;
	s4 =	smov.u32 s3;
	s3 =	sadd.s32 $0x10, s3  }
0x13b: {  	v4 =	vshll.u32 v4, $0x4;
	v5 =	vmul.f32 v2, v2  }
0x13c: {  	v2 =	vor.u32 v0, v4;
	v1 =	vmul.f32 v1, v1  }
0x13d: {  	v4 =	vor.u32 $0x4000, v2;
	v6 =	vor.u32 $0x4001, v2;
	v3 =	vadd.f32 v5, v3  }
0x13e: {  	v5 =	vor.u32 $0x4002, v2  }
0x13f: {  	v1 =	vadd.f32 v1, v3;
	_ =	sdelay $0x1  }
0x140: {  	[tilespmem:s17+$0x0] =	vst v1;
	s17 =	smov.u32 s2  }
0x141: {  	v7 =	vld.idx.msk [tilespmem:v6+s15+$0x0], $0xffff  }
0x142: {  	v8 =	vld.idx.msk [tilespmem:v4+s15+$0x0], $0xffff  }
0x143: {  	v3 =	vld.idx.msk [tilespmem:v4+s14+$0x0], $0xffff  }
0x144: {  	v4 =	vld.idx.msk [tilespmem:v6+s14+$0x0], $0xffff  }
0x145: {  	v6 =	vld.idx.msk [tilespmem:v5+s15+$0x0], $0xffff  }
0x146: {  	v1 =	vld.idx.msk [tilespmem:v5+s14+$0x0], $0xffff;
	_ =	sdelay $0x2  }
0x147: {  	v5 =	vsub.f32 v3, v8  }
0x148: {  	v7 =	vsub.f32 v4, v7;
	_ =	sdelay $0x1  }
0x149: {  	v5 =	vmul.f32 v5, v5;
	v6 =	vsub.f32 v1, v6;
	v7 =	vmul.f32 v7, v7;
	_ =	sdelay $0x1  }
0x14a: {  	v5 =	vadd.f32 v7, v5;
	v6 =	vmul.f32 v6, v6;
	v7 =	vor.u32 $0x4003, v2  }
0x14b: {  	v8 =	vor.u32 $0x4004, v2  }
0x14c: {  	v5 =	vadd.f32 v6, v5  }
0x14d: {  	v6 =	vor.u32 $0x4005, v2  }
0x14e: {  	[tilespmem:s2+$0xFFFFF000] =	vst v5  }
0x14f: {  	v5 =	vld.idx.msk [tilespmem:v7+s15+$0x0], $0xffff  }
0x150: {  	v7 =	vld.idx.msk [tilespmem:v8+s15+$0x0], $0xffff;
	_ =	sdelay $0x1  }
0x151: {  	v6 =	vld.idx.msk [tilespmem:v6+s15+$0x0], $0xffff;
	_ =	sdelay $0x2  }
0x152: {  	v5 =	vsub.f32 v3, v5  }
0x153: {  	v7 =	vsub.f32 v4, v7  }
0x154: {  	v5 =	vmul.f32 v5, v5  }
0x155: {  	v6 =	vsub.f32 v1, v6;
	v7 =	vmul.f32 v7, v7;
	_ =	sdelay $0x1  }
0x156: {  	v5 =	vadd.f32 v7, v5;
	v6 =	vmul.f32 v6, v6;
	v7 =	vor.u32 $0x4006, v2  }
0x157: {  	v8 =	vor.u32 $0x4007, v2  }
0x158: {  	v5 =	vadd.f32 v6, v5  }
0x159: {  	v6 =	vor.u32 $0x4008, v2  }
0x15a: {  	[tilespmem:s2+$0xFFFFF400] =	vst v5  }
0x15b: {  	v5 =	vld.idx.msk [tilespmem:v7+s15+$0x0], $0xffff  }
0x15c: {  	v7 =	vld.idx.msk [tilespmem:v8+s15+$0x0], $0xffff;
	_ =	sdelay $0x1  }
0x15d: {  	v6 =	vld.idx.msk [tilespmem:v6+s15+$0x0], $0xffff;
	_ =	sdelay $0x2  }
0x15e: {  	v5 =	vsub.f32 v3, v5  }
0x15f: {  	v7 =	vsub.f32 v4, v7  }
0x160: {  	v5 =	vmul.f32 v5, v5  }
0x161: {  	v6 =	vsub.f32 v1, v6;
	v7 =	vmul.f32 v7, v7;
	_ =	sdelay $0x1  }
0x162: {  	v5 =	vadd.f32 v7, v5;
	v6 =	vmul.f32 v6, v6;
	v7 =	vor.u32 $0x4009, v2  }
0x163: {  	v8 =	vor.u32 $0x400A, v2  }
0x164: {  	v5 =	vadd.f32 v6, v5;
	v6 =	vor.u32 $0x400B, v2;
	_ =	sdelay $0x1  }
0x165: {  	[tilespmem:s2+$0xFFFFF800] =	vst v5  }
0x166: {  	v5 =	vld.idx.msk [tilespmem:v7+s15+$0x0], $0xffff  }
0x167: {  	v7 =	vld.idx.msk [tilespmem:v8+s15+$0x0], $0xffff  }
0x168: {  	v6 =	vld.idx.msk [tilespmem:v6+s15+$0x0], $0xffff;
	_ =	sdelay $0x3  }
0x169: {  	v5 =	vsub.f32 v3, v5  }
0x16a: {  	v7 =	vsub.f32 v4, v7  }
0x16b: {  	v6 =	vsub.f32 v1, v6  }
0x16c: {  	v5 =	vmul.f32 v5, v5;
	v7 =	vmul.f32 v7, v7  }
0x16d: {  	v8 =	vor.u32 $0x400D, v2  }
0x16e: {  	v6 =	vmul.f32 v6, v6;
	v5 =	vadd.f32 v7, v5;
	v7 =	vor.u32 $0x400C, v2;
	_ =	sdelay $0x1  }
0x16f: {  	v2 =	vor.u32 $0x400E, v2;
	v5 =	vadd.f32 v6, v5;
	_ =	sdelay $0x1  }
0x170: {  	[tilespmem:s2+$0xFFFFFC00] =	vst v5  }
0x171: {  	v6 =	vld.idx.msk [tilespmem:v7+s15+$0x0], $0xffff  }
0x172: {  	v7 =	vld.idx.msk [tilespmem:v8+s15+$0x0], $0xffff  }
0x173: {  	v5 =	vld.idx.msk [tilespmem:v2+s15+$0x0], $0xffff  }
.Ltmp1:
0x174: {  	(pc) =	sbr.rel @p0 .LBB2_4-.Ltmp1, $3  }
0x175: {  	_ =	sdelay $0x1  }
0x176: {  	v3 =	vsub.f32 v3, v6  }
0x177: {  	v2 =	vsub.f32 v4, v7  }
0x178: {  	v4 =	vmov s4;
	v1 =	vsub.f32 v1, v5  }
0x179: {  	v3 =	vmul.f32 v3, v3;
	v4 =	vshll.u32 v4, $0x4;
	v2 =	vmul.f32 v2, v2  }
0x17a: {  	v4 =	vor.u32 v0, v4  }
0x17b: {  	v1 =	vmul.f32 v1, v1;
	v5 =	vor.u32 $0x4001, v4;
	v2 =	vadd.f32 v2, v3  }
0x17c: {  	v3 =	vor.u32 $0x4000, v4  }
0x17d: {  	v1 =	vadd.f32 v1, v2;
	_ =	sdelay $0x1  }
0x17e: {  	v2 =	vor.u32 $0x4002, v4;
	[tilespmem:s17+$0x0] =	vst v1  }
0x17f: {  	v1 =	vld.idx.msk [tilespmem:v5+s15+$0x0], $0xffff  }
0x180: {  	v6 =	vld.idx.msk [tilespmem:v3+s15+$0x0], $0xffff  }
0x181: {  	v3 =	vld.idx.msk [tilespmem:v3+s14+$0x0], $0xffff  }
0x182: {  	v5 =	vld.idx.msk [tilespmem:v5+s14+$0x0], $0xffff  }
0x183: {  	v7 =	vld.idx.msk [tilespmem:v2+s15+$0x0], $0xffff  }
0x184: {  	v2 =	vld.idx.msk [tilespmem:v2+s14+$0x0], $0xffff;
	_ =	sdelay $0x2  }
0x185: {  	v6 =	vsub.f32 v3, v6;
	v1 =	vsub.f32 v5, v1;
	_ =	sdelay $0x1  }
0x186: {  	v7 =	vsub.f32 v2, v7;
	v6 =	vmul.f32 v6, v6;
	v1 =	vmul.f32 v1, v1;
	_ =	sdelay $0x1  }
0x187: {  	v43 =	vor.u32 $0x4003, v4;
	v1 =	vadd.f32 v1, v6;
	v42 =	vmul.f32 v7, v7  }
0x188: {  	v8 =	vor.u32 $0x4004, v4  }
0x189: {  	v1 =	vadd.f32 v42, v1  }
0x18a: {  	s2 =	sadd.s32 $0x10, s2;
	v44 =	vor.u32 $0x4005, v4  }
0x18b: {  	[tilespmem:s2+$0xFFFFF000] =	vst v1  }
0x18c: {  	v1 =	vld.idx.msk [tilespmem:v43+s15+$0x0], $0xffff  }
0x18d: {  	v45 =	vld.idx.msk [tilespmem:v8+s15+$0x0], $0xffff;
	_ =	sdelay $0x1  }
0x18e: {  	v6 =	vld.idx.msk [tilespmem:v44+s15+$0x0], $0xffff;
	_ =	sdelay $0x2  }
0x18f: {  	v1 =	vsub.f32 v3, v1;
	v7 =	vsub.f32 v5, v45;
	_ =	sdelay $0x1  }
0x190: {  	v6 =	vsub.f32 v2, v6;
	v1 =	vmul.f32 v1, v1;
	v7 =	vmul.f32 v7, v7;
	_ =	sdelay $0x1  }
0x191: {  	v46 =	vor.u32 $0x4006, v4;
	v6 =	vmul.f32 v6, v6;
	v1 =	vadd.f32 v7, v1  }
0x192: {  	v47 =	vor.u32 $0x4007, v4  }
0x193: {  	v1 =	vadd.f32 v6, v1  }
0x194: {  	v48 =	vor.u32 $0x4008, v4  }
0x195: {  	[tilespmem:s2+$0xFFFFF400] =	vst v1  }
0x196: {  	v1 =	vld.idx.msk [tilespmem:v46+s15+$0x0], $0xffff  }
0x197: {  	v49 =	vld.idx.msk [tilespmem:v47+s15+$0x0], $0xffff;
	_ =	sdelay $0x1  }
0x198: {  	v6 =	vld.idx.msk [tilespmem:v48+s15+$0x0], $0xffff;
	_ =	sdelay $0x2  }
0x199: {  	v1 =	vsub.f32 v3, v1;
	v7 =	vsub.f32 v5, v49;
	_ =	sdelay $0x1  }
0x19a: {  	v6 =	vsub.f32 v2, v6;
	v1 =	vmul.f32 v1, v1;
	v7 =	vmul.f32 v7, v7;
	_ =	sdelay $0x1  }
0x19b: {  	v50 =	vor.u32 $0x4009, v4;
	v6 =	vmul.f32 v6, v6;
	v1 =	vadd.f32 v7, v1  }
0x19c: {  	v51 =	vor.u32 $0x400A, v4  }
0x19d: {  	v1 =	vadd.f32 v6, v1  }
0x19e: {  	v52 =	vor.u32 $0x400B, v4  }
0x19f: {  	[tilespmem:s2+$0xFFFFF800] =	vst v1  }
0x1a0: {  	v1 =	vld.idx.msk [tilespmem:v50+s15+$0x0], $0xffff  }
0x1a1: {  	v53 =	vld.idx.msk [tilespmem:v51+s15+$0x0], $0xffff;
	_ =	sdelay $0x1  }
0x1a2: {  	v6 =	vld.idx.msk [tilespmem:v52+s15+$0x0], $0xffff;
	_ =	sdelay $0x2  }
0x1a3: {  	v1 =	vsub.f32 v3, v1;
	v7 =	vsub.f32 v5, v53;
	_ =	sdelay $0x1  }
0x1a4: {  	v6 =	vsub.f32 v2, v6;
	v1 =	vmul.f32 v1, v1;
	v7 =	vmul.f32 v7, v7;
	_ =	sdelay $0x1  }
0x1a5: {  	v54 =	vor.u32 $0x400C, v4;
	v6 =	vmul.f32 v6, v6;
	v1 =	vadd.f32 v7, v1  }
0x1a6: {  	v55 =	vor.u32 $0x400D, v4  }
0x1a7: {  	v1 =	vadd.f32 v6, v1  }
0x1a8: {  	v4 =	vor.u32 $0x400E, v4  }
0x1a9: {  	[tilespmem:s2+$0xFFFFFC00] =	vst v1  }
0x1aa: {  	v1 =	vld.idx.msk [tilespmem:v54+s15+$0x0], $0xffff  }
0x1ab: {  	v56 =	vld.idx.msk [tilespmem:v55+s15+$0x0], $0xffff;
	_ =	sdelay $0x1  }
0x1ac: {  	v4 =	vld.idx.msk [tilespmem:v4+s15+$0x0], $0xffff;
	_ =	sdelay $0x2  }
0x1ad: {  	v1 =	vsub.f32 v3, v1;
	v3 =	vsub.f32 v5, v56;
	_ =	sdelay $0x1  }
0x1ae: {  	v2 =	vsub.f32 v2, v4;
	v1 =	vmul.f32 v1, v1;
	v3 =	vmul.f32 v3, v3;
	_ =	sdelay $0x1  }
0x1af: {  	v2 =	vmul.f32 v2, v2;
	v1 =	vadd.f32 v3, v1;
	_ =	sdelay $0x1  }
0x1b0: {  	v1 =	vadd.f32 v2, v1;
	_ =	sdelay $0x1  }
0x1b1: {  	s3 =	rddreg [dreg:$0xb];
	s17 =	simm.s32 $0x12400;
	[tilespmem:s2+$0x0] =	vst v1;
	s2 =	simm.s32 $0x0  }
0x1b2: {  	[hbm4b:s3+s2] =	stream.linear.scatter [tilespmem:s17], [sflag:$0x6], $0x400, $0x38;
	[tilespmem:$0x13800] =	vst v63  }
0x1b3: {  	s4 =	rddreg [dreg:$0xc];
	s17 =	simm.s32 $0x12800  }
0x1b4: {  	[hbm4b:s4+s2] =	stream.linear.scatter [tilespmem:s17], [sflag:$0x6], $0x400, $0x38;
	[tilespmem:$0x13800] =	vst v63  }
0x1b5: {  	s4 =	rddreg [dreg:$0x17];
	s17 =	simm.s32 $0x12C00  }
0x1b6: {  	[hbm4b:s4+s2] =	stream.linear.scatter [tilespmem:s17], [sflag:$0x6], $0x400, $0x38;
	[tilespmem:$0x13800] =	vst v63  }
0x1b7: {  	s4 =	rddreg [dreg:$0x18];
	s17 =	simm.s32 $0x13000  }
0x1b8: {  	[hbm4b:s4+s2] =	stream.linear.scatter [tilespmem:s17], [sflag:$0x6], $0x400, $0x38;
	[tilespmem:$0x13800] =	vst v63  }
0x1b9: {  	s4 =	rddreg [dreg:$0x19];
	s17 =	simm.s32 $0x13400  }
0x1ba: {  	[hbm4b:s4+s2] =	stream.linear.scatter [tilespmem:s17], [sflag:$0x6], $0x400, $0x38;
	[tilespmem:$0x13800] =	vst v63  }
0x1bb: {  	s4 =	rddreg [dreg:$0xd]  }
0x1bc: {  	[tilespmem:s13], [sflag:$0x7] =	stream.linear.gather [hbm4b:s4+s2], $0x400, $0x38;
	[tilespmem:$0x13800] =	vst v63  }
0x1bd: {  	_ =	swait.ge [sflag:s11], $0x400  }
0x1be: {  	[sflag:s11] =	ssyncset.done $0x0  }
0x1bf: {  	s17 =	rddreg [dreg:$0x10];
	[sflag:s11] =	ssyncadd.s32 $0xFFFFFC00  }
0x1c0: {  	[tilespmem:s16], [sflag:$0x7] =	stream.linear.gather [hbm4b:s17+s2], $0x400, $0x38;
	[tilespmem:$0x13800] =	vst v63  }
0x1c1: {  	_ =	swait.ge [sflag:s11], $0x400  }
0x1c2: {  	[sflag:s11] =	ssyncset.done $0x0  }
0x1c3: {  	s4 =	simm.s32 $0x5000;
	[sflag:s11] =	ssyncadd.s32 $0xFFFFFC00  }
0x1c4: {  	[tilespmem:s4], [sflag:$0x2] =	stream.indirect.gather [hbm4b:s21+s13], $0x10, s13, s13, $0xb8;
	[tilespmem:$0x13800] =	vst v63  }
0x1c5: {  	s17 =	simm.s32 $0xD000  }
0x1c6: {  	[tilespmem:s17], [sflag:$0x4] =	stream.indirect.gather [hbm4b:s24+s13], $0x10, s16, s13, $0xb8;
	[tilespmem:$0x13800] =	vst v63  }
0x1c7: {  	_ =	swait.ge [sflag:s20], $0x4000  }
0x1c8: {  	[sflag:s20] =	ssyncset.done $0x0  }
0x1c9: {  	[sflag:s20] =	ssyncadd.s32 $0xFFFFC000  }
0x1ca: {  	_ =	swait.ge [sflag:s18], $0x4000  }
0x1cb: {  	[sflag:s18] =	ssyncset.done $0x0  }
0x1cc: {  	[sflag:s18] =	ssyncadd.s32 $0xFFFFC000  }
0x1cd: {  	_ =	swait.ge [sflag:s30], $0x400  }
0x1ce: {  	[sflag:s30] =	ssyncset.done $0x0  }
0x1cf: {  	[sflag:s30] =	ssyncadd.s32 $0xFFFFFC00  }
0x1d0: {  	_ =	swait.ge [sflag:s30], $0x400  }
0x1d1: {  	[sflag:s30] =	ssyncset.done $0x0  }
0x1d2: {  	[sflag:s30] =	ssyncadd.s32 $0xFFFFFC00  }
0x1d3: {  	_ =	swait.ge [sflag:s30], $0x400  }
0x1d4: {  	[sflag:s30] =	ssyncset.done $0x0  }
0x1d5: {  	v1 =	vmov s2;
	[sflag:s30] =	ssyncadd.s32 $0xFFFFFC00  }
0x1d6: {  	v1 =	vshll.u32 v1, $0x4;
	_ =	swait.ge [sflag:s30], $0x400  }
0x1d7: {  	v1 =	vor.u32 v0, v1;
	[sflag:s30] =	ssyncset.done $0x0  }
0x1d8: {  	[sflag:s30] =	ssyncadd.s32 $0xFFFFFC00  }
0x1d9: {  	v2 =	vor.u32 $0x1, v1;
	_ =	swait.ge [sflag:s30], $0x400  }
0x1da: {  	[sflag:s30] =	ssyncset.done $0x0  }
0x1db: {  	v3 =	vor.u32 $0x2, v1;
	[sflag:s30] =	ssyncadd.s32 $0xFFFFFC00  }
0x1dc: {  	v4 =	vld.idx.msk [tilespmem:v1+s14+$0x0], $0xffff  }
0x1dd: {  	v5 =	vld.idx.msk [tilespmem:v1+s15+$0x0], $0xffff  }
0x1de: {  	v57 =	vld.idx.msk [tilespmem:v2+s14+$0x0], $0xffff  }
0x1df: {  	v2 =	vld.idx.msk [tilespmem:v2+s15+$0x0], $0xffff  }
0x1e0: {  	v58 =	vld.idx.msk [tilespmem:v3+s15+$0x0], $0xffff  }
0x1e1: {  	v59 =	vld.idx.msk [tilespmem:v3+s14+$0x0], $0xffff;
	_ =	sdelay $0x2  }
0x1e2: {  	v3 =	vsub.f32 v4, v5;
	v2 =	vsub.f32 v57, v2;
	_ =	sdelay $0x1  }
0x1e3: {  	v5 =	vsub.f32 v59, v58;
	v3 =	vmul.f32 v3, v3;
	v2 =	vmul.f32 v2, v2;
	_ =	sdelay $0x1  }
0x1e4: {  	v2 =	vadd.f32 v2, v3;
	v3 =	vmul.f32 v5, v5;
	v5 =	vor.u32 $0x3, v1  }
0x1e5: {  	v60 =	vor.u32 $0x4, v1  }
0x1e6: {  	v2 =	vadd.f32 v3, v2  }
0x1e7: {  	s2 =	simm.s32 $0x11800;
	v3 =	vor.u32 $0x5, v1  }
0x1e8: {  	[tilespmem:s2+$0xFFFFF800] =	vst v2  }
0x1e9: {  	v2 =	vld.idx.msk [tilespmem:v5+s15+$0x0], $0xffff  }
0x1ea: {  	v5 =	vld.idx.msk [tilespmem:v60+s15+$0x0], $0xffff;
	_ =	sdelay $0x1  }
0x1eb: {  	v3 =	vld.idx.msk [tilespmem:v3+s15+$0x0], $0xffff;
	_ =	sdelay $0x2  }
0x1ec: {  	v2 =	vsub.f32 v4, v2;
	v5 =	vsub.f32 v57, v5;
	_ =	sdelay $0x1  }
0x1ed: {  	v3 =	vsub.f32 v59, v3;
	v2 =	vmul.f32 v2, v2;
	v5 =	vmul.f32 v5, v5;
	_ =	sdelay $0x1  }
0x1ee: {  	v2 =	vadd.f32 v5, v2;
	v3 =	vmul.f32 v3, v3;
	v5 =	vor.u32 $0x6, v1  }
0x1ef: {  	v61 =	vor.u32 $0x7, v1  }
0x1f0: {  	v2 =	vadd.f32 v3, v2  }
0x1f1: {  	v3 =	vor.u32 $0x8, v1  }
0x1f2: {  	[tilespmem:s2+$0xFFFFFC00] =	vst v2  }
0x1f3: {  	v2 =	vld.idx.msk [tilespmem:v5+s15+$0x0], $0xffff  }
0x1f4: {  	v5 =	vld.idx.msk [tilespmem:v61+s15+$0x0], $0xffff;
	_ =	sdelay $0x1  }
0x1f5: {  	v3 =	vld.idx.msk [tilespmem:v3+s15+$0x0], $0xffff;
	_ =	sdelay $0x2  }
0x1f6: {  	v2 =	vsub.f32 v4, v2;
	v5 =	vsub.f32 v57, v5;
	_ =	sdelay $0x1  }
0x1f7: {  	v2 =	vmul.f32 v2, v2;
	v3 =	vsub.f32 v59, v3;
	v5 =	vmul.f32 v5, v5;
	_ =	sdelay $0x1  }
0x1f8: {  	v2 =	vadd.f32 v5, v2;
	v3 =	vmul.f32 v3, v3;
	v5 =	vor.u32 $0x9, v1  }
0x1f9: {  	v62 =	vor.u32 $0xA, v1  }
0x1fa: {  	v2 =	vadd.f32 v3, v2  }
0x1fb: {  	v3 =	vor.u32 $0xB, v1  }
0x1fc: {  	[tilespmem:s2+$0x0] =	vst v2  }
0x1fd: {  	v2 =	vld.idx.msk [tilespmem:v5+s15+$0x0], $0xffff  }
0x1fe: {  	v5 =	vld.idx.msk [tilespmem:v62+s15+$0x0], $0xffff;
	_ =	sdelay $0x1  }
0x1ff: {  	v3 =	vld.idx.msk [tilespmem:v3+s15+$0x0], $0xffff;
	_ =	sdelay $0x2  }
0x200: {  	v2 =	vsub.f32 v4, v2;
	v5 =	vsub.f32 v57, v5;
	_ =	sdelay $0x1  }
0x201: {  	v3 =	vsub.f32 v59, v3;
	v2 =	vmul.f32 v2, v2;
	v5 =	vmul.f32 v5, v5;
	_ =	sdelay $0x1  }
0x202: {  	v2 =	vadd.f32 v5, v2;
	v3 =	vmul.f32 v3, v3;
	v5 =	vor.u32 $0xC, v1  }
0x203: {  	v63 =	vor.u32 $0xD, v1  }
0x204: {  	v1 =	vor.u32 $0xE, v1;
	v2 =	vadd.f32 v3, v2;
	_ =	sdelay $0x1  }
0x205: {  	[tilespmem:s2+$0x400] =	vst v2  }
0x206: {  	v2 =	vld.idx.msk [tilespmem:v5+s15+$0x0], $0xffff  }
0x207: {  	v3 =	vld.idx.msk [tilespmem:v63+s15+$0x0], $0xffff  }
0x208: {  	v1 =	vld.idx.msk [tilespmem:v1+s15+$0x0], $0xffff;
	_ =	sdelay $0x2  }
0x209: {  	v4 =	vsub.f32 v4, v2;
	_ =	sdelay $0x1  }
0x20a: {  	s3 =	simm.s32 $0x20;
	s4 =	simm.s32 $0x10;
	s17 =	simm.s32 $0x11800;
	v3 =	vsub.f32 v57, v3;
	v2 =	vsub.f32 v59, v1;
	v1 =	vmul.f32 v4, v4  }
.LBB2_6:
0x20b: {  	p0 =	sne.s32 s3, $0x3F0  }
0x20c: {  	v4 =	vmov s4;
	v3 =	vmul.f32 v3, v3;
	s2 =	sadd.s32 $0x10, s2;
	s4 =	smov.u32 s3;
	s3 =	sadd.s32 $0x10, s3  }
0x20d: {  	v4 =	vshll.u32 v4, $0x4;
	v5 =	vmul.f32 v2, v2  }
0x20e: {  	v2 =	vor.u32 v0, v4;
	v1 =	vadd.f32 v3, v1  }
0x20f: {  	v4 =	vor.u32 $0x1, v2;
	v6 =	vor.u32 $0x2, v2  }
0x210: {  	v1 =	vadd.f32 v5, v1;
	_ =	sdelay $0x1  }
0x211: {  	[tilespmem:s17+$0x800] =	vst v1;
	s17 =	smov.u32 s2  }
0x212: {  	v1 =	vld.idx.msk [tilespmem:v2+s14+$0x0], $0xffff  }
0x213: {  	v5 =	vld.idx.msk [tilespmem:v2+s15+$0x0], $0xffff  }
0x214: {  	v3 =	vld.idx.msk [tilespmem:v4+s14+$0x0], $0xffff  }
0x215: {  	v7 =	vld.idx.msk [tilespmem:v4+s15+$0x0], $0xffff  }
0x216: {  	v8 =	vld.idx.msk [tilespmem:v6+s15+$0x0], $0xffff  }
0x217: {  	v4 =	vld.idx.msk [tilespmem:v6+s14+$0x0], $0xffff;
	_ =	sdelay $0x1  }
0x218: {  	v5 =	vsub.f32 v1, v5;
	_ =	sdelay $0x1  }
0x219: {  	v6 =	vsub.f32 v3, v7;
	_ =	sdelay $0x1  }
0x21a: {  	v5 =	vmul.f32 v5, v5;
	v7 =	vsub.f32 v4, v8;
	v6 =	vmul.f32 v6, v6;
	_ =	sdelay $0x1  }
0x21b: {  	v5 =	vadd.f32 v6, v5;
	v6 =	vmul.f32 v7, v7;
	v7 =	vor.u32 $0x3, v2  }
0x21c: {  	v8 =	vor.u32 $0x4, v2  }
0x21d: {  	v5 =	vadd.f32 v6, v5  }
0x21e: {  	v6 =	vor.u32 $0x5, v2  }
0x21f: {  	[tilespmem:s2+$0xFFFFF800] =	vst v5  }
0x220: {  	v5 =	vld.idx.msk [tilespmem:v7+s15+$0x0], $0xffff  }
0x221: {  	v7 =	vld.idx.msk [tilespmem:v8+s15+$0x0], $0xffff;
	_ =	sdelay $0x1  }
0x222: {  	v6 =	vld.idx.msk [tilespmem:v6+s15+$0x0], $0xffff;
	_ =	sdelay $0x2  }
0x223: {  	v5 =	vsub.f32 v1, v5  }
0x224: {  	v7 =	vsub.f32 v3, v7;
	_ =	sdelay $0x1  }
0x225: {  	v5 =	vmul.f32 v5, v5;
	v6 =	vsub.f32 v4, v6;
	v7 =	vmul.f32 v7, v7;
	_ =	sdelay $0x1  }
0x226: {  	v5 =	vadd.f32 v7, v5;
	v6 =	vmul.f32 v6, v6;
	v7 =	vor.u32 $0x6, v2  }
0x227: {  	v8 =	vor.u32 $0x7, v2  }
0x228: {  	v5 =	vadd.f32 v6, v5  }
0x229: {  	v6 =	vor.u32 $0x8, v2  }
0x22a: {  	[tilespmem:s2+$0xFFFFFC00] =	vst v5  }
0x22b: {  	v5 =	vld.idx.msk [tilespmem:v7+s15+$0x0], $0xffff  }
0x22c: {  	v7 =	vld.idx.msk [tilespmem:v8+s15+$0x0], $0xffff;
	_ =	sdelay $0x1  }
0x22d: {  	v6 =	vld.idx.msk [tilespmem:v6+s15+$0x0], $0xffff;
	_ =	sdelay $0x2  }
0x22e: {  	v5 =	vsub.f32 v1, v5  }
0x22f: {  	v7 =	vsub.f32 v3, v7  }
0x230: {  	v5 =	vmul.f32 v5, v5  }
0x231: {  	v6 =	vsub.f32 v4, v6;
	v7 =	vmul.f32 v7, v7;
	_ =	sdelay $0x1  }
0x232: {  	v5 =	vadd.f32 v7, v5;
	v6 =	vmul.f32 v6, v6;
	v7 =	vor.u32 $0x9, v2  }
0x233: {  	v8 =	vor.u32 $0xA, v2  }
0x234: {  	v5 =	vadd.f32 v6, v5;
	v6 =	vor.u32 $0xB, v2;
	_ =	sdelay $0x1  }
0x235: {  	[tilespmem:s2+$0x0] =	vst v5  }
0x236: {  	v5 =	vld.idx.msk [tilespmem:v7+s15+$0x0], $0xffff  }
0x237: {  	v7 =	vld.idx.msk [tilespmem:v8+s15+$0x0], $0xffff  }
0x238: {  	v6 =	vld.idx.msk [tilespmem:v6+s15+$0x0], $0xffff;
	_ =	sdelay $0x3  }
0x239: {  	v5 =	vsub.f32 v1, v5  }
0x23a: {  	v7 =	vsub.f32 v3, v7  }
0x23b: {  	v6 =	vsub.f32 v4, v6  }
0x23c: {  	v5 =	vmul.f32 v5, v5;
	v7 =	vmul.f32 v7, v7  }
0x23d: {  	v8 =	vor.u32 $0xD, v2  }
0x23e: {  	v6 =	vmul.f32 v6, v6;
	v5 =	vadd.f32 v7, v5;
	v7 =	vor.u32 $0xC, v2;
	_ =	sdelay $0x1  }
0x23f: {  	v2 =	vor.u32 $0xE, v2;
	v5 =	vadd.f32 v6, v5;
	_ =	sdelay $0x1  }
0x240: {  	[tilespmem:s2+$0x400] =	vst v5  }
0x241: {  	v5 =	vld.idx.msk [tilespmem:v7+s15+$0x0], $0xffff  }
0x242: {  	v6 =	vld.idx.msk [tilespmem:v8+s15+$0x0], $0xffff  }
0x243: {  	v2 =	vld.idx.msk [tilespmem:v2+s15+$0x0], $0xffff;
	_ =	sdelay $0x1  }
.Ltmp2:
0x244: {  	(pc) =	sbr.rel @p0 .LBB2_6-.Ltmp2, $4  }
0x245: {  	_ = 	snop  }
0x246: {  	v1 =	vsub.f32 v1, v5  }
0x247: {  	v3 =	vsub.f32 v3, v6  }
0x248: {  	v2 =	vsub.f32 v4, v2;
	v1 =	vmul.f32 v1, v1  }
0x249: {  	v4 =	vmov s4;
	v3 =	vmul.f32 v3, v3  }
0x24a: {  	v4 =	vshll.u32 v4, $0x4  }
0x24b: {  	v2 =	vmul.f32 v2, v2;
	v4 =	vor.u32 v0, v4;
	v1 =	vadd.f32 v3, v1;
	_ =	sdelay $0x1  }
0x24c: {  	v3 =	vor.u32 $0x1, v4;
	v1 =	vadd.f32 v2, v1;
	_ =	sdelay $0x1  }
0x24d: {  	v2 =	vor.u32 $0x2, v4;
	[tilespmem:s17+$0x800] =	vst v1  }
0x24e: {  	v1 =	vld.idx.msk [tilespmem:v4+s14+$0x0], $0xffff  }
0x24f: {  	v5 =	vld.idx.msk [tilespmem:v4+s15+$0x0], $0xffff  }
0x250: {  	v6 =	vld.idx.msk [tilespmem:v3+s14+$0x0], $0xffff  }
0x251: {  	v3 =	vld.idx.msk [tilespmem:v3+s15+$0x0], $0xffff  }
0x252: {  	v7 =	vld.idx.msk [tilespmem:v2+s15+$0x0], $0xffff  }
0x253: {  	v2 =	vld.idx.msk [tilespmem:v2+s14+$0x0], $0xffff;
	_ =	sdelay $0x2  }
0x254: {  	v5 =	vsub.f32 v1, v5;
	v3 =	vsub.f32 v6, v3;
	_ =	sdelay $0x1  }
0x255: {  	v7 =	vsub.f32 v2, v7;
	v5 =	vmul.f32 v5, v5;
	v3 =	vmul.f32 v3, v3;
	_ =	sdelay $0x1  }
0x256: {  	v3 =	vadd.f32 v3, v5;
	v5 =	vmul.f32 v7, v7;
	v7 =	vor.u32 $0x3, v4  }
0x257: {  	v8 =	vor.u32 $0x4, v4  }
0x258: {  	v3 =	vadd.f32 v5, v3  }
0x259: {  	s2 =	sadd.s32 $0x10, s2;
	v5 =	vor.u32 $0x5, v4  }
0x25a: {  	[tilespmem:s2+$0xFFFFF800] =	vst v3  }
0x25b: {  	v3 =	vld.idx.msk [tilespmem:v7+s15+$0x0], $0xffff  }
0x25c: {  	v7 =	vld.idx.msk [tilespmem:v8+s15+$0x0], $0xffff;
	_ =	sdelay $0x1  }
0x25d: {  	v5 =	vld.idx.msk [tilespmem:v5+s15+$0x0], $0xffff;
	_ =	sdelay $0x2  }
0x25e: {  	v3 =	vsub.f32 v1, v3;
	v7 =	vsub.f32 v6, v7;
	_ =	sdelay $0x1  }
0x25f: {  	v5 =	vsub.f32 v2, v5;
	v3 =	vmul.f32 v3, v3;
	v7 =	vmul.f32 v7, v7;
	_ =	sdelay $0x1  }
0x260: {  	v3 =	vadd.f32 v7, v3;
	v5 =	vmul.f32 v5, v5;
	v7 =	vor.u32 $0x6, v4  }
0x261: {  	v56 =	vor.u32 $0x7, v4  }
0x262: {  	v3 =	vadd.f32 v5, v3  }
0x263: {  	v5 =	vor.u32 $0x8, v4  }
0x264: {  	[tilespmem:s2+$0xFFFFFC00] =	vst v3  }
0x265: {  	v3 =	vld.idx.msk [tilespmem:v7+s15+$0x0], $0xffff  }
0x266: {  	v7 =	vld.idx.msk [tilespmem:v56+s15+$0x0], $0xffff;
	_ =	sdelay $0x1  }
0x267: {  	v5 =	vld.idx.msk [tilespmem:v5+s15+$0x0], $0xffff;
	_ =	sdelay $0x2  }
0x268: {  	v3 =	vsub.f32 v1, v3;
	v7 =	vsub.f32 v6, v7;
	_ =	sdelay $0x1  }
0x269: {  	v3 =	vmul.f32 v3, v3;
	v5 =	vsub.f32 v2, v5;
	v7 =	vmul.f32 v7, v7;
	_ =	sdelay $0x1  }
0x26a: {  	v3 =	vadd.f32 v7, v3;
	v5 =	vmul.f32 v5, v5;
	v7 =	vor.u32 $0x9, v4  }
0x26b: {  	v57 =	vor.u32 $0xA, v4  }
0x26c: {  	v3 =	vadd.f32 v5, v3  }
0x26d: {  	v5 =	vor.u32 $0xB, v4  }
0x26e: {  	[tilespmem:s2+$0x0] =	vst v3  }
0x26f: {  	v3 =	vld.idx.msk [tilespmem:v7+s15+$0x0], $0xffff  }
0x270: {  	v7 =	vld.idx.msk [tilespmem:v57+s15+$0x0], $0xffff;
	_ =	sdelay $0x1  }
0x271: {  	v5 =	vld.idx.msk [tilespmem:v5+s15+$0x0], $0xffff;
	_ =	sdelay $0x2  }
0x272: {  	v3 =	vsub.f32 v1, v3;
	v7 =	vsub.f32 v6, v7;
	_ =	sdelay $0x1  }
0x273: {  	v5 =	vsub.f32 v2, v5;
	v3 =	vmul.f32 v3, v3;
	v7 =	vmul.f32 v7, v7;
	_ =	sdelay $0x1  }
0x274: {  	v3 =	vadd.f32 v7, v3;
	v5 =	vmul.f32 v5, v5;
	v7 =	vor.u32 $0xC, v4  }
0x275: {  	v58 =	vor.u32 $0xD, v4  }
0x276: {  	v3 =	vadd.f32 v5, v3  }
0x277: {  	v4 =	vor.u32 $0xE, v4  }
0x278: {  	[tilespmem:s2+$0x400] =	vst v3  }
0x279: {  	v3 =	vld.idx.msk [tilespmem:v7+s15+$0x0], $0xffff  }
0x27a: {  	v5 =	vld.idx.msk [tilespmem:v58+s15+$0x0], $0xffff;
	_ =	sdelay $0x1  }
0x27b: {  	v4 =	vld.idx.msk [tilespmem:v4+s15+$0x0], $0xffff;
	_ =	sdelay $0x2  }
0x27c: {  	v1 =	vsub.f32 v1, v3;
	v3 =	vsub.f32 v6, v5;
	_ =	sdelay $0x1  }
0x27d: {  	v2 =	vsub.f32 v2, v4;
	v1 =	vmul.f32 v1, v1;
	v3 =	vmul.f32 v3, v3;
	_ =	sdelay $0x1  }
0x27e: {  	v2 =	vmul.f32 v2, v2;
	v1 =	vadd.f32 v3, v1;
	_ =	sdelay $0x1  }
0x27f: {  	v1 =	vadd.f32 v2, v1;
	_ =	sdelay $0x1  }
0x280: {  	s3 =	rddreg [dreg:$0xe];
	[tilespmem:s2+$0x800] =	vst v1;
	s2 =	simm.s32 $0x0  }
0x281: {  	[hbm4b:s3+s2] =	stream.linear.scatter [tilespmem:s19], [sflag:$0x5], $0x400, $0x38;
	[tilespmem:$0x13800] =	vst v63  }
0x282: {  	s4 =	rddreg [dreg:$0xf]  }
0x283: {  	[hbm4b:s4+s2] =	stream.linear.scatter [tilespmem:s22], [sflag:$0x5], $0x400, $0x38;
	[tilespmem:$0x13800] =	vst v63  }
0x284: {  	s17 =	rddreg [dreg:$0x1a]  }
0x285: {  	[hbm4b:s17+s2] =	stream.linear.scatter [tilespmem:s23], [sflag:$0x5], $0x400, $0x38;
	[tilespmem:$0x13800] =	vst v63  }
0x286: {  	s4 =	rddreg [dreg:$0x1b]  }
0x287: {  	[hbm4b:s4+s2] =	stream.linear.scatter [tilespmem:s25], [sflag:$0x5], $0x400, $0x38;
	[tilespmem:$0x13800] =	vst v63  }
0x288: {  	s17 =	rddreg [dreg:$0x1c]  }
0x289: {  	[hbm4b:s17+s2] =	stream.linear.scatter [tilespmem:s26], [sflag:$0x5], $0x400, $0x38;
	[tilespmem:$0x13800] =	vst v63  }
0x28a: {  	s4 =	rddreg [dreg:$0x11]  }
0x28b: {  	[tilespmem:s2], [sflag:$0x7] =	stream.linear.gather [hbm4b:s4+s2], $0x400, $0x38;
	[tilespmem:$0x13800] =	vst v63  }
0x28c: {  	_ =	swait.ge [sflag:s11], $0x400  }
0x28d: {  	[sflag:s11] =	ssyncset.done $0x0  }
0x28e: {  	s17 =	rddreg [dreg:$0x12];
	[sflag:s11] =	ssyncadd.s32 $0xFFFFFC00  }
0x28f: {  	[tilespmem:s12], [sflag:$0x7] =	stream.linear.gather [hbm4b:s17+s2], $0x400, $0x38;
	[tilespmem:$0x13800] =	vst v63  }
0x290: {  	_ =	swait.ge [sflag:s11], $0x400  }
0x291: {  	[sflag:s11] =	ssyncset.done $0x0  }
0x292: {  	[sflag:s11] =	ssyncadd.s32 $0xFFFFFC00  }
0x293: {  	[tilespmem:s14], [sflag:$0x1] =	stream.indirect.gather [hbm4b:s21+s13], $0x10, s2, s13, $0xb8;
	[tilespmem:$0x13800] =	vst v63  }
0x294: {  	_ = 	snop  }
0x295: {  	[tilespmem:s15], [sflag:$0x3] =	stream.indirect.gather [hbm4b:s24+s13], $0x10, s12, s13, $0xb8;
	[tilespmem:$0x13800] =	vst v63  }
0x296: {  	_ =	swait.ge [sflag:s28], $0x4000  }
0x297: {  	[sflag:s28] =	ssyncset.done $0x0  }
0x298: {  	[sflag:s28] =	ssyncadd.s32 $0xFFFFC000  }
0x299: {  	_ =	swait.ge [sflag:s29], $0x4000  }
0x29a: {  	[sflag:s29] =	ssyncset.done $0x0  }
0x29b: {  	[sflag:s29] =	ssyncadd.s32 $0xFFFFC000  }
0x29c: {  	_ =	swait.ge [sflag:s0], $0x400  }
0x29d: {  	[sflag:s0] =	ssyncset.done $0x0  }
0x29e: {  	[sflag:s0] =	ssyncadd.s32 $0xFFFFFC00  }
0x29f: {  	_ =	swait.ge [sflag:s0], $0x400  }
0x2a0: {  	[sflag:s0] =	ssyncset.done $0x0  }
0x2a1: {  	[sflag:s0] =	ssyncadd.s32 $0xFFFFFC00  }
0x2a2: {  	_ =	swait.ge [sflag:s0], $0x400  }
0x2a3: {  	v1 =	vmov s2;
	[sflag:s0] =	ssyncset.done $0x0  }
0x2a4: {  	v1 =	vshll.u32 v1, $0x4;
	[sflag:s0] =	ssyncadd.s32 $0xFFFFFC00  }
0x2a5: {  	v2 =	vor.u32 v0, v1;
	_ =	swait.ge [sflag:s0], $0x400  }
0x2a6: {  	v1 =	vor.u32 $0x4001, v2;
	[sflag:s0] =	ssyncset.done $0x0  }
0x2a7: {  	v3 =	vor.u32 $0x4000, v2;
	[sflag:s0] =	ssyncadd.s32 $0xFFFFFC00  }
0x2a8: {  	_ =	swait.ge [sflag:s0], $0x400  }
0x2a9: {  	[sflag:s0] =	ssyncset.done $0x0  }
0x2aa: {  	v4 =	vor.u32 $0x4002, v2;
	[sflag:s0] =	ssyncadd.s32 $0xFFFFFC00  }
0x2ab: {  	v5 =	vld.idx.msk [tilespmem:v1+s15+$0x0], $0xffff  }
0x2ac: {  	v6 =	vld.idx.msk [tilespmem:v3+s15+$0x0], $0xffff  }
0x2ad: {  	v3 =	vld.idx.msk [tilespmem:v3+s14+$0x0], $0xffff  }
0x2ae: {  	v7 =	vld.idx.msk [tilespmem:v1+s14+$0x0], $0xffff  }
0x2af: {  	v59 =	vld.idx.msk [tilespmem:v4+s15+$0x0], $0xffff  }
0x2b0: {  	v1 =	vld.idx.msk [tilespmem:v4+s14+$0x0], $0xffff;
	_ =	sdelay $0x2  }
0x2b1: {  	v4 =	vsub.f32 v3, v6;
	v5 =	vsub.f32 v7, v5;
	_ =	sdelay $0x1  }
0x2b2: {  	v6 =	vsub.f32 v1, v59;
	v4 =	vmul.f32 v4, v4;
	v5 =	vmul.f32 v5, v5;
	_ =	sdelay $0x1  }
0x2b3: {  	v4 =	vadd.f32 v5, v4;
	v5 =	vmul.f32 v6, v6;
	v6 =	vor.u32 $0x4003, v2  }
0x2b4: {  	v60 =	vor.u32 $0x4004, v2  }
0x2b5: {  	v4 =	vadd.f32 v5, v4  }
0x2b6: {  	s2 =	simm.s32 $0x13400;
	v5 =	vor.u32 $0x4005, v2  }
0x2b7: {  	[tilespmem:s2+$0xFFFFF000] =	vst v4  }
0x2b8: {  	v4 =	vld.idx.msk [tilespmem:v6+s15+$0x0], $0xffff  }
0x2b9: {  	v6 =	vld.idx.msk [tilespmem:v60+s15+$0x0], $0xffff;
	_ =	sdelay $0x1  }
0x2ba: {  	v5 =	vld.idx.msk [tilespmem:v5+s15+$0x0], $0xffff;
	_ =	sdelay $0x2  }
0x2bb: {  	v4 =	vsub.f32 v3, v4;
	v6 =	vsub.f32 v7, v6;
	_ =	sdelay $0x1  }
0x2bc: {  	v4 =	vmul.f32 v4, v4;
	v5 =	vsub.f32 v1, v5;
	v6 =	vmul.f32 v6, v6;
	_ =	sdelay $0x1  }
0x2bd: {  	v4 =	vadd.f32 v6, v4;
	v5 =	vmul.f32 v5, v5;
	v6 =	vor.u32 $0x4006, v2  }
0x2be: {  	v61 =	vor.u32 $0x4007, v2  }
0x2bf: {  	v4 =	vadd.f32 v5, v4  }
0x2c0: {  	v5 =	vor.u32 $0x4008, v2  }
0x2c1: {  	[tilespmem:s2+$0xFFFFF400] =	vst v4  }
0x2c2: {  	v4 =	vld.idx.msk [tilespmem:v6+s15+$0x0], $0xffff  }
0x2c3: {  	v6 =	vld.idx.msk [tilespmem:v61+s15+$0x0], $0xffff;
	_ =	sdelay $0x1  }
0x2c4: {  	v5 =	vld.idx.msk [tilespmem:v5+s15+$0x0], $0xffff;
	_ =	sdelay $0x2  }
0x2c5: {  	v4 =	vsub.f32 v3, v4;
	v6 =	vsub.f32 v7, v6;
	_ =	sdelay $0x1  }
0x2c6: {  	v4 =	vmul.f32 v4, v4;
	v5 =	vsub.f32 v1, v5;
	v6 =	vmul.f32 v6, v6;
	_ =	sdelay $0x1  }
0x2c7: {  	v4 =	vadd.f32 v6, v4;
	v5 =	vmul.f32 v5, v5;
	v6 =	vor.u32 $0x4009, v2  }
0x2c8: {  	v62 =	vor.u32 $0x400A, v2  }
0x2c9: {  	v4 =	vadd.f32 v5, v4  }
0x2ca: {  	v5 =	vor.u32 $0x400B, v2  }
0x2cb: {  	[tilespmem:s2+$0xFFFFF800] =	vst v4  }
0x2cc: {  	v4 =	vld.idx.msk [tilespmem:v6+s15+$0x0], $0xffff  }
0x2cd: {  	v6 =	vld.idx.msk [tilespmem:v62+s15+$0x0], $0xffff;
	_ =	sdelay $0x1  }
0x2ce: {  	v5 =	vld.idx.msk [tilespmem:v5+s15+$0x0], $0xffff;
	_ =	sdelay $0x2  }
0x2cf: {  	v4 =	vsub.f32 v3, v4;
	v6 =	vsub.f32 v7, v6;
	_ =	sdelay $0x1  }
0x2d0: {  	v5 =	vsub.f32 v1, v5;
	v4 =	vmul.f32 v4, v4;
	v6 =	vmul.f32 v6, v6;
	_ =	sdelay $0x1  }
0x2d1: {  	v4 =	vadd.f32 v6, v4;
	v5 =	vmul.f32 v5, v5;
	v6 =	vor.u32 $0x400C, v2  }
0x2d2: {  	v63 =	vor.u32 $0x400D, v2  }
0x2d3: {  	v4 =	vadd.f32 v5, v4  }
0x2d4: {  	v2 =	vor.u32 $0x400E, v2  }
0x2d5: {  	[tilespmem:s2+$0xFFFFFC00] =	vst v4  }
0x2d6: {  	v4 =	vld.idx.msk [tilespmem:v6+s15+$0x0], $0xffff  }
0x2d7: {  	v6 =	vld.idx.msk [tilespmem:v63+s15+$0x0], $0xffff;
	_ =	sdelay $0x1  }
0x2d8: {  	v5 =	vld.idx.msk [tilespmem:v2+s15+$0x0], $0xffff;
	_ =	sdelay $0x2  }
0x2d9: {  	s3 =	simm.s32 $0x20;
	s4 =	simm.s32 $0x10;
	s17 =	simm.s32 $0x13400;
	v3 =	vsub.f32 v3, v4;
	v2 =	vsub.f32 v7, v6  }
.LBB2_8:
0x2da: {  	p0 =	sne.s32 s3, $0x3F0  }
0x2db: {  	v4 =	vmov s4;
	v1 =	vsub.f32 v1, v5;
	v3 =	vmul.f32 v3, v3;
	s2 =	sadd.s32 $0x10, s2;
	s4 =	smov.u32 s3;
	s3 =	sadd.s32 $0x10, s3  }
0x2dc: {  	v4 =	vshll.u32 v4, $0x4;
	v5 =	vmul.f32 v2, v2  }
0x2dd: {  	v2 =	vor.u32 v0, v4;
	v1 =	vmul.f32 v1, v1  }
0x2de: {  	v4 =	vor.u32 $0x4000, v2;
	v6 =	vor.u32 $0x4001, v2;
	v3 =	vadd.f32 v5, v3  }
0x2df: {  	v5 =	vor.u32 $0x4002, v2  }
0x2e0: {  	v1 =	vadd.f32 v1, v3;
	_ =	sdelay $0x1  }
0x2e1: {  	[tilespmem:s17+$0x0] =	vst v1;
	s17 =	smov.u32 s2  }
0x2e2: {  	v7 =	vld.idx.msk [tilespmem:v6+s15+$0x0], $0xffff  }
0x2e3: {  	v8 =	vld.idx.msk [tilespmem:v4+s15+$0x0], $0xffff  }
0x2e4: {  	v3 =	vld.idx.msk [tilespmem:v4+s14+$0x0], $0xffff  }
0x2e5: {  	v4 =	vld.idx.msk [tilespmem:v6+s14+$0x0], $0xffff  }
0x2e6: {  	v6 =	vld.idx.msk [tilespmem:v5+s15+$0x0], $0xffff  }
0x2e7: {  	v1 =	vld.idx.msk [tilespmem:v5+s14+$0x0], $0xffff;
	_ =	sdelay $0x2  }
0x2e8: {  	v5 =	vsub.f32 v3, v8  }
0x2e9: {  	v7 =	vsub.f32 v4, v7;
	_ =	sdelay $0x1  }
0x2ea: {  	v5 =	vmul.f32 v5, v5;
	v6 =	vsub.f32 v1, v6;
	v7 =	vmul.f32 v7, v7;
	_ =	sdelay $0x1  }
0x2eb: {  	v5 =	vadd.f32 v7, v5;
	v6 =	vmul.f32 v6, v6;
	v7 =	vor.u32 $0x4003, v2  }
0x2ec: {  	v8 =	vor.u32 $0x4004, v2  }
0x2ed: {  	v5 =	vadd.f32 v6, v5  }
0x2ee: {  	v6 =	vor.u32 $0x4005, v2  }
0x2ef: {  	[tilespmem:s2+$0xFFFFF000] =	vst v5  }
0x2f0: {  	v5 =	vld.idx.msk [tilespmem:v7+s15+$0x0], $0xffff  }
0x2f1: {  	v7 =	vld.idx.msk [tilespmem:v8+s15+$0x0], $0xffff;
	_ =	sdelay $0x1  }
0x2f2: {  	v6 =	vld.idx.msk [tilespmem:v6+s15+$0x0], $0xffff;
	_ =	sdelay $0x2  }
0x2f3: {  	v5 =	vsub.f32 v3, v5  }
0x2f4: {  	v7 =	vsub.f32 v4, v7  }
0x2f5: {  	v5 =	vmul.f32 v5, v5  }
0x2f6: {  	v6 =	vsub.f32 v1, v6;
	v7 =	vmul.f32 v7, v7;
	_ =	sdelay $0x1  }
0x2f7: {  	v5 =	vadd.f32 v7, v5;
	v6 =	vmul.f32 v6, v6;
	v7 =	vor.u32 $0x4006, v2  }
0x2f8: {  	v8 =	vor.u32 $0x4007, v2  }
0x2f9: {  	v5 =	vadd.f32 v6, v5  }
0x2fa: {  	v6 =	vor.u32 $0x4008, v2  }
0x2fb: {  	[tilespmem:s2+$0xFFFFF400] =	vst v5  }
0x2fc: {  	v5 =	vld.idx.msk [tilespmem:v7+s15+$0x0], $0xffff  }
0x2fd: {  	v7 =	vld.idx.msk [tilespmem:v8+s15+$0x0], $0xffff;
	_ =	sdelay $0x1  }
0x2fe: {  	v6 =	vld.idx.msk [tilespmem:v6+s15+$0x0], $0xffff;
	_ =	sdelay $0x2  }
0x2ff: {  	v5 =	vsub.f32 v3, v5  }
0x300: {  	v7 =	vsub.f32 v4, v7  }
0x301: {  	v5 =	vmul.f32 v5, v5  }
0x302: {  	v6 =	vsub.f32 v1, v6;
	v7 =	vmul.f32 v7, v7;
	_ =	sdelay $0x1  }
0x303: {  	v5 =	vadd.f32 v7, v5;
	v6 =	vmul.f32 v6, v6;
	v7 =	vor.u32 $0x4009, v2  }
0x304: {  	v8 =	vor.u32 $0x400A, v2  }
0x305: {  	v5 =	vadd.f32 v6, v5;
	v6 =	vor.u32 $0x400B, v2;
	_ =	sdelay $0x1  }
0x306: {  	[tilespmem:s2+$0xFFFFF800] =	vst v5  }
0x307: {  	v5 =	vld.idx.msk [tilespmem:v7+s15+$0x0], $0xffff  }
0x308: {  	v7 =	vld.idx.msk [tilespmem:v8+s15+$0x0], $0xffff  }
0x309: {  	v6 =	vld.idx.msk [tilespmem:v6+s15+$0x0], $0xffff;
	_ =	sdelay $0x3  }
0x30a: {  	v5 =	vsub.f32 v3, v5  }
0x30b: {  	v7 =	vsub.f32 v4, v7  }
0x30c: {  	v6 =	vsub.f32 v1, v6  }
0x30d: {  	v5 =	vmul.f32 v5, v5;
	v7 =	vmul.f32 v7, v7  }
0x30e: {  	v8 =	vor.u32 $0x400D, v2  }
0x30f: {  	v6 =	vmul.f32 v6, v6;
	v5 =	vadd.f32 v7, v5;
	v7 =	vor.u32 $0x400C, v2;
	_ =	sdelay $0x1  }
0x310: {  	v2 =	vor.u32 $0x400E, v2;
	v5 =	vadd.f32 v6, v5;
	_ =	sdelay $0x1  }
0x311: {  	[tilespmem:s2+$0xFFFFFC00] =	vst v5  }
0x312: {  	v6 =	vld.idx.msk [tilespmem:v7+s15+$0x0], $0xffff  }
0x313: {  	v7 =	vld.idx.msk [tilespmem:v8+s15+$0x0], $0xffff  }
0x314: {  	v5 =	vld.idx.msk [tilespmem:v2+s15+$0x0], $0xffff  }
.Ltmp3:
0x315: {  	(pc) =	sbr.rel @p0 .LBB2_8-.Ltmp3, $3  }
0x316: {  	_ =	sdelay $0x1  }
0x317: {  	v3 =	vsub.f32 v3, v6  }
0x318: {  	v2 =	vsub.f32 v4, v7  }
0x319: {  	v4 =	vmov s4;
	v1 =	vsub.f32 v1, v5  }
0x31a: {  	v3 =	vmul.f32 v3, v3;
	v4 =	vshll.u32 v4, $0x4;
	v2 =	vmul.f32 v2, v2  }
0x31b: {  	v4 =	vor.u32 v0, v4  }
0x31c: {  	v1 =	vmul.f32 v1, v1;
	v5 =	vor.u32 $0x4001, v4;
	v2 =	vadd.f32 v2, v3  }
0x31d: {  	v3 =	vor.u32 $0x4000, v4  }
0x31e: {  	v1 =	vadd.f32 v1, v2;
	_ =	sdelay $0x1  }
0x31f: {  	v2 =	vor.u32 $0x4002, v4;
	[tilespmem:s17+$0x0] =	vst v1  }
0x320: {  	v1 =	vld.idx.msk [tilespmem:v5+s15+$0x0], $0xffff  }
0x321: {  	v6 =	vld.idx.msk [tilespmem:v3+s15+$0x0], $0xffff  }
0x322: {  	v3 =	vld.idx.msk [tilespmem:v3+s14+$0x0], $0xffff  }
0x323: {  	v5 =	vld.idx.msk [tilespmem:v5+s14+$0x0], $0xffff  }
0x324: {  	v7 =	vld.idx.msk [tilespmem:v2+s15+$0x0], $0xffff  }
0x325: {  	v2 =	vld.idx.msk [tilespmem:v2+s14+$0x0], $0xffff;
	_ =	sdelay $0x2  }
0x326: {  	v6 =	vsub.f32 v3, v6;
	v1 =	vsub.f32 v5, v1;
	_ =	sdelay $0x1  }
0x327: {  	v7 =	vsub.f32 v2, v7;
	v6 =	vmul.f32 v6, v6;
	v1 =	vmul.f32 v1, v1;
	_ =	sdelay $0x1  }
0x328: {  	v43 =	vor.u32 $0x4003, v4;
	v1 =	vadd.f32 v1, v6;
	v42 =	vmul.f32 v7, v7  }
0x329: {  	v8 =	vor.u32 $0x4004, v4  }
0x32a: {  	v1 =	vadd.f32 v42, v1  }
0x32b: {  	s2 =	sadd.s32 $0x10, s2;
	v44 =	vor.u32 $0x4005, v4  }
0x32c: {  	[tilespmem:s2+$0xFFFFF000] =	vst v1  }
0x32d: {  	v1 =	vld.idx.msk [tilespmem:v43+s15+$0x0], $0xffff  }
0x32e: {  	v45 =	vld.idx.msk [tilespmem:v8+s15+$0x0], $0xffff;
	_ =	sdelay $0x1  }
0x32f: {  	v6 =	vld.idx.msk [tilespmem:v44+s15+$0x0], $0xffff;
	_ =	sdelay $0x2  }
0x330: {  	v1 =	vsub.f32 v3, v1;
	v7 =	vsub.f32 v5, v45;
	_ =	sdelay $0x1  }
0x331: {  	v6 =	vsub.f32 v2, v6;
	v1 =	vmul.f32 v1, v1;
	v7 =	vmul.f32 v7, v7;
	_ =	sdelay $0x1  }
0x332: {  	v46 =	vor.u32 $0x4006, v4;
	v6 =	vmul.f32 v6, v6;
	v1 =	vadd.f32 v7, v1  }
0x333: {  	v47 =	vor.u32 $0x4007, v4  }
0x334: {  	v1 =	vadd.f32 v6, v1  }
0x335: {  	v48 =	vor.u32 $0x4008, v4  }
0x336: {  	[tilespmem:s2+$0xFFFFF400] =	vst v1  }
0x337: {  	v1 =	vld.idx.msk [tilespmem:v46+s15+$0x0], $0xffff  }
0x338: {  	v49 =	vld.idx.msk [tilespmem:v47+s15+$0x0], $0xffff;
	_ =	sdelay $0x1  }
0x339: {  	v6 =	vld.idx.msk [tilespmem:v48+s15+$0x0], $0xffff;
	_ =	sdelay $0x2  }
0x33a: {  	v1 =	vsub.f32 v3, v1;
	v7 =	vsub.f32 v5, v49;
	_ =	sdelay $0x1  }
0x33b: {  	v6 =	vsub.f32 v2, v6;
	v1 =	vmul.f32 v1, v1;
	v7 =	vmul.f32 v7, v7;
	_ =	sdelay $0x1  }
0x33c: {  	v50 =	vor.u32 $0x4009, v4;
	v6 =	vmul.f32 v6, v6;
	v1 =	vadd.f32 v7, v1  }
0x33d: {  	v51 =	vor.u32 $0x400A, v4  }
0x33e: {  	v1 =	vadd.f32 v6, v1  }
0x33f: {  	v52 =	vor.u32 $0x400B, v4  }
0x340: {  	[tilespmem:s2+$0xFFFFF800] =	vst v1  }
0x341: {  	v1 =	vld.idx.msk [tilespmem:v50+s15+$0x0], $0xffff  }
0x342: {  	v53 =	vld.idx.msk [tilespmem:v51+s15+$0x0], $0xffff;
	_ =	sdelay $0x1  }
0x343: {  	v6 =	vld.idx.msk [tilespmem:v52+s15+$0x0], $0xffff;
	_ =	sdelay $0x2  }
0x344: {  	v1 =	vsub.f32 v3, v1;
	v7 =	vsub.f32 v5, v53;
	_ =	sdelay $0x1  }
0x345: {  	v6 =	vsub.f32 v2, v6;
	v1 =	vmul.f32 v1, v1;
	v7 =	vmul.f32 v7, v7;
	_ =	sdelay $0x1  }
0x346: {  	v54 =	vor.u32 $0x400C, v4;
	v6 =	vmul.f32 v6, v6;
	v1 =	vadd.f32 v7, v1  }
0x347: {  	v55 =	vor.u32 $0x400D, v4  }
0x348: {  	v1 =	vadd.f32 v6, v1  }
0x349: {  	v4 =	vor.u32 $0x400E, v4  }
0x34a: {  	[tilespmem:s2+$0xFFFFFC00] =	vst v1  }
0x34b: {  	v1 =	vld.idx.msk [tilespmem:v54+s15+$0x0], $0xffff  }
0x34c: {  	v56 =	vld.idx.msk [tilespmem:v55+s15+$0x0], $0xffff;
	_ =	sdelay $0x1  }
0x34d: {  	v4 =	vld.idx.msk [tilespmem:v4+s15+$0x0], $0xffff;
	_ =	sdelay $0x2  }
0x34e: {  	v1 =	vsub.f32 v3, v1;
	v3 =	vsub.f32 v5, v56;
	_ =	sdelay $0x1  }
0x34f: {  	v2 =	vsub.f32 v2, v4;
	v1 =	vmul.f32 v1, v1;
	v3 =	vmul.f32 v3, v3;
	_ =	sdelay $0x1  }
0x350: {  	v2 =	vmul.f32 v2, v2;
	v1 =	vadd.f32 v3, v1;
	_ =	sdelay $0x1  }
0x351: {  	v1 =	vadd.f32 v2, v1;
	_ =	sdelay $0x1  }
0x352: {  	s3 =	rddreg [dreg:$0x13];
	s17 =	simm.s32 $0x12400;
	[tilespmem:s2+$0x0] =	vst v1;
	s2 =	simm.s32 $0x0  }
0x353: {  	[hbm4b:s3+s2] =	stream.linear.scatter [tilespmem:s17], [sflag:$0x6], $0x400, $0x38;
	[tilespmem:$0x13800] =	vst v63  }
0x354: {  	s4 =	rddreg [dreg:$0x14];
	s17 =	simm.s32 $0x12800  }
0x355: {  	[hbm4b:s4+s2] =	stream.linear.scatter [tilespmem:s17], [sflag:$0x6], $0x400, $0x38;
	[tilespmem:$0x13800] =	vst v63  }
0x356: {  	s4 =	rddreg [dreg:$0x1d];
	s17 =	simm.s32 $0x12C00  }
0x357: {  	[hbm4b:s4+s2] =	stream.linear.scatter [tilespmem:s17], [sflag:$0x6], $0x400, $0x38;
	[tilespmem:$0x13800] =	vst v63  }
0x358: {  	s4 =	rddreg [dreg:$0x1e];
	s17 =	simm.s32 $0x13000  }
0x359: {  	[hbm4b:s4+s2] =	stream.linear.scatter [tilespmem:s17], [sflag:$0x6], $0x400, $0x38;
	[tilespmem:$0x13800] =	vst v63  }
0x35a: {  	s4 =	rddreg [dreg:$0x1f];
	s17 =	simm.s32 $0x13400  }
0x35b: {  	[hbm4b:s4+s2] =	stream.linear.scatter [tilespmem:s17], [sflag:$0x6], $0x400, $0x38;
	[tilespmem:$0x13800] =	vst v63  }
0x35c: {  	_ =	swait.ge [sflag:s20], $0x4000  }
0x35d: {  	[sflag:s20] =	ssyncset.done $0x0  }
0x35e: {  	[sflag:s20] =	ssyncadd.s32 $0xFFFFC000  }
0x35f: {  	_ =	swait.ge [sflag:s18], $0x4000  }
0x360: {  	[sflag:s18] =	ssyncset.done $0x0  }
0x361: {  	[sflag:s18] =	ssyncadd.s32 $0xFFFFC000  }
0x362: {  	_ =	swait.ge [sflag:s30], $0x400  }
0x363: {  	[sflag:s30] =	ssyncset.done $0x0  }
0x364: {  	[sflag:s30] =	ssyncadd.s32 $0xFFFFFC00  }
0x365: {  	_ =	swait.ge [sflag:s30], $0x400  }
0x366: {  	[sflag:s30] =	ssyncset.done $0x0  }
0x367: {  	[sflag:s30] =	ssyncadd.s32 $0xFFFFFC00  }
0x368: {  	_ =	swait.ge [sflag:s30], $0x400  }
0x369: {  	[sflag:s30] =	ssyncset.done $0x0  }
0x36a: {  	v1 =	vmov s2;
	[sflag:s30] =	ssyncadd.s32 $0xFFFFFC00  }
0x36b: {  	v1 =	vshll.u32 v1, $0x4;
	_ =	swait.ge [sflag:s30], $0x400  }
0x36c: {  	v1 =	vor.u32 v0, v1;
	[sflag:s30] =	ssyncset.done $0x0  }
0x36d: {  	[sflag:s30] =	ssyncadd.s32 $0xFFFFFC00  }
0x36e: {  	v2 =	vor.u32 $0x1, v1;
	_ =	swait.ge [sflag:s30], $0x400  }
0x36f: {  	[sflag:s30] =	ssyncset.done $0x0  }
0x370: {  	v3 =	vor.u32 $0x2, v1;
	[sflag:s30] =	ssyncadd.s32 $0xFFFFFC00  }
0x371: {  	v4 =	vld.idx.msk [tilespmem:v1+s14+$0x0], $0xffff  }
0x372: {  	v5 =	vld.idx.msk [tilespmem:v1+s15+$0x0], $0xffff  }
0x373: {  	v57 =	vld.idx.msk [tilespmem:v2+s14+$0x0], $0xffff  }
0x374: {  	v2 =	vld.idx.msk [tilespmem:v2+s15+$0x0], $0xffff  }
0x375: {  	v58 =	vld.idx.msk [tilespmem:v3+s15+$0x0], $0xffff  }
0x376: {  	v59 =	vld.idx.msk [tilespmem:v3+s14+$0x0], $0xffff;
	_ =	sdelay $0x2  }
0x377: {  	v3 =	vsub.f32 v4, v5;
	v2 =	vsub.f32 v57, v2;
	_ =	sdelay $0x1  }
0x378: {  	v5 =	vsub.f32 v59, v58;
	v3 =	vmul.f32 v3, v3;
	v2 =	vmul.f32 v2, v2;
	_ =	sdelay $0x1  }
0x379: {  	v2 =	vadd.f32 v2, v3;
	v3 =	vmul.f32 v5, v5;
	v5 =	vor.u32 $0x3, v1  }
0x37a: {  	v60 =	vor.u32 $0x4, v1  }
0x37b: {  	v2 =	vadd.f32 v3, v2  }
0x37c: {  	s2 =	simm.s32 $0x11800;
	v3 =	vor.u32 $0x5, v1  }
0x37d: {  	[tilespmem:s2+$0xFFFFF800] =	vst v2  }
0x37e: {  	v2 =	vld.idx.msk [tilespmem:v5+s15+$0x0], $0xffff  }
0x37f: {  	v5 =	vld.idx.msk [tilespmem:v60+s15+$0x0], $0xffff;
	_ =	sdelay $0x1  }
0x380: {  	v3 =	vld.idx.msk [tilespmem:v3+s15+$0x0], $0xffff;
	_ =	sdelay $0x2  }
0x381: {  	v2 =	vsub.f32 v4, v2;
	v5 =	vsub.f32 v57, v5;
	_ =	sdelay $0x1  }
0x382: {  	v3 =	vsub.f32 v59, v3;
	v2 =	vmul.f32 v2, v2;
	v5 =	vmul.f32 v5, v5;
	_ =	sdelay $0x1  }
0x383: {  	v2 =	vadd.f32 v5, v2;
	v3 =	vmul.f32 v3, v3;
	v5 =	vor.u32 $0x6, v1  }
0x384: {  	v61 =	vor.u32 $0x7, v1  }
0x385: {  	v2 =	vadd.f32 v3, v2  }
0x386: {  	v3 =	vor.u32 $0x8, v1  }
0x387: {  	[tilespmem:s2+$0xFFFFFC00] =	vst v2  }
0x388: {  	v2 =	vld.idx.msk [tilespmem:v5+s15+$0x0], $0xffff  }
0x389: {  	v5 =	vld.idx.msk [tilespmem:v61+s15+$0x0], $0xffff;
	_ =	sdelay $0x1  }
0x38a: {  	v3 =	vld.idx.msk [tilespmem:v3+s15+$0x0], $0xffff;
	_ =	sdelay $0x2  }
0x38b: {  	v2 =	vsub.f32 v4, v2;
	v5 =	vsub.f32 v57, v5;
	_ =	sdelay $0x1  }
0x38c: {  	v2 =	vmul.f32 v2, v2;
	v3 =	vsub.f32 v59, v3;
	v5 =	vmul.f32 v5, v5;
	_ =	sdelay $0x1  }
0x38d: {  	v2 =	vadd.f32 v5, v2;
	v3 =	vmul.f32 v3, v3;
	v5 =	vor.u32 $0x9, v1  }
0x38e: {  	v62 =	vor.u32 $0xA, v1  }
0x38f: {  	v2 =	vadd.f32 v3, v2  }
0x390: {  	v3 =	vor.u32 $0xB, v1  }
0x391: {  	[tilespmem:s2+$0x0] =	vst v2  }
0x392: {  	v2 =	vld.idx.msk [tilespmem:v5+s15+$0x0], $0xffff  }
0x393: {  	v5 =	vld.idx.msk [tilespmem:v62+s15+$0x0], $0xffff;
	_ =	sdelay $0x1  }
0x394: {  	v3 =	vld.idx.msk [tilespmem:v3+s15+$0x0], $0xffff;
	_ =	sdelay $0x2  }
0x395: {  	v2 =	vsub.f32 v4, v2;
	v5 =	vsub.f32 v57, v5;
	_ =	sdelay $0x1  }
0x396: {  	v3 =	vsub.f32 v59, v3;
	v2 =	vmul.f32 v2, v2;
	v5 =	vmul.f32 v5, v5;
	_ =	sdelay $0x1  }
0x397: {  	v2 =	vadd.f32 v5, v2;
	v3 =	vmul.f32 v3, v3;
	v5 =	vor.u32 $0xC, v1  }
0x398: {  	v63 =	vor.u32 $0xD, v1  }
0x399: {  	v1 =	vor.u32 $0xE, v1;
	v2 =	vadd.f32 v3, v2;
	_ =	sdelay $0x1  }
0x39a: {  	[tilespmem:s2+$0x400] =	vst v2  }
0x39b: {  	v2 =	vld.idx.msk [tilespmem:v5+s15+$0x0], $0xffff  }
0x39c: {  	v3 =	vld.idx.msk [tilespmem:v63+s15+$0x0], $0xffff  }
0x39d: {  	v1 =	vld.idx.msk [tilespmem:v1+s15+$0x0], $0xffff;
	_ =	sdelay $0x2  }
0x39e: {  	v4 =	vsub.f32 v4, v2;
	_ =	sdelay $0x1  }
0x39f: {  	s3 =	simm.s32 $0x20;
	s4 =	simm.s32 $0x10;
	s17 =	simm.s32 $0x11800;
	v3 =	vsub.f32 v57, v3;
	v2 =	vsub.f32 v59, v1;
	v1 =	vmul.f32 v4, v4  }
.LBB2_10:
0x3a0: {  	p0 =	sne.s32 s3, $0x3F0  }
0x3a1: {  	v4 =	vmov s4;
	v3 =	vmul.f32 v3, v3;
	s2 =	sadd.s32 $0x10, s2;
	s4 =	smov.u32 s3;
	s3 =	sadd.s32 $0x10, s3  }
0x3a2: {  	v4 =	vshll.u32 v4, $0x4;
	v5 =	vmul.f32 v2, v2  }
0x3a3: {  	v2 =	vor.u32 v0, v4;
	v1 =	vadd.f32 v3, v1  }
0x3a4: {  	v4 =	vor.u32 $0x1, v2;
	v6 =	vor.u32 $0x2, v2  }
0x3a5: {  	v1 =	vadd.f32 v5, v1;
	_ =	sdelay $0x1  }
0x3a6: {  	[tilespmem:s17+$0x800] =	vst v1;
	s17 =	smov.u32 s2  }
0x3a7: {  	v1 =	vld.idx.msk [tilespmem:v2+s14+$0x0], $0xffff  }
0x3a8: {  	v5 =	vld.idx.msk [tilespmem:v2+s15+$0x0], $0xffff  }
0x3a9: {  	v3 =	vld.idx.msk [tilespmem:v4+s14+$0x0], $0xffff  }
0x3aa: {  	v7 =	vld.idx.msk [tilespmem:v4+s15+$0x0], $0xffff  }
0x3ab: {  	v8 =	vld.idx.msk [tilespmem:v6+s15+$0x0], $0xffff  }
0x3ac: {  	v4 =	vld.idx.msk [tilespmem:v6+s14+$0x0], $0xffff;
	_ =	sdelay $0x1  }
0x3ad: {  	v5 =	vsub.f32 v1, v5;
	_ =	sdelay $0x1  }
0x3ae: {  	v6 =	vsub.f32 v3, v7;
	_ =	sdelay $0x1  }
0x3af: {  	v5 =	vmul.f32 v5, v5;
	v7 =	vsub.f32 v4, v8;
	v6 =	vmul.f32 v6, v6;
	_ =	sdelay $0x1  }
0x3b0: {  	v5 =	vadd.f32 v6, v5;
	v6 =	vmul.f32 v7, v7;
	v7 =	vor.u32 $0x3, v2  }
0x3b1: {  	v8 =	vor.u32 $0x4, v2  }
0x3b2: {  	v5 =	vadd.f32 v6, v5  }
0x3b3: {  	v6 =	vor.u32 $0x5, v2  }
0x3b4: {  	[tilespmem:s2+$0xFFFFF800] =	vst v5  }
0x3b5: {  	v5 =	vld.idx.msk [tilespmem:v7+s15+$0x0], $0xffff  }
0x3b6: {  	v7 =	vld.idx.msk [tilespmem:v8+s15+$0x0], $0xffff;
	_ =	sdelay $0x1  }
0x3b7: {  	v6 =	vld.idx.msk [tilespmem:v6+s15+$0x0], $0xffff;
	_ =	sdelay $0x2  }
0x3b8: {  	v5 =	vsub.f32 v1, v5  }
0x3b9: {  	v7 =	vsub.f32 v3, v7;
	_ =	sdelay $0x1  }
0x3ba: {  	v5 =	vmul.f32 v5, v5;
	v6 =	vsub.f32 v4, v6;
	v7 =	vmul.f32 v7, v7;
	_ =	sdelay $0x1  }
0x3bb: {  	v5 =	vadd.f32 v7, v5;
	v6 =	vmul.f32 v6, v6;
	v7 =	vor.u32 $0x6, v2  }
0x3bc: {  	v8 =	vor.u32 $0x7, v2  }
0x3bd: {  	v5 =	vadd.f32 v6, v5  }
0x3be: {  	v6 =	vor.u32 $0x8, v2  }
0x3bf: {  	[tilespmem:s2+$0xFFFFFC00] =	vst v5  }
0x3c0: {  	v5 =	vld.idx.msk [tilespmem:v7+s15+$0x0], $0xffff  }
0x3c1: {  	v7 =	vld.idx.msk [tilespmem:v8+s15+$0x0], $0xffff;
	_ =	sdelay $0x1  }
0x3c2: {  	v6 =	vld.idx.msk [tilespmem:v6+s15+$0x0], $0xffff;
	_ =	sdelay $0x2  }
0x3c3: {  	v5 =	vsub.f32 v1, v5  }
0x3c4: {  	v7 =	vsub.f32 v3, v7  }
0x3c5: {  	v5 =	vmul.f32 v5, v5  }
0x3c6: {  	v6 =	vsub.f32 v4, v6;
	v7 =	vmul.f32 v7, v7;
	_ =	sdelay $0x1  }
0x3c7: {  	v5 =	vadd.f32 v7, v5;
	v6 =	vmul.f32 v6, v6;
	v7 =	vor.u32 $0x9, v2  }
0x3c8: {  	v8 =	vor.u32 $0xA, v2  }
0x3c9: {  	v5 =	vadd.f32 v6, v5;
	v6 =	vor.u32 $0xB, v2;
	_ =	sdelay $0x1  }
0x3ca: {  	[tilespmem:s2+$0x0] =	vst v5  }
0x3cb: {  	v5 =	vld.idx.msk [tilespmem:v7+s15+$0x0], $0xffff  }
0x3cc: {  	v7 =	vld.idx.msk [tilespmem:v8+s15+$0x0], $0xffff  }
0x3cd: {  	v6 =	vld.idx.msk [tilespmem:v6+s15+$0x0], $0xffff;
	_ =	sdelay $0x3  }
0x3ce: {  	v5 =	vsub.f32 v1, v5  }
0x3cf: {  	v7 =	vsub.f32 v3, v7  }
0x3d0: {  	v6 =	vsub.f32 v4, v6  }
0x3d1: {  	v5 =	vmul.f32 v5, v5;
	v7 =	vmul.f32 v7, v7  }
0x3d2: {  	v8 =	vor.u32 $0xD, v2  }
0x3d3: {  	v6 =	vmul.f32 v6, v6;
	v5 =	vadd.f32 v7, v5;
	v7 =	vor.u32 $0xC, v2;
	_ =	sdelay $0x1  }
0x3d4: {  	v2 =	vor.u32 $0xE, v2;
	v5 =	vadd.f32 v6, v5;
	_ =	sdelay $0x1  }
0x3d5: {  	[tilespmem:s2+$0x400] =	vst v5  }
0x3d6: {  	v5 =	vld.idx.msk [tilespmem:v7+s15+$0x0], $0xffff  }
0x3d7: {  	v6 =	vld.idx.msk [tilespmem:v8+s15+$0x0], $0xffff  }
0x3d8: {  	v2 =	vld.idx.msk [tilespmem:v2+s15+$0x0], $0xffff;
	_ =	sdelay $0x1  }
.Ltmp4:
0x3d9: {  	(pc) =	sbr.rel @p0 .LBB2_10-.Ltmp4, $4  }
0x3da: {  	_ = 	snop  }
0x3db: {  	v1 =	vsub.f32 v1, v5  }
0x3dc: {  	v3 =	vsub.f32 v3, v6  }
0x3dd: {  	v2 =	vsub.f32 v4, v2;
	v1 =	vmul.f32 v1, v1  }
0x3de: {  	v4 =	vmov s4;
	v3 =	vmul.f32 v3, v3  }
0x3df: {  	v4 =	vshll.u32 v4, $0x4  }
0x3e0: {  	v2 =	vmul.f32 v2, v2;
	v4 =	vor.u32 v0, v4;
	v1 =	vadd.f32 v3, v1;
	_ =	sdelay $0x1  }
0x3e1: {  	v3 =	vor.u32 $0x1, v4;
	v1 =	vadd.f32 v2, v1;
	_ =	sdelay $0x1  }
0x3e2: {  	v2 =	vor.u32 $0x2, v4;
	[tilespmem:s17+$0x800] =	vst v1  }
0x3e3: {  	v1 =	vld.idx.msk [tilespmem:v4+s14+$0x0], $0xffff  }
0x3e4: {  	v5 =	vld.idx.msk [tilespmem:v4+s15+$0x0], $0xffff  }
0x3e5: {  	v6 =	vld.idx.msk [tilespmem:v3+s14+$0x0], $0xffff  }
0x3e6: {  	v3 =	vld.idx.msk [tilespmem:v3+s15+$0x0], $0xffff  }
0x3e7: {  	v7 =	vld.idx.msk [tilespmem:v2+s15+$0x0], $0xffff  }
0x3e8: {  	v2 =	vld.idx.msk [tilespmem:v2+s14+$0x0], $0xffff;
	_ =	sdelay $0x2  }
0x3e9: {  	v5 =	vsub.f32 v1, v5;
	v3 =	vsub.f32 v6, v3;
	_ =	sdelay $0x1  }
0x3ea: {  	v7 =	vsub.f32 v2, v7;
	v5 =	vmul.f32 v5, v5;
	v3 =	vmul.f32 v3, v3;
	_ =	sdelay $0x1  }
0x3eb: {  	v50 =	vor.u32 $0x3, v4;
	v49 =	vmul.f32 v7, v7;
	v3 =	vadd.f32 v3, v5  }
0x3ec: {  	v8 =	vor.u32 $0x4, v4  }
0x3ed: {  	v3 =	vadd.f32 v49, v3  }
0x3ee: {  	s2 =	sadd.s32 $0x10, s2;
	v51 =	vor.u32 $0x5, v4  }
0x3ef: {  	[tilespmem:s2+$0xFFFFF800] =	vst v3  }
0x3f0: {  	v3 =	vld.idx.msk [tilespmem:v50+s15+$0x0], $0xffff  }
0x3f1: {  	v52 =	vld.idx.msk [tilespmem:v8+s15+$0x0], $0xffff;
	_ =	sdelay $0x1  }
0x3f2: {  	v5 =	vld.idx.msk [tilespmem:v51+s15+$0x0], $0xffff;
	_ =	sdelay $0x2  }
0x3f3: {  	v3 =	vsub.f32 v1, v3;
	v7 =	vsub.f32 v6, v52;
	_ =	sdelay $0x1  }
0x3f4: {  	v5 =	vsub.f32 v2, v5;
	v3 =	vmul.f32 v3, v3;
	v7 =	vmul.f32 v7, v7;
	_ =	sdelay $0x1  }
0x3f5: {  	v53 =	vor.u32 $0x6, v4;
	v5 =	vmul.f32 v5, v5;
	v3 =	vadd.f32 v7, v3  }
0x3f6: {  	v54 =	vor.u32 $0x7, v4  }
0x3f7: {  	v3 =	vadd.f32 v5, v3  }
0x3f8: {  	v55 =	vor.u32 $0x8, v4  }
0x3f9: {  	[tilespmem:s2+$0xFFFFFC00] =	vst v3  }
0x3fa: {  	v3 =	vld.idx.msk [tilespmem:v53+s15+$0x0], $0xffff  }
0x3fb: {  	v56 =	vld.idx.msk [tilespmem:v54+s15+$0x0], $0xffff;
	_ =	sdelay $0x1  }
0x3fc: {  	v5 =	vld.idx.msk [tilespmem:v55+s15+$0x0], $0xffff;
	_ =	sdelay $0x2  }
0x3fd: {  	v3 =	vsub.f32 v1, v3;
	v7 =	vsub.f32 v6, v56;
	_ =	sdelay $0x1  }
0x3fe: {  	v5 =	vsub.f32 v2, v5;
	v3 =	vmul.f32 v3, v3;
	v7 =	vmul.f32 v7, v7;
	_ =	sdelay $0x1  }
0x3ff: {  	v57 =	vor.u32 $0x9, v4;
	v5 =	vmul.f32 v5, v5;
	v3 =	vadd.f32 v7, v3  }
0x400: {  	v58 =	vor.u32 $0xA, v4  }
0x401: {  	v3 =	vadd.f32 v5, v3  }
0x402: {  	v59 =	vor.u32 $0xB, v4  }
0x403: {  	[tilespmem:s2+$0x0] =	vst v3  }
0x404: {  	v3 =	vld.idx.msk [tilespmem:v57+s15+$0x0], $0xffff  }
0x405: {  	v60 =	vld.idx.msk [tilespmem:v58+s15+$0x0], $0xffff;
	_ =	sdelay $0x1  }
0x406: {  	v5 =	vld.idx.msk [tilespmem:v59+s15+$0x0], $0xffff;
	_ =	sdelay $0x2  }
0x407: {  	v3 =	vsub.f32 v1, v3;
	v7 =	vsub.f32 v6, v60;
	_ =	sdelay $0x1  }
0x408: {  	v5 =	vsub.f32 v2, v5;
	v3 =	vmul.f32 v3, v3;
	v7 =	vmul.f32 v7, v7;
	_ =	sdelay $0x1  }
0x409: {  	v61 =	vor.u32 $0xC, v4;
	v5 =	vmul.f32 v5, v5;
	v3 =	vadd.f32 v7, v3  }
0x40a: {  	v62 =	vor.u32 $0xD, v4  }
0x40b: {  	v3 =	vadd.f32 v5, v3  }
0x40c: {  	v4 =	vor.u32 $0xE, v4  }
0x40d: {  	[tilespmem:s2+$0x400] =	vst v3  }
0x40e: {  	v3 =	vld.idx.msk [tilespmem:v61+s15+$0x0], $0xffff  }
0x40f: {  	v63 =	vld.idx.msk [tilespmem:v62+s15+$0x0], $0xffff;
	_ =	sdelay $0x1  }
0x410: {  	v4 =	vld.idx.msk [tilespmem:v4+s15+$0x0], $0xffff;
	_ =	sdelay $0x2  }
0x411: {  	v1 =	vsub.f32 v1, v3;
	v3 =	vsub.f32 v6, v63;
	_ =	sdelay $0x1  }
0x412: {  	v2 =	vsub.f32 v2, v4;
	v1 =	vmul.f32 v1, v1;
	v3 =	vmul.f32 v3, v3;
	_ =	sdelay $0x1  }
0x413: {  	v2 =	vmul.f32 v2, v2;
	v1 =	vadd.f32 v3, v1;
	_ =	sdelay $0x1  }
0x414: {  	v1 =	vadd.f32 v2, v1  }
0x415: {  	s3 =	rddreg [dreg:$0x16]  }
0x416: {  	s17 =	rddreg [dreg:$0x15];
	[tilespmem:s2+$0x800] =	vst v1  }
0x417: {  	[hbm4b:s17+s1] =	stream.linear.scatter [tilespmem:s19], [sflag:$0x5], $0x400, $0x38;
	[tilespmem:$0x13800] =	vst v63  }
0x418: {  	s4 =	sld [smem:$0x7FC]  }
0x419: {  	[hbm4b:s3+s1] =	stream.linear.scatter [tilespmem:s22], [sflag:$0x5], $0x400, $0x38;
	[tilespmem:$0x13800] =	vst v63  }
0x41a: {  	s17 =	sld [smem:$0x7FD]  }
0x41b: {  	[hbm4b:s4+s1] =	stream.linear.scatter [tilespmem:s23], [sflag:$0x5], $0x400, $0x38;
	[tilespmem:$0x13800] =	vst v63  }
0x41c: {  	_ = 	snop  }
0x41d: {  	[hbm4b:s17+s1] =	stream.linear.scatter [tilespmem:s25], [sflag:$0x5], $0x400, $0x38;
	[tilespmem:$0x13800] =	vst v63  }
0x41e: {  	_ = 	snop  }
0x41f: {  	[hbm4b:s5+s1] =	stream.linear.scatter [tilespmem:s26], [sflag:$0x5], $0x400, $0x38;
	[tilespmem:$0x13800] =	vst v63  }
0x420: {  	_ =	swait.ge [sflag:s30], $0x400  }
0x421: {  	[sflag:s30] =	ssyncset.done $0x0  }
0x422: {  	[sflag:s30] =	ssyncadd.s32 $0xFFFFFC00  }
0x423: {  	_ =	swait.ge [sflag:s30], $0x400  }
0x424: {  	[sflag:s30] =	ssyncset.done $0x0  }
0x425: {  	[sflag:s30] =	ssyncadd.s32 $0xFFFFFC00  }
0x426: {  	_ =	swait.ge [sflag:s30], $0x400  }
0x427: {  	[sflag:s30] =	ssyncset.done $0x0  }
0x428: {  	[sflag:s30] =	ssyncadd.s32 $0xFFFFFC00  }
0x429: {  	_ =	swait.ge [sflag:s30], $0x400  }
0x42a: {  	[sflag:s30] =	ssyncset.done $0x0  }
0x42b: {  	[sflag:s30] =	ssyncadd.s32 $0xFFFFFC00  }
0x42c: {  	_ =	swait.ge [sflag:s30], $0x400  }
0x42d: {  	[sflag:s30] =	ssyncset.done $0x0  }
0x42e: {  	[sflag:s30] =	ssyncadd.s32 $0xFFFFFC00  }
0x42f: {  	_ =	swait.ge [sflag:s0], $0x400  }
0x430: {  	[sflag:s0] =	ssyncset.done $0x0  }
0x431: {  	[sflag:s0] =	ssyncadd.s32 $0xFFFFFC00  }
0x432: {  	_ =	swait.ge [sflag:s0], $0x400  }
0x433: {  	[sflag:s0] =	ssyncset.done $0x0  }
0x434: {  	[sflag:s0] =	ssyncadd.s32 $0xFFFFFC00  }
0x435: {  	_ =	swait.ge [sflag:s0], $0x400  }
0x436: {  	[sflag:s0] =	ssyncset.done $0x0  }
0x437: {  	s31 =	sadd.s32 $0x1, s31;
	[sflag:s0] =	ssyncadd.s32 $0xFFFFFC00  }
0x438: {  	p0 =	sne.s32 s31, s7;
	_ =	swait.ge [sflag:s0], $0x400  }
.Ltmp5:
0x439: {  	[sflag:s0] =	ssyncset.done $0x0;
	(pc) =	sbr.rel @p0 .LBB2_1-.Ltmp5, $4  }
0x43a: {  	[sflag:s0] =	ssyncadd.s32 $0xFFFFFC00  }
0x43b: {  	_ =	swait.ge [sflag:s0], $0x400  }
0x43c: {  	[sflag:s0] =	ssyncset.done $0x0  }
0x43d: {  	[sflag:s0] =	ssyncadd.s32 $0xFFFFFC00  }
0x43e: {  	_ =	sfence.sel $0x180000  }
0x43f: {  	[bflag:$0x0] =	sbarrier.arrive $0xFFFF  }
0x440: {  	_ =	strace $0x90000047  }
0x441: {  	s0 =	stileid.u32;
	[bflag:$0x2] =	sbarrier.arrive $0xFFFF  }
0x442: {  	p0 =	sne.s32 s0, $0x0;
	s0 =	rddreg [dreg:$0x3]  }
0x443: {  	s0 =	sadd.s32 @!p0 $0x100000, s0  }
0x444: {  	[sflag:s0] =	ssyncadd.tile.s32 @!p0 $0x1;
	_ =	shalt  }
.Lfunc_end2:
_tile_overlayer_lowered:
.L_overlay_start_2:
0x445: {  	(tag) =	ssettag $0x2  }
0x446: {  	s0 =	rddreg [dreg:$0x0];
	s2 =	stileid.u32  }
0x447: {  	s1 =	rddreg [dreg:$0x1];
	p0 =	sne.s32 s2, $0x0  }
0x448: {  	s3 =	rddreg [dreg:$0x2];
	[bflag:$0x3] =	sbarrier.arrive $0xFFFF;
	s2 =	simm.s32 @!p0 $0x1C07  }
0x449: {  	[timem:s3], [sflag:s2] =	dma.local @!p0 [hbm:s0], s1  }
0x44a: {  	s0 =	simm.s32 @!p0 $0x7  }
0x44b: {  	_ =	swait.ge @!p0 [sflag:s0], s1  }
0x44c: {  	s1 =	ssub.s32 @!p0 $0x0, s1;
	[sflag:s0] =	ssyncset.done @!p0 $0x0  }
0x44d: {  	[sflag:s0] =	ssyncadd.s32 @!p0 s1  }
0x44e: {  	[bflag:$0x3] =	sbarrier.arrive $0xFFFF  }
0x44f: {  	_ =	shalt  }

</sc_bundles>
